<compile_context>
chip_gen: v7x
topology: tpu7x:2x2x1
jax: 0.10.2.dev20260603
libtpu: 0.0.44.dev20260713+nightly
codegen_flags: <defaults>
</compile_context>

<pallas_src>
import functools

import jax
import jax.numpy as jnp
from jax import lax
from jax.experimental import pallas as pl
from jax.experimental.pallas import tpu as pltpu
from jax.experimental.pallas import tpu_sc as plsc

NC, NS, NLANE = 2, 16, 16
CH = 128
ZR = 128
_SC0_FRAC = 0.5


def _fill_const(ref, rows, cols, val):
    groups = cols // NLANE

    def body(i, carry):
        r = i // groups
        g = i % groups
        ref[r, pl.ds(g * NLANE, NLANE)] = jnp.full((NLANE,), val, jnp.float32)
        return carry

    lax.fori_loop(0, rows * groups, body, 0)


def _pad_rows(n):
    return ZR * ((n + NS * ZR - 1) // (NS * ZR))


def _make_sc_agg(n, ep, d, tc_tiling=True):
    n_chunks = ep // CH
    per_sc = n_chunks // NC
    w0 = 2 * int(round(_SC0_FRAC * (n_chunks // NS) / 2.0))
    w1 = n_chunks // NS - w0
    rows_per_tile = _pad_rows(n)
    n_pad = NS * rows_per_tile
    nzc = rows_per_tile // ZR
    nbuf = 2 if d >= 128 else 4
    assert n_chunks % (NC * NS) == 0 and w0 % nbuf == 0 and w1 % nbuf == 0
    assert w0 >= nbuf and w1 >= nbuf and n_pad > n

    mesh = plsc.VectorSubcoreMesh(core_axis_name="c", subcore_axis_name="s")

    @functools.partial(
        pl.kernel,
        out_type=jax.ShapeDtypeStruct((NC, n_pad, d), jnp.float32),
        mesh=mesh,
        compiler_params=pltpu.CompilerParams(use_tc_tiling_on_sc=tc_tiling),
        scratch_types=[
            pltpu.VMEM((nbuf, 2, CH), jnp.int32),
        ] + [pltpu.VMEM((CH, d), jnp.float32) for _ in range(nbuf)] + [
            pltpu.VMEM_SHARED((n_pad, d), jnp.float32),
            pltpu.SemaphoreType.DMA,
            pltpu.SemaphoreType.DMA,
        ],
    )
    def agg(u_hbm, idx_hbm, out_hbm, idx_v, *rest):
        msgs = rest[:nbuf]
        acc, gsem, ssem = rest[nbuf:]
        cid = lax.axis_index("c")
        sid = lax.axis_index("s")
        _fill_const(msgs[0], ZR, d, 0.0)
        base_r = sid * rows_per_tile
        for j in range(nzc):
            pltpu.sync_copy(msgs[0], acc.at[pl.ds(base_r + j * ZR, ZR)])
        plsc.subcore_barrier()

        my_w = jnp.where(cid == 0, w0, w1)
        c0 = cid * NS * w0 + sid * my_w
        pltpu.sync_copy(idx_hbm.at[c0], idx_v.at[0])
        pltpu.async_copy(u_hbm.at[idx_v.at[0, 0]], msgs[0], gsem)

        def body(t, carry):
            for p in range(nbuf):
                i = nbuf * t + p
                q = (p + 1) % nbuf

                @pl.when(i >= nbuf - 1)
                def _():
                    pltpu.make_async_copy(
                        msgs[q], acc.at[idx_v.at[q, 1]], ssem).wait()

                @pl.when(i + 1 < my_w)
                def _():
                    pltpu.sync_copy(idx_hbm.at[c0 + i + 1], idx_v.at[q])
                    pltpu.async_copy(u_hbm.at[idx_v.at[q, 0]], msgs[q], gsem)

                pltpu.make_async_copy(
                    u_hbm.at[idx_v.at[p, 0]], msgs[p], gsem).wait()
                pltpu.async_copy(msgs[p], acc.at[idx_v.at[p, 1]], ssem, add=True)
            return carry

        lax.fori_loop(0, my_w // nbuf, body, 0)
        for j in range(nbuf - 1):
            pltpu.make_async_copy(msgs[j], acc.at[idx_v.at[j, 1]], ssem).wait()
        plsc.subcore_barrier()
        pltpu.sync_copy(acc.at[pl.ds(base_r, rows_per_tile)],
                        out_hbm.at[cid, pl.ds(base_r, rows_per_tile)])

    return agg


def _make_sc_deg(n, ep):
    d = NLANE
    n_chunks = ep // CH
    per_w = n_chunks // (NC * NS)
    rows_per_tile = _pad_rows(n)
    n_pad = NS * rows_per_tile
    nzc = rows_per_tile // ZR

    mesh = plsc.VectorSubcoreMesh(core_axis_name="c", subcore_axis_name="s")

    @functools.partial(
        pl.kernel,
        out_type=jax.ShapeDtypeStruct((NC, n_pad, d), jnp.float32),
        mesh=mesh,
        compiler_params=pltpu.CompilerParams(use_tc_tiling_on_sc=False),
        scratch_types=[
            pltpu.VMEM((4, 2, CH), jnp.int32),
            pltpu.VMEM((CH, d), jnp.float32),
            pltpu.VMEM((ZR, d), jnp.float32),
            pltpu.VMEM_SHARED((n_pad, d), jnp.float32),
            pltpu.SemaphoreType.DMA,
        ],
    )
    def deg(idx_hbm, out_hbm, idx_v, ones_v, zero_v, acc, ssem):
        cid = lax.axis_index("c")
        sid = lax.axis_index("s")
        wid = cid * NS + sid
        _fill_const(zero_v, ZR, d, 0.0)
        _fill_const(ones_v, CH, d, 1.0)
        base_r = sid * rows_per_tile
        for j in range(nzc):
            pltpu.sync_copy(zero_v, acc.at[pl.ds(base_r + j * ZR, ZR)])
        plsc.subcore_barrier()

        c0 = wid * per_w
        pltpu.sync_copy(idx_hbm.at[c0], idx_v.at[0])

        def body(t, carry):
            for p in range(4):
                i = 4 * t + p
                q = (p + 1) % 4

                @pl.when(i >= 3)
                def _():
                    pltpu.make_async_copy(
                        ones_v, acc.at[idx_v.at[q, 1]], ssem).wait()

                pltpu.async_copy(ones_v, acc.at[idx_v.at[p, 1]], ssem, add=True)

                @pl.when(i + 1 < per_w)
                def _():
                    pltpu.sync_copy(idx_hbm.at[c0 + i + 1], idx_v.at[q])
            return carry

        lax.fori_loop(0, per_w // 4, body, 0)
        for j in range(3):
            pltpu.make_async_copy(ones_v, acc.at[idx_v.at[j, 1]], ssem).wait()
        plsc.subcore_barrier()
        pltpu.sync_copy(acc.at[pl.ds(base_r, rows_per_tile)],
                        out_hbm.at[cid, pl.ds(base_r, rows_per_tile)])

    return deg


def _elu(x):
    return jnp.where(x > 0, x, jnp.exp(x) - 1.0)



def _prep_body(dg0, dg1, x, q_out, dinv_out):
    deg = dg0[0][:, 0:1] + dg1[0][:, 0:1] + 1.0
    dinv = lax.rsqrt(deg)
    q_out[...] = x[...] * dinv
    dinv_out[...] = jnp.broadcast_to(dinv, dinv_out.shape)


def _l1_body(a0, a1, q, dinv, W1, b1, fc1W, fc1b, h2_out, mom_out):
    t = a0[0] + a1[0] + q[...]
    h = _elu((jnp.dot(t, W1[...], preferred_element_type=jnp.float32)
              * dinv[:, 0:1]) + b1[...])
    h2 = _elu(jnp.dot(h, fc1W[...], preferred_element_type=jnp.float32) + fc1b[...])
    h2_out[...] = h2
    s1 = jnp.sum(h2, axis=0, keepdims=True)
    s2 = jnp.sum(h2 * h2, axis=0, keepdims=True)
    delta = jnp.concatenate([s1, s2], axis=0)

    @pl.when(pl.program_id(0) == 0)
    def _():
        mom_out[...] = jnp.zeros_like(mom_out)

    mom_out[...] += delta


def _make_l2_body(n):
    def _l2_body(h2, mom, dinv, W2, u2_out):
        m = mom[...]
        mean = m[0:1, :] * (1.0 / n)
        var = m[1:2, :] * (1.0 / n) - mean * mean
        s = lax.rsqrt(var + 1e-5)
        y = (h2[...] - mean) * s
        u2_out[...] = (jnp.dot(y, W2[...], preferred_element_type=jnp.float32)
                       * dinv[:, 0:1])
    return _l2_body


def _l2post_body(a0, a1, u2, dinv, b2, fc2W, fc2b, W3p, u3_out):
    dv = dinv[:, 0:1]
    y2 = _elu(dv * (a0[0] + a1[0] + u2[...]) + b2[...])
    y3 = _elu(jnp.dot(y2, fc2W[...], preferred_element_type=jnp.float32) + fc2b[...])
    u3_out[...] = jnp.dot(y3, W3p[...], preferred_element_type=jnp.float32) * dv


def _out_body(a0, a1, u3, dinv, b3p, fc3Wp, fc3bp, z_out):
    dv = dinv[:, 0:1]
    z = _elu(dv * (a0[0] + a1[0] + u3[...]) + b3p[...])
    z_out[...] = jnp.dot(z, fc3Wp[...], preferred_element_type=jnp.float32) + fc3bp[...]


def _rows_spec(rb, dcol, offset_blocks=0):
    return pl.BlockSpec((rb, dcol), lambda r: (r + offset_blocks, 0))


def _part_spec(rb, dcol, c):
    return pl.BlockSpec((1, rb, dcol), lambda r: (c, r, 0))


def _full_spec(shape):
    return pl.BlockSpec(shape, lambda r: tuple(0 for _ in shape))


def kernel(x, adj, num_graphs, in_batch, cluster,
           W1, b1, fc1W, fc1b, W2, b2, fc2W, fc2b, W3, b3, fc3W, fc3b):
    n, f = x.shape
    e = adj.shape[1]
    d1 = W1.shape[1]
    d2 = W2.shape[1]
    d3p = NLANE

    epw = NC * NS * CH * 2
    ep = ((e + epw - 1) // epw) * epw
    row = adj[0]
    col = adj[1]
    if ep != e:
        spare = NS * _pad_rows(n) - n
        pad_ar = jnp.arange(ep - e, dtype=col.dtype)
        row = jnp.concatenate([row, pad_ar % n])
        col = jnp.concatenate([col, n + pad_ar % min(CH, spare)])
    packed = jnp.stack([row.reshape(-1, CH), col.reshape(-1, CH)], axis=1)

    rb = 1000
    grid = (n // rb,)

    degp = _make_sc_deg(n, ep)(packed)

    q, dinv = pl.pallas_call(
        _prep_body,
        grid=grid,
        in_specs=[_part_spec(rb, d3p, 0), _part_spec(rb, d3p, 1),
                  _rows_spec(rb, f)],
        out_specs=[_rows_spec(rb, f), _rows_spec(rb, 8)],
        out_shape=[jax.ShapeDtypeStruct((n, f), jnp.float32),
                   jax.ShapeDtypeStruct((n, 8), jnp.float32)],
    )(degp, degp, x)

    agg128 = _make_sc_agg(n, ep, f)
    a1p = agg128(q, packed)

    h2, mom = pl.pallas_call(
        _l1_body,
        grid=grid,
        in_specs=[_part_spec(rb, f, 0), _part_spec(rb, f, 1),
                  _rows_spec(rb, f), _rows_spec(rb, 8),
                  _full_spec(W1.shape), _full_spec((1, d1)),
                  _full_spec(fc1W.shape), _full_spec((1, d1))],
        out_specs=[_rows_spec(rb, d1), _full_spec((2, d1))],
        out_shape=[jax.ShapeDtypeStruct((n, d1), jnp.float32),
                   jax.ShapeDtypeStruct((2, d1), jnp.float32)],
    )(a1p, a1p, q, dinv, W1, b1.reshape(1, -1), fc1W, fc1b.reshape(1, -1))

    u2 = pl.pallas_call(
        _make_l2_body(float(n)),
        grid=grid,
        in_specs=[_rows_spec(rb, d1), _full_spec((2, d1)),
                  _rows_spec(rb, 8), _full_spec(W2.shape)],
        out_specs=_rows_spec(rb, d2),
        out_shape=jax.ShapeDtypeStruct((n, d2), jnp.float32),
    )(h2, mom, dinv, W2)

    a2p = agg128(u2, packed)

    nout = W3.shape[1]
    W3p = jnp.zeros((W3.shape[0], d3p), jnp.float32).at[:, :nout].set(W3)
    u3 = pl.pallas_call(
        _l2post_body,
        grid=grid,
        in_specs=[_part_spec(rb, d2, 0), _part_spec(rb, d2, 1),
                  _rows_spec(rb, d2), _rows_spec(rb, 8),
                  _full_spec((1, d2)), _full_spec(fc2W.shape),
                  _full_spec((1, d2)), _full_spec((W3.shape[0], d3p))],
        out_specs=_rows_spec(rb, d3p),
        out_shape=jax.ShapeDtypeStruct((n, d3p), jnp.float32),
    )(a2p, a2p, u2, dinv, b2.reshape(1, -1), fc2W, fc2b.reshape(1, -1), W3p)

    a3p = _make_sc_agg(n, ep, d3p, tc_tiling=False)(u3, packed)

    b3p = jnp.zeros((1, d3p), jnp.float32).at[0, :nout].set(b3)
    fc3Wp = jnp.zeros((d3p, d3p), jnp.float32).at[:nout, :nout].set(fc3W)
    fc3bp = jnp.zeros((1, d3p), jnp.float32).at[0, :nout].set(fc3b)
    zp = pl.pallas_call(
        _out_body,
        grid=grid,
        in_specs=[_part_spec(rb, d3p, 0), _part_spec(rb, d3p, 1),
                  _rows_spec(rb, d3p), _rows_spec(rb, 8),
                  _full_spec((1, d3p)), _full_spec((d3p, d3p)),
                  _full_spec((1, d3p))],
        out_specs=_rows_spec(rb, d3p),
        out_shape=jax.ShapeDtypeStruct((n, d3p), jnp.float32),
    )(a3p, a3p, u3, dinv, b3p, fc3Wp, fc3bp)

    return zp[:, :nout]

# --- scband reference (transcript-rebuilt; emitter-appended) ---
"""Pipeline reference for scband-gcn3-d-feb13-31293131719378 (READ-ONLY COPY).

The authoritative reference and input builder live on the scoring server;
editing this copy changes nothing except your own understanding.
"""

import jax, jax.numpy as jnp
import numpy as np

N = 10000
E = 320000
NFEAT = 128


def _gcn_conv(x, row, col, W, b, num_nodes):
    # PyG GCNConv: add self-loops, symmetric normalization, aggregate at dst (col)
    loop = jnp.arange(num_nodes, dtype=row.dtype)
    r = jnp.concatenate([row, loop])
    c = jnp.concatenate([col, loop])
    deg = jnp.zeros((num_nodes,), jnp.float32).at[c].add(1.0)
    dinv = jnp.where(deg > 0, jax.lax.rsqrt(jnp.maximum(deg, 1e-12)), 0.0)
    norm = dinv[r] * dinv[c]
    xw = x @ W
    msg = xw[r] * norm[:, None]
    out = jnp.zeros((num_nodes, W.shape[1]), jnp.float32).at[c].add(msg)
    return out + b


def _instance_norm(x, eps=1e-5):
    # PyG InstanceNorm with batch=None (single graph), affine=False
    mean = jnp.mean(x, axis=0, keepdims=True)
    var = jnp.var(x, axis=0, keepdims=True)
    return (x - mean) * jax.lax.rsqrt(var + eps)


def _lin_init(k, fan_in, fan_out):
    kw, kb = jax.random.split(k)
    s = 1.0 / np.sqrt(fan_in)
    W = jax.random.uniform(kw, (fan_in, fan_out), jnp.float32, -s, s)
    b = jax.random.uniform(kb, (fan_out,), jnp.float32, -s, s)
    return W, b


def setup_inputs(seed: int = 0) -> dict:
    key = jax.random.key(seed)
    ks = jax.random.split(key, 10)
    x = jax.random.normal(ks[0], (N, NFEAT), jnp.float32)
    adj = jax.random.randint(ks[1], (2, E), 0, N, jnp.int32)
    W1, b1 = _lin_init(ks[2], NFEAT, 256)
    fc1W, fc1b = _lin_init(ks[3], 256, 256)
    W2, b2 = _lin_init(ks[4], 256, 128)
    fc2W, fc2b = _lin_init(ks[5], 128, 128)
    W3, b3 = _lin_init(ks[6], 128, 3)
    fc3W, fc3b = _lin_init(ks[7], 3, 3)
    in_batch = jnp.zeros((N,), jnp.int32)
    cluster = jax.random.randint(ks[8], (N,), 0, 10, jnp.int32)
    return {"x": x, "adj": adj, "num_graphs": 1, "in_batch": in_batch, "cluster": cluster,
            "W1": W1, "b1": b1, "fc1W": fc1W, "fc1b": fc1b,
            "W2": W2, "b2": b2, "fc2W": fc2W, "fc2b": fc2b,
            "W3": W3, "b3": b3, "fc3W": fc3W, "fc3b": fc3b}


def reference(x, adj, num_graphs, in_batch, cluster,
              W1, b1, fc1W, fc1b, W2, b2, fc2W, fc2b, W3, b3, fc3W, fc3b):
    # num_graphs, in_batch, cluster are unused by the original forward
    row, col = adj[0], adj[1]
    n = x.shape[0]
    h = jax.nn.elu(_gcn_conv(x, row, col, W1, b1, n))
    h = jax.nn.elu(h @ fc1W + fc1b)
    y = _instance_norm(h)
    y = jax.nn.elu(_gcn_conv(y, row, col, W2, b2, n))
    y = jax.nn.elu(y @ fc2W + fc2b)
    z = jax.nn.elu(_gcn_conv(y, row, col, W3, b3, n))
    z = z @ fc3W + fc3b
    return z

if __name__ == "__main__":
    import jax
    _d = setup_inputs()
    print(jax.jit(kernel)(*tuple(_d.values())))

</pallas_src>

<mosaic_0001>
#map = affine_map<(d0, d1) -> (0, 0, 0)>
module attributes {stable_mosaic.version = 14 : i64} {
  func.func @deg(%arg0: i32, %arg1: i32, %arg2: memref<2560x2x128xi32, #tpu.memory_space<hbm>>, %arg3: memref<2x10240x16xf32, #tpu.memory_space<hbm>>, %arg4: memref<4x2x128xi32, #tpu.memory_space<vmem>>, %arg5: memref<128x16xf32, #tpu.memory_space<vmem>>, %arg6: memref<128x16xf32, #tpu.memory_space<vmem>>, %arg7: memref<10240x16xf32, #tpu.memory_space<vmem_shared>>, %arg8: memref<!tpu.dma_semaphore, #tpu.memory_space<semaphore_mem>>) attributes {dimension_semantics = [#tpu.dimension_semantics<core_parallel>, #tpu.dimension_semantics<subcore_parallel>], iteration_bounds = array<i64: 2, 16>, scalar_prefetch = 0 : i64, scratch_operands = 5 : i64, tpu.core_type = #tpu.core_type<sc_vector_subcore>, window_params = [{transform_indices = #map}, {transform_indices = #map}]} {
    %mul3A = arith.constant 16 : i32
    %mul3A_0 = arith.muli %arg0, %mul3A : i32
    %add3A = arith.addi %mul3A_0, %arg1 : i32
    %scan3A = arith.constant 0 : i32
    %scan3A_1 = arith.constant 0 : i32
    %scan3A_2 = arith.constant 128 : i32
    %scan3A_3 = arith.addi %scan3A_1, %scan3A_2 : i32
    %scan3A_4 = arith.constant 1 : i32
    scf.for %scan3A_56 = %scan3A_1 to %scan3A_3 step %scan3A_4  : i32 {
      %jit3A = arith.constant 1 : i32
      %div3A = arith.divsi %scan3A_56, %jit3A : i32
      %sign3A = arith.constant 0 : i32
      %sign3A_57 = arith.cmpi sgt, %scan3A_56, %sign3A : i32
      %sign3A_58 = arith.extui %sign3A_57 : i1 to i32
      %sign3A_59 = arith.constant 0 : i32
      %sign3A_60 = arith.cmpi slt, %scan3A_56, %sign3A_59 : i32
      %sign3A_61 = arith.extui %sign3A_60 : i1 to i32
      %sign3A_62 = arith.subi %sign3A_58, %sign3A_61 : i32
      %sign3A_63 = arith.constant 0 : i32
      %sign3A_64 = arith.cmpi sgt, %jit3A, %sign3A_63 : i32
      %sign3A_65 = arith.extui %sign3A_64 : i1 to i32
      %sign3A_66 = arith.constant 0 : i32
      %sign3A_67 = arith.cmpi slt, %jit3A, %sign3A_66 : i32
      %sign3A_68 = arith.extui %sign3A_67 : i1 to i32
      %sign3A_69 = arith.subi %sign3A_65, %sign3A_68 : i32
      %ne3A = arith.cmpi ne, %sign3A_62, %sign3A_69 : i32
      %rem3A = arith.remsi %scan3A_56, %jit3A : i32
      %ne3A_70 = arith.constant 0 : i32
      %ne3A_71 = arith.cmpi ne, %rem3A, %ne3A_70 : i32
      %and3A = arith.andi %ne3A, %ne3A_71 : i1
      %sub3A = arith.constant 1 : i32
      %sub3A_72 = arith.subi %div3A, %sub3A : i32
      %select_n3A = arith.select %and3A, %sub3A_72, %div3A : i32
      %jit3A_73 = arith.constant 1 : i32
      %eq3A = arith.constant 0 : i32
      %eq3A_74 = arith.cmpi eq, %jit3A_73, %eq3A : i32
      %jit3A_75 = arith.constant 1 : i32
      %select_n3A_76 = arith.select %eq3A_74, %jit3A_75, %jit3A_73 : i32
      %rem3A_77 = arith.remsi %scan3A_56, %select_n3A_76 : i32
      %ne3A_78 = arith.constant 0 : i32
      %ne3A_79 = arith.cmpi ne, %rem3A_77, %ne3A_78 : i32
      %lt3A = arith.constant 0 : i32
      %lt3A_80 = arith.cmpi slt, %rem3A_77, %lt3A : i32
      %lt3A_81 = arith.constant 0 : i32
      %lt3A_82 = arith.cmpi slt, %select_n3A_76, %lt3A_81 : i32
      %ne3A_83 = arith.xori %lt3A_80, %lt3A_82 : i1
      %and3A_84 = arith.andi %ne3A_83, %ne3A_79 : i1
      %add3A_85 = arith.addi %rem3A_77, %select_n3A_76 : i32
      %select_n3A_86 = arith.select %and3A_84, %add3A_85, %rem3A_77 : i32
      %broadcast_in_dim3A = arith.constant 0.000000e+00 : f32
      %broadcast_in_dim3A_87 = vector.broadcast %broadcast_in_dim3A : f32 to vector<16xf32>
      %mul3A_88 = arith.constant 16 : i32
      %mul3A_89 = arith.muli %select_n3A_86, %mul3A_88 : i32
      %swap3A = arith.index_cast %select_n3A : i32 to index
      %swap3A_90 = arith.index_cast %mul3A_89 : i32 to index
      %swap3A_91 = tpu.vector_load %arg6[%swap3A, %swap3A_90] {strides = array<i32>} : memref<128x16xf32, #tpu.memory_space<vmem>>, vector<1x16xf32>,
      %swap3A_92 = vector.shape_cast %swap3A_91 : vector<1x16xf32> to vector<16xf32>
      %swap3A_93 = vector.shape_cast %broadcast_in_dim3A_87 : vector<16xf32> to vector<1x16xf32>
      tpu.vector_store %arg6[%swap3A, %swap3A_90], %swap3A_93 {strides = array<i32>} : memref<128x16xf32, #tpu.memory_space<vmem>>, vector<1x16xf32>,
    }
    %scan3A_5 = arith.constant 128 : i32
    %scan3A_6 = arith.constant 0 : i32
    %scan3A_7 = arith.constant 0 : i32
    %scan3A_8 = arith.constant 128 : i32
    %scan3A_9 = arith.addi %scan3A_7, %scan3A_8 : i32
    %scan3A_10 = arith.constant 1 : i32
    scf.for %scan3A_56 = %scan3A_7 to %scan3A_9 step %scan3A_10  : i32 {
      %jit3A = arith.constant 1 : i32
      %div3A = arith.divsi %scan3A_56, %jit3A : i32
      %sign3A = arith.constant 0 : i32
      %sign3A_57 = arith.cmpi sgt, %scan3A_56, %sign3A : i32
      %sign3A_58 = arith.extui %sign3A_57 : i1 to i32
      %sign3A_59 = arith.constant 0 : i32
      %sign3A_60 = arith.cmpi slt, %scan3A_56, %sign3A_59 : i32
      %sign3A_61 = arith.extui %sign3A_60 : i1 to i32
      %sign3A_62 = arith.subi %sign3A_58, %sign3A_61 : i32
      %sign3A_63 = arith.constant 0 : i32
      %sign3A_64 = arith.cmpi sgt, %jit3A, %sign3A_63 : i32
      %sign3A_65 = arith.extui %sign3A_64 : i1 to i32
      %sign3A_66 = arith.constant 0 : i32
      %sign3A_67 = arith.cmpi slt, %jit3A, %sign3A_66 : i32
      %sign3A_68 = arith.extui %sign3A_67 : i1 to i32
      %sign3A_69 = arith.subi %sign3A_65, %sign3A_68 : i32
      %ne3A = arith.cmpi ne, %sign3A_62, %sign3A_69 : i32
      %rem3A = arith.remsi %scan3A_56, %jit3A : i32
      %ne3A_70 = arith.constant 0 : i32
      %ne3A_71 = arith.cmpi ne, %rem3A, %ne3A_70 : i32
      %and3A = arith.andi %ne3A, %ne3A_71 : i1
      %sub3A = arith.constant 1 : i32
      %sub3A_72 = arith.subi %div3A, %sub3A : i32
      %select_n3A = arith.select %and3A, %sub3A_72, %div3A : i32
      %jit3A_73 = arith.constant 1 : i32
      %eq3A = arith.constant 0 : i32
      %eq3A_74 = arith.cmpi eq, %jit3A_73, %eq3A : i32
      %jit3A_75 = arith.constant 1 : i32
      %select_n3A_76 = arith.select %eq3A_74, %jit3A_75, %jit3A_73 : i32
      %rem3A_77 = arith.remsi %scan3A_56, %select_n3A_76 : i32
      %ne3A_78 = arith.constant 0 : i32
      %ne3A_79 = arith.cmpi ne, %rem3A_77, %ne3A_78 : i32
      %lt3A = arith.constant 0 : i32
      %lt3A_80 = arith.cmpi slt, %rem3A_77, %lt3A : i32
      %lt3A_81 = arith.constant 0 : i32
      %lt3A_82 = arith.cmpi slt, %select_n3A_76, %lt3A_81 : i32
      %ne3A_83 = arith.xori %lt3A_80, %lt3A_82 : i1
      %and3A_84 = arith.andi %ne3A_83, %ne3A_79 : i1
      %add3A_85 = arith.addi %rem3A_77, %select_n3A_76 : i32
      %select_n3A_86 = arith.select %and3A_84, %add3A_85, %rem3A_77 : i32
      %broadcast_in_dim3A = arith.constant 1.000000e+00 : f32
      %broadcast_in_dim3A_87 = vector.broadcast %broadcast_in_dim3A : f32 to vector<16xf32>
      %mul3A_88 = arith.constant 16 : i32
      %mul3A_89 = arith.muli %select_n3A_86, %mul3A_88 : i32
      %swap3A = arith.index_cast %select_n3A : i32 to index
      %swap3A_90 = arith.index_cast %mul3A_89 : i32 to index
      %swap3A_91 = tpu.vector_load %arg5[%swap3A, %swap3A_90] {strides = array<i32>} : memref<128x16xf32, #tpu.memory_space<vmem>>, vector<1x16xf32>,
      %swap3A_92 = vector.shape_cast %swap3A_91 : vector<1x16xf32> to vector<16xf32>
      %swap3A_93 = vector.shape_cast %broadcast_in_dim3A_87 : vector<16xf32> to vector<1x16xf32>
      tpu.vector_store %arg5[%swap3A, %swap3A_90], %swap3A_93 {strides = array<i32>} : memref<128x16xf32, #tpu.memory_space<vmem>>, vector<1x16xf32>,
    }
    %scan3A_11 = arith.constant 128 : i32
    %mul3A_12 = arith.constant 640 : i32
    %mul3A_13 = arith.muli %arg1, %mul3A_12 : i32
    %add3A_14 = arith.constant 0 : i32
    %add3A_15 = arith.addi %mul3A_13, %add3A_14 : i32
    "tpu.region"() ({
      %run_scoped3A_56 = tpu.sem_alloc : memref<!tpu.dma_semaphore, #tpu.memory_space<semaphore_mem>>
      %dma_start3A = arith.constant 0 : i32
      %dma_start3A_57 = tpu.memref_slice %arg7[%add3A_15, %dma_start3A] : memref<10240x16xf32, #tpu.memory_space<vmem_shared>> -> memref<128x16xf32, #tpu.memory_space<vmem_shared>>
      %dma_start3A_58 = arith.constant 0 : i32
      %dma_start3A_59 = tpu.memref_slice %arg7[%add3A_15, %dma_start3A_58] : memref<10240x16xf32, #tpu.memory_space<vmem_shared>> -> memref<128x16xf32, #tpu.memory_space<vmem_shared>>
      tpu.enqueue_dma source(%arg6 : memref<128x16xf32, #tpu.memory_space<vmem>>) target(%dma_start3A_59 : memref<128x16xf32, #tpu.memory_space<vmem_shared>>) target_semaphore(%run_scoped3A_56 : memref<!tpu.dma_semaphore, #tpu.memory_space<semaphore_mem>>)
      %dma_wait3A_60 = arith.constant 0 : i32
      %dma_wait3A_61 = tpu.memref_slice %arg7[%add3A_15, %dma_wait3A_60] : memref<10240x16xf32, #tpu.memory_space<vmem_shared>> -> memref<128x16xf32, #tpu.memory_space<vmem_shared>>
      %dma_wait3A_62 = arith.constant 0 : i32
      %dma_wait3A_63 = tpu.memref_slice %arg7[%add3A_15, %dma_wait3A_62] : memref<10240x16xf32, #tpu.memory_space<vmem_shared>> -> memref<128x16xf32, #tpu.memory_space<vmem_shared>>
      tpu.wait_dma2 semaphore(%run_scoped3A_56 : memref<!tpu.dma_semaphore, #tpu.memory_space<semaphore_mem>>) src(%arg6 : memref<128x16xf32, #tpu.memory_space<vmem>>) dst(%dma_wait3A_63 : memref<128x16xf32, #tpu.memory_space<vmem_shared>>)
      tpu.yield
    }) : () -> ()
    %add3A_16 = arith.constant 128 : i32
    %add3A_17 = arith.addi %mul3A_13, %add3A_16 : i32
    "tpu.region"() ({
      %run_scoped3A_56 = tpu.sem_alloc : memref<!tpu.dma_semaphore, #tpu.memory_space<semaphore_mem>>
      %dma_start3A = arith.constant 0 : i32
      %dma_start3A_57 = tpu.memref_slice %arg7[%add3A_17, %dma_start3A] : memref<10240x16xf32, #tpu.memory_space<vmem_shared>> -> memref<128x16xf32, #tpu.memory_space<vmem_shared>>
      %dma_start3A_58 = arith.constant 0 : i32
      %dma_start3A_59 = tpu.memref_slice %arg7[%add3A_17, %dma_start3A_58] : memref<10240x16xf32, #tpu.memory_space<vmem_shared>> -> memref<128x16xf32, #tpu.memory_space<vmem_shared>>
      tpu.enqueue_dma source(%arg6 : memref<128x16xf32, #tpu.memory_space<vmem>>) target(%dma_start3A_59 : memref<128x16xf32, #tpu.memory_space<vmem_shared>>) target_semaphore(%run_scoped3A_56 : memref<!tpu.dma_semaphore, #tpu.memory_space<semaphore_mem>>)
      %dma_wait3A_60 = arith.constant 0 : i32
      %dma_wait3A_61 = tpu.memref_slice %arg7[%add3A_17, %dma_wait3A_60] : memref<10240x16xf32, #tpu.memory_space<vmem_shared>> -> memref<128x16xf32, #tpu.memory_space<vmem_shared>>
      %dma_wait3A_62 = arith.constant 0 : i32
      %dma_wait3A_63 = tpu.memref_slice %arg7[%add3A_17, %dma_wait3A_62] : memref<10240x16xf32, #tpu.memory_space<vmem_shared>> -> memref<128x16xf32, #tpu.memory_space<vmem_shared>>
      tpu.wait_dma2 semaphore(%run_scoped3A_56 : memref<!tpu.dma_semaphore, #tpu.memory_space<semaphore_mem>>) src(%arg6 : memref<128x16xf32, #tpu.memory_space<vmem>>) dst(%dma_wait3A_63 : memref<128x16xf32, #tpu.memory_space<vmem_shared>>)
      tpu.yield
    }) : () -> ()
    %add3A_18 = arith.constant 256 : i32
    %add3A_19 = arith.addi %mul3A_13, %add3A_18 : i32
    "tpu.region"() ({
      %run_scoped3A_56 = tpu.sem_alloc : memref<!tpu.dma_semaphore, #tpu.memory_space<semaphore_mem>>
      %dma_start3A = arith.constant 0 : i32
      %dma_start3A_57 = tpu.memref_slice %arg7[%add3A_19, %dma_start3A] : memref<10240x16xf32, #tpu.memory_space<vmem_shared>> -> memref<128x16xf32, #tpu.memory_space<vmem_shared>>
      %dma_start3A_58 = arith.constant 0 : i32
      %dma_start3A_59 = tpu.memref_slice %arg7[%add3A_19, %dma_start3A_58] : memref<10240x16xf32, #tpu.memory_space<vmem_shared>> -> memref<128x16xf32, #tpu.memory_space<vmem_shared>>
      tpu.enqueue_dma source(%arg6 : memref<128x16xf32, #tpu.memory_space<vmem>>) target(%dma_start3A_59 : memref<128x16xf32, #tpu.memory_space<vmem_shared>>) target_semaphore(%run_scoped3A_56 : memref<!tpu.dma_semaphore, #tpu.memory_space<semaphore_mem>>)
      %dma_wait3A_60 = arith.constant 0 : i32
      %dma_wait3A_61 = tpu.memref_slice %arg7[%add3A_19, %dma_wait3A_60] : memref<10240x16xf32, #tpu.memory_space<vmem_shared>> -> memref<128x16xf32, #tpu.memory_space<vmem_shared>>
      %dma_wait3A_62 = arith.constant 0 : i32
      %dma_wait3A_63 = tpu.memref_slice %arg7[%add3A_19, %dma_wait3A_62] : memref<10240x16xf32, #tpu.memory_space<vmem_shared>> -> memref<128x16xf32, #tpu.memory_space<vmem_shared>>
      tpu.wait_dma2 semaphore(%run_scoped3A_56 : memref<!tpu.dma_semaphore, #tpu.memory_space<semaphore_mem>>) src(%arg6 : memref<128x16xf32, #tpu.memory_space<vmem>>) dst(%dma_wait3A_63 : memref<128x16xf32, #tpu.memory_space<vmem_shared>>)
      tpu.yield
    }) : () -> ()
    %add3A_20 = arith.constant 384 : i32
    %add3A_21 = arith.addi %mul3A_13, %add3A_20 : i32
    "tpu.region"() ({
      %run_scoped3A_56 = tpu.sem_alloc : memref<!tpu.dma_semaphore, #tpu.memory_space<semaphore_mem>>
      %dma_start3A = arith.constant 0 : i32
      %dma_start3A_57 = tpu.memref_slice %arg7[%add3A_21, %dma_start3A] : memref<10240x16xf32, #tpu.memory_space<vmem_shared>> -> memref<128x16xf32, #tpu.memory_space<vmem_shared>>
      %dma_start3A_58 = arith.constant 0 : i32
      %dma_start3A_59 = tpu.memref_slice %arg7[%add3A_21, %dma_start3A_58] : memref<10240x16xf32, #tpu.memory_space<vmem_shared>> -> memref<128x16xf32, #tpu.memory_space<vmem_shared>>
      tpu.enqueue_dma source(%arg6 : memref<128x16xf32, #tpu.memory_space<vmem>>) target(%dma_start3A_59 : memref<128x16xf32, #tpu.memory_space<vmem_shared>>) target_semaphore(%run_scoped3A_56 : memref<!tpu.dma_semaphore, #tpu.memory_space<semaphore_mem>>)
      %dma_wait3A_60 = arith.constant 0 : i32
      %dma_wait3A_61 = tpu.memref_slice %arg7[%add3A_21, %dma_wait3A_60] : memref<10240x16xf32, #tpu.memory_space<vmem_shared>> -> memref<128x16xf32, #tpu.memory_space<vmem_shared>>
      %dma_wait3A_62 = arith.constant 0 : i32
      %dma_wait3A_63 = tpu.memref_slice %arg7[%add3A_21, %dma_wait3A_62] : memref<10240x16xf32, #tpu.memory_space<vmem_shared>> -> memref<128x16xf32, #tpu.memory_space<vmem_shared>>
      tpu.wait_dma2 semaphore(%run_scoped3A_56 : memref<!tpu.dma_semaphore, #tpu.memory_space<semaphore_mem>>) src(%arg6 : memref<128x16xf32, #tpu.memory_space<vmem>>) dst(%dma_wait3A_63 : memref<128x16xf32, #tpu.memory_space<vmem_shared>>)
      tpu.yield
    }) : () -> ()
    %add3A_22 = arith.constant 512 : i32
    %add3A_23 = arith.addi %mul3A_13, %add3A_22 : i32
    "tpu.region"() ({
      %run_scoped3A_56 = tpu.sem_alloc : memref<!tpu.dma_semaphore, #tpu.memory_space<semaphore_mem>>
      %dma_start3A = arith.constant 0 : i32
      %dma_start3A_57 = tpu.memref_slice %arg7[%add3A_23, %dma_start3A] : memref<10240x16xf32, #tpu.memory_space<vmem_shared>> -> memref<128x16xf32, #tpu.memory_space<vmem_shared>>
      %dma_start3A_58 = arith.constant 0 : i32
      %dma_start3A_59 = tpu.memref_slice %arg7[%add3A_23, %dma_start3A_58] : memref<10240x16xf32, #tpu.memory_space<vmem_shared>> -> memref<128x16xf32, #tpu.memory_space<vmem_shared>>
      tpu.enqueue_dma source(%arg6 : memref<128x16xf32, #tpu.memory_space<vmem>>) target(%dma_start3A_59 : memref<128x16xf32, #tpu.memory_space<vmem_shared>>) target_semaphore(%run_scoped3A_56 : memref<!tpu.dma_semaphore, #tpu.memory_space<semaphore_mem>>)
      %dma_wait3A_60 = arith.constant 0 : i32
      %dma_wait3A_61 = tpu.memref_slice %arg7[%add3A_23, %dma_wait3A_60] : memref<10240x16xf32, #tpu.memory_space<vmem_shared>> -> memref<128x16xf32, #tpu.memory_space<vmem_shared>>
      %dma_wait3A_62 = arith.constant 0 : i32
      %dma_wait3A_63 = tpu.memref_slice %arg7[%add3A_23, %dma_wait3A_62] : memref<10240x16xf32, #tpu.memory_space<vmem_shared>> -> memref<128x16xf32, #tpu.memory_space<vmem_shared>>
      tpu.wait_dma2 semaphore(%run_scoped3A_56 : memref<!tpu.dma_semaphore, #tpu.memory_space<semaphore_mem>>) src(%arg6 : memref<128x16xf32, #tpu.memory_space<vmem>>) dst(%dma_wait3A_63 : memref<128x16xf32, #tpu.memory_space<vmem_shared>>)
      tpu.yield
    }) : () -> ()
    %barrier3A = arith.constant 0 : index
    tpu.barrier barrier_id(%barrier3A)
    %mul3A_24 = arith.constant 80 : i32
    %mul3A_25 = arith.muli %add3A, %mul3A_24 : i32
    %run_scoped3A = arith.constant 0 : i32
    "tpu.region"() ({
      %run_scoped3A_56 = tpu.sem_alloc : memref<!tpu.dma_semaphore, #tpu.memory_space<semaphore_mem>>
      %dma_start3A = arith.constant 0 : i32
      %dma_start3A_57 = arith.constant 0 : i32
      %dma_start3A_58 = tpu.memref_slice %arg4[%run_scoped3A, %dma_start3A, %dma_start3A_57] : memref<4x2x128xi32, #tpu.memory_space<vmem>> -> memref<1x2x128xi32, #tpu.memory_space<vmem>>
      %dma_start3A_59 = tpu.memref_squeeze %dma_start3A_58 : memref<1x2x128xi32, #tpu.memory_space<vmem>> -> memref<2x128xi32, #tpu.memory_space<vmem>>
      %dma_start3A_60 = arith.constant 0 : i32
      %dma_start3A_61 = arith.constant 0 : i32
      %dma_start3A_62 = tpu.memref_slice %arg2[%mul3A_25, %dma_start3A_60, %dma_start3A_61] : memref<2560x2x128xi32, #tpu.memory_space<hbm>> -> memref<1x2x128xi32, #tpu.memory_space<hbm>>
      %dma_start3A_63 = tpu.memref_squeeze %dma_start3A_62 : memref<1x2x128xi32, #tpu.memory_space<hbm>> -> memref<2x128xi32, #tpu.memory_space<hbm>>
      %dma_start3A_64 = arith.constant 0 : i32
      %dma_start3A_65 = arith.constant 0 : i32
      %dma_start3A_66 = tpu.memref_slice %arg4[%run_scoped3A, %dma_start3A_64, %dma_start3A_65] : memref<4x2x128xi32, #tpu.memory_space<vmem>> -> memref<1x2x128xi32, #tpu.memory_space<vmem>>
      %dma_start3A_67 = tpu.memref_squeeze %dma_start3A_66 : memref<1x2x128xi32, #tpu.memory_space<vmem>> -> memref<2x128xi32, #tpu.memory_space<vmem>>
      %dma_start3A_68 = arith.constant 0 : i32
      %dma_start3A_69 = arith.constant 0 : i32
      %dma_start3A_70 = tpu.memref_slice %arg2[%mul3A_25, %dma_start3A_68, %dma_start3A_69] : memref<2560x2x128xi32, #tpu.memory_space<hbm>> -> memref<1x2x128xi32, #tpu.memory_space<hbm>>
      %dma_start3A_71 = tpu.memref_squeeze %dma_start3A_70 : memref<1x2x128xi32, #tpu.memory_space<hbm>> -> memref<2x128xi32, #tpu.memory_space<hbm>>
      tpu.enqueue_dma source(%dma_start3A_71 : memref<2x128xi32, #tpu.memory_space<hbm>>) target(%dma_start3A_67 : memref<2x128xi32, #tpu.memory_space<vmem>>) target_semaphore(%run_scoped3A_56 : memref<!tpu.dma_semaphore, #tpu.memory_space<semaphore_mem>>)
      %dma_wait3A_72 = arith.constant 0 : i32
      %dma_wait3A_73 = arith.constant 0 : i32
      %dma_wait3A_74 = tpu.memref_slice %arg4[%run_scoped3A, %dma_wait3A_72, %dma_wait3A_73] : memref<4x2x128xi32, #tpu.memory_space<vmem>> -> memref<1x2x128xi32, #tpu.memory_space<vmem>>
      %dma_wait3A_75 = tpu.memref_squeeze %dma_wait3A_74 : memref<1x2x128xi32, #tpu.memory_space<vmem>> -> memref<2x128xi32, #tpu.memory_space<vmem>>
      %dma_wait3A_76 = arith.constant 0 : i32
      %dma_wait3A_77 = arith.constant 0 : i32
      %dma_wait3A_78 = tpu.memref_slice %arg2[%mul3A_25, %dma_wait3A_76, %dma_wait3A_77] : memref<2560x2x128xi32, #tpu.memory_space<hbm>> -> memref<1x2x128xi32, #tpu.memory_space<hbm>>
      %dma_wait3A_79 = tpu.memref_squeeze %dma_wait3A_78 : memref<1x2x128xi32, #tpu.memory_space<hbm>> -> memref<2x128xi32, #tpu.memory_space<hbm>>
      %dma_wait3A_80 = arith.constant 0 : i32
      %dma_wait3A_81 = arith.constant 0 : i32
      %dma_wait3A_82 = tpu.memref_slice %arg4[%run_scoped3A, %dma_wait3A_80, %dma_wait3A_81] : memref<4x2x128xi32, #tpu.memory_space<vmem>> -> memref<1x2x128xi32, #tpu.memory_space<vmem>>
      %dma_wait3A_83 = tpu.memref_squeeze %dma_wait3A_82 : memref<1x2x128xi32, #tpu.memory_space<vmem>> -> memref<2x128xi32, #tpu.memory_space<vmem>>
      %dma_wait3A_84 = arith.constant 0 : i32
      %dma_wait3A_85 = arith.constant 0 : i32
      %dma_wait3A_86 = tpu.memref_slice %arg2[%mul3A_25, %dma_wait3A_84, %dma_wait3A_85] : memref<2560x2x128xi32, #tpu.memory_space<hbm>> -> memref<1x2x128xi32, #tpu.memory_space<hbm>>
      %dma_wait3A_87 = tpu.memref_squeeze %dma_wait3A_86 : memref<1x2x128xi32, #tpu.memory_space<hbm>> -> memref<2x128xi32, #tpu.memory_space<hbm>>
      tpu.wait_dma2 semaphore(%run_scoped3A_56 : memref<!tpu.dma_semaphore, #tpu.memory_space<semaphore_mem>>) src(%dma_wait3A_87 : memref<2x128xi32, #tpu.memory_space<hbm>>) dst(%dma_wait3A_83 : memref<2x128xi32, #tpu.memory_space<vmem>>)
      tpu.yield
    }) : () -> ()
    %scan3A_26 = arith.constant 0 : i32
    %scan3A_27 = arith.constant 0 : i32
    %scan3A_28 = arith.constant 20 : i32
    %scan3A_29 = arith.addi %scan3A_27, %scan3A_28 : i32
    %scan3A_30 = arith.constant 1 : i32
    scf.for %scan3A_56 = %scan3A_27 to %scan3A_29 step %scan3A_30  : i32 {
      %mul3A_57 = arith.constant 4 : i32
      %mul3A_58 = arith.muli %mul3A_57, %scan3A_56 : i32
      %add3A_59 = arith.constant 0 : i32
      %add3A_60 = arith.addi %mul3A_58, %add3A_59 : i32
      %ge3A = arith.constant 3 : i32
      %ge3A_61 = arith.cmpi sge, %add3A_60, %ge3A : i32
      %convert_element_type3A = arith.extui %ge3A_61 : i1 to i32
      %cond3A = arith.constant 0 : i32
      %cond3A_62 = arith.cmpi ne, %convert_element_type3A, %cond3A : i32
      scf.if %cond3A_62 {
        %dma_wait3A_148 = arith.constant 1 : i32
        %dma_wait3A_149 = arith.constant 1 : i32
        %dma_wait3A_150 = arith.constant 0 : i32
        %dma_wait3A_151 = tpu.memref_slice %arg4[%dma_wait3A_148, %dma_wait3A_149, %dma_wait3A_150] : memref<4x2x128xi32, #tpu.memory_space<vmem>> -> memref<1x1x128xi32, #tpu.memory_space<vmem>>
        %dma_wait3A_152 = tpu.memref_squeeze %dma_wait3A_151 : memref<1x1x128xi32, #tpu.memory_space<vmem>> -> memref<128xi32, #tpu.memory_space<vmem>>
        %dma_wait3A_153 = arith.constant 0 : i32
        %dma_wait3A_154 = arith.constant 0 : i32
        %dma_wait3A_155 = tpu.memref_slice %arg7[%dma_wait3A_153, %dma_wait3A_154] : memref<10240x16xf32, #tpu.memory_space<vmem_shared>> -> memref<10240x16xf32, #tpu.memory_space<vmem_shared>>
        tpu.wait_indirect_dma semaphore(%arg8 : memref<!tpu.dma_semaphore, #tpu.memory_space<semaphore_mem>>) src(%arg5 : memref<128x16xf32, #tpu.memory_space<vmem>>) dst(%dma_wait3A_155 : memref<10240x16xf32, #tpu.memory_space<vmem_shared>>)
      } else {
      }
      %dma_start3A = arith.constant 0 : i32
      %dma_start3A_63 = arith.constant 1 : i32
      %dma_start3A_64 = arith.constant 0 : i32
      %dma_start3A_65 = tpu.memref_slice %arg4[%dma_start3A, %dma_start3A_63, %dma_start3A_64] : memref<4x2x128xi32, #tpu.memory_space<vmem>> -> memref<1x1x128xi32, #tpu.memory_space<vmem>>
      %dma_start3A_66 = tpu.memref_squeeze %dma_start3A_65 : memref<1x1x128xi32, #tpu.memory_space<vmem>> -> memref<128xi32, #tpu.memory_space<vmem>>
      %dma_start3A_67 = arith.constant 0 : i32
      %dma_start3A_68 = arith.constant 0 : i32
      %dma_start3A_69 = tpu.memref_slice %arg7[%dma_start3A_67, %dma_start3A_68] : memref<10240x16xf32, #tpu.memory_space<vmem_shared>> -> memref<10240x16xf32, #tpu.memory_space<vmem_shared>>
      tpu.enqueue_indirect_dma source(%arg5 : memref<128x16xf32, #tpu.memory_space<vmem>>) target(%dma_start3A_69 : memref<10240x16xf32, #tpu.memory_space<vmem_shared>>) offsets(%dma_start3A_66 : memref<128xi32, #tpu.memory_space<vmem>>) semaphore(%arg8 : memref<!tpu.dma_semaphore, #tpu.memory_space<semaphore_mem>>) {add = true}
      %add3A_70 = arith.constant 1 : i32
      %add3A_71 = arith.addi %add3A_60, %add3A_70 : i32
      %lt3A = arith.constant 80 : i32
      %lt3A_72 = arith.cmpi slt, %add3A_71, %lt3A : i32
      %convert_element_type3A_73 = arith.extui %lt3A_72 : i1 to i32
      %cond3A_74 = arith.constant 0 : i32
      %cond3A_75 = arith.cmpi ne, %convert_element_type3A_73, %cond3A_74 : i32
      scf.if %cond3A_75 {
        %add3A_148 = arith.addi %mul3A_25, %add3A_60 : i32
        %add3A_149 = arith.constant 1 : i32
        %add3A_150 = arith.addi %add3A_148, %add3A_149 : i32
        %run_scoped3A_151 = arith.constant 1 : i32
        "tpu.region"() ({
          %run_scoped3A_152 = tpu.sem_alloc : memref<!tpu.dma_semaphore, #tpu.memory_space<semaphore_mem>>
          %dma_start3A_153 = arith.constant 0 : i32
          %dma_start3A_154 = arith.constant 0 : i32
          %dma_start3A_155 = tpu.memref_slice %arg4[%run_scoped3A_151, %dma_start3A_153, %dma_start3A_154] : memref<4x2x128xi32, #tpu.memory_space<vmem>> -> memref<1x2x128xi32, #tpu.memory_space<vmem>>
          %dma_start3A_156 = tpu.memref_squeeze %dma_start3A_155 : memref<1x2x128xi32, #tpu.memory_space<vmem>> -> memref<2x128xi32, #tpu.memory_space<vmem>>
          %dma_start3A_157 = arith.constant 0 : i32
          %dma_start3A_158 = arith.constant 0 : i32
          %dma_start3A_159 = tpu.memref_slice %arg2[%add3A_150, %dma_start3A_157, %dma_start3A_158] : memref<2560x2x128xi32, #tpu.memory_space<hbm>> -> memref<1x2x128xi32, #tpu.memory_space<hbm>>
          %dma_start3A_160 = tpu.memref_squeeze %dma_start3A_159 : memref<1x2x128xi32, #tpu.memory_space<hbm>> -> memref<2x128xi32, #tpu.memory_space<hbm>>
          %dma_start3A_161 = arith.constant 0 : i32
          %dma_start3A_162 = arith.constant 0 : i32
          %dma_start3A_163 = tpu.memref_slice %arg4[%run_scoped3A_151, %dma_start3A_161, %dma_start3A_162] : memref<4x2x128xi32, #tpu.memory_space<vmem>> -> memref<1x2x128xi32, #tpu.memory_space<vmem>>
          %dma_start3A_164 = tpu.memref_squeeze %dma_start3A_163 : memref<1x2x128xi32, #tpu.memory_space<vmem>> -> memref<2x128xi32, #tpu.memory_space<vmem>>
          %dma_start3A_165 = arith.constant 0 : i32
          %dma_start3A_166 = arith.constant 0 : i32
          %dma_start3A_167 = tpu.memref_slice %arg2[%add3A_150, %dma_start3A_165, %dma_start3A_166] : memref<2560x2x128xi32, #tpu.memory_space<hbm>> -> memref<1x2x128xi32, #tpu.memory_space<hbm>>
          %dma_start3A_168 = tpu.memref_squeeze %dma_start3A_167 : memref<1x2x128xi32, #tpu.memory_space<hbm>> -> memref<2x128xi32, #tpu.memory_space<hbm>>
          tpu.enqueue_dma source(%dma_start3A_168 : memref<2x128xi32, #tpu.memory_space<hbm>>) target(%dma_start3A_164 : memref<2x128xi32, #tpu.memory_space<vmem>>) target_semaphore(%run_scoped3A_152 : memref<!tpu.dma_semaphore, #tpu.memory_space<semaphore_mem>>)
          %dma_wait3A_169 = arith.constant 0 : i32
          %dma_wait3A_170 = arith.constant 0 : i32
          %dma_wait3A_171 = tpu.memref_slice %arg4[%run_scoped3A_151, %dma_wait3A_169, %dma_wait3A_170] : memref<4x2x128xi32, #tpu.memory_space<vmem>> -> memref<1x2x128xi32, #tpu.memory_space<vmem>>
          %dma_wait3A_172 = tpu.memref_squeeze %dma_wait3A_171 : memref<1x2x128xi32, #tpu.memory_space<vmem>> -> memref<2x128xi32, #tpu.memory_space<vmem>>
          %dma_wait3A_173 = arith.constant 0 : i32
          %dma_wait3A_174 = arith.constant 0 : i32
          %dma_wait3A_175 = tpu.memref_slice %arg2[%add3A_150, %dma_wait3A_173, %dma_wait3A_174] : memref<2560x2x128xi32, #tpu.memory_space<hbm>> -> memref<1x2x128xi32, #tpu.memory_space<hbm>>
          %dma_wait3A_176 = tpu.memref_squeeze %dma_wait3A_175 : memref<1x2x128xi32, #tpu.memory_space<hbm>> -> memref<2x128xi32, #tpu.memory_space<hbm>>
          %dma_wait3A_177 = arith.constant 0 : i32
          %dma_wait3A_178 = arith.constant 0 : i32
          %dma_wait3A_179 = tpu.memref_slice %arg4[%run_scoped3A_151, %dma_wait3A_177, %dma_wait3A_178] : memref<4x2x128xi32, #tpu.memory_space<vmem>> -> memref<1x2x128xi32, #tpu.memory_space<vmem>>
          %dma_wait3A_180 = tpu.memref_squeeze %dma_wait3A_179 : memref<1x2x128xi32, #tpu.memory_space<vmem>> -> memref<2x128xi32, #tpu.memory_space<vmem>>
          %dma_wait3A_181 = arith.constant 0 : i32
          %dma_wait3A_182 = arith.constant 0 : i32
          %dma_wait3A_183 = tpu.memref_slice %arg2[%add3A_150, %dma_wait3A_181, %dma_wait3A_182] : memref<2560x2x128xi32, #tpu.memory_space<hbm>> -> memref<1x2x128xi32, #tpu.memory_space<hbm>>
          %dma_wait3A_184 = tpu.memref_squeeze %dma_wait3A_183 : memref<1x2x128xi32, #tpu.memory_space<hbm>> -> memref<2x128xi32, #tpu.memory_space<hbm>>
          tpu.wait_dma2 semaphore(%run_scoped3A_152 : memref<!tpu.dma_semaphore, #tpu.memory_space<semaphore_mem>>) src(%dma_wait3A_184 : memref<2x128xi32, #tpu.memory_space<hbm>>) dst(%dma_wait3A_180 : memref<2x128xi32, #tpu.memory_space<vmem>>)
          tpu.yield
        }) : () -> ()
      } else {
      }
      %mul3A_76 = arith.constant 4 : i32
      %mul3A_77 = arith.muli %mul3A_76, %scan3A_56 : i32
      %add3A_78 = arith.constant 1 : i32
      %add3A_79 = arith.addi %mul3A_77, %add3A_78 : i32
      %ge3A_80 = arith.constant 3 : i32
      %ge3A_81 = arith.cmpi sge, %add3A_79, %ge3A_80 : i32
      %convert_element_type3A_82 = arith.extui %ge3A_81 : i1 to i32
      %cond3A_83 = arith.constant 0 : i32
      %cond3A_84 = arith.cmpi ne, %convert_element_type3A_82, %cond3A_83 : i32
      scf.if %cond3A_84 {
        %dma_wait3A_148 = arith.constant 2 : i32
        %dma_wait3A_149 = arith.constant 1 : i32
        %dma_wait3A_150 = arith.constant 0 : i32
        %dma_wait3A_151 = tpu.memref_slice %arg4[%dma_wait3A_148, %dma_wait3A_149, %dma_wait3A_150] : memref<4x2x128xi32, #tpu.memory_space<vmem>> -> memref<1x1x128xi32, #tpu.memory_space<vmem>>
        %dma_wait3A_152 = tpu.memref_squeeze %dma_wait3A_151 : memref<1x1x128xi32, #tpu.memory_space<vmem>> -> memref<128xi32, #tpu.memory_space<vmem>>
        %dma_wait3A_153 = arith.constant 0 : i32
        %dma_wait3A_154 = arith.constant 0 : i32
        %dma_wait3A_155 = tpu.memref_slice %arg7[%dma_wait3A_153, %dma_wait3A_154] : memref<10240x16xf32, #tpu.memory_space<vmem_shared>> -> memref<10240x16xf32, #tpu.memory_space<vmem_shared>>
        tpu.wait_indirect_dma semaphore(%arg8 : memref<!tpu.dma_semaphore, #tpu.memory_space<semaphore_mem>>) src(%arg5 : memref<128x16xf32, #tpu.memory_space<vmem>>) dst(%dma_wait3A_155 : memref<10240x16xf32, #tpu.memory_space<vmem_shared>>)
      } else {
      }
      %dma_start3A_85 = arith.constant 1 : i32
      %dma_start3A_86 = arith.constant 1 : i32
      %dma_start3A_87 = arith.constant 0 : i32
      %dma_start3A_88 = tpu.memref_slice %arg4[%dma_start3A_85, %dma_start3A_86, %dma_start3A_87] : memref<4x2x128xi32, #tpu.memory_space<vmem>> -> memref<1x1x128xi32, #tpu.memory_space<vmem>>
      %dma_start3A_89 = tpu.memref_squeeze %dma_start3A_88 : memref<1x1x128xi32, #tpu.memory_space<vmem>> -> memref<128xi32, #tpu.memory_space<vmem>>
      %dma_start3A_90 = arith.constant 0 : i32
      %dma_start3A_91 = arith.constant 0 : i32
      %dma_start3A_92 = tpu.memref_slice %arg7[%dma_start3A_90, %dma_start3A_91] : memref<10240x16xf32, #tpu.memory_space<vmem_shared>> -> memref<10240x16xf32, #tpu.memory_space<vmem_shared>>
      tpu.enqueue_indirect_dma source(%arg5 : memref<128x16xf32, #tpu.memory_space<vmem>>) target(%dma_start3A_92 : memref<10240x16xf32, #tpu.memory_space<vmem_shared>>) offsets(%dma_start3A_89 : memref<128xi32, #tpu.memory_space<vmem>>) semaphore(%arg8 : memref<!tpu.dma_semaphore, #tpu.memory_space<semaphore_mem>>) {add = true}
      %add3A_93 = arith.constant 1 : i32
      %add3A_94 = arith.addi %add3A_79, %add3A_93 : i32
      %lt3A_95 = arith.constant 80 : i32
      %lt3A_96 = arith.cmpi slt, %add3A_94, %lt3A_95 : i32
      %convert_element_type3A_97 = arith.extui %lt3A_96 : i1 to i32
      %cond3A_98 = arith.constant 0 : i32
      %cond3A_99 = arith.cmpi ne, %convert_element_type3A_97, %cond3A_98 : i32
      scf.if %cond3A_99 {
        %add3A_148 = arith.addi %mul3A_25, %add3A_79 : i32
        %add3A_149 = arith.constant 1 : i32
        %add3A_150 = arith.addi %add3A_148, %add3A_149 : i32
        %run_scoped3A_151 = arith.constant 2 : i32
        "tpu.region"() ({
          %run_scoped3A_152 = tpu.sem_alloc : memref<!tpu.dma_semaphore, #tpu.memory_space<semaphore_mem>>
          %dma_start3A_153 = arith.constant 0 : i32
          %dma_start3A_154 = arith.constant 0 : i32
          %dma_start3A_155 = tpu.memref_slice %arg4[%run_scoped3A_151, %dma_start3A_153, %dma_start3A_154] : memref<4x2x128xi32, #tpu.memory_space<vmem>> -> memref<1x2x128xi32, #tpu.memory_space<vmem>>
          %dma_start3A_156 = tpu.memref_squeeze %dma_start3A_155 : memref<1x2x128xi32, #tpu.memory_space<vmem>> -> memref<2x128xi32, #tpu.memory_space<vmem>>
          %dma_start3A_157 = arith.constant 0 : i32
          %dma_start3A_158 = arith.constant 0 : i32
          %dma_start3A_159 = tpu.memref_slice %arg2[%add3A_150, %dma_start3A_157, %dma_start3A_158] : memref<2560x2x128xi32, #tpu.memory_space<hbm>> -> memref<1x2x128xi32, #tpu.memory_space<hbm>>
          %dma_start3A_160 = tpu.memref_squeeze %dma_start3A_159 : memref<1x2x128xi32, #tpu.memory_space<hbm>> -> memref<2x128xi32, #tpu.memory_space<hbm>>
          %dma_start3A_161 = arith.constant 0 : i32
          %dma_start3A_162 = arith.constant 0 : i32
          %dma_start3A_163 = tpu.memref_slice %arg4[%run_scoped3A_151, %dma_start3A_161, %dma_start3A_162] : memref<4x2x128xi32, #tpu.memory_space<vmem>> -> memref<1x2x128xi32, #tpu.memory_space<vmem>>
          %dma_start3A_164 = tpu.memref_squeeze %dma_start3A_163 : memref<1x2x128xi32, #tpu.memory_space<vmem>> -> memref<2x128xi32, #tpu.memory_space<vmem>>
          %dma_start3A_165 = arith.constant 0 : i32
          %dma_start3A_166 = arith.constant 0 : i32
          %dma_start3A_167 = tpu.memref_slice %arg2[%add3A_150, %dma_start3A_165, %dma_start3A_166] : memref<2560x2x128xi32, #tpu.memory_space<hbm>> -> memref<1x2x128xi32, #tpu.memory_space<hbm>>
          %dma_start3A_168 = tpu.memref_squeeze %dma_start3A_167 : memref<1x2x128xi32, #tpu.memory_space<hbm>> -> memref<2x128xi32, #tpu.memory_space<hbm>>
          tpu.enqueue_dma source(%dma_start3A_168 : memref<2x128xi32, #tpu.memory_space<hbm>>) target(%dma_start3A_164 : memref<2x128xi32, #tpu.memory_space<vmem>>) target_semaphore(%run_scoped3A_152 : memref<!tpu.dma_semaphore, #tpu.memory_space<semaphore_mem>>)
          %dma_wait3A_169 = arith.constant 0 : i32
          %dma_wait3A_170 = arith.constant 0 : i32
          %dma_wait3A_171 = tpu.memref_slice %arg4[%run_scoped3A_151, %dma_wait3A_169, %dma_wait3A_170] : memref<4x2x128xi32, #tpu.memory_space<vmem>> -> memref<1x2x128xi32, #tpu.memory_space<vmem>>
          %dma_wait3A_172 = tpu.memref_squeeze %dma_wait3A_171 : memref<1x2x128xi32, #tpu.memory_space<vmem>> -> memref<2x128xi32, #tpu.memory_space<vmem>>
          %dma_wait3A_173 = arith.constant 0 : i32
          %dma_wait3A_174 = arith.constant 0 : i32
          %dma_wait3A_175 = tpu.memref_slice %arg2[%add3A_150, %dma_wait3A_173, %dma_wait3A_174] : memref<2560x2x128xi32, #tpu.memory_space<hbm>> -> memref<1x2x128xi32, #tpu.memory_space<hbm>>
          %dma_wait3A_176 = tpu.memref_squeeze %dma_wait3A_175 : memref<1x2x128xi32, #tpu.memory_space<hbm>> -> memref<2x128xi32, #tpu.memory_space<hbm>>
          %dma_wait3A_177 = arith.constant 0 : i32
          %dma_wait3A_178 = arith.constant 0 : i32
          %dma_wait3A_179 = tpu.memref_slice %arg4[%run_scoped3A_151, %dma_wait3A_177, %dma_wait3A_178] : memref<4x2x128xi32, #tpu.memory_space<vmem>> -> memref<1x2x128xi32, #tpu.memory_space<vmem>>
          %dma_wait3A_180 = tpu.memref_squeeze %dma_wait3A_179 : memref<1x2x128xi32, #tpu.memory_space<vmem>> -> memref<2x128xi32, #tpu.memory_space<vmem>>
          %dma_wait3A_181 = arith.constant 0 : i32
          %dma_wait3A_182 = arith.constant 0 : i32
          %dma_wait3A_183 = tpu.memref_slice %arg2[%add3A_150, %dma_wait3A_181, %dma_wait3A_182] : memref<2560x2x128xi32, #tpu.memory_space<hbm>> -> memref<1x2x128xi32, #tpu.memory_space<hbm>>
          %dma_wait3A_184 = tpu.memref_squeeze %dma_wait3A_183 : memref<1x2x128xi32, #tpu.memory_space<hbm>> -> memref<2x128xi32, #tpu.memory_space<hbm>>
          tpu.wait_dma2 semaphore(%run_scoped3A_152 : memref<!tpu.dma_semaphore, #tpu.memory_space<semaphore_mem>>) src(%dma_wait3A_184 : memref<2x128xi32, #tpu.memory_space<hbm>>) dst(%dma_wait3A_180 : memref<2x128xi32, #tpu.memory_space<vmem>>)
          tpu.yield
        }) : () -> ()
      } else {
      }
      %mul3A_100 = arith.constant 4 : i32
      %mul3A_101 = arith.muli %mul3A_100, %scan3A_56 : i32
      %add3A_102 = arith.constant 2 : i32
      %add3A_103 = arith.addi %mul3A_101, %add3A_102 : i32
      %ge3A_104 = arith.constant 3 : i32
      %ge3A_105 = arith.cmpi sge, %add3A_103, %ge3A_104 : i32
      %convert_element_type3A_106 = arith.extui %ge3A_105 : i1 to i32
      %cond3A_107 = arith.constant 0 : i32
      %cond3A_108 = arith.cmpi ne, %convert_element_type3A_106, %cond3A_107 : i32
      scf.if %cond3A_108 {
        %dma_wait3A_148 = arith.constant 3 : i32
        %dma_wait3A_149 = arith.constant 1 : i32
        %dma_wait3A_150 = arith.constant 0 : i32
        %dma_wait3A_151 = tpu.memref_slice %arg4[%dma_wait3A_148, %dma_wait3A_149, %dma_wait3A_150] : memref<4x2x128xi32, #tpu.memory_space<vmem>> -> memref<1x1x128xi32, #tpu.memory_space<vmem>>
        %dma_wait3A_152 = tpu.memref_squeeze %dma_wait3A_151 : memref<1x1x128xi32, #tpu.memory_space<vmem>> -> memref<128xi32, #tpu.memory_space<vmem>>
        %dma_wait3A_153 = arith.constant 0 : i32
        %dma_wait3A_154 = arith.constant 0 : i32
        %dma_wait3A_155 = tpu.memref_slice %arg7[%dma_wait3A_153, %dma_wait3A_154] : memref<10240x16xf32, #tpu.memory_space<vmem_shared>> -> memref<10240x16xf32, #tpu.memory_space<vmem_shared>>
        tpu.wait_indirect_dma semaphore(%arg8 : memref<!tpu.dma_semaphore, #tpu.memory_space<semaphore_mem>>) src(%arg5 : memref<128x16xf32, #tpu.memory_space<vmem>>) dst(%dma_wait3A_155 : memref<10240x16xf32, #tpu.memory_space<vmem_shared>>)
      } else {
      }
      %dma_start3A_109 = arith.constant 2 : i32
      %dma_start3A_110 = arith.constant 1 : i32
      %dma_start3A_111 = arith.constant 0 : i32
      %dma_start3A_112 = tpu.memref_slice %arg4[%dma_start3A_109, %dma_start3A_110, %dma_start3A_111] : memref<4x2x128xi32, #tpu.memory_space<vmem>> -> memref<1x1x128xi32, #tpu.memory_space<vmem>>
      %dma_start3A_113 = tpu.memref_squeeze %dma_start3A_112 : memref<1x1x128xi32, #tpu.memory_space<vmem>> -> memref<128xi32, #tpu.memory_space<vmem>>
      %dma_start3A_114 = arith.constant 0 : i32
      %dma_start3A_115 = arith.constant 0 : i32
      %dma_start3A_116 = tpu.memref_slice %arg7[%dma_start3A_114, %dma_start3A_115] : memref<10240x16xf32, #tpu.memory_space<vmem_shared>> -> memref<10240x16xf32, #tpu.memory_space<vmem_shared>>
      tpu.enqueue_indirect_dma source(%arg5 : memref<128x16xf32, #tpu.memory_space<vmem>>) target(%dma_start3A_116 : memref<10240x16xf32, #tpu.memory_space<vmem_shared>>) offsets(%dma_start3A_113 : memref<128xi32, #tpu.memory_space<vmem>>) semaphore(%arg8 : memref<!tpu.dma_semaphore, #tpu.memory_space<semaphore_mem>>) {add = true}
      %add3A_117 = arith.constant 1 : i32
      %add3A_118 = arith.addi %add3A_103, %add3A_117 : i32
      %lt3A_119 = arith.constant 80 : i32
      %lt3A_120 = arith.cmpi slt, %add3A_118, %lt3A_119 : i32
      %convert_element_type3A_121 = arith.extui %lt3A_120 : i1 to i32
      %cond3A_122 = arith.constant 0 : i32
      %cond3A_123 = arith.cmpi ne, %convert_element_type3A_121, %cond3A_122 : i32
      scf.if %cond3A_123 {
        %add3A_148 = arith.addi %mul3A_25, %add3A_103 : i32
        %add3A_149 = arith.constant 1 : i32
        %add3A_150 = arith.addi %add3A_148, %add3A_149 : i32
        %run_scoped3A_151 = arith.constant 3 : i32
        "tpu.region"() ({
          %run_scoped3A_152 = tpu.sem_alloc : memref<!tpu.dma_semaphore, #tpu.memory_space<semaphore_mem>>
          %dma_start3A_153 = arith.constant 0 : i32
          %dma_start3A_154 = arith.constant 0 : i32
          %dma_start3A_155 = tpu.memref_slice %arg4[%run_scoped3A_151, %dma_start3A_153, %dma_start3A_154] : memref<4x2x128xi32, #tpu.memory_space<vmem>> -> memref<1x2x128xi32, #tpu.memory_space<vmem>>
          %dma_start3A_156 = tpu.memref_squeeze %dma_start3A_155 : memref<1x2x128xi32, #tpu.memory_space<vmem>> -> memref<2x128xi32, #tpu.memory_space<vmem>>
          %dma_start3A_157 = arith.constant 0 : i32
          %dma_start3A_158 = arith.constant 0 : i32
          %dma_start3A_159 = tpu.memref_slice %arg2[%add3A_150, %dma_start3A_157, %dma_start3A_158] : memref<2560x2x128xi32, #tpu.memory_space<hbm>> -> memref<1x2x128xi32, #tpu.memory_space<hbm>>
          %dma_start3A_160 = tpu.memref_squeeze %dma_start3A_159 : memref<1x2x128xi32, #tpu.memory_space<hbm>> -> memref<2x128xi32, #tpu.memory_space<hbm>>
          %dma_start3A_161 = arith.constant 0 : i32
          %dma_start3A_162 = arith.constant 0 : i32
          %dma_start3A_163 = tpu.memref_slice %arg4[%run_scoped3A_151, %dma_start3A_161, %dma_start3A_162] : memref<4x2x128xi32, #tpu.memory_space<vmem>> -> memref<1x2x128xi32, #tpu.memory_space<vmem>>
          %dma_start3A_164 = tpu.memref_squeeze %dma_start3A_163 : memref<1x2x128xi32, #tpu.memory_space<vmem>> -> memref<2x128xi32, #tpu.memory_space<vmem>>
          %dma_start3A_165 = arith.constant 0 : i32
          %dma_start3A_166 = arith.constant 0 : i32
          %dma_start3A_167 = tpu.memref_slice %arg2[%add3A_150, %dma_start3A_165, %dma_start3A_166] : memref<2560x2x128xi32, #tpu.memory_space<hbm>> -> memref<1x2x128xi32, #tpu.memory_space<hbm>>
          %dma_start3A_168 = tpu.memref_squeeze %dma_start3A_167 : memref<1x2x128xi32, #tpu.memory_space<hbm>> -> memref<2x128xi32, #tpu.memory_space<hbm>>
          tpu.enqueue_dma source(%dma_start3A_168 : memref<2x128xi32, #tpu.memory_space<hbm>>) target(%dma_start3A_164 : memref<2x128xi32, #tpu.memory_space<vmem>>) target_semaphore(%run_scoped3A_152 : memref<!tpu.dma_semaphore, #tpu.memory_space<semaphore_mem>>)
          %dma_wait3A_169 = arith.constant 0 : i32
          %dma_wait3A_170 = arith.constant 0 : i32
          %dma_wait3A_171 = tpu.memref_slice %arg4[%run_scoped3A_151, %dma_wait3A_169, %dma_wait3A_170] : memref<4x2x128xi32, #tpu.memory_space<vmem>> -> memref<1x2x128xi32, #tpu.memory_space<vmem>>
          %dma_wait3A_172 = tpu.memref_squeeze %dma_wait3A_171 : memref<1x2x128xi32, #tpu.memory_space<vmem>> -> memref<2x128xi32, #tpu.memory_space<vmem>>
          %dma_wait3A_173 = arith.constant 0 : i32
          %dma_wait3A_174 = arith.constant 0 : i32
          %dma_wait3A_175 = tpu.memref_slice %arg2[%add3A_150, %dma_wait3A_173, %dma_wait3A_174] : memref<2560x2x128xi32, #tpu.memory_space<hbm>> -> memref<1x2x128xi32, #tpu.memory_space<hbm>>
          %dma_wait3A_176 = tpu.memref_squeeze %dma_wait3A_175 : memref<1x2x128xi32, #tpu.memory_space<hbm>> -> memref<2x128xi32, #tpu.memory_space<hbm>>
          %dma_wait3A_177 = arith.constant 0 : i32
          %dma_wait3A_178 = arith.constant 0 : i32
          %dma_wait3A_179 = tpu.memref_slice %arg4[%run_scoped3A_151, %dma_wait3A_177, %dma_wait3A_178] : memref<4x2x128xi32, #tpu.memory_space<vmem>> -> memref<1x2x128xi32, #tpu.memory_space<vmem>>
          %dma_wait3A_180 = tpu.memref_squeeze %dma_wait3A_179 : memref<1x2x128xi32, #tpu.memory_space<vmem>> -> memref<2x128xi32, #tpu.memory_space<vmem>>
          %dma_wait3A_181 = arith.constant 0 : i32
          %dma_wait3A_182 = arith.constant 0 : i32
          %dma_wait3A_183 = tpu.memref_slice %arg2[%add3A_150, %dma_wait3A_181, %dma_wait3A_182] : memref<2560x2x128xi32, #tpu.memory_space<hbm>> -> memref<1x2x128xi32, #tpu.memory_space<hbm>>
          %dma_wait3A_184 = tpu.memref_squeeze %dma_wait3A_183 : memref<1x2x128xi32, #tpu.memory_space<hbm>> -> memref<2x128xi32, #tpu.memory_space<hbm>>
          tpu.wait_dma2 semaphore(%run_scoped3A_152 : memref<!tpu.dma_semaphore, #tpu.memory_space<semaphore_mem>>) src(%dma_wait3A_184 : memref<2x128xi32, #tpu.memory_space<hbm>>) dst(%dma_wait3A_180 : memref<2x128xi32, #tpu.memory_space<vmem>>)
          tpu.yield
        }) : () -> ()
      } else {
      }
      %mul3A_124 = arith.constant 4 : i32
      %mul3A_125 = arith.muli %mul3A_124, %scan3A_56 : i32
      %add3A_126 = arith.constant 3 : i32
      %add3A_127 = arith.addi %mul3A_125, %add3A_126 : i32
      %ge3A_128 = arith.constant 3 : i32
      %ge3A_129 = arith.cmpi sge, %add3A_127, %ge3A_128 : i32
      %convert_element_type3A_130 = arith.extui %ge3A_129 : i1 to i32
      %cond3A_131 = arith.constant 0 : i32
      %cond3A_132 = arith.cmpi ne, %convert_element_type3A_130, %cond3A_131 : i32
      scf.if %cond3A_132 {
        %dma_wait3A_148 = arith.constant 0 : i32
        %dma_wait3A_149 = arith.constant 1 : i32
        %dma_wait3A_150 = arith.constant 0 : i32
        %dma_wait3A_151 = tpu.memref_slice %arg4[%dma_wait3A_148, %dma_wait3A_149, %dma_wait3A_150] : memref<4x2x128xi32, #tpu.memory_space<vmem>> -> memref<1x1x128xi32, #tpu.memory_space<vmem>>
        %dma_wait3A_152 = tpu.memref_squeeze %dma_wait3A_151 : memref<1x1x128xi32, #tpu.memory_space<vmem>> -> memref<128xi32, #tpu.memory_space<vmem>>
        %dma_wait3A_153 = arith.constant 0 : i32
        %dma_wait3A_154 = arith.constant 0 : i32
        %dma_wait3A_155 = tpu.memref_slice %arg7[%dma_wait3A_153, %dma_wait3A_154] : memref<10240x16xf32, #tpu.memory_space<vmem_shared>> -> memref<10240x16xf32, #tpu.memory_space<vmem_shared>>
        tpu.wait_indirect_dma semaphore(%arg8 : memref<!tpu.dma_semaphore, #tpu.memory_space<semaphore_mem>>) src(%arg5 : memref<128x16xf32, #tpu.memory_space<vmem>>) dst(%dma_wait3A_155 : memref<10240x16xf32, #tpu.memory_space<vmem_shared>>)
      } else {
      }
      %dma_start3A_133 = arith.constant 3 : i32
      %dma_start3A_134 = arith.constant 1 : i32
      %dma_start3A_135 = arith.constant 0 : i32
      %dma_start3A_136 = tpu.memref_slice %arg4[%dma_start3A_133, %dma_start3A_134, %dma_start3A_135] : memref<4x2x128xi32, #tpu.memory_space<vmem>> -> memref<1x1x128xi32, #tpu.memory_space<vmem>>
      %dma_start3A_137 = tpu.memref_squeeze %dma_start3A_136 : memref<1x1x128xi32, #tpu.memory_space<vmem>> -> memref<128xi32, #tpu.memory_space<vmem>>
      %dma_start3A_138 = arith.constant 0 : i32
      %dma_start3A_139 = arith.constant 0 : i32
      %dma_start3A_140 = tpu.memref_slice %arg7[%dma_start3A_138, %dma_start3A_139] : memref<10240x16xf32, #tpu.memory_space<vmem_shared>> -> memref<10240x16xf32, #tpu.memory_space<vmem_shared>>
      tpu.enqueue_indirect_dma source(%arg5 : memref<128x16xf32, #tpu.memory_space<vmem>>) target(%dma_start3A_140 : memref<10240x16xf32, #tpu.memory_space<vmem_shared>>) offsets(%dma_start3A_137 : memref<128xi32, #tpu.memory_space<vmem>>) semaphore(%arg8 : memref<!tpu.dma_semaphore, #tpu.memory_space<semaphore_mem>>) {add = true}
      %add3A_141 = arith.constant 1 : i32
      %add3A_142 = arith.addi %add3A_127, %add3A_141 : i32
      %lt3A_143 = arith.constant 80 : i32
      %lt3A_144 = arith.cmpi slt, %add3A_142, %lt3A_143 : i32
      %convert_element_type3A_145 = arith.extui %lt3A_144 : i1 to i32
      %cond3A_146 = arith.constant 0 : i32
      %cond3A_147 = arith.cmpi ne, %convert_element_type3A_145, %cond3A_146 : i32
      scf.if %cond3A_147 {
        %add3A_148 = arith.addi %mul3A_25, %add3A_127 : i32
        %add3A_149 = arith.constant 1 : i32
        %add3A_150 = arith.addi %add3A_148, %add3A_149 : i32
        %run_scoped3A_151 = arith.constant 0 : i32
        "tpu.region"() ({
          %run_scoped3A_152 = tpu.sem_alloc : memref<!tpu.dma_semaphore, #tpu.memory_space<semaphore_mem>>
          %dma_start3A_153 = arith.constant 0 : i32
          %dma_start3A_154 = arith.constant 0 : i32
          %dma_start3A_155 = tpu.memref_slice %arg4[%run_scoped3A_151, %dma_start3A_153, %dma_start3A_154] : memref<4x2x128xi32, #tpu.memory_space<vmem>> -> memref<1x2x128xi32, #tpu.memory_space<vmem>>
          %dma_start3A_156 = tpu.memref_squeeze %dma_start3A_155 : memref<1x2x128xi32, #tpu.memory_space<vmem>> -> memref<2x128xi32, #tpu.memory_space<vmem>>
          %dma_start3A_157 = arith.constant 0 : i32
          %dma_start3A_158 = arith.constant 0 : i32
          %dma_start3A_159 = tpu.memref_slice %arg2[%add3A_150, %dma_start3A_157, %dma_start3A_158] : memref<2560x2x128xi32, #tpu.memory_space<hbm>> -> memref<1x2x128xi32, #tpu.memory_space<hbm>>
          %dma_start3A_160 = tpu.memref_squeeze %dma_start3A_159 : memref<1x2x128xi32, #tpu.memory_space<hbm>> -> memref<2x128xi32, #tpu.memory_space<hbm>>
          %dma_start3A_161 = arith.constant 0 : i32
          %dma_start3A_162 = arith.constant 0 : i32
          %dma_start3A_163 = tpu.memref_slice %arg4[%run_scoped3A_151, %dma_start3A_161, %dma_start3A_162] : memref<4x2x128xi32, #tpu.memory_space<vmem>> -> memref<1x2x128xi32, #tpu.memory_space<vmem>>
          %dma_start3A_164 = tpu.memref_squeeze %dma_start3A_163 : memref<1x2x128xi32, #tpu.memory_space<vmem>> -> memref<2x128xi32, #tpu.memory_space<vmem>>
          %dma_start3A_165 = arith.constant 0 : i32
          %dma_start3A_166 = arith.constant 0 : i32
          %dma_start3A_167 = tpu.memref_slice %arg2[%add3A_150, %dma_start3A_165, %dma_start3A_166] : memref<2560x2x128xi32, #tpu.memory_space<hbm>> -> memref<1x2x128xi32, #tpu.memory_space<hbm>>
          %dma_start3A_168 = tpu.memref_squeeze %dma_start3A_167 : memref<1x2x128xi32, #tpu.memory_space<hbm>> -> memref<2x128xi32, #tpu.memory_space<hbm>>
          tpu.enqueue_dma source(%dma_start3A_168 : memref<2x128xi32, #tpu.memory_space<hbm>>) target(%dma_start3A_164 : memref<2x128xi32, #tpu.memory_space<vmem>>) target_semaphore(%run_scoped3A_152 : memref<!tpu.dma_semaphore, #tpu.memory_space<semaphore_mem>>)
          %dma_wait3A_169 = arith.constant 0 : i32
          %dma_wait3A_170 = arith.constant 0 : i32
          %dma_wait3A_171 = tpu.memref_slice %arg4[%run_scoped3A_151, %dma_wait3A_169, %dma_wait3A_170] : memref<4x2x128xi32, #tpu.memory_space<vmem>> -> memref<1x2x128xi32, #tpu.memory_space<vmem>>
          %dma_wait3A_172 = tpu.memref_squeeze %dma_wait3A_171 : memref<1x2x128xi32, #tpu.memory_space<vmem>> -> memref<2x128xi32, #tpu.memory_space<vmem>>
          %dma_wait3A_173 = arith.constant 0 : i32
          %dma_wait3A_174 = arith.constant 0 : i32
          %dma_wait3A_175 = tpu.memref_slice %arg2[%add3A_150, %dma_wait3A_173, %dma_wait3A_174] : memref<2560x2x128xi32, #tpu.memory_space<hbm>> -> memref<1x2x128xi32, #tpu.memory_space<hbm>>
          %dma_wait3A_176 = tpu.memref_squeeze %dma_wait3A_175 : memref<1x2x128xi32, #tpu.memory_space<hbm>> -> memref<2x128xi32, #tpu.memory_space<hbm>>
          %dma_wait3A_177 = arith.constant 0 : i32
          %dma_wait3A_178 = arith.constant 0 : i32
          %dma_wait3A_179 = tpu.memref_slice %arg4[%run_scoped3A_151, %dma_wait3A_177, %dma_wait3A_178] : memref<4x2x128xi32, #tpu.memory_space<vmem>> -> memref<1x2x128xi32, #tpu.memory_space<vmem>>
          %dma_wait3A_180 = tpu.memref_squeeze %dma_wait3A_179 : memref<1x2x128xi32, #tpu.memory_space<vmem>> -> memref<2x128xi32, #tpu.memory_space<vmem>>
          %dma_wait3A_181 = arith.constant 0 : i32
          %dma_wait3A_182 = arith.constant 0 : i32
          %dma_wait3A_183 = tpu.memref_slice %arg2[%add3A_150, %dma_wait3A_181, %dma_wait3A_182] : memref<2560x2x128xi32, #tpu.memory_space<hbm>> -> memref<1x2x128xi32, #tpu.memory_space<hbm>>
          %dma_wait3A_184 = tpu.memref_squeeze %dma_wait3A_183 : memref<1x2x128xi32, #tpu.memory_space<hbm>> -> memref<2x128xi32, #tpu.memory_space<hbm>>
          tpu.wait_dma2 semaphore(%run_scoped3A_152 : memref<!tpu.dma_semaphore, #tpu.memory_space<semaphore_mem>>) src(%dma_wait3A_184 : memref<2x128xi32, #tpu.memory_space<hbm>>) dst(%dma_wait3A_180 : memref<2x128xi32, #tpu.memory_space<vmem>>)
          tpu.yield
        }) : () -> ()
      } else {
      }
    }
    %scan3A_31 = arith.constant 20 : i32
    %dma_wait3A = arith.constant 0 : i32
    %dma_wait3A_32 = arith.constant 1 : i32
    %dma_wait3A_33 = arith.constant 0 : i32
    %dma_wait3A_34 = tpu.memref_slice %arg4[%dma_wait3A, %dma_wait3A_32, %dma_wait3A_33] : memref<4x2x128xi32, #tpu.memory_space<vmem>> -> memref<1x1x128xi32, #tpu.memory_space<vmem>>
    %dma_wait3A_35 = tpu.memref_squeeze %dma_wait3A_34 : memref<1x1x128xi32, #tpu.memory_space<vmem>> -> memref<128xi32, #tpu.memory_space<vmem>>
    %dma_wait3A_36 = arith.constant 0 : i32
    %dma_wait3A_37 = arith.constant 0 : i32
    %dma_wait3A_38 = tpu.memref_slice %arg7[%dma_wait3A_36, %dma_wait3A_37] : memref<10240x16xf32, #tpu.memory_space<vmem_shared>> -> memref<10240x16xf32, #tpu.memory_space<vmem_shared>>
    tpu.wait_indirect_dma semaphore(%arg8 : memref<!tpu.dma_semaphore, #tpu.memory_space<semaphore_mem>>) src(%arg5 : memref<128x16xf32, #tpu.memory_space<vmem>>) dst(%dma_wait3A_38 : memref<10240x16xf32, #tpu.memory_space<vmem_shared>>)
    %dma_wait3A_39 = arith.constant 1 : i32
    %dma_wait3A_40 = arith.constant 1 : i32
    %dma_wait3A_41 = arith.constant 0 : i32
    %dma_wait3A_42 = tpu.memref_slice %arg4[%dma_wait3A_39, %dma_wait3A_40, %dma_wait3A_41] : memref<4x2x128xi32, #tpu.memory_space<vmem>> -> memref<1x1x128xi32, #tpu.memory_space<vmem>>
    %dma_wait3A_43 = tpu.memref_squeeze %dma_wait3A_42 : memref<1x1x128xi32, #tpu.memory_space<vmem>> -> memref<128xi32, #tpu.memory_space<vmem>>
    %dma_wait3A_44 = arith.constant 0 : i32
    %dma_wait3A_45 = arith.constant 0 : i32
    %dma_wait3A_46 = tpu.memref_slice %arg7[%dma_wait3A_44, %dma_wait3A_45] : memref<10240x16xf32, #tpu.memory_space<vmem_shared>> -> memref<10240x16xf32, #tpu.memory_space<vmem_shared>>
    tpu.wait_indirect_dma semaphore(%arg8 : memref<!tpu.dma_semaphore, #tpu.memory_space<semaphore_mem>>) src(%arg5 : memref<128x16xf32, #tpu.memory_space<vmem>>) dst(%dma_wait3A_46 : memref<10240x16xf32, #tpu.memory_space<vmem_shared>>)
    %dma_wait3A_47 = arith.constant 2 : i32
    %dma_wait3A_48 = arith.constant 1 : i32
    %dma_wait3A_49 = arith.constant 0 : i32
    %dma_wait3A_50 = tpu.memref_slice %arg4[%dma_wait3A_47, %dma_wait3A_48, %dma_wait3A_49] : memref<4x2x128xi32, #tpu.memory_space<vmem>> -> memref<1x1x128xi32, #tpu.memory_space<vmem>>
    %dma_wait3A_51 = tpu.memref_squeeze %dma_wait3A_50 : memref<1x1x128xi32, #tpu.memory_space<vmem>> -> memref<128xi32, #tpu.memory_space<vmem>>
    %dma_wait3A_52 = arith.constant 0 : i32
    %dma_wait3A_53 = arith.constant 0 : i32
    %dma_wait3A_54 = tpu.memref_slice %arg7[%dma_wait3A_52, %dma_wait3A_53] : memref<10240x16xf32, #tpu.memory_space<vmem_shared>> -> memref<10240x16xf32, #tpu.memory_space<vmem_shared>>
    tpu.wait_indirect_dma semaphore(%arg8 : memref<!tpu.dma_semaphore, #tpu.memory_space<semaphore_mem>>) src(%arg5 : memref<128x16xf32, #tpu.memory_space<vmem>>) dst(%dma_wait3A_54 : memref<10240x16xf32, #tpu.memory_space<vmem_shared>>)
    %barrier3A_55 = arith.constant 0 : index
    tpu.barrier barrier_id(%barrier3A_55)
    "tpu.region"() ({
      %run_scoped3A_56 = tpu.sem_alloc : memref<!tpu.dma_semaphore, #tpu.memory_space<semaphore_mem>>
      %dma_start3A = arith.constant 0 : i32
      %dma_start3A_57 = tpu.memref_slice %arg3[%arg0, %mul3A_13, %dma_start3A] : memref<2x10240x16xf32, #tpu.memory_space<hbm>> -> memref<1x640x16xf32, #tpu.memory_space<hbm>>
      %dma_start3A_58 = tpu.memref_squeeze %dma_start3A_57 : memref<1x640x16xf32, #tpu.memory_space<hbm>> -> memref<640x16xf32, #tpu.memory_space<hbm>>
      %dma_start3A_59 = arith.constant 0 : i32
      %dma_start3A_60 = tpu.memref_slice %arg7[%mul3A_13, %dma_start3A_59] : memref<10240x16xf32, #tpu.memory_space<vmem_shared>> -> memref<640x16xf32, #tpu.memory_space<vmem_shared>>
      tpu.enqueue_dma source(%dma_start3A_60 : memref<640x16xf32, #tpu.memory_space<vmem_shared>>) target(%dma_start3A_58 : memref<640x16xf32, #tpu.memory_space<hbm>>) target_semaphore(%run_scoped3A_56 : memref<!tpu.dma_semaphore, #tpu.memory_space<semaphore_mem>>)
      %dma_wait3A_61 = arith.constant 0 : i32
      %dma_wait3A_62 = tpu.memref_slice %arg3[%arg0, %mul3A_13, %dma_wait3A_61] : memref<2x10240x16xf32, #tpu.memory_space<hbm>> -> memref<1x640x16xf32, #tpu.memory_space<hbm>>
      %dma_wait3A_63 = tpu.memref_squeeze %dma_wait3A_62 : memref<1x640x16xf32, #tpu.memory_space<hbm>> -> memref<640x16xf32, #tpu.memory_space<hbm>>
      %dma_wait3A_64 = arith.constant 0 : i32
      %dma_wait3A_65 = tpu.memref_slice %arg7[%mul3A_13, %dma_wait3A_64] : memref<10240x16xf32, #tpu.memory_space<vmem_shared>> -> memref<640x16xf32, #tpu.memory_space<vmem_shared>>
      tpu.wait_dma2 semaphore(%run_scoped3A_56 : memref<!tpu.dma_semaphore, #tpu.memory_space<semaphore_mem>>) src(%dma_wait3A_65 : memref<640x16xf32, #tpu.memory_space<vmem_shared>>) dst(%dma_wait3A_63 : memref<640x16xf32, #tpu.memory_space<hbm>>)
      tpu.yield
    }) : () -> ()
    return
  }
}

#map = affine_map<(d0, d1) -> (0, 0)>
#map1 = affine_map<(d0, d1) -> (0, 0, 0)>
module attributes {stable_mosaic.version = 14 : i64} {
  func.func @agg(%arg0: i32, %arg1: i32, %arg2: memref<10000x16xf32, #tpu.memory_space<hbm>>, %arg3: memref<2560x2x128xi32, #tpu.memory_space<hbm>>, %arg4: memref<2x10240x16xf32, #tpu.memory_space<hbm>>, %arg5: memref<4x2x128xi32, #tpu.memory_space<vmem>>, %arg6: memref<128x16xf32, #tpu.memory_space<vmem>>, %arg7: memref<128x16xf32, #tpu.memory_space<vmem>>, %arg8: memref<128x16xf32, #tpu.memory_space<vmem>>, %arg9: memref<128x16xf32, #tpu.memory_space<vmem>>, %arg10: memref<10240x16xf32, #tpu.memory_space<vmem_shared>>, %arg11: memref<!tpu.dma_semaphore, #tpu.memory_space<semaphore_mem>>, %arg12: memref<!tpu.dma_semaphore, #tpu.memory_space<semaphore_mem>>) attributes {dimension_semantics = [#tpu.dimension_semantics<core_parallel>, #tpu.dimension_semantics<subcore_parallel>], iteration_bounds = array<i64: 2, 16>, scalar_prefetch = 0 : i64, scratch_operands = 8 : i64, tpu.core_type = #tpu.core_type<sc_vector_subcore>, window_params = [{transform_indices = #map}, {transform_indices = #map1}, {transform_indices = #map1}]} {
    %scan3A = arith.constant 0 : i32
    %scan3A_0 = arith.constant 0 : i32
    %scan3A_1 = arith.constant 128 : i32
    %scan3A_2 = arith.addi %scan3A_0, %scan3A_1 : i32
    %scan3A_3 = arith.constant 1 : i32
    scf.for %scan3A_81 = %scan3A_0 to %scan3A_2 step %scan3A_3  : i32 {
      %jit3A_82 = arith.constant 1 : i32
      %div3A_83 = arith.divsi %scan3A_81, %jit3A_82 : i32
      %sign3A_84 = arith.constant 0 : i32
      %sign3A_85 = arith.cmpi sgt, %scan3A_81, %sign3A_84 : i32
      %sign3A_86 = arith.extui %sign3A_85 : i1 to i32
      %sign3A_87 = arith.constant 0 : i32
      %sign3A_88 = arith.cmpi slt, %scan3A_81, %sign3A_87 : i32
      %sign3A_89 = arith.extui %sign3A_88 : i1 to i32
      %sign3A_90 = arith.subi %sign3A_86, %sign3A_89 : i32
      %sign3A_91 = arith.constant 0 : i32
      %sign3A_92 = arith.cmpi sgt, %jit3A_82, %sign3A_91 : i32
      %sign3A_93 = arith.extui %sign3A_92 : i1 to i32
      %sign3A_94 = arith.constant 0 : i32
      %sign3A_95 = arith.cmpi slt, %jit3A_82, %sign3A_94 : i32
      %sign3A_96 = arith.extui %sign3A_95 : i1 to i32
      %sign3A_97 = arith.subi %sign3A_93, %sign3A_96 : i32
      %ne3A_98 = arith.cmpi ne, %sign3A_90, %sign3A_97 : i32
      %rem3A_99 = arith.remsi %scan3A_81, %jit3A_82 : i32
      %ne3A_100 = arith.constant 0 : i32
      %ne3A_101 = arith.cmpi ne, %rem3A_99, %ne3A_100 : i32
      %and3A_102 = arith.andi %ne3A_98, %ne3A_101 : i1
      %sub3A_103 = arith.constant 1 : i32
      %sub3A_104 = arith.subi %div3A_83, %sub3A_103 : i32
      %select_n3A_105 = arith.select %and3A_102, %sub3A_104, %div3A_83 : i32
      %jit3A_106 = arith.constant 1 : i32
      %eq3A_107 = arith.constant 0 : i32
      %eq3A_108 = arith.cmpi eq, %jit3A_106, %eq3A_107 : i32
      %jit3A_109 = arith.constant 1 : i32
      %select_n3A_110 = arith.select %eq3A_108, %jit3A_109, %jit3A_106 : i32
      %rem3A_111 = arith.remsi %scan3A_81, %select_n3A_110 : i32
      %ne3A_112 = arith.constant 0 : i32
      %ne3A_113 = arith.cmpi ne, %rem3A_111, %ne3A_112 : i32
      %lt3A = arith.constant 0 : i32
      %lt3A_114 = arith.cmpi slt, %rem3A_111, %lt3A : i32
      %lt3A_115 = arith.constant 0 : i32
      %lt3A_116 = arith.cmpi slt, %select_n3A_110, %lt3A_115 : i32
      %ne3A_117 = arith.xori %lt3A_114, %lt3A_116 : i1
      %and3A_118 = arith.andi %ne3A_117, %ne3A_113 : i1
      %add3A_119 = arith.addi %rem3A_111, %select_n3A_110 : i32
      %select_n3A_120 = arith.select %and3A_118, %add3A_119, %rem3A_111 : i32
      %broadcast_in_dim3A = arith.constant 0.000000e+00 : f32
      %broadcast_in_dim3A_121 = vector.broadcast %broadcast_in_dim3A : f32 to vector<16xf32>
      %mul3A_122 = arith.constant 16 : i32
      %mul3A_123 = arith.muli %select_n3A_120, %mul3A_122 : i32
      %swap3A = arith.index_cast %select_n3A_105 : i32 to index
      %swap3A_124 = arith.index_cast %mul3A_123 : i32 to index
      %swap3A_125 = tpu.vector_load %arg6[%swap3A, %swap3A_124] {strides = array<i32>} : memref<128x16xf32, #tpu.memory_space<vmem>>, vector<1x16xf32>,
      %swap3A_126 = vector.shape_cast %swap3A_125 : vector<1x16xf32> to vector<16xf32>
      %swap3A_127 = vector.shape_cast %broadcast_in_dim3A_121 : vector<16xf32> to vector<1x16xf32>
      tpu.vector_store %arg6[%swap3A, %swap3A_124], %swap3A_127 {strides = array<i32>} : memref<128x16xf32, #tpu.memory_space<vmem>>, vector<1x16xf32>,
    }
    %scan3A_4 = arith.constant 128 : i32
    %mul3A = arith.constant 640 : i32
    %mul3A_5 = arith.muli %arg1, %mul3A : i32
    %add3A = arith.constant 0 : i32
    %add3A_6 = arith.addi %mul3A_5, %add3A : i32
    "tpu.region"() ({
      %run_scoped3A_81 = tpu.sem_alloc : memref<!tpu.dma_semaphore, #tpu.memory_space<semaphore_mem>>
      %dma_start3A_82 = arith.constant 0 : i32
      %dma_start3A_83 = tpu.memref_slice %arg10[%add3A_6, %dma_start3A_82] : memref<10240x16xf32, #tpu.memory_space<vmem_shared>> -> memref<128x16xf32, #tpu.memory_space<vmem_shared>>
      %dma_start3A_84 = arith.constant 0 : i32
      %dma_start3A_85 = tpu.memref_slice %arg10[%add3A_6, %dma_start3A_84] : memref<10240x16xf32, #tpu.memory_space<vmem_shared>> -> memref<128x16xf32, #tpu.memory_space<vmem_shared>>
      tpu.enqueue_dma source(%arg6 : memref<128x16xf32, #tpu.memory_space<vmem>>) target(%dma_start3A_85 : memref<128x16xf32, #tpu.memory_space<vmem_shared>>) target_semaphore(%run_scoped3A_81 : memref<!tpu.dma_semaphore, #tpu.memory_space<semaphore_mem>>)
      %dma_wait3A_86 = arith.constant 0 : i32
      %dma_wait3A_87 = tpu.memref_slice %arg10[%add3A_6, %dma_wait3A_86] : memref<10240x16xf32, #tpu.memory_space<vmem_shared>> -> memref<128x16xf32, #tpu.memory_space<vmem_shared>>
      %dma_wait3A_88 = arith.constant 0 : i32
      %dma_wait3A_89 = tpu.memref_slice %arg10[%add3A_6, %dma_wait3A_88] : memref<10240x16xf32, #tpu.memory_space<vmem_shared>> -> memref<128x16xf32, #tpu.memory_space<vmem_shared>>
      tpu.wait_dma2 semaphore(%run_scoped3A_81 : memref<!tpu.dma_semaphore, #tpu.memory_space<semaphore_mem>>) src(%arg6 : memref<128x16xf32, #tpu.memory_space<vmem>>) dst(%dma_wait3A_89 : memref<128x16xf32, #tpu.memory_space<vmem_shared>>)
      tpu.yield
    }) : () -> ()
    %add3A_7 = arith.constant 128 : i32
    %add3A_8 = arith.addi %mul3A_5, %add3A_7 : i32
    "tpu.region"() ({
      %run_scoped3A_81 = tpu.sem_alloc : memref<!tpu.dma_semaphore, #tpu.memory_space<semaphore_mem>>
      %dma_start3A_82 = arith.constant 0 : i32
      %dma_start3A_83 = tpu.memref_slice %arg10[%add3A_8, %dma_start3A_82] : memref<10240x16xf32, #tpu.memory_space<vmem_shared>> -> memref<128x16xf32, #tpu.memory_space<vmem_shared>>
      %dma_start3A_84 = arith.constant 0 : i32
      %dma_start3A_85 = tpu.memref_slice %arg10[%add3A_8, %dma_start3A_84] : memref<10240x16xf32, #tpu.memory_space<vmem_shared>> -> memref<128x16xf32, #tpu.memory_space<vmem_shared>>
      tpu.enqueue_dma source(%arg6 : memref<128x16xf32, #tpu.memory_space<vmem>>) target(%dma_start3A_85 : memref<128x16xf32, #tpu.memory_space<vmem_shared>>) target_semaphore(%run_scoped3A_81 : memref<!tpu.dma_semaphore, #tpu.memory_space<semaphore_mem>>)
      %dma_wait3A_86 = arith.constant 0 : i32
      %dma_wait3A_87 = tpu.memref_slice %arg10[%add3A_8, %dma_wait3A_86] : memref<10240x16xf32, #tpu.memory_space<vmem_shared>> -> memref<128x16xf32, #tpu.memory_space<vmem_shared>>
      %dma_wait3A_88 = arith.constant 0 : i32
      %dma_wait3A_89 = tpu.memref_slice %arg10[%add3A_8, %dma_wait3A_88] : memref<10240x16xf32, #tpu.memory_space<vmem_shared>> -> memref<128x16xf32, #tpu.memory_space<vmem_shared>>
      tpu.wait_dma2 semaphore(%run_scoped3A_81 : memref<!tpu.dma_semaphore, #tpu.memory_space<semaphore_mem>>) src(%arg6 : memref<128x16xf32, #tpu.memory_space<vmem>>) dst(%dma_wait3A_89 : memref<128x16xf32, #tpu.memory_space<vmem_shared>>)
      tpu.yield
    }) : () -> ()
    %add3A_9 = arith.constant 256 : i32
    %add3A_10 = arith.addi %mul3A_5, %add3A_9 : i32
    "tpu.region"() ({
      %run_scoped3A_81 = tpu.sem_alloc : memref<!tpu.dma_semaphore, #tpu.memory_space<semaphore_mem>>
      %dma_start3A_82 = arith.constant 0 : i32
      %dma_start3A_83 = tpu.memref_slice %arg10[%add3A_10, %dma_start3A_82] : memref<10240x16xf32, #tpu.memory_space<vmem_shared>> -> memref<128x16xf32, #tpu.memory_space<vmem_shared>>
      %dma_start3A_84 = arith.constant 0 : i32
      %dma_start3A_85 = tpu.memref_slice %arg10[%add3A_10, %dma_start3A_84] : memref<10240x16xf32, #tpu.memory_space<vmem_shared>> -> memref<128x16xf32, #tpu.memory_space<vmem_shared>>
      tpu.enqueue_dma source(%arg6 : memref<128x16xf32, #tpu.memory_space<vmem>>) target(%dma_start3A_85 : memref<128x16xf32, #tpu.memory_space<vmem_shared>>) target_semaphore(%run_scoped3A_81 : memref<!tpu.dma_semaphore, #tpu.memory_space<semaphore_mem>>)
      %dma_wait3A_86 = arith.constant 0 : i32
      %dma_wait3A_87 = tpu.memref_slice %arg10[%add3A_10, %dma_wait3A_86] : memref<10240x16xf32, #tpu.memory_space<vmem_shared>> -> memref<128x16xf32, #tpu.memory_space<vmem_shared>>
      %dma_wait3A_88 = arith.constant 0 : i32
      %dma_wait3A_89 = tpu.memref_slice %arg10[%add3A_10, %dma_wait3A_88] : memref<10240x16xf32, #tpu.memory_space<vmem_shared>> -> memref<128x16xf32, #tpu.memory_space<vmem_shared>>
      tpu.wait_dma2 semaphore(%run_scoped3A_81 : memref<!tpu.dma_semaphore, #tpu.memory_space<semaphore_mem>>) src(%arg6 : memref<128x16xf32, #tpu.memory_space<vmem>>) dst(%dma_wait3A_89 : memref<128x16xf32, #tpu.memory_space<vmem_shared>>)
      tpu.yield
    }) : () -> ()
    %add3A_11 = arith.constant 384 : i32
    %add3A_12 = arith.addi %mul3A_5, %add3A_11 : i32
    "tpu.region"() ({
      %run_scoped3A_81 = tpu.sem_alloc : memref<!tpu.dma_semaphore, #tpu.memory_space<semaphore_mem>>
      %dma_start3A_82 = arith.constant 0 : i32
      %dma_start3A_83 = tpu.memref_slice %arg10[%add3A_12, %dma_start3A_82] : memref<10240x16xf32, #tpu.memory_space<vmem_shared>> -> memref<128x16xf32, #tpu.memory_space<vmem_shared>>
      %dma_start3A_84 = arith.constant 0 : i32
      %dma_start3A_85 = tpu.memref_slice %arg10[%add3A_12, %dma_start3A_84] : memref<10240x16xf32, #tpu.memory_space<vmem_shared>> -> memref<128x16xf32, #tpu.memory_space<vmem_shared>>
      tpu.enqueue_dma source(%arg6 : memref<128x16xf32, #tpu.memory_space<vmem>>) target(%dma_start3A_85 : memref<128x16xf32, #tpu.memory_space<vmem_shared>>) target_semaphore(%run_scoped3A_81 : memref<!tpu.dma_semaphore, #tpu.memory_space<semaphore_mem>>)
      %dma_wait3A_86 = arith.constant 0 : i32
      %dma_wait3A_87 = tpu.memref_slice %arg10[%add3A_12, %dma_wait3A_86] : memref<10240x16xf32, #tpu.memory_space<vmem_shared>> -> memref<128x16xf32, #tpu.memory_space<vmem_shared>>
      %dma_wait3A_88 = arith.constant 0 : i32
      %dma_wait3A_89 = tpu.memref_slice %arg10[%add3A_12, %dma_wait3A_88] : memref<10240x16xf32, #tpu.memory_space<vmem_shared>> -> memref<128x16xf32, #tpu.memory_space<vmem_shared>>
      tpu.wait_dma2 semaphore(%run_scoped3A_81 : memref<!tpu.dma_semaphore, #tpu.memory_space<semaphore_mem>>) src(%arg6 : memref<128x16xf32, #tpu.memory_space<vmem>>) dst(%dma_wait3A_89 : memref<128x16xf32, #tpu.memory_space<vmem_shared>>)
      tpu.yield
    }) : () -> ()
    %add3A_13 = arith.constant 512 : i32
    %add3A_14 = arith.addi %mul3A_5, %add3A_13 : i32
    "tpu.region"() ({
      %run_scoped3A_81 = tpu.sem_alloc : memref<!tpu.dma_semaphore, #tpu.memory_space<semaphore_mem>>
      %dma_start3A_82 = arith.constant 0 : i32
      %dma_start3A_83 = tpu.memref_slice %arg10[%add3A_14, %dma_start3A_82] : memref<10240x16xf32, #tpu.memory_space<vmem_shared>> -> memref<128x16xf32, #tpu.memory_space<vmem_shared>>
      %dma_start3A_84 = arith.constant 0 : i32
      %dma_start3A_85 = tpu.memref_slice %arg10[%add3A_14, %dma_start3A_84] : memref<10240x16xf32, #tpu.memory_space<vmem_shared>> -> memref<128x16xf32, #tpu.memory_space<vmem_shared>>
      tpu.enqueue_dma source(%arg6 : memref<128x16xf32, #tpu.memory_space<vmem>>) target(%dma_start3A_85 : memref<128x16xf32, #tpu.memory_space<vmem_shared>>) target_semaphore(%run_scoped3A_81 : memref<!tpu.dma_semaphore, #tpu.memory_space<semaphore_mem>>)
      %dma_wait3A_86 = arith.constant 0 : i32
      %dma_wait3A_87 = tpu.memref_slice %arg10[%add3A_14, %dma_wait3A_86] : memref<10240x16xf32, #tpu.memory_space<vmem_shared>> -> memref<128x16xf32, #tpu.memory_space<vmem_shared>>
      %dma_wait3A_88 = arith.constant 0 : i32
      %dma_wait3A_89 = tpu.memref_slice %arg10[%add3A_14, %dma_wait3A_88] : memref<10240x16xf32, #tpu.memory_space<vmem_shared>> -> memref<128x16xf32, #tpu.memory_space<vmem_shared>>
      tpu.wait_dma2 semaphore(%run_scoped3A_81 : memref<!tpu.dma_semaphore, #tpu.memory_space<semaphore_mem>>) src(%arg6 : memref<128x16xf32, #tpu.memory_space<vmem>>) dst(%dma_wait3A_89 : memref<128x16xf32, #tpu.memory_space<vmem_shared>>)
      tpu.yield
    }) : () -> ()
    %barrier3A = arith.constant 0 : index
    tpu.barrier barrier_id(%barrier3A)
    %eq3A = arith.constant 0 : i32
    %eq3A_15 = arith.cmpi eq, %arg0, %eq3A : i32
    %jit3A = arith.constant 80 : i32
    %jit3A_16 = arith.constant 80 : i32
    %select_n3A = arith.select %eq3A_15, %jit3A, %jit3A_16 : i32
    %mul3A_17 = arith.constant 16 : i32
    %mul3A_18 = arith.muli %arg0, %mul3A_17 : i32
    %mul3A_19 = arith.constant 80 : i32
    %mul3A_20 = arith.muli %mul3A_18, %mul3A_19 : i32
    %mul3A_21 = arith.muli %arg1, %select_n3A : i32
    %add3A_22 = arith.addi %mul3A_20, %mul3A_21 : i32
    %run_scoped3A = arith.constant 0 : i32
    "tpu.region"() ({
      %run_scoped3A_81 = tpu.sem_alloc : memref<!tpu.dma_semaphore, #tpu.memory_space<semaphore_mem>>
      %dma_start3A_82 = arith.constant 0 : i32
      %dma_start3A_83 = arith.constant 0 : i32
      %dma_start3A_84 = tpu.memref_slice %arg5[%run_scoped3A, %dma_start3A_82, %dma_start3A_83] : memref<4x2x128xi32, #tpu.memory_space<vmem>> -> memref<1x2x128xi32, #tpu.memory_space<vmem>>
      %dma_start3A_85 = tpu.memref_squeeze %dma_start3A_84 : memref<1x2x128xi32, #tpu.memory_space<vmem>> -> memref<2x128xi32, #tpu.memory_space<vmem>>
      %dma_start3A_86 = arith.constant 0 : i32
      %dma_start3A_87 = arith.constant 0 : i32
      %dma_start3A_88 = tpu.memref_slice %arg3[%add3A_22, %dma_start3A_86, %dma_start3A_87] : memref<2560x2x128xi32, #tpu.memory_space<hbm>> -> memref<1x2x128xi32, #tpu.memory_space<hbm>>
      %dma_start3A_89 = tpu.memref_squeeze %dma_start3A_88 : memref<1x2x128xi32, #tpu.memory_space<hbm>> -> memref<2x128xi32, #tpu.memory_space<hbm>>
      %dma_start3A_90 = arith.constant 0 : i32
      %dma_start3A_91 = arith.constant 0 : i32
      %dma_start3A_92 = tpu.memref_slice %arg5[%run_scoped3A, %dma_start3A_90, %dma_start3A_91] : memref<4x2x128xi32, #tpu.memory_space<vmem>> -> memref<1x2x128xi32, #tpu.memory_space<vmem>>
      %dma_start3A_93 = tpu.memref_squeeze %dma_start3A_92 : memref<1x2x128xi32, #tpu.memory_space<vmem>> -> memref<2x128xi32, #tpu.memory_space<vmem>>
      %dma_start3A_94 = arith.constant 0 : i32
      %dma_start3A_95 = arith.constant 0 : i32
      %dma_start3A_96 = tpu.memref_slice %arg3[%add3A_22, %dma_start3A_94, %dma_start3A_95] : memref<2560x2x128xi32, #tpu.memory_space<hbm>> -> memref<1x2x128xi32, #tpu.memory_space<hbm>>
      %dma_start3A_97 = tpu.memref_squeeze %dma_start3A_96 : memref<1x2x128xi32, #tpu.memory_space<hbm>> -> memref<2x128xi32, #tpu.memory_space<hbm>>
      tpu.enqueue_dma source(%dma_start3A_97 : memref<2x128xi32, #tpu.memory_space<hbm>>) target(%dma_start3A_93 : memref<2x128xi32, #tpu.memory_space<vmem>>) target_semaphore(%run_scoped3A_81 : memref<!tpu.dma_semaphore, #tpu.memory_space<semaphore_mem>>)
      %dma_wait3A_98 = arith.constant 0 : i32
      %dma_wait3A_99 = arith.constant 0 : i32
      %dma_wait3A_100 = tpu.memref_slice %arg5[%run_scoped3A, %dma_wait3A_98, %dma_wait3A_99] : memref<4x2x128xi32, #tpu.memory_space<vmem>> -> memref<1x2x128xi32, #tpu.memory_space<vmem>>
      %dma_wait3A_101 = tpu.memref_squeeze %dma_wait3A_100 : memref<1x2x128xi32, #tpu.memory_space<vmem>> -> memref<2x128xi32, #tpu.memory_space<vmem>>
      %dma_wait3A_102 = arith.constant 0 : i32
      %dma_wait3A_103 = arith.constant 0 : i32
      %dma_wait3A_104 = tpu.memref_slice %arg3[%add3A_22, %dma_wait3A_102, %dma_wait3A_103] : memref<2560x2x128xi32, #tpu.memory_space<hbm>> -> memref<1x2x128xi32, #tpu.memory_space<hbm>>
      %dma_wait3A_105 = tpu.memref_squeeze %dma_wait3A_104 : memref<1x2x128xi32, #tpu.memory_space<hbm>> -> memref<2x128xi32, #tpu.memory_space<hbm>>
      %dma_wait3A_106 = arith.constant 0 : i32
      %dma_wait3A_107 = arith.constant 0 : i32
      %dma_wait3A_108 = tpu.memref_slice %arg5[%run_scoped3A, %dma_wait3A_106, %dma_wait3A_107] : memref<4x2x128xi32, #tpu.memory_space<vmem>> -> memref<1x2x128xi32, #tpu.memory_space<vmem>>
      %dma_wait3A_109 = tpu.memref_squeeze %dma_wait3A_108 : memref<1x2x128xi32, #tpu.memory_space<vmem>> -> memref<2x128xi32, #tpu.memory_space<vmem>>
      %dma_wait3A_110 = arith.constant 0 : i32
      %dma_wait3A_111 = arith.constant 0 : i32
      %dma_wait3A_112 = tpu.memref_slice %arg3[%add3A_22, %dma_wait3A_110, %dma_wait3A_111] : memref<2560x2x128xi32, #tpu.memory_space<hbm>> -> memref<1x2x128xi32, #tpu.memory_space<hbm>>
      %dma_wait3A_113 = tpu.memref_squeeze %dma_wait3A_112 : memref<1x2x128xi32, #tpu.memory_space<hbm>> -> memref<2x128xi32, #tpu.memory_space<hbm>>
      tpu.wait_dma2 semaphore(%run_scoped3A_81 : memref<!tpu.dma_semaphore, #tpu.memory_space<semaphore_mem>>) src(%dma_wait3A_113 : memref<2x128xi32, #tpu.memory_space<hbm>>) dst(%dma_wait3A_109 : memref<2x128xi32, #tpu.memory_space<vmem>>)
      tpu.yield
    }) : () -> ()
    %dma_start3A = arith.constant 0 : i32
    %dma_start3A_23 = arith.constant 0 : i32
    %dma_start3A_24 = arith.constant 0 : i32
    %dma_start3A_25 = tpu.memref_slice %arg5[%dma_start3A, %dma_start3A_23, %dma_start3A_24] : memref<4x2x128xi32, #tpu.memory_space<vmem>> -> memref<1x1x128xi32, #tpu.memory_space<vmem>>
    %dma_start3A_26 = tpu.memref_squeeze %dma_start3A_25 : memref<1x1x128xi32, #tpu.memory_space<vmem>> -> memref<128xi32, #tpu.memory_space<vmem>>
    %dma_start3A_27 = arith.constant 0 : i32
    %dma_start3A_28 = arith.constant 0 : i32
    %dma_start3A_29 = tpu.memref_slice %arg2[%dma_start3A_27, %dma_start3A_28] : memref<10000x16xf32, #tpu.memory_space<hbm>> -> memref<10000x16xf32, #tpu.memory_space<hbm>>
    tpu.enqueue_indirect_dma source(%dma_start3A_29 : memref<10000x16xf32, #tpu.memory_space<hbm>>) target(%arg6 : memref<128x16xf32, #tpu.memory_space<vmem>>) offsets(%dma_start3A_26 : memref<128xi32, #tpu.memory_space<vmem>>) semaphore(%arg11 : memref<!tpu.dma_semaphore, #tpu.memory_space<semaphore_mem>>)
    %jit3A_30 = arith.constant 4 : i32
    %div3A = arith.divsi %select_n3A, %jit3A_30 : i32
    %sign3A = arith.constant 0 : i32
    %sign3A_31 = arith.cmpi sgt, %select_n3A, %sign3A : i32
    %sign3A_32 = arith.extui %sign3A_31 : i1 to i32
    %sign3A_33 = arith.constant 0 : i32
    %sign3A_34 = arith.cmpi slt, %select_n3A, %sign3A_33 : i32
    %sign3A_35 = arith.extui %sign3A_34 : i1 to i32
    %sign3A_36 = arith.subi %sign3A_32, %sign3A_35 : i32
    %sign3A_37 = arith.constant 0 : i32
    %sign3A_38 = arith.cmpi sgt, %jit3A_30, %sign3A_37 : i32
    %sign3A_39 = arith.extui %sign3A_38 : i1 to i32
    %sign3A_40 = arith.constant 0 : i32
    %sign3A_41 = arith.cmpi slt, %jit3A_30, %sign3A_40 : i32
    %sign3A_42 = arith.extui %sign3A_41 : i1 to i32
    %sign3A_43 = arith.subi %sign3A_39, %sign3A_42 : i32
    %ne3A = arith.cmpi ne, %sign3A_36, %sign3A_43 : i32
    %rem3A = arith.remsi %select_n3A, %jit3A_30 : i32
    %ne3A_44 = arith.constant 0 : i32
    %ne3A_45 = arith.cmpi ne, %rem3A, %ne3A_44 : i32
    %and3A = arith.andi %ne3A, %ne3A_45 : i1
    %sub3A = arith.constant 1 : i32
    %sub3A_46 = arith.subi %div3A, %sub3A : i32
    %select_n3A_47 = arith.select %and3A, %sub3A_46, %div3A : i32
    %while3A = arith.constant 0 : i32
    %while3A_48 = arith.constant 0 : i32
    %while3A_49 = arith.subi %select_n3A_47, %while3A_48 : i32
    %while3A_50 = arith.addi %while3A_48, %while3A_49 : i32
    %while3A_51 = arith.constant 1 : i32
    %while3A_52 = arith.divsi %while3A_49, %while3A_51 : i32
    %while3A_53 = arith.muli %while3A_52, %while3A_51 : i32
    %while3A_54 = arith.addi %while3A_48, %while3A_53 : i32
    %while3A_55 = arith.constant 1 : i32
    scf.for %while3A_81 = %while3A_48 to %while3A_54 step %while3A_55  : i32 {
      %mul3A_82 = arith.constant 4 : i32
      %mul3A_83 = arith.muli %mul3A_82, %while3A_81 : i32
      %add3A_84 = arith.constant 0 : i32
      %add3A_85 = arith.addi %mul3A_83, %add3A_84 : i32
      %ge3A = arith.constant 3 : i32
      %ge3A_86 = arith.cmpi sge, %add3A_85, %ge3A : i32
      %convert_element_type3A = arith.extui %ge3A_86 : i1 to i32
      %cond3A = arith.constant 0 : i32
      %cond3A_87 = arith.cmpi ne, %convert_element_type3A, %cond3A : i32
      scf.if %cond3A_87 {
        %dma_wait3A_202 = arith.constant 1 : i32
        %dma_wait3A_203 = arith.constant 1 : i32
        %dma_wait3A_204 = arith.constant 0 : i32
        %dma_wait3A_205 = tpu.memref_slice %arg5[%dma_wait3A_202, %dma_wait3A_203, %dma_wait3A_204] : memref<4x2x128xi32, #tpu.memory_space<vmem>> -> memref<1x1x128xi32, #tpu.memory_space<vmem>>
        %dma_wait3A_206 = tpu.memref_squeeze %dma_wait3A_205 : memref<1x1x128xi32, #tpu.memory_space<vmem>> -> memref<128xi32, #tpu.memory_space<vmem>>
        %dma_wait3A_207 = arith.constant 0 : i32
        %dma_wait3A_208 = arith.constant 0 : i32
        %dma_wait3A_209 = tpu.memref_slice %arg10[%dma_wait3A_207, %dma_wait3A_208] : memref<10240x16xf32, #tpu.memory_space<vmem_shared>> -> memref<10240x16xf32, #tpu.memory_space<vmem_shared>>
        tpu.wait_indirect_dma semaphore(%arg12 : memref<!tpu.dma_semaphore, #tpu.memory_space<semaphore_mem>>) src(%arg7 : memref<128x16xf32, #tpu.memory_space<vmem>>) dst(%dma_wait3A_209 : memref<10240x16xf32, #tpu.memory_space<vmem_shared>>)
      } else {
      }
      %add3A_88 = arith.constant 1 : i32
      %add3A_89 = arith.addi %add3A_85, %add3A_88 : i32
      %lt3A = arith.cmpi slt, %add3A_89, %select_n3A : i32
      %convert_element_type3A_90 = arith.extui %lt3A : i1 to i32
      %cond3A_91 = arith.constant 0 : i32
      %cond3A_92 = arith.cmpi ne, %convert_element_type3A_90, %cond3A_91 : i32
      scf.if %cond3A_92 {
        %add3A_202 = arith.addi %add3A_22, %add3A_85 : i32
        %add3A_203 = arith.constant 1 : i32
        %add3A_204 = arith.addi %add3A_202, %add3A_203 : i32
        %run_scoped3A_205 = arith.constant 1 : i32
        "tpu.region"() ({
          %run_scoped3A_214 = tpu.sem_alloc : memref<!tpu.dma_semaphore, #tpu.memory_space<semaphore_mem>>
          %dma_start3A_215 = arith.constant 0 : i32
          %dma_start3A_216 = arith.constant 0 : i32
          %dma_start3A_217 = tpu.memref_slice %arg5[%run_scoped3A_205, %dma_start3A_215, %dma_start3A_216] : memref<4x2x128xi32, #tpu.memory_space<vmem>> -> memref<1x2x128xi32, #tpu.memory_space<vmem>>
          %dma_start3A_218 = tpu.memref_squeeze %dma_start3A_217 : memref<1x2x128xi32, #tpu.memory_space<vmem>> -> memref<2x128xi32, #tpu.memory_space<vmem>>
          %dma_start3A_219 = arith.constant 0 : i32
          %dma_start3A_220 = arith.constant 0 : i32
          %dma_start3A_221 = tpu.memref_slice %arg3[%add3A_204, %dma_start3A_219, %dma_start3A_220] : memref<2560x2x128xi32, #tpu.memory_space<hbm>> -> memref<1x2x128xi32, #tpu.memory_space<hbm>>
          %dma_start3A_222 = tpu.memref_squeeze %dma_start3A_221 : memref<1x2x128xi32, #tpu.memory_space<hbm>> -> memref<2x128xi32, #tpu.memory_space<hbm>>
          %dma_start3A_223 = arith.constant 0 : i32
          %dma_start3A_224 = arith.constant 0 : i32
          %dma_start3A_225 = tpu.memref_slice %arg5[%run_scoped3A_205, %dma_start3A_223, %dma_start3A_224] : memref<4x2x128xi32, #tpu.memory_space<vmem>> -> memref<1x2x128xi32, #tpu.memory_space<vmem>>
          %dma_start3A_226 = tpu.memref_squeeze %dma_start3A_225 : memref<1x2x128xi32, #tpu.memory_space<vmem>> -> memref<2x128xi32, #tpu.memory_space<vmem>>
          %dma_start3A_227 = arith.constant 0 : i32
          %dma_start3A_228 = arith.constant 0 : i32
          %dma_start3A_229 = tpu.memref_slice %arg3[%add3A_204, %dma_start3A_227, %dma_start3A_228] : memref<2560x2x128xi32, #tpu.memory_space<hbm>> -> memref<1x2x128xi32, #tpu.memory_space<hbm>>
          %dma_start3A_230 = tpu.memref_squeeze %dma_start3A_229 : memref<1x2x128xi32, #tpu.memory_space<hbm>> -> memref<2x128xi32, #tpu.memory_space<hbm>>
          tpu.enqueue_dma source(%dma_start3A_230 : memref<2x128xi32, #tpu.memory_space<hbm>>) target(%dma_start3A_226 : memref<2x128xi32, #tpu.memory_space<vmem>>) target_semaphore(%run_scoped3A_214 : memref<!tpu.dma_semaphore, #tpu.memory_space<semaphore_mem>>)
          %dma_wait3A_231 = arith.constant 0 : i32
          %dma_wait3A_232 = arith.constant 0 : i32
          %dma_wait3A_233 = tpu.memref_slice %arg5[%run_scoped3A_205, %dma_wait3A_231, %dma_wait3A_232] : memref<4x2x128xi32, #tpu.memory_space<vmem>> -> memref<1x2x128xi32, #tpu.memory_space<vmem>>
          %dma_wait3A_234 = tpu.memref_squeeze %dma_wait3A_233 : memref<1x2x128xi32, #tpu.memory_space<vmem>> -> memref<2x128xi32, #tpu.memory_space<vmem>>
          %dma_wait3A_235 = arith.constant 0 : i32
          %dma_wait3A_236 = arith.constant 0 : i32
          %dma_wait3A_237 = tpu.memref_slice %arg3[%add3A_204, %dma_wait3A_235, %dma_wait3A_236] : memref<2560x2x128xi32, #tpu.memory_space<hbm>> -> memref<1x2x128xi32, #tpu.memory_space<hbm>>
          %dma_wait3A_238 = tpu.memref_squeeze %dma_wait3A_237 : memref<1x2x128xi32, #tpu.memory_space<hbm>> -> memref<2x128xi32, #tpu.memory_space<hbm>>
          %dma_wait3A_239 = arith.constant 0 : i32
          %dma_wait3A_240 = arith.constant 0 : i32
          %dma_wait3A_241 = tpu.memref_slice %arg5[%run_scoped3A_205, %dma_wait3A_239, %dma_wait3A_240] : memref<4x2x128xi32, #tpu.memory_space<vmem>> -> memref<1x2x128xi32, #tpu.memory_space<vmem>>
          %dma_wait3A_242 = tpu.memref_squeeze %dma_wait3A_241 : memref<1x2x128xi32, #tpu.memory_space<vmem>> -> memref<2x128xi32, #tpu.memory_space<vmem>>
          %dma_wait3A_243 = arith.constant 0 : i32
          %dma_wait3A_244 = arith.constant 0 : i32
          %dma_wait3A_245 = tpu.memref_slice %arg3[%add3A_204, %dma_wait3A_243, %dma_wait3A_244] : memref<2560x2x128xi32, #tpu.memory_space<hbm>> -> memref<1x2x128xi32, #tpu.memory_space<hbm>>
          %dma_wait3A_246 = tpu.memref_squeeze %dma_wait3A_245 : memref<1x2x128xi32, #tpu.memory_space<hbm>> -> memref<2x128xi32, #tpu.memory_space<hbm>>
          tpu.wait_dma2 semaphore(%run_scoped3A_214 : memref<!tpu.dma_semaphore, #tpu.memory_space<semaphore_mem>>) src(%dma_wait3A_246 : memref<2x128xi32, #tpu.memory_space<hbm>>) dst(%dma_wait3A_242 : memref<2x128xi32, #tpu.memory_space<vmem>>)
          tpu.yield
        }) : () -> ()
        %dma_start3A_206 = arith.constant 1 : i32
        %dma_start3A_207 = arith.constant 0 : i32
        %dma_start3A_208 = arith.constant 0 : i32
        %dma_start3A_209 = tpu.memref_slice %arg5[%dma_start3A_206, %dma_start3A_207, %dma_start3A_208] : memref<4x2x128xi32, #tpu.memory_space<vmem>> -> memref<1x1x128xi32, #tpu.memory_space<vmem>>
        %dma_start3A_210 = tpu.memref_squeeze %dma_start3A_209 : memref<1x1x128xi32, #tpu.memory_space<vmem>> -> memref<128xi32, #tpu.memory_space<vmem>>
        %dma_start3A_211 = arith.constant 0 : i32
        %dma_start3A_212 = arith.constant 0 : i32
        %dma_start3A_213 = tpu.memref_slice %arg2[%dma_start3A_211, %dma_start3A_212] : memref<10000x16xf32, #tpu.memory_space<hbm>> -> memref<10000x16xf32, #tpu.memory_space<hbm>>
        tpu.enqueue_indirect_dma source(%dma_start3A_213 : memref<10000x16xf32, #tpu.memory_space<hbm>>) target(%arg7 : memref<128x16xf32, #tpu.memory_space<vmem>>) offsets(%dma_start3A_210 : memref<128xi32, #tpu.memory_space<vmem>>) semaphore(%arg11 : memref<!tpu.dma_semaphore, #tpu.memory_space<semaphore_mem>>)
      } else {
      }
      %dma_wait3A_93 = arith.constant 0 : i32
      %dma_wait3A_94 = arith.constant 0 : i32
      %dma_wait3A_95 = arith.constant 0 : i32
      %dma_wait3A_96 = tpu.memref_slice %arg5[%dma_wait3A_93, %dma_wait3A_94, %dma_wait3A_95] : memref<4x2x128xi32, #tpu.memory_space<vmem>> -> memref<1x1x128xi32, #tpu.memory_space<vmem>>
      %dma_wait3A_97 = tpu.memref_squeeze %dma_wait3A_96 : memref<1x1x128xi32, #tpu.memory_space<vmem>> -> memref<128xi32, #tpu.memory_space<vmem>>
      %dma_wait3A_98 = arith.constant 0 : i32
      %dma_wait3A_99 = arith.constant 0 : i32
      %dma_wait3A_100 = tpu.memref_slice %arg2[%dma_wait3A_98, %dma_wait3A_99] : memref<10000x16xf32, #tpu.memory_space<hbm>> -> memref<10000x16xf32, #tpu.memory_space<hbm>>
      tpu.wait_indirect_dma semaphore(%arg11 : memref<!tpu.dma_semaphore, #tpu.memory_space<semaphore_mem>>) src(%dma_wait3A_100 : memref<10000x16xf32, #tpu.memory_space<hbm>>) dst(%arg6 : memref<128x16xf32, #tpu.memory_space<vmem>>)
      %dma_start3A_101 = arith.constant 0 : i32
      %dma_start3A_102 = arith.constant 1 : i32
      %dma_start3A_103 = arith.constant 0 : i32
      %dma_start3A_104 = tpu.memref_slice %arg5[%dma_start3A_101, %dma_start3A_102, %dma_start3A_103] : memref<4x2x128xi32, #tpu.memory_space<vmem>> -> memref<1x1x128xi32, #tpu.memory_space<vmem>>
      %dma_start3A_105 = tpu.memref_squeeze %dma_start3A_104 : memref<1x1x128xi32, #tpu.memory_space<vmem>> -> memref<128xi32, #tpu.memory_space<vmem>>
      %dma_start3A_106 = arith.constant 0 : i32
      %dma_start3A_107 = arith.constant 0 : i32
      %dma_start3A_108 = tpu.memref_slice %arg10[%dma_start3A_106, %dma_start3A_107] : memref<10240x16xf32, #tpu.memory_space<vmem_shared>> -> memref<10240x16xf32, #tpu.memory_space<vmem_shared>>
      tpu.enqueue_indirect_dma source(%arg6 : memref<128x16xf32, #tpu.memory_space<vmem>>) target(%dma_start3A_108 : memref<10240x16xf32, #tpu.memory_space<vmem_shared>>) offsets(%dma_start3A_105 : memref<128xi32, #tpu.memory_space<vmem>>) semaphore(%arg12 : memref<!tpu.dma_semaphore, #tpu.memory_space<semaphore_mem>>) {add = true}
      %mul3A_109 = arith.constant 4 : i32
      %mul3A_110 = arith.muli %mul3A_109, %while3A_81 : i32
      %add3A_111 = arith.constant 1 : i32
      %add3A_112 = arith.addi %mul3A_110, %add3A_111 : i32
      %ge3A_113 = arith.constant 3 : i32
      %ge3A_114 = arith.cmpi sge, %add3A_112, %ge3A_113 : i32
      %convert_element_type3A_115 = arith.extui %ge3A_114 : i1 to i32
      %cond3A_116 = arith.constant 0 : i32
      %cond3A_117 = arith.cmpi ne, %convert_element_type3A_115, %cond3A_116 : i32
      scf.if %cond3A_117 {
        %dma_wait3A_202 = arith.constant 2 : i32
        %dma_wait3A_203 = arith.constant 1 : i32
        %dma_wait3A_204 = arith.constant 0 : i32
        %dma_wait3A_205 = tpu.memref_slice %arg5[%dma_wait3A_202, %dma_wait3A_203, %dma_wait3A_204] : memref<4x2x128xi32, #tpu.memory_space<vmem>> -> memref<1x1x128xi32, #tpu.memory_space<vmem>>
        %dma_wait3A_206 = tpu.memref_squeeze %dma_wait3A_205 : memref<1x1x128xi32, #tpu.memory_space<vmem>> -> memref<128xi32, #tpu.memory_space<vmem>>
        %dma_wait3A_207 = arith.constant 0 : i32
        %dma_wait3A_208 = arith.constant 0 : i32
        %dma_wait3A_209 = tpu.memref_slice %arg10[%dma_wait3A_207, %dma_wait3A_208] : memref<10240x16xf32, #tpu.memory_space<vmem_shared>> -> memref<10240x16xf32, #tpu.memory_space<vmem_shared>>
        tpu.wait_indirect_dma semaphore(%arg12 : memref<!tpu.dma_semaphore, #tpu.memory_space<semaphore_mem>>) src(%arg8 : memref<128x16xf32, #tpu.memory_space<vmem>>) dst(%dma_wait3A_209 : memref<10240x16xf32, #tpu.memory_space<vmem_shared>>)
      } else {
      }
      %add3A_118 = arith.constant 1 : i32
      %add3A_119 = arith.addi %add3A_112, %add3A_118 : i32
      %lt3A_120 = arith.cmpi slt, %add3A_119, %select_n3A : i32
      %convert_element_type3A_121 = arith.extui %lt3A_120 : i1 to i32
      %cond3A_122 = arith.constant 0 : i32
      %cond3A_123 = arith.cmpi ne, %convert_element_type3A_121, %cond3A_122 : i32
      scf.if %cond3A_123 {
        %add3A_202 = arith.addi %add3A_22, %add3A_112 : i32
        %add3A_203 = arith.constant 1 : i32
        %add3A_204 = arith.addi %add3A_202, %add3A_203 : i32
        %run_scoped3A_205 = arith.constant 2 : i32
        "tpu.region"() ({
          %run_scoped3A_214 = tpu.sem_alloc : memref<!tpu.dma_semaphore, #tpu.memory_space<semaphore_mem>>
          %dma_start3A_215 = arith.constant 0 : i32
          %dma_start3A_216 = arith.constant 0 : i32
          %dma_start3A_217 = tpu.memref_slice %arg5[%run_scoped3A_205, %dma_start3A_215, %dma_start3A_216] : memref<4x2x128xi32, #tpu.memory_space<vmem>> -> memref<1x2x128xi32, #tpu.memory_space<vmem>>
          %dma_start3A_218 = tpu.memref_squeeze %dma_start3A_217 : memref<1x2x128xi32, #tpu.memory_space<vmem>> -> memref<2x128xi32, #tpu.memory_space<vmem>>
          %dma_start3A_219 = arith.constant 0 : i32
          %dma_start3A_220 = arith.constant 0 : i32
          %dma_start3A_221 = tpu.memref_slice %arg3[%add3A_204, %dma_start3A_219, %dma_start3A_220] : memref<2560x2x128xi32, #tpu.memory_space<hbm>> -> memref<1x2x128xi32, #tpu.memory_space<hbm>>
          %dma_start3A_222 = tpu.memref_squeeze %dma_start3A_221 : memref<1x2x128xi32, #tpu.memory_space<hbm>> -> memref<2x128xi32, #tpu.memory_space<hbm>>
          %dma_start3A_223 = arith.constant 0 : i32
          %dma_start3A_224 = arith.constant 0 : i32
          %dma_start3A_225 = tpu.memref_slice %arg5[%run_scoped3A_205, %dma_start3A_223, %dma_start3A_224] : memref<4x2x128xi32, #tpu.memory_space<vmem>> -> memref<1x2x128xi32, #tpu.memory_space<vmem>>
          %dma_start3A_226 = tpu.memref_squeeze %dma_start3A_225 : memref<1x2x128xi32, #tpu.memory_space<vmem>> -> memref<2x128xi32, #tpu.memory_space<vmem>>
          %dma_start3A_227 = arith.constant 0 : i32
          %dma_start3A_228 = arith.constant 0 : i32
          %dma_start3A_229 = tpu.memref_slice %arg3[%add3A_204, %dma_start3A_227, %dma_start3A_228] : memref<2560x2x128xi32, #tpu.memory_space<hbm>> -> memref<1x2x128xi32, #tpu.memory_space<hbm>>
          %dma_start3A_230 = tpu.memref_squeeze %dma_start3A_229 : memref<1x2x128xi32, #tpu.memory_space<hbm>> -> memref<2x128xi32, #tpu.memory_space<hbm>>
          tpu.enqueue_dma source(%dma_start3A_230 : memref<2x128xi32, #tpu.memory_space<hbm>>) target(%dma_start3A_226 : memref<2x128xi32, #tpu.memory_space<vmem>>) target_semaphore(%run_scoped3A_214 : memref<!tpu.dma_semaphore, #tpu.memory_space<semaphore_mem>>)
          %dma_wait3A_231 = arith.constant 0 : i32
          %dma_wait3A_232 = arith.constant 0 : i32
          %dma_wait3A_233 = tpu.memref_slice %arg5[%run_scoped3A_205, %dma_wait3A_231, %dma_wait3A_232] : memref<4x2x128xi32, #tpu.memory_space<vmem>> -> memref<1x2x128xi32, #tpu.memory_space<vmem>>
          %dma_wait3A_234 = tpu.memref_squeeze %dma_wait3A_233 : memref<1x2x128xi32, #tpu.memory_space<vmem>> -> memref<2x128xi32, #tpu.memory_space<vmem>>
          %dma_wait3A_235 = arith.constant 0 : i32
          %dma_wait3A_236 = arith.constant 0 : i32
          %dma_wait3A_237 = tpu.memref_slice %arg3[%add3A_204, %dma_wait3A_235, %dma_wait3A_236] : memref<2560x2x128xi32, #tpu.memory_space<hbm>> -> memref<1x2x128xi32, #tpu.memory_space<hbm>>
          %dma_wait3A_238 = tpu.memref_squeeze %dma_wait3A_237 : memref<1x2x128xi32, #tpu.memory_space<hbm>> -> memref<2x128xi32, #tpu.memory_space<hbm>>
          %dma_wait3A_239 = arith.constant 0 : i32
          %dma_wait3A_240 = arith.constant 0 : i32
          %dma_wait3A_241 = tpu.memref_slice %arg5[%run_scoped3A_205, %dma_wait3A_239, %dma_wait3A_240] : memref<4x2x128xi32, #tpu.memory_space<vmem>> -> memref<1x2x128xi32, #tpu.memory_space<vmem>>
          %dma_wait3A_242 = tpu.memref_squeeze %dma_wait3A_241 : memref<1x2x128xi32, #tpu.memory_space<vmem>> -> memref<2x128xi32, #tpu.memory_space<vmem>>
          %dma_wait3A_243 = arith.constant 0 : i32
          %dma_wait3A_244 = arith.constant 0 : i32
          %dma_wait3A_245 = tpu.memref_slice %arg3[%add3A_204, %dma_wait3A_243, %dma_wait3A_244] : memref<2560x2x128xi32, #tpu.memory_space<hbm>> -> memref<1x2x128xi32, #tpu.memory_space<hbm>>
          %dma_wait3A_246 = tpu.memref_squeeze %dma_wait3A_245 : memref<1x2x128xi32, #tpu.memory_space<hbm>> -> memref<2x128xi32, #tpu.memory_space<hbm>>
          tpu.wait_dma2 semaphore(%run_scoped3A_214 : memref<!tpu.dma_semaphore, #tpu.memory_space<semaphore_mem>>) src(%dma_wait3A_246 : memref<2x128xi32, #tpu.memory_space<hbm>>) dst(%dma_wait3A_242 : memref<2x128xi32, #tpu.memory_space<vmem>>)
          tpu.yield
        }) : () -> ()
        %dma_start3A_206 = arith.constant 2 : i32
        %dma_start3A_207 = arith.constant 0 : i32
        %dma_start3A_208 = arith.constant 0 : i32
        %dma_start3A_209 = tpu.memref_slice %arg5[%dma_start3A_206, %dma_start3A_207, %dma_start3A_208] : memref<4x2x128xi32, #tpu.memory_space<vmem>> -> memref<1x1x128xi32, #tpu.memory_space<vmem>>
        %dma_start3A_210 = tpu.memref_squeeze %dma_start3A_209 : memref<1x1x128xi32, #tpu.memory_space<vmem>> -> memref<128xi32, #tpu.memory_space<vmem>>
        %dma_start3A_211 = arith.constant 0 : i32
        %dma_start3A_212 = arith.constant 0 : i32
        %dma_start3A_213 = tpu.memref_slice %arg2[%dma_start3A_211, %dma_start3A_212] : memref<10000x16xf32, #tpu.memory_space<hbm>> -> memref<10000x16xf32, #tpu.memory_space<hbm>>
        tpu.enqueue_indirect_dma source(%dma_start3A_213 : memref<10000x16xf32, #tpu.memory_space<hbm>>) target(%arg8 : memref<128x16xf32, #tpu.memory_space<vmem>>) offsets(%dma_start3A_210 : memref<128xi32, #tpu.memory_space<vmem>>) semaphore(%arg11 : memref<!tpu.dma_semaphore, #tpu.memory_space<semaphore_mem>>)
      } else {
      }
      %dma_wait3A_124 = arith.constant 1 : i32
      %dma_wait3A_125 = arith.constant 0 : i32
      %dma_wait3A_126 = arith.constant 0 : i32
      %dma_wait3A_127 = tpu.memref_slice %arg5[%dma_wait3A_124, %dma_wait3A_125, %dma_wait3A_126] : memref<4x2x128xi32, #tpu.memory_space<vmem>> -> memref<1x1x128xi32, #tpu.memory_space<vmem>>
      %dma_wait3A_128 = tpu.memref_squeeze %dma_wait3A_127 : memref<1x1x128xi32, #tpu.memory_space<vmem>> -> memref<128xi32, #tpu.memory_space<vmem>>
      %dma_wait3A_129 = arith.constant 0 : i32
      %dma_wait3A_130 = arith.constant 0 : i32
      %dma_wait3A_131 = tpu.memref_slice %arg2[%dma_wait3A_129, %dma_wait3A_130] : memref<10000x16xf32, #tpu.memory_space<hbm>> -> memref<10000x16xf32, #tpu.memory_space<hbm>>
      tpu.wait_indirect_dma semaphore(%arg11 : memref<!tpu.dma_semaphore, #tpu.memory_space<semaphore_mem>>) src(%dma_wait3A_131 : memref<10000x16xf32, #tpu.memory_space<hbm>>) dst(%arg7 : memref<128x16xf32, #tpu.memory_space<vmem>>)
      %dma_start3A_132 = arith.constant 1 : i32
      %dma_start3A_133 = arith.constant 1 : i32
      %dma_start3A_134 = arith.constant 0 : i32
      %dma_start3A_135 = tpu.memref_slice %arg5[%dma_start3A_132, %dma_start3A_133, %dma_start3A_134] : memref<4x2x128xi32, #tpu.memory_space<vmem>> -> memref<1x1x128xi32, #tpu.memory_space<vmem>>
      %dma_start3A_136 = tpu.memref_squeeze %dma_start3A_135 : memref<1x1x128xi32, #tpu.memory_space<vmem>> -> memref<128xi32, #tpu.memory_space<vmem>>
      %dma_start3A_137 = arith.constant 0 : i32
      %dma_start3A_138 = arith.constant 0 : i32
      %dma_start3A_139 = tpu.memref_slice %arg10[%dma_start3A_137, %dma_start3A_138] : memref<10240x16xf32, #tpu.memory_space<vmem_shared>> -> memref<10240x16xf32, #tpu.memory_space<vmem_shared>>
      tpu.enqueue_indirect_dma source(%arg7 : memref<128x16xf32, #tpu.memory_space<vmem>>) target(%dma_start3A_139 : memref<10240x16xf32, #tpu.memory_space<vmem_shared>>) offsets(%dma_start3A_136 : memref<128xi32, #tpu.memory_space<vmem>>) semaphore(%arg12 : memref<!tpu.dma_semaphore, #tpu.memory_space<semaphore_mem>>) {add = true}
      %mul3A_140 = arith.constant 4 : i32
      %mul3A_141 = arith.muli %mul3A_140, %while3A_81 : i32
      %add3A_142 = arith.constant 2 : i32
      %add3A_143 = arith.addi %mul3A_141, %add3A_142 : i32
      %ge3A_144 = arith.constant 3 : i32
      %ge3A_145 = arith.cmpi sge, %add3A_143, %ge3A_144 : i32
      %convert_element_type3A_146 = arith.extui %ge3A_145 : i1 to i32
      %cond3A_147 = arith.constant 0 : i32
      %cond3A_148 = arith.cmpi ne, %convert_element_type3A_146, %cond3A_147 : i32
      scf.if %cond3A_148 {
        %dma_wait3A_202 = arith.constant 3 : i32
        %dma_wait3A_203 = arith.constant 1 : i32
        %dma_wait3A_204 = arith.constant 0 : i32
        %dma_wait3A_205 = tpu.memref_slice %arg5[%dma_wait3A_202, %dma_wait3A_203, %dma_wait3A_204] : memref<4x2x128xi32, #tpu.memory_space<vmem>> -> memref<1x1x128xi32, #tpu.memory_space<vmem>>
        %dma_wait3A_206 = tpu.memref_squeeze %dma_wait3A_205 : memref<1x1x128xi32, #tpu.memory_space<vmem>> -> memref<128xi32, #tpu.memory_space<vmem>>
        %dma_wait3A_207 = arith.constant 0 : i32
        %dma_wait3A_208 = arith.constant 0 : i32
        %dma_wait3A_209 = tpu.memref_slice %arg10[%dma_wait3A_207, %dma_wait3A_208] : memref<10240x16xf32, #tpu.memory_space<vmem_shared>> -> memref<10240x16xf32, #tpu.memory_space<vmem_shared>>
        tpu.wait_indirect_dma semaphore(%arg12 : memref<!tpu.dma_semaphore, #tpu.memory_space<semaphore_mem>>) src(%arg9 : memref<128x16xf32, #tpu.memory_space<vmem>>) dst(%dma_wait3A_209 : memref<10240x16xf32, #tpu.memory_space<vmem_shared>>)
      } else {
      }
      %add3A_149 = arith.constant 1 : i32
      %add3A_150 = arith.addi %add3A_143, %add3A_149 : i32
      %lt3A_151 = arith.cmpi slt, %add3A_150, %select_n3A : i32
      %convert_element_type3A_152 = arith.extui %lt3A_151 : i1 to i32
      %cond3A_153 = arith.constant 0 : i32
      %cond3A_154 = arith.cmpi ne, %convert_element_type3A_152, %cond3A_153 : i32
      scf.if %cond3A_154 {
        %add3A_202 = arith.addi %add3A_22, %add3A_143 : i32
        %add3A_203 = arith.constant 1 : i32
        %add3A_204 = arith.addi %add3A_202, %add3A_203 : i32
        %run_scoped3A_205 = arith.constant 3 : i32
        "tpu.region"() ({
          %run_scoped3A_214 = tpu.sem_alloc : memref<!tpu.dma_semaphore, #tpu.memory_space<semaphore_mem>>
          %dma_start3A_215 = arith.constant 0 : i32
          %dma_start3A_216 = arith.constant 0 : i32
          %dma_start3A_217 = tpu.memref_slice %arg5[%run_scoped3A_205, %dma_start3A_215, %dma_start3A_216] : memref<4x2x128xi32, #tpu.memory_space<vmem>> -> memref<1x2x128xi32, #tpu.memory_space<vmem>>
          %dma_start3A_218 = tpu.memref_squeeze %dma_start3A_217 : memref<1x2x128xi32, #tpu.memory_space<vmem>> -> memref<2x128xi32, #tpu.memory_space<vmem>>
          %dma_start3A_219 = arith.constant 0 : i32
          %dma_start3A_220 = arith.constant 0 : i32
          %dma_start3A_221 = tpu.memref_slice %arg3[%add3A_204, %dma_start3A_219, %dma_start3A_220] : memref<2560x2x128xi32, #tpu.memory_space<hbm>> -> memref<1x2x128xi32, #tpu.memory_space<hbm>>
          %dma_start3A_222 = tpu.memref_squeeze %dma_start3A_221 : memref<1x2x128xi32, #tpu.memory_space<hbm>> -> memref<2x128xi32, #tpu.memory_space<hbm>>
          %dma_start3A_223 = arith.constant 0 : i32
          %dma_start3A_224 = arith.constant 0 : i32
          %dma_start3A_225 = tpu.memref_slice %arg5[%run_scoped3A_205, %dma_start3A_223, %dma_start3A_224] : memref<4x2x128xi32, #tpu.memory_space<vmem>> -> memref<1x2x128xi32, #tpu.memory_space<vmem>>
          %dma_start3A_226 = tpu.memref_squeeze %dma_start3A_225 : memref<1x2x128xi32, #tpu.memory_space<vmem>> -> memref<2x128xi32, #tpu.memory_space<vmem>>
          %dma_start3A_227 = arith.constant 0 : i32
          %dma_start3A_228 = arith.constant 0 : i32
          %dma_start3A_229 = tpu.memref_slice %arg3[%add3A_204, %dma_start3A_227, %dma_start3A_228] : memref<2560x2x128xi32, #tpu.memory_space<hbm>> -> memref<1x2x128xi32, #tpu.memory_space<hbm>>
          %dma_start3A_230 = tpu.memref_squeeze %dma_start3A_229 : memref<1x2x128xi32, #tpu.memory_space<hbm>> -> memref<2x128xi32, #tpu.memory_space<hbm>>
          tpu.enqueue_dma source(%dma_start3A_230 : memref<2x128xi32, #tpu.memory_space<hbm>>) target(%dma_start3A_226 : memref<2x128xi32, #tpu.memory_space<vmem>>) target_semaphore(%run_scoped3A_214 : memref<!tpu.dma_semaphore, #tpu.memory_space<semaphore_mem>>)
          %dma_wait3A_231 = arith.constant 0 : i32
          %dma_wait3A_232 = arith.constant 0 : i32
          %dma_wait3A_233 = tpu.memref_slice %arg5[%run_scoped3A_205, %dma_wait3A_231, %dma_wait3A_232] : memref<4x2x128xi32, #tpu.memory_space<vmem>> -> memref<1x2x128xi32, #tpu.memory_space<vmem>>
          %dma_wait3A_234 = tpu.memref_squeeze %dma_wait3A_233 : memref<1x2x128xi32, #tpu.memory_space<vmem>> -> memref<2x128xi32, #tpu.memory_space<vmem>>
          %dma_wait3A_235 = arith.constant 0 : i32
          %dma_wait3A_236 = arith.constant 0 : i32
          %dma_wait3A_237 = tpu.memref_slice %arg3[%add3A_204, %dma_wait3A_235, %dma_wait3A_236] : memref<2560x2x128xi32, #tpu.memory_space<hbm>> -> memref<1x2x128xi32, #tpu.memory_space<hbm>>
          %dma_wait3A_238 = tpu.memref_squeeze %dma_wait3A_237 : memref<1x2x128xi32, #tpu.memory_space<hbm>> -> memref<2x128xi32, #tpu.memory_space<hbm>>
          %dma_wait3A_239 = arith.constant 0 : i32
          %dma_wait3A_240 = arith.constant 0 : i32
          %dma_wait3A_241 = tpu.memref_slice %arg5[%run_scoped3A_205, %dma_wait3A_239, %dma_wait3A_240] : memref<4x2x128xi32, #tpu.memory_space<vmem>> -> memref<1x2x128xi32, #tpu.memory_space<vmem>>
          %dma_wait3A_242 = tpu.memref_squeeze %dma_wait3A_241 : memref<1x2x128xi32, #tpu.memory_space<vmem>> -> memref<2x128xi32, #tpu.memory_space<vmem>>
          %dma_wait3A_243 = arith.constant 0 : i32
          %dma_wait3A_244 = arith.constant 0 : i32
          %dma_wait3A_245 = tpu.memref_slice %arg3[%add3A_204, %dma_wait3A_243, %dma_wait3A_244] : memref<2560x2x128xi32, #tpu.memory_space<hbm>> -> memref<1x2x128xi32, #tpu.memory_space<hbm>>
          %dma_wait3A_246 = tpu.memref_squeeze %dma_wait3A_245 : memref<1x2x128xi32, #tpu.memory_space<hbm>> -> memref<2x128xi32, #tpu.memory_space<hbm>>
          tpu.wait_dma2 semaphore(%run_scoped3A_214 : memref<!tpu.dma_semaphore, #tpu.memory_space<semaphore_mem>>) src(%dma_wait3A_246 : memref<2x128xi32, #tpu.memory_space<hbm>>) dst(%dma_wait3A_242 : memref<2x128xi32, #tpu.memory_space<vmem>>)
          tpu.yield
        }) : () -> ()
        %dma_start3A_206 = arith.constant 3 : i32
        %dma_start3A_207 = arith.constant 0 : i32
        %dma_start3A_208 = arith.constant 0 : i32
        %dma_start3A_209 = tpu.memref_slice %arg5[%dma_start3A_206, %dma_start3A_207, %dma_start3A_208] : memref<4x2x128xi32, #tpu.memory_space<vmem>> -> memref<1x1x128xi32, #tpu.memory_space<vmem>>
        %dma_start3A_210 = tpu.memref_squeeze %dma_start3A_209 : memref<1x1x128xi32, #tpu.memory_space<vmem>> -> memref<128xi32, #tpu.memory_space<vmem>>
        %dma_start3A_211 = arith.constant 0 : i32
        %dma_start3A_212 = arith.constant 0 : i32
        %dma_start3A_213 = tpu.memref_slice %arg2[%dma_start3A_211, %dma_start3A_212] : memref<10000x16xf32, #tpu.memory_space<hbm>> -> memref<10000x16xf32, #tpu.memory_space<hbm>>
        tpu.enqueue_indirect_dma source(%dma_start3A_213 : memref<10000x16xf32, #tpu.memory_space<hbm>>) target(%arg9 : memref<128x16xf32, #tpu.memory_space<vmem>>) offsets(%dma_start3A_210 : memref<128xi32, #tpu.memory_space<vmem>>) semaphore(%arg11 : memref<!tpu.dma_semaphore, #tpu.memory_space<semaphore_mem>>)
      } else {
      }
      %dma_wait3A_155 = arith.constant 2 : i32
      %dma_wait3A_156 = arith.constant 0 : i32
      %dma_wait3A_157 = arith.constant 0 : i32
      %dma_wait3A_158 = tpu.memref_slice %arg5[%dma_wait3A_155, %dma_wait3A_156, %dma_wait3A_157] : memref<4x2x128xi32, #tpu.memory_space<vmem>> -> memref<1x1x128xi32, #tpu.memory_space<vmem>>
      %dma_wait3A_159 = tpu.memref_squeeze %dma_wait3A_158 : memref<1x1x128xi32, #tpu.memory_space<vmem>> -> memref<128xi32, #tpu.memory_space<vmem>>
      %dma_wait3A_160 = arith.constant 0 : i32
      %dma_wait3A_161 = arith.constant 0 : i32
      %dma_wait3A_162 = tpu.memref_slice %arg2[%dma_wait3A_160, %dma_wait3A_161] : memref<10000x16xf32, #tpu.memory_space<hbm>> -> memref<10000x16xf32, #tpu.memory_space<hbm>>
      tpu.wait_indirect_dma semaphore(%arg11 : memref<!tpu.dma_semaphore, #tpu.memory_space<semaphore_mem>>) src(%dma_wait3A_162 : memref<10000x16xf32, #tpu.memory_space<hbm>>) dst(%arg8 : memref<128x16xf32, #tpu.memory_space<vmem>>)
      %dma_start3A_163 = arith.constant 2 : i32
      %dma_start3A_164 = arith.constant 1 : i32
      %dma_start3A_165 = arith.constant 0 : i32
      %dma_start3A_166 = tpu.memref_slice %arg5[%dma_start3A_163, %dma_start3A_164, %dma_start3A_165] : memref<4x2x128xi32, #tpu.memory_space<vmem>> -> memref<1x1x128xi32, #tpu.memory_space<vmem>>
      %dma_start3A_167 = tpu.memref_squeeze %dma_start3A_166 : memref<1x1x128xi32, #tpu.memory_space<vmem>> -> memref<128xi32, #tpu.memory_space<vmem>>
      %dma_start3A_168 = arith.constant 0 : i32
      %dma_start3A_169 = arith.constant 0 : i32
      %dma_start3A_170 = tpu.memref_slice %arg10[%dma_start3A_168, %dma_start3A_169] : memref<10240x16xf32, #tpu.memory_space<vmem_shared>> -> memref<10240x16xf32, #tpu.memory_space<vmem_shared>>
      tpu.enqueue_indirect_dma source(%arg8 : memref<128x16xf32, #tpu.memory_space<vmem>>) target(%dma_start3A_170 : memref<10240x16xf32, #tpu.memory_space<vmem_shared>>) offsets(%dma_start3A_167 : memref<128xi32, #tpu.memory_space<vmem>>) semaphore(%arg12 : memref<!tpu.dma_semaphore, #tpu.memory_space<semaphore_mem>>) {add = true}
      %mul3A_171 = arith.constant 4 : i32
      %mul3A_172 = arith.muli %mul3A_171, %while3A_81 : i32
      %add3A_173 = arith.constant 3 : i32
      %add3A_174 = arith.addi %mul3A_172, %add3A_173 : i32
      %ge3A_175 = arith.constant 3 : i32
      %ge3A_176 = arith.cmpi sge, %add3A_174, %ge3A_175 : i32
      %convert_element_type3A_177 = arith.extui %ge3A_176 : i1 to i32
      %cond3A_178 = arith.constant 0 : i32
      %cond3A_179 = arith.cmpi ne, %convert_element_type3A_177, %cond3A_178 : i32
      scf.if %cond3A_179 {
        %dma_wait3A_202 = arith.constant 0 : i32
        %dma_wait3A_203 = arith.constant 1 : i32
        %dma_wait3A_204 = arith.constant 0 : i32
        %dma_wait3A_205 = tpu.memref_slice %arg5[%dma_wait3A_202, %dma_wait3A_203, %dma_wait3A_204] : memref<4x2x128xi32, #tpu.memory_space<vmem>> -> memref<1x1x128xi32, #tpu.memory_space<vmem>>
        %dma_wait3A_206 = tpu.memref_squeeze %dma_wait3A_205 : memref<1x1x128xi32, #tpu.memory_space<vmem>> -> memref<128xi32, #tpu.memory_space<vmem>>
        %dma_wait3A_207 = arith.constant 0 : i32
        %dma_wait3A_208 = arith.constant 0 : i32
        %dma_wait3A_209 = tpu.memref_slice %arg10[%dma_wait3A_207, %dma_wait3A_208] : memref<10240x16xf32, #tpu.memory_space<vmem_shared>> -> memref<10240x16xf32, #tpu.memory_space<vmem_shared>>
        tpu.wait_indirect_dma semaphore(%arg12 : memref<!tpu.dma_semaphore, #tpu.memory_space<semaphore_mem>>) src(%arg6 : memref<128x16xf32, #tpu.memory_space<vmem>>) dst(%dma_wait3A_209 : memref<10240x16xf32, #tpu.memory_space<vmem_shared>>)
      } else {
      }
      %add3A_180 = arith.constant 1 : i32
      %add3A_181 = arith.addi %add3A_174, %add3A_180 : i32
      %lt3A_182 = arith.cmpi slt, %add3A_181, %select_n3A : i32
      %convert_element_type3A_183 = arith.extui %lt3A_182 : i1 to i32
      %cond3A_184 = arith.constant 0 : i32
      %cond3A_185 = arith.cmpi ne, %convert_element_type3A_183, %cond3A_184 : i32
      scf.if %cond3A_185 {
        %add3A_202 = arith.addi %add3A_22, %add3A_174 : i32
        %add3A_203 = arith.constant 1 : i32
        %add3A_204 = arith.addi %add3A_202, %add3A_203 : i32
        %run_scoped3A_205 = arith.constant 0 : i32
        "tpu.region"() ({
          %run_scoped3A_214 = tpu.sem_alloc : memref<!tpu.dma_semaphore, #tpu.memory_space<semaphore_mem>>
          %dma_start3A_215 = arith.constant 0 : i32
          %dma_start3A_216 = arith.constant 0 : i32
          %dma_start3A_217 = tpu.memref_slice %arg5[%run_scoped3A_205, %dma_start3A_215, %dma_start3A_216] : memref<4x2x128xi32, #tpu.memory_space<vmem>> -> memref<1x2x128xi32, #tpu.memory_space<vmem>>
          %dma_start3A_218 = tpu.memref_squeeze %dma_start3A_217 : memref<1x2x128xi32, #tpu.memory_space<vmem>> -> memref<2x128xi32, #tpu.memory_space<vmem>>
          %dma_start3A_219 = arith.constant 0 : i32
          %dma_start3A_220 = arith.constant 0 : i32
          %dma_start3A_221 = tpu.memref_slice %arg3[%add3A_204, %dma_start3A_219, %dma_start3A_220] : memref<2560x2x128xi32, #tpu.memory_space<hbm>> -> memref<1x2x128xi32, #tpu.memory_space<hbm>>
          %dma_start3A_222 = tpu.memref_squeeze %dma_start3A_221 : memref<1x2x128xi32, #tpu.memory_space<hbm>> -> memref<2x128xi32, #tpu.memory_space<hbm>>
          %dma_start3A_223 = arith.constant 0 : i32
          %dma_start3A_224 = arith.constant 0 : i32
          %dma_start3A_225 = tpu.memref_slice %arg5[%run_scoped3A_205, %dma_start3A_223, %dma_start3A_224] : memref<4x2x128xi32, #tpu.memory_space<vmem>> -> memref<1x2x128xi32, #tpu.memory_space<vmem>>
          %dma_start3A_226 = tpu.memref_squeeze %dma_start3A_225 : memref<1x2x128xi32, #tpu.memory_space<vmem>> -> memref<2x128xi32, #tpu.memory_space<vmem>>
          %dma_start3A_227 = arith.constant 0 : i32
          %dma_start3A_228 = arith.constant 0 : i32
          %dma_start3A_229 = tpu.memref_slice %arg3[%add3A_204, %dma_start3A_227, %dma_start3A_228] : memref<2560x2x128xi32, #tpu.memory_space<hbm>> -> memref<1x2x128xi32, #tpu.memory_space<hbm>>
          %dma_start3A_230 = tpu.memref_squeeze %dma_start3A_229 : memref<1x2x128xi32, #tpu.memory_space<hbm>> -> memref<2x128xi32, #tpu.memory_space<hbm>>
          tpu.enqueue_dma source(%dma_start3A_230 : memref<2x128xi32, #tpu.memory_space<hbm>>) target(%dma_start3A_226 : memref<2x128xi32, #tpu.memory_space<vmem>>) target_semaphore(%run_scoped3A_214 : memref<!tpu.dma_semaphore, #tpu.memory_space<semaphore_mem>>)
          %dma_wait3A_231 = arith.constant 0 : i32
          %dma_wait3A_232 = arith.constant 0 : i32
          %dma_wait3A_233 = tpu.memref_slice %arg5[%run_scoped3A_205, %dma_wait3A_231, %dma_wait3A_232] : memref<4x2x128xi32, #tpu.memory_space<vmem>> -> memref<1x2x128xi32, #tpu.memory_space<vmem>>
          %dma_wait3A_234 = tpu.memref_squeeze %dma_wait3A_233 : memref<1x2x128xi32, #tpu.memory_space<vmem>> -> memref<2x128xi32, #tpu.memory_space<vmem>>
          %dma_wait3A_235 = arith.constant 0 : i32
          %dma_wait3A_236 = arith.constant 0 : i32
          %dma_wait3A_237 = tpu.memref_slice %arg3[%add3A_204, %dma_wait3A_235, %dma_wait3A_236] : memref<2560x2x128xi32, #tpu.memory_space<hbm>> -> memref<1x2x128xi32, #tpu.memory_space<hbm>>
          %dma_wait3A_238 = tpu.memref_squeeze %dma_wait3A_237 : memref<1x2x128xi32, #tpu.memory_space<hbm>> -> memref<2x128xi32, #tpu.memory_space<hbm>>
          %dma_wait3A_239 = arith.constant 0 : i32
          %dma_wait3A_240 = arith.constant 0 : i32
          %dma_wait3A_241 = tpu.memref_slice %arg5[%run_scoped3A_205, %dma_wait3A_239, %dma_wait3A_240] : memref<4x2x128xi32, #tpu.memory_space<vmem>> -> memref<1x2x128xi32, #tpu.memory_space<vmem>>
          %dma_wait3A_242 = tpu.memref_squeeze %dma_wait3A_241 : memref<1x2x128xi32, #tpu.memory_space<vmem>> -> memref<2x128xi32, #tpu.memory_space<vmem>>
          %dma_wait3A_243 = arith.constant 0 : i32
          %dma_wait3A_244 = arith.constant 0 : i32
          %dma_wait3A_245 = tpu.memref_slice %arg3[%add3A_204, %dma_wait3A_243, %dma_wait3A_244] : memref<2560x2x128xi32, #tpu.memory_space<hbm>> -> memref<1x2x128xi32, #tpu.memory_space<hbm>>
          %dma_wait3A_246 = tpu.memref_squeeze %dma_wait3A_245 : memref<1x2x128xi32, #tpu.memory_space<hbm>> -> memref<2x128xi32, #tpu.memory_space<hbm>>
          tpu.wait_dma2 semaphore(%run_scoped3A_214 : memref<!tpu.dma_semaphore, #tpu.memory_space<semaphore_mem>>) src(%dma_wait3A_246 : memref<2x128xi32, #tpu.memory_space<hbm>>) dst(%dma_wait3A_242 : memref<2x128xi32, #tpu.memory_space<vmem>>)
          tpu.yield
        }) : () -> ()
        %dma_start3A_206 = arith.constant 0 : i32
        %dma_start3A_207 = arith.constant 0 : i32
        %dma_start3A_208 = arith.constant 0 : i32
        %dma_start3A_209 = tpu.memref_slice %arg5[%dma_start3A_206, %dma_start3A_207, %dma_start3A_208] : memref<4x2x128xi32, #tpu.memory_space<vmem>> -> memref<1x1x128xi32, #tpu.memory_space<vmem>>
        %dma_start3A_210 = tpu.memref_squeeze %dma_start3A_209 : memref<1x1x128xi32, #tpu.memory_space<vmem>> -> memref<128xi32, #tpu.memory_space<vmem>>
        %dma_start3A_211 = arith.constant 0 : i32
        %dma_start3A_212 = arith.constant 0 : i32
        %dma_start3A_213 = tpu.memref_slice %arg2[%dma_start3A_211, %dma_start3A_212] : memref<10000x16xf32, #tpu.memory_space<hbm>> -> memref<10000x16xf32, #tpu.memory_space<hbm>>
        tpu.enqueue_indirect_dma source(%dma_start3A_213 : memref<10000x16xf32, #tpu.memory_space<hbm>>) target(%arg6 : memref<128x16xf32, #tpu.memory_space<vmem>>) offsets(%dma_start3A_210 : memref<128xi32, #tpu.memory_space<vmem>>) semaphore(%arg11 : memref<!tpu.dma_semaphore, #tpu.memory_space<semaphore_mem>>)
      } else {
      }
      %dma_wait3A_186 = arith.constant 3 : i32
      %dma_wait3A_187 = arith.constant 0 : i32
      %dma_wait3A_188 = arith.constant 0 : i32
      %dma_wait3A_189 = tpu.memref_slice %arg5[%dma_wait3A_186, %dma_wait3A_187, %dma_wait3A_188] : memref<4x2x128xi32, #tpu.memory_space<vmem>> -> memref<1x1x128xi32, #tpu.memory_space<vmem>>
      %dma_wait3A_190 = tpu.memref_squeeze %dma_wait3A_189 : memref<1x1x128xi32, #tpu.memory_space<vmem>> -> memref<128xi32, #tpu.memory_space<vmem>>
      %dma_wait3A_191 = arith.constant 0 : i32
      %dma_wait3A_192 = arith.constant 0 : i32
      %dma_wait3A_193 = tpu.memref_slice %arg2[%dma_wait3A_191, %dma_wait3A_192] : memref<10000x16xf32, #tpu.memory_space<hbm>> -> memref<10000x16xf32, #tpu.memory_space<hbm>>
      tpu.wait_indirect_dma semaphore(%arg11 : memref<!tpu.dma_semaphore, #tpu.memory_space<semaphore_mem>>) src(%dma_wait3A_193 : memref<10000x16xf32, #tpu.memory_space<hbm>>) dst(%arg9 : memref<128x16xf32, #tpu.memory_space<vmem>>)
      %dma_start3A_194 = arith.constant 3 : i32
      %dma_start3A_195 = arith.constant 1 : i32
      %dma_start3A_196 = arith.constant 0 : i32
      %dma_start3A_197 = tpu.memref_slice %arg5[%dma_start3A_194, %dma_start3A_195, %dma_start3A_196] : memref<4x2x128xi32, #tpu.memory_space<vmem>> -> memref<1x1x128xi32, #tpu.memory_space<vmem>>
      %dma_start3A_198 = tpu.memref_squeeze %dma_start3A_197 : memref<1x1x128xi32, #tpu.memory_space<vmem>> -> memref<128xi32, #tpu.memory_space<vmem>>
      %dma_start3A_199 = arith.constant 0 : i32
      %dma_start3A_200 = arith.constant 0 : i32
      %dma_start3A_201 = tpu.memref_slice %arg10[%dma_start3A_199, %dma_start3A_200] : memref<10240x16xf32, #tpu.memory_space<vmem_shared>> -> memref<10240x16xf32, #tpu.memory_space<vmem_shared>>
      tpu.enqueue_indirect_dma source(%arg9 : memref<128x16xf32, #tpu.memory_space<vmem>>) target(%dma_start3A_201 : memref<10240x16xf32, #tpu.memory_space<vmem_shared>>) offsets(%dma_start3A_198 : memref<128xi32, #tpu.memory_space<vmem>>) semaphore(%arg12 : memref<!tpu.dma_semaphore, #tpu.memory_space<semaphore_mem>>) {add = true}
    }
    %while3A_56 = arith.constant 1 : i32
    scf.for %while3A_81 = %while3A_54 to %while3A_50 step %while3A_56  : i32 {
      %mul3A_82 = arith.constant 4 : i32
      %mul3A_83 = arith.muli %mul3A_82, %while3A_81 : i32
      %add3A_84 = arith.constant 0 : i32
      %add3A_85 = arith.addi %mul3A_83, %add3A_84 : i32
      %ge3A = arith.constant 3 : i32
      %ge3A_86 = arith.cmpi sge, %add3A_85, %ge3A : i32
      %convert_element_type3A = arith.extui %ge3A_86 : i1 to i32
      %cond3A = arith.constant 0 : i32
      %cond3A_87 = arith.cmpi ne, %convert_element_type3A, %cond3A : i32
      scf.if %cond3A_87 {
        %dma_wait3A_202 = arith.constant 1 : i32
        %dma_wait3A_203 = arith.constant 1 : i32
        %dma_wait3A_204 = arith.constant 0 : i32
        %dma_wait3A_205 = tpu.memref_slice %arg5[%dma_wait3A_202, %dma_wait3A_203, %dma_wait3A_204] : memref<4x2x128xi32, #tpu.memory_space<vmem>> -> memref<1x1x128xi32, #tpu.memory_space<vmem>>
        %dma_wait3A_206 = tpu.memref_squeeze %dma_wait3A_205 : memref<1x1x128xi32, #tpu.memory_space<vmem>> -> memref<128xi32, #tpu.memory_space<vmem>>
        %dma_wait3A_207 = arith.constant 0 : i32
        %dma_wait3A_208 = arith.constant 0 : i32
        %dma_wait3A_209 = tpu.memref_slice %arg10[%dma_wait3A_207, %dma_wait3A_208] : memref<10240x16xf32, #tpu.memory_space<vmem_shared>> -> memref<10240x16xf32, #tpu.memory_space<vmem_shared>>
        tpu.wait_indirect_dma semaphore(%arg12 : memref<!tpu.dma_semaphore, #tpu.memory_space<semaphore_mem>>) src(%arg7 : memref<128x16xf32, #tpu.memory_space<vmem>>) dst(%dma_wait3A_209 : memref<10240x16xf32, #tpu.memory_space<vmem_shared>>)
      } else {
      }
      %add3A_88 = arith.constant 1 : i32
      %add3A_89 = arith.addi %add3A_85, %add3A_88 : i32
      %lt3A = arith.cmpi slt, %add3A_89, %select_n3A : i32
      %convert_element_type3A_90 = arith.extui %lt3A : i1 to i32
      %cond3A_91 = arith.constant 0 : i32
      %cond3A_92 = arith.cmpi ne, %convert_element_type3A_90, %cond3A_91 : i32
      scf.if %cond3A_92 {
        %add3A_202 = arith.addi %add3A_22, %add3A_85 : i32
        %add3A_203 = arith.constant 1 : i32
        %add3A_204 = arith.addi %add3A_202, %add3A_203 : i32
        %run_scoped3A_205 = arith.constant 1 : i32
        "tpu.region"() ({
          %run_scoped3A_214 = tpu.sem_alloc : memref<!tpu.dma_semaphore, #tpu.memory_space<semaphore_mem>>
          %dma_start3A_215 = arith.constant 0 : i32
          %dma_start3A_216 = arith.constant 0 : i32
          %dma_start3A_217 = tpu.memref_slice %arg5[%run_scoped3A_205, %dma_start3A_215, %dma_start3A_216] : memref<4x2x128xi32, #tpu.memory_space<vmem>> -> memref<1x2x128xi32, #tpu.memory_space<vmem>>
          %dma_start3A_218 = tpu.memref_squeeze %dma_start3A_217 : memref<1x2x128xi32, #tpu.memory_space<vmem>> -> memref<2x128xi32, #tpu.memory_space<vmem>>
          %dma_start3A_219 = arith.constant 0 : i32
          %dma_start3A_220 = arith.constant 0 : i32
          %dma_start3A_221 = tpu.memref_slice %arg3[%add3A_204, %dma_start3A_219, %dma_start3A_220] : memref<2560x2x128xi32, #tpu.memory_space<hbm>> -> memref<1x2x128xi32, #tpu.memory_space<hbm>>
          %dma_start3A_222 = tpu.memref_squeeze %dma_start3A_221 : memref<1x2x128xi32, #tpu.memory_space<hbm>> -> memref<2x128xi32, #tpu.memory_space<hbm>>
          %dma_start3A_223 = arith.constant 0 : i32
          %dma_start3A_224 = arith.constant 0 : i32
          %dma_start3A_225 = tpu.memref_slice %arg5[%run_scoped3A_205, %dma_start3A_223, %dma_start3A_224] : memref<4x2x128xi32, #tpu.memory_space<vmem>> -> memref<1x2x128xi32, #tpu.memory_space<vmem>>
          %dma_start3A_226 = tpu.memref_squeeze %dma_start3A_225 : memref<1x2x128xi32, #tpu.memory_space<vmem>> -> memref<2x128xi32, #tpu.memory_space<vmem>>
          %dma_start3A_227 = arith.constant 0 : i32
          %dma_start3A_228 = arith.constant 0 : i32
          %dma_start3A_229 = tpu.memref_slice %arg3[%add3A_204, %dma_start3A_227, %dma_start3A_228] : memref<2560x2x128xi32, #tpu.memory_space<hbm>> -> memref<1x2x128xi32, #tpu.memory_space<hbm>>
          %dma_start3A_230 = tpu.memref_squeeze %dma_start3A_229 : memref<1x2x128xi32, #tpu.memory_space<hbm>> -> memref<2x128xi32, #tpu.memory_space<hbm>>
          tpu.enqueue_dma source(%dma_start3A_230 : memref<2x128xi32, #tpu.memory_space<hbm>>) target(%dma_start3A_226 : memref<2x128xi32, #tpu.memory_space<vmem>>) target_semaphore(%run_scoped3A_214 : memref<!tpu.dma_semaphore, #tpu.memory_space<semaphore_mem>>)
          %dma_wait3A_231 = arith.constant 0 : i32
          %dma_wait3A_232 = arith.constant 0 : i32
          %dma_wait3A_233 = tpu.memref_slice %arg5[%run_scoped3A_205, %dma_wait3A_231, %dma_wait3A_232] : memref<4x2x128xi32, #tpu.memory_space<vmem>> -> memref<1x2x128xi32, #tpu.memory_space<vmem>>
          %dma_wait3A_234 = tpu.memref_squeeze %dma_wait3A_233 : memref<1x2x128xi32, #tpu.memory_space<vmem>> -> memref<2x128xi32, #tpu.memory_space<vmem>>
          %dma_wait3A_235 = arith.constant 0 : i32
          %dma_wait3A_236 = arith.constant 0 : i32
          %dma_wait3A_237 = tpu.memref_slice %arg3[%add3A_204, %dma_wait3A_235, %dma_wait3A_236] : memref<2560x2x128xi32, #tpu.memory_space<hbm>> -> memref<1x2x128xi32, #tpu.memory_space<hbm>>
          %dma_wait3A_238 = tpu.memref_squeeze %dma_wait3A_237 : memref<1x2x128xi32, #tpu.memory_space<hbm>> -> memref<2x128xi32, #tpu.memory_space<hbm>>
          %dma_wait3A_239 = arith.constant 0 : i32
          %dma_wait3A_240 = arith.constant 0 : i32
          %dma_wait3A_241 = tpu.memref_slice %arg5[%run_scoped3A_205, %dma_wait3A_239, %dma_wait3A_240] : memref<4x2x128xi32, #tpu.memory_space<vmem>> -> memref<1x2x128xi32, #tpu.memory_space<vmem>>
          %dma_wait3A_242 = tpu.memref_squeeze %dma_wait3A_241 : memref<1x2x128xi32, #tpu.memory_space<vmem>> -> memref<2x128xi32, #tpu.memory_space<vmem>>
          %dma_wait3A_243 = arith.constant 0 : i32
          %dma_wait3A_244 = arith.constant 0 : i32
          %dma_wait3A_245 = tpu.memref_slice %arg3[%add3A_204, %dma_wait3A_243, %dma_wait3A_244] : memref<2560x2x128xi32, #tpu.memory_space<hbm>> -> memref<1x2x128xi32, #tpu.memory_space<hbm>>
          %dma_wait3A_246 = tpu.memref_squeeze %dma_wait3A_245 : memref<1x2x128xi32, #tpu.memory_space<hbm>> -> memref<2x128xi32, #tpu.memory_space<hbm>>
          tpu.wait_dma2 semaphore(%run_scoped3A_214 : memref<!tpu.dma_semaphore, #tpu.memory_space<semaphore_mem>>) src(%dma_wait3A_246 : memref<2x128xi32, #tpu.memory_space<hbm>>) dst(%dma_wait3A_242 : memref<2x128xi32, #tpu.memory_space<vmem>>)
          tpu.yield
        }) : () -> ()
        %dma_start3A_206 = arith.constant 1 : i32
        %dma_start3A_207 = arith.constant 0 : i32
        %dma_start3A_208 = arith.constant 0 : i32
        %dma_start3A_209 = tpu.memref_slice %arg5[%dma_start3A_206, %dma_start3A_207, %dma_start3A_208] : memref<4x2x128xi32, #tpu.memory_space<vmem>> -> memref<1x1x128xi32, #tpu.memory_space<vmem>>
        %dma_start3A_210 = tpu.memref_squeeze %dma_start3A_209 : memref<1x1x128xi32, #tpu.memory_space<vmem>> -> memref<128xi32, #tpu.memory_space<vmem>>
        %dma_start3A_211 = arith.constant 0 : i32
        %dma_start3A_212 = arith.constant 0 : i32
        %dma_start3A_213 = tpu.memref_slice %arg2[%dma_start3A_211, %dma_start3A_212] : memref<10000x16xf32, #tpu.memory_space<hbm>> -> memref<10000x16xf32, #tpu.memory_space<hbm>>
        tpu.enqueue_indirect_dma source(%dma_start3A_213 : memref<10000x16xf32, #tpu.memory_space<hbm>>) target(%arg7 : memref<128x16xf32, #tpu.memory_space<vmem>>) offsets(%dma_start3A_210 : memref<128xi32, #tpu.memory_space<vmem>>) semaphore(%arg11 : memref<!tpu.dma_semaphore, #tpu.memory_space<semaphore_mem>>)
      } else {
      }
      %dma_wait3A_93 = arith.constant 0 : i32
      %dma_wait3A_94 = arith.constant 0 : i32
      %dma_wait3A_95 = arith.constant 0 : i32
      %dma_wait3A_96 = tpu.memref_slice %arg5[%dma_wait3A_93, %dma_wait3A_94, %dma_wait3A_95] : memref<4x2x128xi32, #tpu.memory_space<vmem>> -> memref<1x1x128xi32, #tpu.memory_space<vmem>>
      %dma_wait3A_97 = tpu.memref_squeeze %dma_wait3A_96 : memref<1x1x128xi32, #tpu.memory_space<vmem>> -> memref<128xi32, #tpu.memory_space<vmem>>
      %dma_wait3A_98 = arith.constant 0 : i32
      %dma_wait3A_99 = arith.constant 0 : i32
      %dma_wait3A_100 = tpu.memref_slice %arg2[%dma_wait3A_98, %dma_wait3A_99] : memref<10000x16xf32, #tpu.memory_space<hbm>> -> memref<10000x16xf32, #tpu.memory_space<hbm>>
      tpu.wait_indirect_dma semaphore(%arg11 : memref<!tpu.dma_semaphore, #tpu.memory_space<semaphore_mem>>) src(%dma_wait3A_100 : memref<10000x16xf32, #tpu.memory_space<hbm>>) dst(%arg6 : memref<128x16xf32, #tpu.memory_space<vmem>>)
      %dma_start3A_101 = arith.constant 0 : i32
      %dma_start3A_102 = arith.constant 1 : i32
      %dma_start3A_103 = arith.constant 0 : i32
      %dma_start3A_104 = tpu.memref_slice %arg5[%dma_start3A_101, %dma_start3A_102, %dma_start3A_103] : memref<4x2x128xi32, #tpu.memory_space<vmem>> -> memref<1x1x128xi32, #tpu.memory_space<vmem>>
      %dma_start3A_105 = tpu.memref_squeeze %dma_start3A_104 : memref<1x1x128xi32, #tpu.memory_space<vmem>> -> memref<128xi32, #tpu.memory_space<vmem>>
      %dma_start3A_106 = arith.constant 0 : i32
      %dma_start3A_107 = arith.constant 0 : i32
      %dma_start3A_108 = tpu.memref_slice %arg10[%dma_start3A_106, %dma_start3A_107] : memref<10240x16xf32, #tpu.memory_space<vmem_shared>> -> memref<10240x16xf32, #tpu.memory_space<vmem_shared>>
      tpu.enqueue_indirect_dma source(%arg6 : memref<128x16xf32, #tpu.memory_space<vmem>>) target(%dma_start3A_108 : memref<10240x16xf32, #tpu.memory_space<vmem_shared>>) offsets(%dma_start3A_105 : memref<128xi32, #tpu.memory_space<vmem>>) semaphore(%arg12 : memref<!tpu.dma_semaphore, #tpu.memory_space<semaphore_mem>>) {add = true}
      %mul3A_109 = arith.constant 4 : i32
      %mul3A_110 = arith.muli %mul3A_109, %while3A_81 : i32
      %add3A_111 = arith.constant 1 : i32
      %add3A_112 = arith.addi %mul3A_110, %add3A_111 : i32
      %ge3A_113 = arith.constant 3 : i32
      %ge3A_114 = arith.cmpi sge, %add3A_112, %ge3A_113 : i32
      %convert_element_type3A_115 = arith.extui %ge3A_114 : i1 to i32
      %cond3A_116 = arith.constant 0 : i32
      %cond3A_117 = arith.cmpi ne, %convert_element_type3A_115, %cond3A_116 : i32
      scf.if %cond3A_117 {
        %dma_wait3A_202 = arith.constant 2 : i32
        %dma_wait3A_203 = arith.constant 1 : i32
        %dma_wait3A_204 = arith.constant 0 : i32
        %dma_wait3A_205 = tpu.memref_slice %arg5[%dma_wait3A_202, %dma_wait3A_203, %dma_wait3A_204] : memref<4x2x128xi32, #tpu.memory_space<vmem>> -> memref<1x1x128xi32, #tpu.memory_space<vmem>>
        %dma_wait3A_206 = tpu.memref_squeeze %dma_wait3A_205 : memref<1x1x128xi32, #tpu.memory_space<vmem>> -> memref<128xi32, #tpu.memory_space<vmem>>
        %dma_wait3A_207 = arith.constant 0 : i32
        %dma_wait3A_208 = arith.constant 0 : i32
        %dma_wait3A_209 = tpu.memref_slice %arg10[%dma_wait3A_207, %dma_wait3A_208] : memref<10240x16xf32, #tpu.memory_space<vmem_shared>> -> memref<10240x16xf32, #tpu.memory_space<vmem_shared>>
        tpu.wait_indirect_dma semaphore(%arg12 : memref<!tpu.dma_semaphore, #tpu.memory_space<semaphore_mem>>) src(%arg8 : memref<128x16xf32, #tpu.memory_space<vmem>>) dst(%dma_wait3A_209 : memref<10240x16xf32, #tpu.memory_space<vmem_shared>>)
      } else {
      }
      %add3A_118 = arith.constant 1 : i32
      %add3A_119 = arith.addi %add3A_112, %add3A_118 : i32
      %lt3A_120 = arith.cmpi slt, %add3A_119, %select_n3A : i32
      %convert_element_type3A_121 = arith.extui %lt3A_120 : i1 to i32
      %cond3A_122 = arith.constant 0 : i32
      %cond3A_123 = arith.cmpi ne, %convert_element_type3A_121, %cond3A_122 : i32
      scf.if %cond3A_123 {
        %add3A_202 = arith.addi %add3A_22, %add3A_112 : i32
        %add3A_203 = arith.constant 1 : i32
        %add3A_204 = arith.addi %add3A_202, %add3A_203 : i32
        %run_scoped3A_205 = arith.constant 2 : i32
        "tpu.region"() ({
          %run_scoped3A_214 = tpu.sem_alloc : memref<!tpu.dma_semaphore, #tpu.memory_space<semaphore_mem>>
          %dma_start3A_215 = arith.constant 0 : i32
          %dma_start3A_216 = arith.constant 0 : i32
          %dma_start3A_217 = tpu.memref_slice %arg5[%run_scoped3A_205, %dma_start3A_215, %dma_start3A_216] : memref<4x2x128xi32, #tpu.memory_space<vmem>> -> memref<1x2x128xi32, #tpu.memory_space<vmem>>
          %dma_start3A_218 = tpu.memref_squeeze %dma_start3A_217 : memref<1x2x128xi32, #tpu.memory_space<vmem>> -> memref<2x128xi32, #tpu.memory_space<vmem>>
          %dma_start3A_219 = arith.constant 0 : i32
          %dma_start3A_220 = arith.constant 0 : i32
          %dma_start3A_221 = tpu.memref_slice %arg3[%add3A_204, %dma_start3A_219, %dma_start3A_220] : memref<2560x2x128xi32, #tpu.memory_space<hbm>> -> memref<1x2x128xi32, #tpu.memory_space<hbm>>
          %dma_start3A_222 = tpu.memref_squeeze %dma_start3A_221 : memref<1x2x128xi32, #tpu.memory_space<hbm>> -> memref<2x128xi32, #tpu.memory_space<hbm>>
          %dma_start3A_223 = arith.constant 0 : i32
          %dma_start3A_224 = arith.constant 0 : i32
          %dma_start3A_225 = tpu.memref_slice %arg5[%run_scoped3A_205, %dma_start3A_223, %dma_start3A_224] : memref<4x2x128xi32, #tpu.memory_space<vmem>> -> memref<1x2x128xi32, #tpu.memory_space<vmem>>
          %dma_start3A_226 = tpu.memref_squeeze %dma_start3A_225 : memref<1x2x128xi32, #tpu.memory_space<vmem>> -> memref<2x128xi32, #tpu.memory_space<vmem>>
          %dma_start3A_227 = arith.constant 0 : i32
          %dma_start3A_228 = arith.constant 0 : i32
          %dma_start3A_229 = tpu.memref_slice %arg3[%add3A_204, %dma_start3A_227, %dma_start3A_228] : memref<2560x2x128xi32, #tpu.memory_space<hbm>> -> memref<1x2x128xi32, #tpu.memory_space<hbm>>
          %dma_start3A_230 = tpu.memref_squeeze %dma_start3A_229 : memref<1x2x128xi32, #tpu.memory_space<hbm>> -> memref<2x128xi32, #tpu.memory_space<hbm>>
          tpu.enqueue_dma source(%dma_start3A_230 : memref<2x128xi32, #tpu.memory_space<hbm>>) target(%dma_start3A_226 : memref<2x128xi32, #tpu.memory_space<vmem>>) target_semaphore(%run_scoped3A_214 : memref<!tpu.dma_semaphore, #tpu.memory_space<semaphore_mem>>)
          %dma_wait3A_231 = arith.constant 0 : i32
          %dma_wait3A_232 = arith.constant 0 : i32
          %dma_wait3A_233 = tpu.memref_slice %arg5[%run_scoped3A_205, %dma_wait3A_231, %dma_wait3A_232] : memref<4x2x128xi32, #tpu.memory_space<vmem>> -> memref<1x2x128xi32, #tpu.memory_space<vmem>>
          %dma_wait3A_234 = tpu.memref_squeeze %dma_wait3A_233 : memref<1x2x128xi32, #tpu.memory_space<vmem>> -> memref<2x128xi32, #tpu.memory_space<vmem>>
          %dma_wait3A_235 = arith.constant 0 : i32
          %dma_wait3A_236 = arith.constant 0 : i32
          %dma_wait3A_237 = tpu.memref_slice %arg3[%add3A_204, %dma_wait3A_235, %dma_wait3A_236] : memref<2560x2x128xi32, #tpu.memory_space<hbm>> -> memref<1x2x128xi32, #tpu.memory_space<hbm>>
          %dma_wait3A_238 = tpu.memref_squeeze %dma_wait3A_237 : memref<1x2x128xi32, #tpu.memory_space<hbm>> -> memref<2x128xi32, #tpu.memory_space<hbm>>
          %dma_wait3A_239 = arith.constant 0 : i32
          %dma_wait3A_240 = arith.constant 0 : i32
          %dma_wait3A_241 = tpu.memref_slice %arg5[%run_scoped3A_205, %dma_wait3A_239, %dma_wait3A_240] : memref<4x2x128xi32, #tpu.memory_space<vmem>> -> memref<1x2x128xi32, #tpu.memory_space<vmem>>
          %dma_wait3A_242 = tpu.memref_squeeze %dma_wait3A_241 : memref<1x2x128xi32, #tpu.memory_space<vmem>> -> memref<2x128xi32, #tpu.memory_space<vmem>>
          %dma_wait3A_243 = arith.constant 0 : i32
          %dma_wait3A_244 = arith.constant 0 : i32
          %dma_wait3A_245 = tpu.memref_slice %arg3[%add3A_204, %dma_wait3A_243, %dma_wait3A_244] : memref<2560x2x128xi32, #tpu.memory_space<hbm>> -> memref<1x2x128xi32, #tpu.memory_space<hbm>>
          %dma_wait3A_246 = tpu.memref_squeeze %dma_wait3A_245 : memref<1x2x128xi32, #tpu.memory_space<hbm>> -> memref<2x128xi32, #tpu.memory_space<hbm>>
          tpu.wait_dma2 semaphore(%run_scoped3A_214 : memref<!tpu.dma_semaphore, #tpu.memory_space<semaphore_mem>>) src(%dma_wait3A_246 : memref<2x128xi32, #tpu.memory_space<hbm>>) dst(%dma_wait3A_242 : memref<2x128xi32, #tpu.memory_space<vmem>>)
          tpu.yield
        }) : () -> ()
        %dma_start3A_206 = arith.constant 2 : i32
        %dma_start3A_207 = arith.constant 0 : i32
        %dma_start3A_208 = arith.constant 0 : i32
        %dma_start3A_209 = tpu.memref_slice %arg5[%dma_start3A_206, %dma_start3A_207, %dma_start3A_208] : memref<4x2x128xi32, #tpu.memory_space<vmem>> -> memref<1x1x128xi32, #tpu.memory_space<vmem>>
        %dma_start3A_210 = tpu.memref_squeeze %dma_start3A_209 : memref<1x1x128xi32, #tpu.memory_space<vmem>> -> memref<128xi32, #tpu.memory_space<vmem>>
        %dma_start3A_211 = arith.constant 0 : i32
        %dma_start3A_212 = arith.constant 0 : i32
        %dma_start3A_213 = tpu.memref_slice %arg2[%dma_start3A_211, %dma_start3A_212] : memref<10000x16xf32, #tpu.memory_space<hbm>> -> memref<10000x16xf32, #tpu.memory_space<hbm>>
        tpu.enqueue_indirect_dma source(%dma_start3A_213 : memref<10000x16xf32, #tpu.memory_space<hbm>>) target(%arg8 : memref<128x16xf32, #tpu.memory_space<vmem>>) offsets(%dma_start3A_210 : memref<128xi32, #tpu.memory_space<vmem>>) semaphore(%arg11 : memref<!tpu.dma_semaphore, #tpu.memory_space<semaphore_mem>>)
      } else {
      }
      %dma_wait3A_124 = arith.constant 1 : i32
      %dma_wait3A_125 = arith.constant 0 : i32
      %dma_wait3A_126 = arith.constant 0 : i32
      %dma_wait3A_127 = tpu.memref_slice %arg5[%dma_wait3A_124, %dma_wait3A_125, %dma_wait3A_126] : memref<4x2x128xi32, #tpu.memory_space<vmem>> -> memref<1x1x128xi32, #tpu.memory_space<vmem>>
      %dma_wait3A_128 = tpu.memref_squeeze %dma_wait3A_127 : memref<1x1x128xi32, #tpu.memory_space<vmem>> -> memref<128xi32, #tpu.memory_space<vmem>>
      %dma_wait3A_129 = arith.constant 0 : i32
      %dma_wait3A_130 = arith.constant 0 : i32
      %dma_wait3A_131 = tpu.memref_slice %arg2[%dma_wait3A_129, %dma_wait3A_130] : memref<10000x16xf32, #tpu.memory_space<hbm>> -> memref<10000x16xf32, #tpu.memory_space<hbm>>
      tpu.wait_indirect_dma semaphore(%arg11 : memref<!tpu.dma_semaphore, #tpu.memory_space<semaphore_mem>>) src(%dma_wait3A_131 : memref<10000x16xf32, #tpu.memory_space<hbm>>) dst(%arg7 : memref<128x16xf32, #tpu.memory_space<vmem>>)
      %dma_start3A_132 = arith.constant 1 : i32
      %dma_start3A_133 = arith.constant 1 : i32
      %dma_start3A_134 = arith.constant 0 : i32
      %dma_start3A_135 = tpu.memref_slice %arg5[%dma_start3A_132, %dma_start3A_133, %dma_start3A_134] : memref<4x2x128xi32, #tpu.memory_space<vmem>> -> memref<1x1x128xi32, #tpu.memory_space<vmem>>
      %dma_start3A_136 = tpu.memref_squeeze %dma_start3A_135 : memref<1x1x128xi32, #tpu.memory_space<vmem>> -> memref<128xi32, #tpu.memory_space<vmem>>
      %dma_start3A_137 = arith.constant 0 : i32
      %dma_start3A_138 = arith.constant 0 : i32
      %dma_start3A_139 = tpu.memref_slice %arg10[%dma_start3A_137, %dma_start3A_138] : memref<10240x16xf32, #tpu.memory_space<vmem_shared>> -> memref<10240x16xf32, #tpu.memory_space<vmem_shared>>
      tpu.enqueue_indirect_dma source(%arg7 : memref<128x16xf32, #tpu.memory_space<vmem>>) target(%dma_start3A_139 : memref<10240x16xf32, #tpu.memory_space<vmem_shared>>) offsets(%dma_start3A_136 : memref<128xi32, #tpu.memory_space<vmem>>) semaphore(%arg12 : memref<!tpu.dma_semaphore, #tpu.memory_space<semaphore_mem>>) {add = true}
      %mul3A_140 = arith.constant 4 : i32
      %mul3A_141 = arith.muli %mul3A_140, %while3A_81 : i32
      %add3A_142 = arith.constant 2 : i32
      %add3A_143 = arith.addi %mul3A_141, %add3A_142 : i32
      %ge3A_144 = arith.constant 3 : i32
      %ge3A_145 = arith.cmpi sge, %add3A_143, %ge3A_144 : i32
      %convert_element_type3A_146 = arith.extui %ge3A_145 : i1 to i32
      %cond3A_147 = arith.constant 0 : i32
      %cond3A_148 = arith.cmpi ne, %convert_element_type3A_146, %cond3A_147 : i32
      scf.if %cond3A_148 {
        %dma_wait3A_202 = arith.constant 3 : i32
        %dma_wait3A_203 = arith.constant 1 : i32
        %dma_wait3A_204 = arith.constant 0 : i32
        %dma_wait3A_205 = tpu.memref_slice %arg5[%dma_wait3A_202, %dma_wait3A_203, %dma_wait3A_204] : memref<4x2x128xi32, #tpu.memory_space<vmem>> -> memref<1x1x128xi32, #tpu.memory_space<vmem>>
        %dma_wait3A_206 = tpu.memref_squeeze %dma_wait3A_205 : memref<1x1x128xi32, #tpu.memory_space<vmem>> -> memref<128xi32, #tpu.memory_space<vmem>>
        %dma_wait3A_207 = arith.constant 0 : i32
        %dma_wait3A_208 = arith.constant 0 : i32
        %dma_wait3A_209 = tpu.memref_slice %arg10[%dma_wait3A_207, %dma_wait3A_208] : memref<10240x16xf32, #tpu.memory_space<vmem_shared>> -> memref<10240x16xf32, #tpu.memory_space<vmem_shared>>
        tpu.wait_indirect_dma semaphore(%arg12 : memref<!tpu.dma_semaphore, #tpu.memory_space<semaphore_mem>>) src(%arg9 : memref<128x16xf32, #tpu.memory_space<vmem>>) dst(%dma_wait3A_209 : memref<10240x16xf32, #tpu.memory_space<vmem_shared>>)
      } else {
      }
      %add3A_149 = arith.constant 1 : i32
      %add3A_150 = arith.addi %add3A_143, %add3A_149 : i32
      %lt3A_151 = arith.cmpi slt, %add3A_150, %select_n3A : i32
      %convert_element_type3A_152 = arith.extui %lt3A_151 : i1 to i32
      %cond3A_153 = arith.constant 0 : i32
      %cond3A_154 = arith.cmpi ne, %convert_element_type3A_152, %cond3A_153 : i32
      scf.if %cond3A_154 {
        %add3A_202 = arith.addi %add3A_22, %add3A_143 : i32
        %add3A_203 = arith.constant 1 : i32
        %add3A_204 = arith.addi %add3A_202, %add3A_203 : i32
        %run_scoped3A_205 = arith.constant 3 : i32
        "tpu.region"() ({
          %run_scoped3A_214 = tpu.sem_alloc : memref<!tpu.dma_semaphore, #tpu.memory_space<semaphore_mem>>
          %dma_start3A_215 = arith.constant 0 : i32
          %dma_start3A_216 = arith.constant 0 : i32
          %dma_start3A_217 = tpu.memref_slice %arg5[%run_scoped3A_205, %dma_start3A_215, %dma_start3A_216] : memref<4x2x128xi32, #tpu.memory_space<vmem>> -> memref<1x2x128xi32, #tpu.memory_space<vmem>>
          %dma_start3A_218 = tpu.memref_squeeze %dma_start3A_217 : memref<1x2x128xi32, #tpu.memory_space<vmem>> -> memref<2x128xi32, #tpu.memory_space<vmem>>
          %dma_start3A_219 = arith.constant 0 : i32
          %dma_start3A_220 = arith.constant 0 : i32
          %dma_start3A_221 = tpu.memref_slice %arg3[%add3A_204, %dma_start3A_219, %dma_start3A_220] : memref<2560x2x128xi32, #tpu.memory_space<hbm>> -> memref<1x2x128xi32, #tpu.memory_space<hbm>>
          %dma_start3A_222 = tpu.memref_squeeze %dma_start3A_221 : memref<1x2x128xi32, #tpu.memory_space<hbm>> -> memref<2x128xi32, #tpu.memory_space<hbm>>
          %dma_start3A_223 = arith.constant 0 : i32
          %dma_start3A_224 = arith.constant 0 : i32
          %dma_start3A_225 = tpu.memref_slice %arg5[%run_scoped3A_205, %dma_start3A_223, %dma_start3A_224] : memref<4x2x128xi32, #tpu.memory_space<vmem>> -> memref<1x2x128xi32, #tpu.memory_space<vmem>>
          %dma_start3A_226 = tpu.memref_squeeze %dma_start3A_225 : memref<1x2x128xi32, #tpu.memory_space<vmem>> -> memref<2x128xi32, #tpu.memory_space<vmem>>
          %dma_start3A_227 = arith.constant 0 : i32
          %dma_start3A_228 = arith.constant 0 : i32
          %dma_start3A_229 = tpu.memref_slice %arg3[%add3A_204, %dma_start3A_227, %dma_start3A_228] : memref<2560x2x128xi32, #tpu.memory_space<hbm>> -> memref<1x2x128xi32, #tpu.memory_space<hbm>>
          %dma_start3A_230 = tpu.memref_squeeze %dma_start3A_229 : memref<1x2x128xi32, #tpu.memory_space<hbm>> -> memref<2x128xi32, #tpu.memory_space<hbm>>
          tpu.enqueue_dma source(%dma_start3A_230 : memref<2x128xi32, #tpu.memory_space<hbm>>) target(%dma_start3A_226 : memref<2x128xi32, #tpu.memory_space<vmem>>) target_semaphore(%run_scoped3A_214 : memref<!tpu.dma_semaphore, #tpu.memory_space<semaphore_mem>>)
          %dma_wait3A_231 = arith.constant 0 : i32
          %dma_wait3A_232 = arith.constant 0 : i32
          %dma_wait3A_233 = tpu.memref_slice %arg5[%run_scoped3A_205, %dma_wait3A_231, %dma_wait3A_232] : memref<4x2x128xi32, #tpu.memory_space<vmem>> -> memref<1x2x128xi32, #tpu.memory_space<vmem>>
          %dma_wait3A_234 = tpu.memref_squeeze %dma_wait3A_233 : memref<1x2x128xi32, #tpu.memory_space<vmem>> -> memref<2x128xi32, #tpu.memory_space<vmem>>
          %dma_wait3A_235 = arith.constant 0 : i32
          %dma_wait3A_236 = arith.constant 0 : i32
          %dma_wait3A_237 = tpu.memref_slice %arg3[%add3A_204, %dma_wait3A_235, %dma_wait3A_236] : memref<2560x2x128xi32, #tpu.memory_space<hbm>> -> memref<1x2x128xi32, #tpu.memory_space<hbm>>
          %dma_wait3A_238 = tpu.memref_squeeze %dma_wait3A_237 : memref<1x2x128xi32, #tpu.memory_space<hbm>> -> memref<2x128xi32, #tpu.memory_space<hbm>>
          %dma_wait3A_239 = arith.constant 0 : i32
          %dma_wait3A_240 = arith.constant 0 : i32
          %dma_wait3A_241 = tpu.memref_slice %arg5[%run_scoped3A_205, %dma_wait3A_239, %dma_wait3A_240] : memref<4x2x128xi32, #tpu.memory_space<vmem>> -> memref<1x2x128xi32, #tpu.memory_space<vmem>>
          %dma_wait3A_242 = tpu.memref_squeeze %dma_wait3A_241 : memref<1x2x128xi32, #tpu.memory_space<vmem>> -> memref<2x128xi32, #tpu.memory_space<vmem>>
          %dma_wait3A_243 = arith.constant 0 : i32
          %dma_wait3A_244 = arith.constant 0 : i32
          %dma_wait3A_245 = tpu.memref_slice %arg3[%add3A_204, %dma_wait3A_243, %dma_wait3A_244] : memref<2560x2x128xi32, #tpu.memory_space<hbm>> -> memref<1x2x128xi32, #tpu.memory_space<hbm>>
          %dma_wait3A_246 = tpu.memref_squeeze %dma_wait3A_245 : memref<1x2x128xi32, #tpu.memory_space<hbm>> -> memref<2x128xi32, #tpu.memory_space<hbm>>
          tpu.wait_dma2 semaphore(%run_scoped3A_214 : memref<!tpu.dma_semaphore, #tpu.memory_space<semaphore_mem>>) src(%dma_wait3A_246 : memref<2x128xi32, #tpu.memory_space<hbm>>) dst(%dma_wait3A_242 : memref<2x128xi32, #tpu.memory_space<vmem>>)
          tpu.yield
        }) : () -> ()
        %dma_start3A_206 = arith.constant 3 : i32
        %dma_start3A_207 = arith.constant 0 : i32
        %dma_start3A_208 = arith.constant 0 : i32
        %dma_start3A_209 = tpu.memref_slice %arg5[%dma_start3A_206, %dma_start3A_207, %dma_start3A_208] : memref<4x2x128xi32, #tpu.memory_space<vmem>> -> memref<1x1x128xi32, #tpu.memory_space<vmem>>
        %dma_start3A_210 = tpu.memref_squeeze %dma_start3A_209 : memref<1x1x128xi32, #tpu.memory_space<vmem>> -> memref<128xi32, #tpu.memory_space<vmem>>
        %dma_start3A_211 = arith.constant 0 : i32
        %dma_start3A_212 = arith.constant 0 : i32
        %dma_start3A_213 = tpu.memref_slice %arg2[%dma_start3A_211, %dma_start3A_212] : memref<10000x16xf32, #tpu.memory_space<hbm>> -> memref<10000x16xf32, #tpu.memory_space<hbm>>
        tpu.enqueue_indirect_dma source(%dma_start3A_213 : memref<10000x16xf32, #tpu.memory_space<hbm>>) target(%arg9 : memref<128x16xf32, #tpu.memory_space<vmem>>) offsets(%dma_start3A_210 : memref<128xi32, #tpu.memory_space<vmem>>) semaphore(%arg11 : memref<!tpu.dma_semaphore, #tpu.memory_space<semaphore_mem>>)
      } else {
      }
      %dma_wait3A_155 = arith.constant 2 : i32
      %dma_wait3A_156 = arith.constant 0 : i32
      %dma_wait3A_157 = arith.constant 0 : i32
      %dma_wait3A_158 = tpu.memref_slice %arg5[%dma_wait3A_155, %dma_wait3A_156, %dma_wait3A_157] : memref<4x2x128xi32, #tpu.memory_space<vmem>> -> memref<1x1x128xi32, #tpu.memory_space<vmem>>
      %dma_wait3A_159 = tpu.memref_squeeze %dma_wait3A_158 : memref<1x1x128xi32, #tpu.memory_space<vmem>> -> memref<128xi32, #tpu.memory_space<vmem>>
      %dma_wait3A_160 = arith.constant 0 : i32
      %dma_wait3A_161 = arith.constant 0 : i32
      %dma_wait3A_162 = tpu.memref_slice %arg2[%dma_wait3A_160, %dma_wait3A_161] : memref<10000x16xf32, #tpu.memory_space<hbm>> -> memref<10000x16xf32, #tpu.memory_space<hbm>>
      tpu.wait_indirect_dma semaphore(%arg11 : memref<!tpu.dma_semaphore, #tpu.memory_space<semaphore_mem>>) src(%dma_wait3A_162 : memref<10000x16xf32, #tpu.memory_space<hbm>>) dst(%arg8 : memref<128x16xf32, #tpu.memory_space<vmem>>)
      %dma_start3A_163 = arith.constant 2 : i32
      %dma_start3A_164 = arith.constant 1 : i32
      %dma_start3A_165 = arith.constant 0 : i32
      %dma_start3A_166 = tpu.memref_slice %arg5[%dma_start3A_163, %dma_start3A_164, %dma_start3A_165] : memref<4x2x128xi32, #tpu.memory_space<vmem>> -> memref<1x1x128xi32, #tpu.memory_space<vmem>>
      %dma_start3A_167 = tpu.memref_squeeze %dma_start3A_166 : memref<1x1x128xi32, #tpu.memory_space<vmem>> -> memref<128xi32, #tpu.memory_space<vmem>>
      %dma_start3A_168 = arith.constant 0 : i32
      %dma_start3A_169 = arith.constant 0 : i32
      %dma_start3A_170 = tpu.memref_slice %arg10[%dma_start3A_168, %dma_start3A_169] : memref<10240x16xf32, #tpu.memory_space<vmem_shared>> -> memref<10240x16xf32, #tpu.memory_space<vmem_shared>>
      tpu.enqueue_indirect_dma source(%arg8 : memref<128x16xf32, #tpu.memory_space<vmem>>) target(%dma_start3A_170 : memref<10240x16xf32, #tpu.memory_space<vmem_shared>>) offsets(%dma_start3A_167 : memref<128xi32, #tpu.memory_space<vmem>>) semaphore(%arg12 : memref<!tpu.dma_semaphore, #tpu.memory_space<semaphore_mem>>) {add = true}
      %mul3A_171 = arith.constant 4 : i32
      %mul3A_172 = arith.muli %mul3A_171, %while3A_81 : i32
      %add3A_173 = arith.constant 3 : i32
      %add3A_174 = arith.addi %mul3A_172, %add3A_173 : i32
      %ge3A_175 = arith.constant 3 : i32
      %ge3A_176 = arith.cmpi sge, %add3A_174, %ge3A_175 : i32
      %convert_element_type3A_177 = arith.extui %ge3A_176 : i1 to i32
      %cond3A_178 = arith.constant 0 : i32
      %cond3A_179 = arith.cmpi ne, %convert_element_type3A_177, %cond3A_178 : i32
      scf.if %cond3A_179 {
        %dma_wait3A_202 = arith.constant 0 : i32
        %dma_wait3A_203 = arith.constant 1 : i32
        %dma_wait3A_204 = arith.constant 0 : i32
        %dma_wait3A_205 = tpu.memref_slice %arg5[%dma_wait3A_202, %dma_wait3A_203, %dma_wait3A_204] : memref<4x2x128xi32, #tpu.memory_space<vmem>> -> memref<1x1x128xi32, #tpu.memory_space<vmem>>
        %dma_wait3A_206 = tpu.memref_squeeze %dma_wait3A_205 : memref<1x1x128xi32, #tpu.memory_space<vmem>> -> memref<128xi32, #tpu.memory_space<vmem>>
        %dma_wait3A_207 = arith.constant 0 : i32
        %dma_wait3A_208 = arith.constant 0 : i32
        %dma_wait3A_209 = tpu.memref_slice %arg10[%dma_wait3A_207, %dma_wait3A_208] : memref<10240x16xf32, #tpu.memory_space<vmem_shared>> -> memref<10240x16xf32, #tpu.memory_space<vmem_shared>>
        tpu.wait_indirect_dma semaphore(%arg12 : memref<!tpu.dma_semaphore, #tpu.memory_space<semaphore_mem>>) src(%arg6 : memref<128x16xf32, #tpu.memory_space<vmem>>) dst(%dma_wait3A_209 : memref<10240x16xf32, #tpu.memory_space<vmem_shared>>)
      } else {
      }
      %add3A_180 = arith.constant 1 : i32
      %add3A_181 = arith.addi %add3A_174, %add3A_180 : i32
      %lt3A_182 = arith.cmpi slt, %add3A_181, %select_n3A : i32
      %convert_element_type3A_183 = arith.extui %lt3A_182 : i1 to i32
      %cond3A_184 = arith.constant 0 : i32
      %cond3A_185 = arith.cmpi ne, %convert_element_type3A_183, %cond3A_184 : i32
      scf.if %cond3A_185 {
        %add3A_202 = arith.addi %add3A_22, %add3A_174 : i32
        %add3A_203 = arith.constant 1 : i32
        %add3A_204 = arith.addi %add3A_202, %add3A_203 : i32
        %run_scoped3A_205 = arith.constant 0 : i32
        "tpu.region"() ({
          %run_scoped3A_214 = tpu.sem_alloc : memref<!tpu.dma_semaphore, #tpu.memory_space<semaphore_mem>>
          %dma_start3A_215 = arith.constant 0 : i32
          %dma_start3A_216 = arith.constant 0 : i32
          %dma_start3A_217 = tpu.memref_slice %arg5[%run_scoped3A_205, %dma_start3A_215, %dma_start3A_216] : memref<4x2x128xi32, #tpu.memory_space<vmem>> -> memref<1x2x128xi32, #tpu.memory_space<vmem>>
          %dma_start3A_218 = tpu.memref_squeeze %dma_start3A_217 : memref<1x2x128xi32, #tpu.memory_space<vmem>> -> memref<2x128xi32, #tpu.memory_space<vmem>>
          %dma_start3A_219 = arith.constant 0 : i32
          %dma_start3A_220 = arith.constant 0 : i32
          %dma_start3A_221 = tpu.memref_slice %arg3[%add3A_204, %dma_start3A_219, %dma_start3A_220] : memref<2560x2x128xi32, #tpu.memory_space<hbm>> -> memref<1x2x128xi32, #tpu.memory_space<hbm>>
          %dma_start3A_222 = tpu.memref_squeeze %dma_start3A_221 : memref<1x2x128xi32, #tpu.memory_space<hbm>> -> memref<2x128xi32, #tpu.memory_space<hbm>>
          %dma_start3A_223 = arith.constant 0 : i32
          %dma_start3A_224 = arith.constant 0 : i32
          %dma_start3A_225 = tpu.memref_slice %arg5[%run_scoped3A_205, %dma_start3A_223, %dma_start3A_224] : memref<4x2x128xi32, #tpu.memory_space<vmem>> -> memref<1x2x128xi32, #tpu.memory_space<vmem>>
          %dma_start3A_226 = tpu.memref_squeeze %dma_start3A_225 : memref<1x2x128xi32, #tpu.memory_space<vmem>> -> memref<2x128xi32, #tpu.memory_space<vmem>>
          %dma_start3A_227 = arith.constant 0 : i32
          %dma_start3A_228 = arith.constant 0 : i32
          %dma_start3A_229 = tpu.memref_slice %arg3[%add3A_204, %dma_start3A_227, %dma_start3A_228] : memref<2560x2x128xi32, #tpu.memory_space<hbm>> -> memref<1x2x128xi32, #tpu.memory_space<hbm>>
          %dma_start3A_230 = tpu.memref_squeeze %dma_start3A_229 : memref<1x2x128xi32, #tpu.memory_space<hbm>> -> memref<2x128xi32, #tpu.memory_space<hbm>>
          tpu.enqueue_dma source(%dma_start3A_230 : memref<2x128xi32, #tpu.memory_space<hbm>>) target(%dma_start3A_226 : memref<2x128xi32, #tpu.memory_space<vmem>>) target_semaphore(%run_scoped3A_214 : memref<!tpu.dma_semaphore, #tpu.memory_space<semaphore_mem>>)
          %dma_wait3A_231 = arith.constant 0 : i32
          %dma_wait3A_232 = arith.constant 0 : i32
          %dma_wait3A_233 = tpu.memref_slice %arg5[%run_scoped3A_205, %dma_wait3A_231, %dma_wait3A_232] : memref<4x2x128xi32, #tpu.memory_space<vmem>> -> memref<1x2x128xi32, #tpu.memory_space<vmem>>
          %dma_wait3A_234 = tpu.memref_squeeze %dma_wait3A_233 : memref<1x2x128xi32, #tpu.memory_space<vmem>> -> memref<2x128xi32, #tpu.memory_space<vmem>>
          %dma_wait3A_235 = arith.constant 0 : i32
          %dma_wait3A_236 = arith.constant 0 : i32
          %dma_wait3A_237 = tpu.memref_slice %arg3[%add3A_204, %dma_wait3A_235, %dma_wait3A_236] : memref<2560x2x128xi32, #tpu.memory_space<hbm>> -> memref<1x2x128xi32, #tpu.memory_space<hbm>>
          %dma_wait3A_238 = tpu.memref_squeeze %dma_wait3A_237 : memref<1x2x128xi32, #tpu.memory_space<hbm>> -> memref<2x128xi32, #tpu.memory_space<hbm>>
          %dma_wait3A_239 = arith.constant 0 : i32
          %dma_wait3A_240 = arith.constant 0 : i32
          %dma_wait3A_241 = tpu.memref_slice %arg5[%run_scoped3A_205, %dma_wait3A_239, %dma_wait3A_240] : memref<4x2x128xi32, #tpu.memory_space<vmem>> -> memref<1x2x128xi32, #tpu.memory_space<vmem>>
          %dma_wait3A_242 = tpu.memref_squeeze %dma_wait3A_241 : memref<1x2x128xi32, #tpu.memory_space<vmem>> -> memref<2x128xi32, #tpu.memory_space<vmem>>
          %dma_wait3A_243 = arith.constant 0 : i32
          %dma_wait3A_244 = arith.constant 0 : i32
          %dma_wait3A_245 = tpu.memref_slice %arg3[%add3A_204, %dma_wait3A_243, %dma_wait3A_244] : memref<2560x2x128xi32, #tpu.memory_space<hbm>> -> memref<1x2x128xi32, #tpu.memory_space<hbm>>
          %dma_wait3A_246 = tpu.memref_squeeze %dma_wait3A_245 : memref<1x2x128xi32, #tpu.memory_space<hbm>> -> memref<2x128xi32, #tpu.memory_space<hbm>>
          tpu.wait_dma2 semaphore(%run_scoped3A_214 : memref<!tpu.dma_semaphore, #tpu.memory_space<semaphore_mem>>) src(%dma_wait3A_246 : memref<2x128xi32, #tpu.memory_space<hbm>>) dst(%dma_wait3A_242 : memref<2x128xi32, #tpu.memory_space<vmem>>)
          tpu.yield
        }) : () -> ()
        %dma_start3A_206 = arith.constant 0 : i32
        %dma_start3A_207 = arith.constant 0 : i32
        %dma_start3A_208 = arith.constant 0 : i32
        %dma_start3A_209 = tpu.memref_slice %arg5[%dma_start3A_206, %dma_start3A_207, %dma_start3A_208] : memref<4x2x128xi32, #tpu.memory_space<vmem>> -> memref<1x1x128xi32, #tpu.memory_space<vmem>>
        %dma_start3A_210 = tpu.memref_squeeze %dma_start3A_209 : memref<1x1x128xi32, #tpu.memory_space<vmem>> -> memref<128xi32, #tpu.memory_space<vmem>>
        %dma_start3A_211 = arith.constant 0 : i32
        %dma_start3A_212 = arith.constant 0 : i32
        %dma_start3A_213 = tpu.memref_slice %arg2[%dma_start3A_211, %dma_start3A_212] : memref<10000x16xf32, #tpu.memory_space<hbm>> -> memref<10000x16xf32, #tpu.memory_space<hbm>>
        tpu.enqueue_indirect_dma source(%dma_start3A_213 : memref<10000x16xf32, #tpu.memory_space<hbm>>) target(%arg6 : memref<128x16xf32, #tpu.memory_space<vmem>>) offsets(%dma_start3A_210 : memref<128xi32, #tpu.memory_space<vmem>>) semaphore(%arg11 : memref<!tpu.dma_semaphore, #tpu.memory_space<semaphore_mem>>)
      } else {
      }
      %dma_wait3A_186 = arith.constant 3 : i32
      %dma_wait3A_187 = arith.constant 0 : i32
      %dma_wait3A_188 = arith.constant 0 : i32
      %dma_wait3A_189 = tpu.memref_slice %arg5[%dma_wait3A_186, %dma_wait3A_187, %dma_wait3A_188] : memref<4x2x128xi32, #tpu.memory_space<vmem>> -> memref<1x1x128xi32, #tpu.memory_space<vmem>>
      %dma_wait3A_190 = tpu.memref_squeeze %dma_wait3A_189 : memref<1x1x128xi32, #tpu.memory_space<vmem>> -> memref<128xi32, #tpu.memory_space<vmem>>
      %dma_wait3A_191 = arith.constant 0 : i32
      %dma_wait3A_192 = arith.constant 0 : i32
      %dma_wait3A_193 = tpu.memref_slice %arg2[%dma_wait3A_191, %dma_wait3A_192] : memref<10000x16xf32, #tpu.memory_space<hbm>> -> memref<10000x16xf32, #tpu.memory_space<hbm>>
      tpu.wait_indirect_dma semaphore(%arg11 : memref<!tpu.dma_semaphore, #tpu.memory_space<semaphore_mem>>) src(%dma_wait3A_193 : memref<10000x16xf32, #tpu.memory_space<hbm>>) dst(%arg9 : memref<128x16xf32, #tpu.memory_space<vmem>>)
      %dma_start3A_194 = arith.constant 3 : i32
      %dma_start3A_195 = arith.constant 1 : i32
      %dma_start3A_196 = arith.constant 0 : i32
      %dma_start3A_197 = tpu.memref_slice %arg5[%dma_start3A_194, %dma_start3A_195, %dma_start3A_196] : memref<4x2x128xi32, #tpu.memory_space<vmem>> -> memref<1x1x128xi32, #tpu.memory_space<vmem>>
      %dma_start3A_198 = tpu.memref_squeeze %dma_start3A_197 : memref<1x1x128xi32, #tpu.memory_space<vmem>> -> memref<128xi32, #tpu.memory_space<vmem>>
      %dma_start3A_199 = arith.constant 0 : i32
      %dma_start3A_200 = arith.constant 0 : i32
      %dma_start3A_201 = tpu.memref_slice %arg10[%dma_start3A_199, %dma_start3A_200] : memref<10240x16xf32, #tpu.memory_space<vmem_shared>> -> memref<10240x16xf32, #tpu.memory_space<vmem_shared>>
      tpu.enqueue_indirect_dma source(%arg9 : memref<128x16xf32, #tpu.memory_space<vmem>>) target(%dma_start3A_201 : memref<10240x16xf32, #tpu.memory_space<vmem_shared>>) offsets(%dma_start3A_198 : memref<128xi32, #tpu.memory_space<vmem>>) semaphore(%arg12 : memref<!tpu.dma_semaphore, #tpu.memory_space<semaphore_mem>>) {add = true}
    }
    %dma_wait3A = arith.constant 0 : i32
    %dma_wait3A_57 = arith.constant 1 : i32
    %dma_wait3A_58 = arith.constant 0 : i32
    %dma_wait3A_59 = tpu.memref_slice %arg5[%dma_wait3A, %dma_wait3A_57, %dma_wait3A_58] : memref<4x2x128xi32, #tpu.memory_space<vmem>> -> memref<1x1x128xi32, #tpu.memory_space<vmem>>
    %dma_wait3A_60 = tpu.memref_squeeze %dma_wait3A_59 : memref<1x1x128xi32, #tpu.memory_space<vmem>> -> memref<128xi32, #tpu.memory_space<vmem>>
    %dma_wait3A_61 = arith.constant 0 : i32
    %dma_wait3A_62 = arith.constant 0 : i32
    %dma_wait3A_63 = tpu.memref_slice %arg10[%dma_wait3A_61, %dma_wait3A_62] : memref<10240x16xf32, #tpu.memory_space<vmem_shared>> -> memref<10240x16xf32, #tpu.memory_space<vmem_shared>>
    tpu.wait_indirect_dma semaphore(%arg12 : memref<!tpu.dma_semaphore, #tpu.memory_space<semaphore_mem>>) src(%arg6 : memref<128x16xf32, #tpu.memory_space<vmem>>) dst(%dma_wait3A_63 : memref<10240x16xf32, #tpu.memory_space<vmem_shared>>)
    %dma_wait3A_64 = arith.constant 1 : i32
    %dma_wait3A_65 = arith.constant 1 : i32
    %dma_wait3A_66 = arith.constant 0 : i32
    %dma_wait3A_67 = tpu.memref_slice %arg5[%dma_wait3A_64, %dma_wait3A_65, %dma_wait3A_66] : memref<4x2x128xi32, #tpu.memory_space<vmem>> -> memref<1x1x128xi32, #tpu.memory_space<vmem>>
    %dma_wait3A_68 = tpu.memref_squeeze %dma_wait3A_67 : memref<1x1x128xi32, #tpu.memory_space<vmem>> -> memref<128xi32, #tpu.memory_space<vmem>>
    %dma_wait3A_69 = arith.constant 0 : i32
    %dma_wait3A_70 = arith.constant 0 : i32
    %dma_wait3A_71 = tpu.memref_slice %arg10[%dma_wait3A_69, %dma_wait3A_70] : memref<10240x16xf32, #tpu.memory_space<vmem_shared>> -> memref<10240x16xf32, #tpu.memory_space<vmem_shared>>
    tpu.wait_indirect_dma semaphore(%arg12 : memref<!tpu.dma_semaphore, #tpu.memory_space<semaphore_mem>>) src(%arg7 : memref<128x16xf32, #tpu.memory_space<vmem>>) dst(%dma_wait3A_71 : memref<10240x16xf32, #tpu.memory_space<vmem_shared>>)
    %dma_wait3A_72 = arith.constant 2 : i32
    %dma_wait3A_73 = arith.constant 1 : i32
    %dma_wait3A_74 = arith.constant 0 : i32
    %dma_wait3A_75 = tpu.memref_slice %arg5[%dma_wait3A_72, %dma_wait3A_73, %dma_wait3A_74] : memref<4x2x128xi32, #tpu.memory_space<vmem>> -> memref<1x1x128xi32, #tpu.memory_space<vmem>>
    %dma_wait3A_76 = tpu.memref_squeeze %dma_wait3A_75 : memref<1x1x128xi32, #tpu.memory_space<vmem>> -> memref<128xi32, #tpu.memory_space<vmem>>
    %dma_wait3A_77 = arith.constant 0 : i32
    %dma_wait3A_78 = arith.constant 0 : i32
    %dma_wait3A_79 = tpu.memref_slice %arg10[%dma_wait3A_77, %dma_wait3A_78] : memref<10240x16xf32, #tpu.memory_space<vmem_shared>> -> memref<10240x16xf32, #tpu.memory_space<vmem_shared>>
    tpu.wait_indirect_dma semaphore(%arg12 : memref<!tpu.dma_semaphore, #tpu.memory_space<semaphore_mem>>) src(%arg8 : memref<128x16xf32, #tpu.memory_space<vmem>>) dst(%dma_wait3A_79 : memref<10240x16xf32, #tpu.memory_space<vmem_shared>>)
    %barrier3A_80 = arith.constant 0 : index
    tpu.barrier barrier_id(%barrier3A_80)
    "tpu.region"() ({
      %run_scoped3A_81 = tpu.sem_alloc : memref<!tpu.dma_semaphore, #tpu.memory_space<semaphore_mem>>
      %dma_start3A_82 = arith.constant 0 : i32
      %dma_start3A_83 = tpu.memref_slice %arg4[%arg0, %mul3A_5, %dma_start3A_82] : memref<2x10240x16xf32, #tpu.memory_space<hbm>> -> memref<1x640x16xf32, #tpu.memory_space<hbm>>
      %dma_start3A_84 = tpu.memref_squeeze %dma_start3A_83 : memref<1x640x16xf32, #tpu.memory_space<hbm>> -> memref<640x16xf32, #tpu.memory_space<hbm>>
      %dma_start3A_85 = arith.constant 0 : i32
      %dma_start3A_86 = tpu.memref_slice %arg10[%mul3A_5, %dma_start3A_85] : memref<10240x16xf32, #tpu.memory_space<vmem_shared>> -> memref<640x16xf32, #tpu.memory_space<vmem_shared>>
      tpu.enqueue_dma source(%dma_start3A_86 : memref<640x16xf32, #tpu.memory_space<vmem_shared>>) target(%dma_start3A_84 : memref<640x16xf32, #tpu.memory_space<hbm>>) target_semaphore(%run_scoped3A_81 : memref<!tpu.dma_semaphore, #tpu.memory_space<semaphore_mem>>)
      %dma_wait3A_87 = arith.constant 0 : i32
      %dma_wait3A_88 = tpu.memref_slice %arg4[%arg0, %mul3A_5, %dma_wait3A_87] : memref<2x10240x16xf32, #tpu.memory_space<hbm>> -> memref<1x640x16xf32, #tpu.memory_space<hbm>>
      %dma_wait3A_89 = tpu.memref_squeeze %dma_wait3A_88 : memref<1x640x16xf32, #tpu.memory_space<hbm>> -> memref<640x16xf32, #tpu.memory_space<hbm>>
      %dma_wait3A_90 = arith.constant 0 : i32
      %dma_wait3A_91 = tpu.memref_slice %arg10[%mul3A_5, %dma_wait3A_90] : memref<10240x16xf32, #tpu.memory_space<vmem_shared>> -> memref<640x16xf32, #tpu.memory_space<vmem_shared>>
      tpu.wait_dma2 semaphore(%run_scoped3A_81 : memref<!tpu.dma_semaphore, #tpu.memory_space<semaphore_mem>>) src(%dma_wait3A_91 : memref<640x16xf32, #tpu.memory_space<vmem_shared>>) dst(%dma_wait3A_89 : memref<640x16xf32, #tpu.memory_space<hbm>>)
      tpu.yield
    }) : () -> ()
    return
  }
}

#map = affine_map<(d0, d1) -> (0, 0)>
#map1 = affine_map<(d0, d1) -> (0, 0, 0)>
module attributes {stable_mosaic.version = 14 : i64} {
  func.func @agg(%arg0: i32, %arg1: i32, %arg2: memref<10000x128xf32, #tpu.memory_space<hbm>>, %arg3: memref<2560x2x128xi32, #tpu.memory_space<hbm>>, %arg4: memref<2x10240x128xf32, #tpu.memory_space<hbm>>, %arg5: memref<2x2x128xi32, #tpu.memory_space<vmem>>, %arg6: memref<128x128xf32, #tpu.memory_space<vmem>>, %arg7: memref<128x128xf32, #tpu.memory_space<vmem>>, %arg8: memref<10240x128xf32, #tpu.memory_space<vmem_shared>>, %arg9: memref<!tpu.dma_semaphore, #tpu.memory_space<semaphore_mem>>, %arg10: memref<!tpu.dma_semaphore, #tpu.memory_space<semaphore_mem>>) attributes {dimension_semantics = [#tpu.dimension_semantics<core_parallel>, #tpu.dimension_semantics<subcore_parallel>], iteration_bounds = array<i64: 2, 16>, scalar_prefetch = 0 : i64, scratch_operands = 6 : i64, tpu.core_type = #tpu.core_type<sc_vector_subcore>, window_params = [{transform_indices = #map}, {transform_indices = #map1}, {transform_indices = #map1}]} {
    %scan3A = arith.constant 0 : i32
    %scan3A_0 = arith.constant 0 : i32
    %scan3A_1 = arith.constant 1024 : i32
    %scan3A_2 = arith.addi %scan3A_0, %scan3A_1 : i32
    %scan3A_3 = arith.constant 1 : i32
    scf.for %scan3A_65 = %scan3A_0 to %scan3A_2 step %scan3A_3  : i32 {
      %jit3A_66 = arith.constant 8 : i32
      %div3A_67 = arith.divsi %scan3A_65, %jit3A_66 : i32
      %sign3A_68 = arith.constant 0 : i32
      %sign3A_69 = arith.cmpi sgt, %scan3A_65, %sign3A_68 : i32
      %sign3A_70 = arith.extui %sign3A_69 : i1 to i32
      %sign3A_71 = arith.constant 0 : i32
      %sign3A_72 = arith.cmpi slt, %scan3A_65, %sign3A_71 : i32
      %sign3A_73 = arith.extui %sign3A_72 : i1 to i32
      %sign3A_74 = arith.subi %sign3A_70, %sign3A_73 : i32
      %sign3A_75 = arith.constant 0 : i32
      %sign3A_76 = arith.cmpi sgt, %jit3A_66, %sign3A_75 : i32
      %sign3A_77 = arith.extui %sign3A_76 : i1 to i32
      %sign3A_78 = arith.constant 0 : i32
      %sign3A_79 = arith.cmpi slt, %jit3A_66, %sign3A_78 : i32
      %sign3A_80 = arith.extui %sign3A_79 : i1 to i32
      %sign3A_81 = arith.subi %sign3A_77, %sign3A_80 : i32
      %ne3A_82 = arith.cmpi ne, %sign3A_74, %sign3A_81 : i32
      %rem3A_83 = arith.remsi %scan3A_65, %jit3A_66 : i32
      %ne3A_84 = arith.constant 0 : i32
      %ne3A_85 = arith.cmpi ne, %rem3A_83, %ne3A_84 : i32
      %and3A_86 = arith.andi %ne3A_82, %ne3A_85 : i1
      %sub3A_87 = arith.constant 1 : i32
      %sub3A_88 = arith.subi %div3A_67, %sub3A_87 : i32
      %select_n3A_89 = arith.select %and3A_86, %sub3A_88, %div3A_67 : i32
      %jit3A_90 = arith.constant 8 : i32
      %eq3A_91 = arith.constant 0 : i32
      %eq3A_92 = arith.cmpi eq, %jit3A_90, %eq3A_91 : i32
      %jit3A_93 = arith.constant 1 : i32
      %select_n3A_94 = arith.select %eq3A_92, %jit3A_93, %jit3A_90 : i32
      %rem3A_95 = arith.remsi %scan3A_65, %select_n3A_94 : i32
      %ne3A_96 = arith.constant 0 : i32
      %ne3A_97 = arith.cmpi ne, %rem3A_95, %ne3A_96 : i32
      %lt3A = arith.constant 0 : i32
      %lt3A_98 = arith.cmpi slt, %rem3A_95, %lt3A : i32
      %lt3A_99 = arith.constant 0 : i32
      %lt3A_100 = arith.cmpi slt, %select_n3A_94, %lt3A_99 : i32
      %ne3A_101 = arith.xori %lt3A_98, %lt3A_100 : i1
      %and3A_102 = arith.andi %ne3A_101, %ne3A_97 : i1
      %add3A_103 = arith.addi %rem3A_95, %select_n3A_94 : i32
      %select_n3A_104 = arith.select %and3A_102, %add3A_103, %rem3A_95 : i32
      %broadcast_in_dim3A = arith.constant 0.000000e+00 : f32
      %broadcast_in_dim3A_105 = vector.broadcast %broadcast_in_dim3A : f32 to vector<16xf32>
      %mul3A_106 = arith.constant 16 : i32
      %mul3A_107 = arith.muli %select_n3A_104, %mul3A_106 : i32
      %swap3A = arith.index_cast %select_n3A_89 : i32 to index
      %swap3A_108 = arith.index_cast %mul3A_107 : i32 to index
      %swap3A_109 = tpu.vector_load %arg6[%swap3A, %swap3A_108] {strides = array<i32>} : memref<128x128xf32, #tpu.memory_space<vmem>>, vector<1x16xf32>,
      %swap3A_110 = vector.shape_cast %swap3A_109 : vector<1x16xf32> to vector<16xf32>
      %swap3A_111 = vector.shape_cast %broadcast_in_dim3A_105 : vector<16xf32> to vector<1x16xf32>
      tpu.vector_store %arg6[%swap3A, %swap3A_108], %swap3A_111 {strides = array<i32>} : memref<128x128xf32, #tpu.memory_space<vmem>>, vector<1x16xf32>,
    }
    %scan3A_4 = arith.constant 1024 : i32
    %mul3A = arith.constant 640 : i32
    %mul3A_5 = arith.muli %arg1, %mul3A : i32
    %add3A = arith.constant 0 : i32
    %add3A_6 = arith.addi %mul3A_5, %add3A : i32
    "tpu.region"() ({
      %run_scoped3A_65 = tpu.sem_alloc : memref<!tpu.dma_semaphore, #tpu.memory_space<semaphore_mem>>
      %dma_start3A_66 = arith.constant 0 : i32
      %dma_start3A_67 = tpu.memref_slice %arg8[%add3A_6, %dma_start3A_66] : memref<10240x128xf32, #tpu.memory_space<vmem_shared>> -> memref<128x128xf32, #tpu.memory_space<vmem_shared>>
      %dma_start3A_68 = arith.constant 0 : i32
      %dma_start3A_69 = tpu.memref_slice %arg8[%add3A_6, %dma_start3A_68] : memref<10240x128xf32, #tpu.memory_space<vmem_shared>> -> memref<128x128xf32, #tpu.memory_space<vmem_shared>>
      tpu.enqueue_dma source(%arg6 : memref<128x128xf32, #tpu.memory_space<vmem>>) target(%dma_start3A_69 : memref<128x128xf32, #tpu.memory_space<vmem_shared>>) target_semaphore(%run_scoped3A_65 : memref<!tpu.dma_semaphore, #tpu.memory_space<semaphore_mem>>)
      %dma_wait3A_70 = arith.constant 0 : i32
      %dma_wait3A_71 = tpu.memref_slice %arg8[%add3A_6, %dma_wait3A_70] : memref<10240x128xf32, #tpu.memory_space<vmem_shared>> -> memref<128x128xf32, #tpu.memory_space<vmem_shared>>
      %dma_wait3A_72 = arith.constant 0 : i32
      %dma_wait3A_73 = tpu.memref_slice %arg8[%add3A_6, %dma_wait3A_72] : memref<10240x128xf32, #tpu.memory_space<vmem_shared>> -> memref<128x128xf32, #tpu.memory_space<vmem_shared>>
      tpu.wait_dma2 semaphore(%run_scoped3A_65 : memref<!tpu.dma_semaphore, #tpu.memory_space<semaphore_mem>>) src(%arg6 : memref<128x128xf32, #tpu.memory_space<vmem>>) dst(%dma_wait3A_73 : memref<128x128xf32, #tpu.memory_space<vmem_shared>>)
      tpu.yield
    }) : () -> ()
    %add3A_7 = arith.constant 128 : i32
    %add3A_8 = arith.addi %mul3A_5, %add3A_7 : i32
    "tpu.region"() ({
      %run_scoped3A_65 = tpu.sem_alloc : memref<!tpu.dma_semaphore, #tpu.memory_space<semaphore_mem>>
      %dma_start3A_66 = arith.constant 0 : i32
      %dma_start3A_67 = tpu.memref_slice %arg8[%add3A_8, %dma_start3A_66] : memref<10240x128xf32, #tpu.memory_space<vmem_shared>> -> memref<128x128xf32, #tpu.memory_space<vmem_shared>>
      %dma_start3A_68 = arith.constant 0 : i32
      %dma_start3A_69 = tpu.memref_slice %arg8[%add3A_8, %dma_start3A_68] : memref<10240x128xf32, #tpu.memory_space<vmem_shared>> -> memref<128x128xf32, #tpu.memory_space<vmem_shared>>
      tpu.enqueue_dma source(%arg6 : memref<128x128xf32, #tpu.memory_space<vmem>>) target(%dma_start3A_69 : memref<128x128xf32, #tpu.memory_space<vmem_shared>>) target_semaphore(%run_scoped3A_65 : memref<!tpu.dma_semaphore, #tpu.memory_space<semaphore_mem>>)
      %dma_wait3A_70 = arith.constant 0 : i32
      %dma_wait3A_71 = tpu.memref_slice %arg8[%add3A_8, %dma_wait3A_70] : memref<10240x128xf32, #tpu.memory_space<vmem_shared>> -> memref<128x128xf32, #tpu.memory_space<vmem_shared>>
      %dma_wait3A_72 = arith.constant 0 : i32
      %dma_wait3A_73 = tpu.memref_slice %arg8[%add3A_8, %dma_wait3A_72] : memref<10240x128xf32, #tpu.memory_space<vmem_shared>> -> memref<128x128xf32, #tpu.memory_space<vmem_shared>>
      tpu.wait_dma2 semaphore(%run_scoped3A_65 : memref<!tpu.dma_semaphore, #tpu.memory_space<semaphore_mem>>) src(%arg6 : memref<128x128xf32, #tpu.memory_space<vmem>>) dst(%dma_wait3A_73 : memref<128x128xf32, #tpu.memory_space<vmem_shared>>)
      tpu.yield
    }) : () -> ()
    %add3A_9 = arith.constant 256 : i32
    %add3A_10 = arith.addi %mul3A_5, %add3A_9 : i32
    "tpu.region"() ({
      %run_scoped3A_65 = tpu.sem_alloc : memref<!tpu.dma_semaphore, #tpu.memory_space<semaphore_mem>>
      %dma_start3A_66 = arith.constant 0 : i32
      %dma_start3A_67 = tpu.memref_slice %arg8[%add3A_10, %dma_start3A_66] : memref<10240x128xf32, #tpu.memory_space<vmem_shared>> -> memref<128x128xf32, #tpu.memory_space<vmem_shared>>
      %dma_start3A_68 = arith.constant 0 : i32
      %dma_start3A_69 = tpu.memref_slice %arg8[%add3A_10, %dma_start3A_68] : memref<10240x128xf32, #tpu.memory_space<vmem_shared>> -> memref<128x128xf32, #tpu.memory_space<vmem_shared>>
      tpu.enqueue_dma source(%arg6 : memref<128x128xf32, #tpu.memory_space<vmem>>) target(%dma_start3A_69 : memref<128x128xf32, #tpu.memory_space<vmem_shared>>) target_semaphore(%run_scoped3A_65 : memref<!tpu.dma_semaphore, #tpu.memory_space<semaphore_mem>>)
      %dma_wait3A_70 = arith.constant 0 : i32
      %dma_wait3A_71 = tpu.memref_slice %arg8[%add3A_10, %dma_wait3A_70] : memref<10240x128xf32, #tpu.memory_space<vmem_shared>> -> memref<128x128xf32, #tpu.memory_space<vmem_shared>>
      %dma_wait3A_72 = arith.constant 0 : i32
      %dma_wait3A_73 = tpu.memref_slice %arg8[%add3A_10, %dma_wait3A_72] : memref<10240x128xf32, #tpu.memory_space<vmem_shared>> -> memref<128x128xf32, #tpu.memory_space<vmem_shared>>
      tpu.wait_dma2 semaphore(%run_scoped3A_65 : memref<!tpu.dma_semaphore, #tpu.memory_space<semaphore_mem>>) src(%arg6 : memref<128x128xf32, #tpu.memory_space<vmem>>) dst(%dma_wait3A_73 : memref<128x128xf32, #tpu.memory_space<vmem_shared>>)
      tpu.yield
    }) : () -> ()
    %add3A_11 = arith.constant 384 : i32
    %add3A_12 = arith.addi %mul3A_5, %add3A_11 : i32
    "tpu.region"() ({
      %run_scoped3A_65 = tpu.sem_alloc : memref<!tpu.dma_semaphore, #tpu.memory_space<semaphore_mem>>
      %dma_start3A_66 = arith.constant 0 : i32
      %dma_start3A_67 = tpu.memref_slice %arg8[%add3A_12, %dma_start3A_66] : memref<10240x128xf32, #tpu.memory_space<vmem_shared>> -> memref<128x128xf32, #tpu.memory_space<vmem_shared>>
      %dma_start3A_68 = arith.constant 0 : i32
      %dma_start3A_69 = tpu.memref_slice %arg8[%add3A_12, %dma_start3A_68] : memref<10240x128xf32, #tpu.memory_space<vmem_shared>> -> memref<128x128xf32, #tpu.memory_space<vmem_shared>>
      tpu.enqueue_dma source(%arg6 : memref<128x128xf32, #tpu.memory_space<vmem>>) target(%dma_start3A_69 : memref<128x128xf32, #tpu.memory_space<vmem_shared>>) target_semaphore(%run_scoped3A_65 : memref<!tpu.dma_semaphore, #tpu.memory_space<semaphore_mem>>)
      %dma_wait3A_70 = arith.constant 0 : i32
      %dma_wait3A_71 = tpu.memref_slice %arg8[%add3A_12, %dma_wait3A_70] : memref<10240x128xf32, #tpu.memory_space<vmem_shared>> -> memref<128x128xf32, #tpu.memory_space<vmem_shared>>
      %dma_wait3A_72 = arith.constant 0 : i32
      %dma_wait3A_73 = tpu.memref_slice %arg8[%add3A_12, %dma_wait3A_72] : memref<10240x128xf32, #tpu.memory_space<vmem_shared>> -> memref<128x128xf32, #tpu.memory_space<vmem_shared>>
      tpu.wait_dma2 semaphore(%run_scoped3A_65 : memref<!tpu.dma_semaphore, #tpu.memory_space<semaphore_mem>>) src(%arg6 : memref<128x128xf32, #tpu.memory_space<vmem>>) dst(%dma_wait3A_73 : memref<128x128xf32, #tpu.memory_space<vmem_shared>>)
      tpu.yield
    }) : () -> ()
    %add3A_13 = arith.constant 512 : i32
    %add3A_14 = arith.addi %mul3A_5, %add3A_13 : i32
    "tpu.region"() ({
      %run_scoped3A_65 = tpu.sem_alloc : memref<!tpu.dma_semaphore, #tpu.memory_space<semaphore_mem>>
      %dma_start3A_66 = arith.constant 0 : i32
      %dma_start3A_67 = tpu.memref_slice %arg8[%add3A_14, %dma_start3A_66] : memref<10240x128xf32, #tpu.memory_space<vmem_shared>> -> memref<128x128xf32, #tpu.memory_space<vmem_shared>>
      %dma_start3A_68 = arith.constant 0 : i32
      %dma_start3A_69 = tpu.memref_slice %arg8[%add3A_14, %dma_start3A_68] : memref<10240x128xf32, #tpu.memory_space<vmem_shared>> -> memref<128x128xf32, #tpu.memory_space<vmem_shared>>
      tpu.enqueue_dma source(%arg6 : memref<128x128xf32, #tpu.memory_space<vmem>>) target(%dma_start3A_69 : memref<128x128xf32, #tpu.memory_space<vmem_shared>>) target_semaphore(%run_scoped3A_65 : memref<!tpu.dma_semaphore, #tpu.memory_space<semaphore_mem>>)
      %dma_wait3A_70 = arith.constant 0 : i32
      %dma_wait3A_71 = tpu.memref_slice %arg8[%add3A_14, %dma_wait3A_70] : memref<10240x128xf32, #tpu.memory_space<vmem_shared>> -> memref<128x128xf32, #tpu.memory_space<vmem_shared>>
      %dma_wait3A_72 = arith.constant 0 : i32
      %dma_wait3A_73 = tpu.memref_slice %arg8[%add3A_14, %dma_wait3A_72] : memref<10240x128xf32, #tpu.memory_space<vmem_shared>> -> memref<128x128xf32, #tpu.memory_space<vmem_shared>>
      tpu.wait_dma2 semaphore(%run_scoped3A_65 : memref<!tpu.dma_semaphore, #tpu.memory_space<semaphore_mem>>) src(%arg6 : memref<128x128xf32, #tpu.memory_space<vmem>>) dst(%dma_wait3A_73 : memref<128x128xf32, #tpu.memory_space<vmem_shared>>)
      tpu.yield
    }) : () -> ()
    %barrier3A = arith.constant 0 : index
    tpu.barrier barrier_id(%barrier3A)
    %eq3A = arith.constant 0 : i32
    %eq3A_15 = arith.cmpi eq, %arg0, %eq3A : i32
    %jit3A = arith.constant 80 : i32
    %jit3A_16 = arith.constant 80 : i32
    %select_n3A = arith.select %eq3A_15, %jit3A, %jit3A_16 : i32
    %mul3A_17 = arith.constant 16 : i32
    %mul3A_18 = arith.muli %arg0, %mul3A_17 : i32
    %mul3A_19 = arith.constant 80 : i32
    %mul3A_20 = arith.muli %mul3A_18, %mul3A_19 : i32
    %mul3A_21 = arith.muli %arg1, %select_n3A : i32
    %add3A_22 = arith.addi %mul3A_20, %mul3A_21 : i32
    %run_scoped3A = arith.constant 0 : i32
    "tpu.region"() ({
      %run_scoped3A_65 = tpu.sem_alloc : memref<!tpu.dma_semaphore, #tpu.memory_space<semaphore_mem>>
      %dma_start3A_66 = arith.constant 0 : i32
      %dma_start3A_67 = arith.constant 0 : i32
      %dma_start3A_68 = tpu.memref_slice %arg5[%run_scoped3A, %dma_start3A_66, %dma_start3A_67] : memref<2x2x128xi32, #tpu.memory_space<vmem>> -> memref<1x2x128xi32, #tpu.memory_space<vmem>>
      %dma_start3A_69 = tpu.memref_squeeze %dma_start3A_68 : memref<1x2x128xi32, #tpu.memory_space<vmem>> -> memref<2x128xi32, #tpu.memory_space<vmem>>
      %dma_start3A_70 = arith.constant 0 : i32
      %dma_start3A_71 = arith.constant 0 : i32
      %dma_start3A_72 = tpu.memref_slice %arg3[%add3A_22, %dma_start3A_70, %dma_start3A_71] : memref<2560x2x128xi32, #tpu.memory_space<hbm>> -> memref<1x2x128xi32, #tpu.memory_space<hbm>>
      %dma_start3A_73 = tpu.memref_squeeze %dma_start3A_72 : memref<1x2x128xi32, #tpu.memory_space<hbm>> -> memref<2x128xi32, #tpu.memory_space<hbm>>
      %dma_start3A_74 = arith.constant 0 : i32
      %dma_start3A_75 = arith.constant 0 : i32
      %dma_start3A_76 = tpu.memref_slice %arg5[%run_scoped3A, %dma_start3A_74, %dma_start3A_75] : memref<2x2x128xi32, #tpu.memory_space<vmem>> -> memref<1x2x128xi32, #tpu.memory_space<vmem>>
      %dma_start3A_77 = tpu.memref_squeeze %dma_start3A_76 : memref<1x2x128xi32, #tpu.memory_space<vmem>> -> memref<2x128xi32, #tpu.memory_space<vmem>>
      %dma_start3A_78 = arith.constant 0 : i32
      %dma_start3A_79 = arith.constant 0 : i32
      %dma_start3A_80 = tpu.memref_slice %arg3[%add3A_22, %dma_start3A_78, %dma_start3A_79] : memref<2560x2x128xi32, #tpu.memory_space<hbm>> -> memref<1x2x128xi32, #tpu.memory_space<hbm>>
      %dma_start3A_81 = tpu.memref_squeeze %dma_start3A_80 : memref<1x2x128xi32, #tpu.memory_space<hbm>> -> memref<2x128xi32, #tpu.memory_space<hbm>>
      tpu.enqueue_dma source(%dma_start3A_81 : memref<2x128xi32, #tpu.memory_space<hbm>>) target(%dma_start3A_77 : memref<2x128xi32, #tpu.memory_space<vmem>>) target_semaphore(%run_scoped3A_65 : memref<!tpu.dma_semaphore, #tpu.memory_space<semaphore_mem>>)
      %dma_wait3A_82 = arith.constant 0 : i32
      %dma_wait3A_83 = arith.constant 0 : i32
      %dma_wait3A_84 = tpu.memref_slice %arg5[%run_scoped3A, %dma_wait3A_82, %dma_wait3A_83] : memref<2x2x128xi32, #tpu.memory_space<vmem>> -> memref<1x2x128xi32, #tpu.memory_space<vmem>>
      %dma_wait3A_85 = tpu.memref_squeeze %dma_wait3A_84 : memref<1x2x128xi32, #tpu.memory_space<vmem>> -> memref<2x128xi32, #tpu.memory_space<vmem>>
      %dma_wait3A_86 = arith.constant 0 : i32
      %dma_wait3A_87 = arith.constant 0 : i32
      %dma_wait3A_88 = tpu.memref_slice %arg3[%add3A_22, %dma_wait3A_86, %dma_wait3A_87] : memref<2560x2x128xi32, #tpu.memory_space<hbm>> -> memref<1x2x128xi32, #tpu.memory_space<hbm>>
      %dma_wait3A_89 = tpu.memref_squeeze %dma_wait3A_88 : memref<1x2x128xi32, #tpu.memory_space<hbm>> -> memref<2x128xi32, #tpu.memory_space<hbm>>
      %dma_wait3A_90 = arith.constant 0 : i32
      %dma_wait3A_91 = arith.constant 0 : i32
      %dma_wait3A_92 = tpu.memref_slice %arg5[%run_scoped3A, %dma_wait3A_90, %dma_wait3A_91] : memref<2x2x128xi32, #tpu.memory_space<vmem>> -> memref<1x2x128xi32, #tpu.memory_space<vmem>>
      %dma_wait3A_93 = tpu.memref_squeeze %dma_wait3A_92 : memref<1x2x128xi32, #tpu.memory_space<vmem>> -> memref<2x128xi32, #tpu.memory_space<vmem>>
      %dma_wait3A_94 = arith.constant 0 : i32
      %dma_wait3A_95 = arith.constant 0 : i32
      %dma_wait3A_96 = tpu.memref_slice %arg3[%add3A_22, %dma_wait3A_94, %dma_wait3A_95] : memref<2560x2x128xi32, #tpu.memory_space<hbm>> -> memref<1x2x128xi32, #tpu.memory_space<hbm>>
      %dma_wait3A_97 = tpu.memref_squeeze %dma_wait3A_96 : memref<1x2x128xi32, #tpu.memory_space<hbm>> -> memref<2x128xi32, #tpu.memory_space<hbm>>
      tpu.wait_dma2 semaphore(%run_scoped3A_65 : memref<!tpu.dma_semaphore, #tpu.memory_space<semaphore_mem>>) src(%dma_wait3A_97 : memref<2x128xi32, #tpu.memory_space<hbm>>) dst(%dma_wait3A_93 : memref<2x128xi32, #tpu.memory_space<vmem>>)
      tpu.yield
    }) : () -> ()
    %dma_start3A = arith.constant 0 : i32
    %dma_start3A_23 = arith.constant 0 : i32
    %dma_start3A_24 = arith.constant 0 : i32
    %dma_start3A_25 = tpu.memref_slice %arg5[%dma_start3A, %dma_start3A_23, %dma_start3A_24] : memref<2x2x128xi32, #tpu.memory_space<vmem>> -> memref<1x1x128xi32, #tpu.memory_space<vmem>>
    %dma_start3A_26 = tpu.memref_squeeze %dma_start3A_25 : memref<1x1x128xi32, #tpu.memory_space<vmem>> -> memref<128xi32, #tpu.memory_space<vmem>>
    %dma_start3A_27 = arith.constant 0 : i32
    %dma_start3A_28 = arith.constant 0 : i32
    %dma_start3A_29 = tpu.memref_slice %arg2[%dma_start3A_27, %dma_start3A_28] : memref<10000x128xf32, #tpu.memory_space<hbm>> -> memref<10000x128xf32, #tpu.memory_space<hbm>>
    tpu.enqueue_indirect_dma source(%dma_start3A_29 : memref<10000x128xf32, #tpu.memory_space<hbm>>) target(%arg6 : memref<128x128xf32, #tpu.memory_space<vmem>>) offsets(%dma_start3A_26 : memref<128xi32, #tpu.memory_space<vmem>>) semaphore(%arg9 : memref<!tpu.dma_semaphore, #tpu.memory_space<semaphore_mem>>)
    %jit3A_30 = arith.constant 2 : i32
    %div3A = arith.divsi %select_n3A, %jit3A_30 : i32
    %sign3A = arith.constant 0 : i32
    %sign3A_31 = arith.cmpi sgt, %select_n3A, %sign3A : i32
    %sign3A_32 = arith.extui %sign3A_31 : i1 to i32
    %sign3A_33 = arith.constant 0 : i32
    %sign3A_34 = arith.cmpi slt, %select_n3A, %sign3A_33 : i32
    %sign3A_35 = arith.extui %sign3A_34 : i1 to i32
    %sign3A_36 = arith.subi %sign3A_32, %sign3A_35 : i32
    %sign3A_37 = arith.constant 0 : i32
    %sign3A_38 = arith.cmpi sgt, %jit3A_30, %sign3A_37 : i32
    %sign3A_39 = arith.extui %sign3A_38 : i1 to i32
    %sign3A_40 = arith.constant 0 : i32
    %sign3A_41 = arith.cmpi slt, %jit3A_30, %sign3A_40 : i32
    %sign3A_42 = arith.extui %sign3A_41 : i1 to i32
    %sign3A_43 = arith.subi %sign3A_39, %sign3A_42 : i32
    %ne3A = arith.cmpi ne, %sign3A_36, %sign3A_43 : i32
    %rem3A = arith.remsi %select_n3A, %jit3A_30 : i32
    %ne3A_44 = arith.constant 0 : i32
    %ne3A_45 = arith.cmpi ne, %rem3A, %ne3A_44 : i32
    %and3A = arith.andi %ne3A, %ne3A_45 : i1
    %sub3A = arith.constant 1 : i32
    %sub3A_46 = arith.subi %div3A, %sub3A : i32
    %select_n3A_47 = arith.select %and3A, %sub3A_46, %div3A : i32
    %while3A = arith.constant 0 : i32
    %while3A_48 = arith.constant 0 : i32
    %while3A_49 = arith.subi %select_n3A_47, %while3A_48 : i32
    %while3A_50 = arith.addi %while3A_48, %while3A_49 : i32
    %while3A_51 = arith.constant 1 : i32
    %while3A_52 = arith.divsi %while3A_49, %while3A_51 : i32
    %while3A_53 = arith.muli %while3A_52, %while3A_51 : i32
    %while3A_54 = arith.addi %while3A_48, %while3A_53 : i32
    %while3A_55 = arith.constant 1 : i32
    scf.for %while3A_65 = %while3A_48 to %while3A_54 step %while3A_55  : i32 {
      %mul3A_66 = arith.constant 2 : i32
      %mul3A_67 = arith.muli %mul3A_66, %while3A_65 : i32
      %add3A_68 = arith.constant 0 : i32
      %add3A_69 = arith.addi %mul3A_67, %add3A_68 : i32
      %ge3A = arith.constant 1 : i32
      %ge3A_70 = arith.cmpi sge, %add3A_69, %ge3A : i32
      %convert_element_type3A = arith.extui %ge3A_70 : i1 to i32
      %cond3A = arith.constant 0 : i32
      %cond3A_71 = arith.cmpi ne, %convert_element_type3A, %cond3A : i32
      scf.if %cond3A_71 {
        %dma_wait3A_124 = arith.constant 1 : i32
        %dma_wait3A_125 = arith.constant 1 : i32
        %dma_wait3A_126 = arith.constant 0 : i32
        %dma_wait3A_127 = tpu.memref_slice %arg5[%dma_wait3A_124, %dma_wait3A_125, %dma_wait3A_126] : memref<2x2x128xi32, #tpu.memory_space<vmem>> -> memref<1x1x128xi32, #tpu.memory_space<vmem>>
        %dma_wait3A_128 = tpu.memref_squeeze %dma_wait3A_127 : memref<1x1x128xi32, #tpu.memory_space<vmem>> -> memref<128xi32, #tpu.memory_space<vmem>>
        %dma_wait3A_129 = arith.constant 0 : i32
        %dma_wait3A_130 = arith.constant 0 : i32
        %dma_wait3A_131 = tpu.memref_slice %arg8[%dma_wait3A_129, %dma_wait3A_130] : memref<10240x128xf32, #tpu.memory_space<vmem_shared>> -> memref<10240x128xf32, #tpu.memory_space<vmem_shared>>
        tpu.wait_indirect_dma semaphore(%arg10 : memref<!tpu.dma_semaphore, #tpu.memory_space<semaphore_mem>>) src(%arg7 : memref<128x128xf32, #tpu.memory_space<vmem>>) dst(%dma_wait3A_131 : memref<10240x128xf32, #tpu.memory_space<vmem_shared>>)
      } else {
      }
      %add3A_72 = arith.constant 1 : i32
      %add3A_73 = arith.addi %add3A_69, %add3A_72 : i32
      %lt3A = arith.cmpi slt, %add3A_73, %select_n3A : i32
      %convert_element_type3A_74 = arith.extui %lt3A : i1 to i32
      %cond3A_75 = arith.constant 0 : i32
      %cond3A_76 = arith.cmpi ne, %convert_element_type3A_74, %cond3A_75 : i32
      scf.if %cond3A_76 {
        %add3A_124 = arith.addi %add3A_22, %add3A_69 : i32
        %add3A_125 = arith.constant 1 : i32
        %add3A_126 = arith.addi %add3A_124, %add3A_125 : i32
        %run_scoped3A_127 = arith.constant 1 : i32
        "tpu.region"() ({
          %run_scoped3A_136 = tpu.sem_alloc : memref<!tpu.dma_semaphore, #tpu.memory_space<semaphore_mem>>
          %dma_start3A_137 = arith.constant 0 : i32
          %dma_start3A_138 = arith.constant 0 : i32
          %dma_start3A_139 = tpu.memref_slice %arg5[%run_scoped3A_127, %dma_start3A_137, %dma_start3A_138] : memref<2x2x128xi32, #tpu.memory_space<vmem>> -> memref<1x2x128xi32, #tpu.memory_space<vmem>>
          %dma_start3A_140 = tpu.memref_squeeze %dma_start3A_139 : memref<1x2x128xi32, #tpu.memory_space<vmem>> -> memref<2x128xi32, #tpu.memory_space<vmem>>
          %dma_start3A_141 = arith.constant 0 : i32
          %dma_start3A_142 = arith.constant 0 : i32
          %dma_start3A_143 = tpu.memref_slice %arg3[%add3A_126, %dma_start3A_141, %dma_start3A_142] : memref<2560x2x128xi32, #tpu.memory_space<hbm>> -> memref<1x2x128xi32, #tpu.memory_space<hbm>>
          %dma_start3A_144 = tpu.memref_squeeze %dma_start3A_143 : memref<1x2x128xi32, #tpu.memory_space<hbm>> -> memref<2x128xi32, #tpu.memory_space<hbm>>
          %dma_start3A_145 = arith.constant 0 : i32
          %dma_start3A_146 = arith.constant 0 : i32
          %dma_start3A_147 = tpu.memref_slice %arg5[%run_scoped3A_127, %dma_start3A_145, %dma_start3A_146] : memref<2x2x128xi32, #tpu.memory_space<vmem>> -> memref<1x2x128xi32, #tpu.memory_space<vmem>>
          %dma_start3A_148 = tpu.memref_squeeze %dma_start3A_147 : memref<1x2x128xi32, #tpu.memory_space<vmem>> -> memref<2x128xi32, #tpu.memory_space<vmem>>
          %dma_start3A_149 = arith.constant 0 : i32
          %dma_start3A_150 = arith.constant 0 : i32
          %dma_start3A_151 = tpu.memref_slice %arg3[%add3A_126, %dma_start3A_149, %dma_start3A_150] : memref<2560x2x128xi32, #tpu.memory_space<hbm>> -> memref<1x2x128xi32, #tpu.memory_space<hbm>>
          %dma_start3A_152 = tpu.memref_squeeze %dma_start3A_151 : memref<1x2x128xi32, #tpu.memory_space<hbm>> -> memref<2x128xi32, #tpu.memory_space<hbm>>
          tpu.enqueue_dma source(%dma_start3A_152 : memref<2x128xi32, #tpu.memory_space<hbm>>) target(%dma_start3A_148 : memref<2x128xi32, #tpu.memory_space<vmem>>) target_semaphore(%run_scoped3A_136 : memref<!tpu.dma_semaphore, #tpu.memory_space<semaphore_mem>>)
          %dma_wait3A_153 = arith.constant 0 : i32
          %dma_wait3A_154 = arith.constant 0 : i32
          %dma_wait3A_155 = tpu.memref_slice %arg5[%run_scoped3A_127, %dma_wait3A_153, %dma_wait3A_154] : memref<2x2x128xi32, #tpu.memory_space<vmem>> -> memref<1x2x128xi32, #tpu.memory_space<vmem>>
          %dma_wait3A_156 = tpu.memref_squeeze %dma_wait3A_155 : memref<1x2x128xi32, #tpu.memory_space<vmem>> -> memref<2x128xi32, #tpu.memory_space<vmem>>
          %dma_wait3A_157 = arith.constant 0 : i32
          %dma_wait3A_158 = arith.constant 0 : i32
          %dma_wait3A_159 = tpu.memref_slice %arg3[%add3A_126, %dma_wait3A_157, %dma_wait3A_158] : memref<2560x2x128xi32, #tpu.memory_space<hbm>> -> memref<1x2x128xi32, #tpu.memory_space<hbm>>
          %dma_wait3A_160 = tpu.memref_squeeze %dma_wait3A_159 : memref<1x2x128xi32, #tpu.memory_space<hbm>> -> memref<2x128xi32, #tpu.memory_space<hbm>>
          %dma_wait3A_161 = arith.constant 0 : i32
          %dma_wait3A_162 = arith.constant 0 : i32
          %dma_wait3A_163 = tpu.memref_slice %arg5[%run_scoped3A_127, %dma_wait3A_161, %dma_wait3A_162] : memref<2x2x128xi32, #tpu.memory_space<vmem>> -> memref<1x2x128xi32, #tpu.memory_space<vmem>>
          %dma_wait3A_164 = tpu.memref_squeeze %dma_wait3A_163 : memref<1x2x128xi32, #tpu.memory_space<vmem>> -> memref<2x128xi32, #tpu.memory_space<vmem>>
          %dma_wait3A_165 = arith.constant 0 : i32
          %dma_wait3A_166 = arith.constant 0 : i32
          %dma_wait3A_167 = tpu.memref_slice %arg3[%add3A_126, %dma_wait3A_165, %dma_wait3A_166] : memref<2560x2x128xi32, #tpu.memory_space<hbm>> -> memref<1x2x128xi32, #tpu.memory_space<hbm>>
          %dma_wait3A_168 = tpu.memref_squeeze %dma_wait3A_167 : memref<1x2x128xi32, #tpu.memory_space<hbm>> -> memref<2x128xi32, #tpu.memory_space<hbm>>
          tpu.wait_dma2 semaphore(%run_scoped3A_136 : memref<!tpu.dma_semaphore, #tpu.memory_space<semaphore_mem>>) src(%dma_wait3A_168 : memref<2x128xi32, #tpu.memory_space<hbm>>) dst(%dma_wait3A_164 : memref<2x128xi32, #tpu.memory_space<vmem>>)
          tpu.yield
        }) : () -> ()
        %dma_start3A_128 = arith.constant 1 : i32
        %dma_start3A_129 = arith.constant 0 : i32
        %dma_start3A_130 = arith.constant 0 : i32
        %dma_start3A_131 = tpu.memref_slice %arg5[%dma_start3A_128, %dma_start3A_129, %dma_start3A_130] : memref<2x2x128xi32, #tpu.memory_space<vmem>> -> memref<1x1x128xi32, #tpu.memory_space<vmem>>
        %dma_start3A_132 = tpu.memref_squeeze %dma_start3A_131 : memref<1x1x128xi32, #tpu.memory_space<vmem>> -> memref<128xi32, #tpu.memory_space<vmem>>
        %dma_start3A_133 = arith.constant 0 : i32
        %dma_start3A_134 = arith.constant 0 : i32
        %dma_start3A_135 = tpu.memref_slice %arg2[%dma_start3A_133, %dma_start3A_134] : memref<10000x128xf32, #tpu.memory_space<hbm>> -> memref<10000x128xf32, #tpu.memory_space<hbm>>
        tpu.enqueue_indirect_dma source(%dma_start3A_135 : memref<10000x128xf32, #tpu.memory_space<hbm>>) target(%arg7 : memref<128x128xf32, #tpu.memory_space<vmem>>) offsets(%dma_start3A_132 : memref<128xi32, #tpu.memory_space<vmem>>) semaphore(%arg9 : memref<!tpu.dma_semaphore, #tpu.memory_space<semaphore_mem>>)
      } else {
      }
      %dma_wait3A_77 = arith.constant 0 : i32
      %dma_wait3A_78 = arith.constant 0 : i32
      %dma_wait3A_79 = arith.constant 0 : i32
      %dma_wait3A_80 = tpu.memref_slice %arg5[%dma_wait3A_77, %dma_wait3A_78, %dma_wait3A_79] : memref<2x2x128xi32, #tpu.memory_space<vmem>> -> memref<1x1x128xi32, #tpu.memory_space<vmem>>
      %dma_wait3A_81 = tpu.memref_squeeze %dma_wait3A_80 : memref<1x1x128xi32, #tpu.memory_space<vmem>> -> memref<128xi32, #tpu.memory_space<vmem>>
      %dma_wait3A_82 = arith.constant 0 : i32
      %dma_wait3A_83 = arith.constant 0 : i32
      %dma_wait3A_84 = tpu.memref_slice %arg2[%dma_wait3A_82, %dma_wait3A_83] : memref<10000x128xf32, #tpu.memory_space<hbm>> -> memref<10000x128xf32, #tpu.memory_space<hbm>>
      tpu.wait_indirect_dma semaphore(%arg9 : memref<!tpu.dma_semaphore, #tpu.memory_space<semaphore_mem>>) src(%dma_wait3A_84 : memref<10000x128xf32, #tpu.memory_space<hbm>>) dst(%arg6 : memref<128x128xf32, #tpu.memory_space<vmem>>)
      %dma_start3A_85 = arith.constant 0 : i32
      %dma_start3A_86 = arith.constant 1 : i32
      %dma_start3A_87 = arith.constant 0 : i32
      %dma_start3A_88 = tpu.memref_slice %arg5[%dma_start3A_85, %dma_start3A_86, %dma_start3A_87] : memref<2x2x128xi32, #tpu.memory_space<vmem>> -> memref<1x1x128xi32, #tpu.memory_space<vmem>>
      %dma_start3A_89 = tpu.memref_squeeze %dma_start3A_88 : memref<1x1x128xi32, #tpu.memory_space<vmem>> -> memref<128xi32, #tpu.memory_space<vmem>>
      %dma_start3A_90 = arith.constant 0 : i32
      %dma_start3A_91 = arith.constant 0 : i32
      %dma_start3A_92 = tpu.memref_slice %arg8[%dma_start3A_90, %dma_start3A_91] : memref<10240x128xf32, #tpu.memory_space<vmem_shared>> -> memref<10240x128xf32, #tpu.memory_space<vmem_shared>>
      tpu.enqueue_indirect_dma source(%arg6 : memref<128x128xf32, #tpu.memory_space<vmem>>) target(%dma_start3A_92 : memref<10240x128xf32, #tpu.memory_space<vmem_shared>>) offsets(%dma_start3A_89 : memref<128xi32, #tpu.memory_space<vmem>>) semaphore(%arg10 : memref<!tpu.dma_semaphore, #tpu.memory_space<semaphore_mem>>) {add = true}
      %mul3A_93 = arith.constant 2 : i32
      %mul3A_94 = arith.muli %mul3A_93, %while3A_65 : i32
      %add3A_95 = arith.constant 1 : i32
      %add3A_96 = arith.addi %mul3A_94, %add3A_95 : i32
      %ge3A_97 = arith.constant 1 : i32
      %ge3A_98 = arith.cmpi sge, %add3A_96, %ge3A_97 : i32
      %convert_element_type3A_99 = arith.extui %ge3A_98 : i1 to i32
      %cond3A_100 = arith.constant 0 : i32
      %cond3A_101 = arith.cmpi ne, %convert_element_type3A_99, %cond3A_100 : i32
      scf.if %cond3A_101 {
        %dma_wait3A_124 = arith.constant 0 : i32
        %dma_wait3A_125 = arith.constant 1 : i32
        %dma_wait3A_126 = arith.constant 0 : i32
        %dma_wait3A_127 = tpu.memref_slice %arg5[%dma_wait3A_124, %dma_wait3A_125, %dma_wait3A_126] : memref<2x2x128xi32, #tpu.memory_space<vmem>> -> memref<1x1x128xi32, #tpu.memory_space<vmem>>
        %dma_wait3A_128 = tpu.memref_squeeze %dma_wait3A_127 : memref<1x1x128xi32, #tpu.memory_space<vmem>> -> memref<128xi32, #tpu.memory_space<vmem>>
        %dma_wait3A_129 = arith.constant 0 : i32
        %dma_wait3A_130 = arith.constant 0 : i32
        %dma_wait3A_131 = tpu.memref_slice %arg8[%dma_wait3A_129, %dma_wait3A_130] : memref<10240x128xf32, #tpu.memory_space<vmem_shared>> -> memref<10240x128xf32, #tpu.memory_space<vmem_shared>>
        tpu.wait_indirect_dma semaphore(%arg10 : memref<!tpu.dma_semaphore, #tpu.memory_space<semaphore_mem>>) src(%arg6 : memref<128x128xf32, #tpu.memory_space<vmem>>) dst(%dma_wait3A_131 : memref<10240x128xf32, #tpu.memory_space<vmem_shared>>)
      } else {
      }
      %add3A_102 = arith.constant 1 : i32
      %add3A_103 = arith.addi %add3A_96, %add3A_102 : i32
      %lt3A_104 = arith.cmpi slt, %add3A_103, %select_n3A : i32
      %convert_element_type3A_105 = arith.extui %lt3A_104 : i1 to i32
      %cond3A_106 = arith.constant 0 : i32
      %cond3A_107 = arith.cmpi ne, %convert_element_type3A_105, %cond3A_106 : i32
      scf.if %cond3A_107 {
        %add3A_124 = arith.addi %add3A_22, %add3A_96 : i32
        %add3A_125 = arith.constant 1 : i32
        %add3A_126 = arith.addi %add3A_124, %add3A_125 : i32
        %run_scoped3A_127 = arith.constant 0 : i32
        "tpu.region"() ({
          %run_scoped3A_136 = tpu.sem_alloc : memref<!tpu.dma_semaphore, #tpu.memory_space<semaphore_mem>>
          %dma_start3A_137 = arith.constant 0 : i32
          %dma_start3A_138 = arith.constant 0 : i32
          %dma_start3A_139 = tpu.memref_slice %arg5[%run_scoped3A_127, %dma_start3A_137, %dma_start3A_138] : memref<2x2x128xi32, #tpu.memory_space<vmem>> -> memref<1x2x128xi32, #tpu.memory_space<vmem>>
          %dma_start3A_140 = tpu.memref_squeeze %dma_start3A_139 : memref<1x2x128xi32, #tpu.memory_space<vmem>> -> memref<2x128xi32, #tpu.memory_space<vmem>>
          %dma_start3A_141 = arith.constant 0 : i32
          %dma_start3A_142 = arith.constant 0 : i32
          %dma_start3A_143 = tpu.memref_slice %arg3[%add3A_126, %dma_start3A_141, %dma_start3A_142] : memref<2560x2x128xi32, #tpu.memory_space<hbm>> -> memref<1x2x128xi32, #tpu.memory_space<hbm>>
          %dma_start3A_144 = tpu.memref_squeeze %dma_start3A_143 : memref<1x2x128xi32, #tpu.memory_space<hbm>> -> memref<2x128xi32, #tpu.memory_space<hbm>>
          %dma_start3A_145 = arith.constant 0 : i32
          %dma_start3A_146 = arith.constant 0 : i32
          %dma_start3A_147 = tpu.memref_slice %arg5[%run_scoped3A_127, %dma_start3A_145, %dma_start3A_146] : memref<2x2x128xi32, #tpu.memory_space<vmem>> -> memref<1x2x128xi32, #tpu.memory_space<vmem>>
          %dma_start3A_148 = tpu.memref_squeeze %dma_start3A_147 : memref<1x2x128xi32, #tpu.memory_space<vmem>> -> memref<2x128xi32, #tpu.memory_space<vmem>>
          %dma_start3A_149 = arith.constant 0 : i32
          %dma_start3A_150 = arith.constant 0 : i32
          %dma_start3A_151 = tpu.memref_slice %arg3[%add3A_126, %dma_start3A_149, %dma_start3A_150] : memref<2560x2x128xi32, #tpu.memory_space<hbm>> -> memref<1x2x128xi32, #tpu.memory_space<hbm>>
          %dma_start3A_152 = tpu.memref_squeeze %dma_start3A_151 : memref<1x2x128xi32, #tpu.memory_space<hbm>> -> memref<2x128xi32, #tpu.memory_space<hbm>>
          tpu.enqueue_dma source(%dma_start3A_152 : memref<2x128xi32, #tpu.memory_space<hbm>>) target(%dma_start3A_148 : memref<2x128xi32, #tpu.memory_space<vmem>>) target_semaphore(%run_scoped3A_136 : memref<!tpu.dma_semaphore, #tpu.memory_space<semaphore_mem>>)
          %dma_wait3A_153 = arith.constant 0 : i32
          %dma_wait3A_154 = arith.constant 0 : i32
          %dma_wait3A_155 = tpu.memref_slice %arg5[%run_scoped3A_127, %dma_wait3A_153, %dma_wait3A_154] : memref<2x2x128xi32, #tpu.memory_space<vmem>> -> memref<1x2x128xi32, #tpu.memory_space<vmem>>
          %dma_wait3A_156 = tpu.memref_squeeze %dma_wait3A_155 : memref<1x2x128xi32, #tpu.memory_space<vmem>> -> memref<2x128xi32, #tpu.memory_space<vmem>>
          %dma_wait3A_157 = arith.constant 0 : i32
          %dma_wait3A_158 = arith.constant 0 : i32
          %dma_wait3A_159 = tpu.memref_slice %arg3[%add3A_126, %dma_wait3A_157, %dma_wait3A_158] : memref<2560x2x128xi32, #tpu.memory_space<hbm>> -> memref<1x2x128xi32, #tpu.memory_space<hbm>>
          %dma_wait3A_160 = tpu.memref_squeeze %dma_wait3A_159 : memref<1x2x128xi32, #tpu.memory_space<hbm>> -> memref<2x128xi32, #tpu.memory_space<hbm>>
          %dma_wait3A_161 = arith.constant 0 : i32
          %dma_wait3A_162 = arith.constant 0 : i32
          %dma_wait3A_163 = tpu.memref_slice %arg5[%run_scoped3A_127, %dma_wait3A_161, %dma_wait3A_162] : memref<2x2x128xi32, #tpu.memory_space<vmem>> -> memref<1x2x128xi32, #tpu.memory_space<vmem>>
          %dma_wait3A_164 = tpu.memref_squeeze %dma_wait3A_163 : memref<1x2x128xi32, #tpu.memory_space<vmem>> -> memref<2x128xi32, #tpu.memory_space<vmem>>
          %dma_wait3A_165 = arith.constant 0 : i32
          %dma_wait3A_166 = arith.constant 0 : i32
          %dma_wait3A_167 = tpu.memref_slice %arg3[%add3A_126, %dma_wait3A_165, %dma_wait3A_166] : memref<2560x2x128xi32, #tpu.memory_space<hbm>> -> memref<1x2x128xi32, #tpu.memory_space<hbm>>
          %dma_wait3A_168 = tpu.memref_squeeze %dma_wait3A_167 : memref<1x2x128xi32, #tpu.memory_space<hbm>> -> memref<2x128xi32, #tpu.memory_space<hbm>>
          tpu.wait_dma2 semaphore(%run_scoped3A_136 : memref<!tpu.dma_semaphore, #tpu.memory_space<semaphore_mem>>) src(%dma_wait3A_168 : memref<2x128xi32, #tpu.memory_space<hbm>>) dst(%dma_wait3A_164 : memref<2x128xi32, #tpu.memory_space<vmem>>)
          tpu.yield
        }) : () -> ()
        %dma_start3A_128 = arith.constant 0 : i32
        %dma_start3A_129 = arith.constant 0 : i32
        %dma_start3A_130 = arith.constant 0 : i32
        %dma_start3A_131 = tpu.memref_slice %arg5[%dma_start3A_128, %dma_start3A_129, %dma_start3A_130] : memref<2x2x128xi32, #tpu.memory_space<vmem>> -> memref<1x1x128xi32, #tpu.memory_space<vmem>>
        %dma_start3A_132 = tpu.memref_squeeze %dma_start3A_131 : memref<1x1x128xi32, #tpu.memory_space<vmem>> -> memref<128xi32, #tpu.memory_space<vmem>>
        %dma_start3A_133 = arith.constant 0 : i32
        %dma_start3A_134 = arith.constant 0 : i32
        %dma_start3A_135 = tpu.memref_slice %arg2[%dma_start3A_133, %dma_start3A_134] : memref<10000x128xf32, #tpu.memory_space<hbm>> -> memref<10000x128xf32, #tpu.memory_space<hbm>>
        tpu.enqueue_indirect_dma source(%dma_start3A_135 : memref<10000x128xf32, #tpu.memory_space<hbm>>) target(%arg6 : memref<128x128xf32, #tpu.memory_space<vmem>>) offsets(%dma_start3A_132 : memref<128xi32, #tpu.memory_space<vmem>>) semaphore(%arg9 : memref<!tpu.dma_semaphore, #tpu.memory_space<semaphore_mem>>)
      } else {
      }
      %dma_wait3A_108 = arith.constant 1 : i32
      %dma_wait3A_109 = arith.constant 0 : i32
      %dma_wait3A_110 = arith.constant 0 : i32
      %dma_wait3A_111 = tpu.memref_slice %arg5[%dma_wait3A_108, %dma_wait3A_109, %dma_wait3A_110] : memref<2x2x128xi32, #tpu.memory_space<vmem>> -> memref<1x1x128xi32, #tpu.memory_space<vmem>>
      %dma_wait3A_112 = tpu.memref_squeeze %dma_wait3A_111 : memref<1x1x128xi32, #tpu.memory_space<vmem>> -> memref<128xi32, #tpu.memory_space<vmem>>
      %dma_wait3A_113 = arith.constant 0 : i32
      %dma_wait3A_114 = arith.constant 0 : i32
      %dma_wait3A_115 = tpu.memref_slice %arg2[%dma_wait3A_113, %dma_wait3A_114] : memref<10000x128xf32, #tpu.memory_space<hbm>> -> memref<10000x128xf32, #tpu.memory_space<hbm>>
      tpu.wait_indirect_dma semaphore(%arg9 : memref<!tpu.dma_semaphore, #tpu.memory_space<semaphore_mem>>) src(%dma_wait3A_115 : memref<10000x128xf32, #tpu.memory_space<hbm>>) dst(%arg7 : memref<128x128xf32, #tpu.memory_space<vmem>>)
      %dma_start3A_116 = arith.constant 1 : i32
      %dma_start3A_117 = arith.constant 1 : i32
      %dma_start3A_118 = arith.constant 0 : i32
      %dma_start3A_119 = tpu.memref_slice %arg5[%dma_start3A_116, %dma_start3A_117, %dma_start3A_118] : memref<2x2x128xi32, #tpu.memory_space<vmem>> -> memref<1x1x128xi32, #tpu.memory_space<vmem>>
      %dma_start3A_120 = tpu.memref_squeeze %dma_start3A_119 : memref<1x1x128xi32, #tpu.memory_space<vmem>> -> memref<128xi32, #tpu.memory_space<vmem>>
      %dma_start3A_121 = arith.constant 0 : i32
      %dma_start3A_122 = arith.constant 0 : i32
      %dma_start3A_123 = tpu.memref_slice %arg8[%dma_start3A_121, %dma_start3A_122] : memref<10240x128xf32, #tpu.memory_space<vmem_shared>> -> memref<10240x128xf32, #tpu.memory_space<vmem_shared>>
      tpu.enqueue_indirect_dma source(%arg7 : memref<128x128xf32, #tpu.memory_space<vmem>>) target(%dma_start3A_123 : memref<10240x128xf32, #tpu.memory_space<vmem_shared>>) offsets(%dma_start3A_120 : memref<128xi32, #tpu.memory_space<vmem>>) semaphore(%arg10 : memref<!tpu.dma_semaphore, #tpu.memory_space<semaphore_mem>>) {add = true}
    }
    %while3A_56 = arith.constant 1 : i32
    scf.for %while3A_65 = %while3A_54 to %while3A_50 step %while3A_56  : i32 {
      %mul3A_66 = arith.constant 2 : i32
      %mul3A_67 = arith.muli %mul3A_66, %while3A_65 : i32
      %add3A_68 = arith.constant 0 : i32
      %add3A_69 = arith.addi %mul3A_67, %add3A_68 : i32
      %ge3A = arith.constant 1 : i32
      %ge3A_70 = arith.cmpi sge, %add3A_69, %ge3A : i32
      %convert_element_type3A = arith.extui %ge3A_70 : i1 to i32
      %cond3A = arith.constant 0 : i32
      %cond3A_71 = arith.cmpi ne, %convert_element_type3A, %cond3A : i32
      scf.if %cond3A_71 {
        %dma_wait3A_124 = arith.constant 1 : i32
        %dma_wait3A_125 = arith.constant 1 : i32
        %dma_wait3A_126 = arith.constant 0 : i32
        %dma_wait3A_127 = tpu.memref_slice %arg5[%dma_wait3A_124, %dma_wait3A_125, %dma_wait3A_126] : memref<2x2x128xi32, #tpu.memory_space<vmem>> -> memref<1x1x128xi32, #tpu.memory_space<vmem>>
        %dma_wait3A_128 = tpu.memref_squeeze %dma_wait3A_127 : memref<1x1x128xi32, #tpu.memory_space<vmem>> -> memref<128xi32, #tpu.memory_space<vmem>>
        %dma_wait3A_129 = arith.constant 0 : i32
        %dma_wait3A_130 = arith.constant 0 : i32
        %dma_wait3A_131 = tpu.memref_slice %arg8[%dma_wait3A_129, %dma_wait3A_130] : memref<10240x128xf32, #tpu.memory_space<vmem_shared>> -> memref<10240x128xf32, #tpu.memory_space<vmem_shared>>
        tpu.wait_indirect_dma semaphore(%arg10 : memref<!tpu.dma_semaphore, #tpu.memory_space<semaphore_mem>>) src(%arg7 : memref<128x128xf32, #tpu.memory_space<vmem>>) dst(%dma_wait3A_131 : memref<10240x128xf32, #tpu.memory_space<vmem_shared>>)
      } else {
      }
      %add3A_72 = arith.constant 1 : i32
      %add3A_73 = arith.addi %add3A_69, %add3A_72 : i32
      %lt3A = arith.cmpi slt, %add3A_73, %select_n3A : i32
      %convert_element_type3A_74 = arith.extui %lt3A : i1 to i32
      %cond3A_75 = arith.constant 0 : i32
      %cond3A_76 = arith.cmpi ne, %convert_element_type3A_74, %cond3A_75 : i32
      scf.if %cond3A_76 {
        %add3A_124 = arith.addi %add3A_22, %add3A_69 : i32
        %add3A_125 = arith.constant 1 : i32
        %add3A_126 = arith.addi %add3A_124, %add3A_125 : i32
        %run_scoped3A_127 = arith.constant 1 : i32
        "tpu.region"() ({
          %run_scoped3A_136 = tpu.sem_alloc : memref<!tpu.dma_semaphore, #tpu.memory_space<semaphore_mem>>
          %dma_start3A_137 = arith.constant 0 : i32
          %dma_start3A_138 = arith.constant 0 : i32
          %dma_start3A_139 = tpu.memref_slice %arg5[%run_scoped3A_127, %dma_start3A_137, %dma_start3A_138] : memref<2x2x128xi32, #tpu.memory_space<vmem>> -> memref<1x2x128xi32, #tpu.memory_space<vmem>>
          %dma_start3A_140 = tpu.memref_squeeze %dma_start3A_139 : memref<1x2x128xi32, #tpu.memory_space<vmem>> -> memref<2x128xi32, #tpu.memory_space<vmem>>
          %dma_start3A_141 = arith.constant 0 : i32
          %dma_start3A_142 = arith.constant 0 : i32
          %dma_start3A_143 = tpu.memref_slice %arg3[%add3A_126, %dma_start3A_141, %dma_start3A_142] : memref<2560x2x128xi32, #tpu.memory_space<hbm>> -> memref<1x2x128xi32, #tpu.memory_space<hbm>>
          %dma_start3A_144 = tpu.memref_squeeze %dma_start3A_143 : memref<1x2x128xi32, #tpu.memory_space<hbm>> -> memref<2x128xi32, #tpu.memory_space<hbm>>
          %dma_start3A_145 = arith.constant 0 : i32
          %dma_start3A_146 = arith.constant 0 : i32
          %dma_start3A_147 = tpu.memref_slice %arg5[%run_scoped3A_127, %dma_start3A_145, %dma_start3A_146] : memref<2x2x128xi32, #tpu.memory_space<vmem>> -> memref<1x2x128xi32, #tpu.memory_space<vmem>>
          %dma_start3A_148 = tpu.memref_squeeze %dma_start3A_147 : memref<1x2x128xi32, #tpu.memory_space<vmem>> -> memref<2x128xi32, #tpu.memory_space<vmem>>
          %dma_start3A_149 = arith.constant 0 : i32
          %dma_start3A_150 = arith.constant 0 : i32
          %dma_start3A_151 = tpu.memref_slice %arg3[%add3A_126, %dma_start3A_149, %dma_start3A_150] : memref<2560x2x128xi32, #tpu.memory_space<hbm>> -> memref<1x2x128xi32, #tpu.memory_space<hbm>>
          %dma_start3A_152 = tpu.memref_squeeze %dma_start3A_151 : memref<1x2x128xi32, #tpu.memory_space<hbm>> -> memref<2x128xi32, #tpu.memory_space<hbm>>
          tpu.enqueue_dma source(%dma_start3A_152 : memref<2x128xi32, #tpu.memory_space<hbm>>) target(%dma_start3A_148 : memref<2x128xi32, #tpu.memory_space<vmem>>) target_semaphore(%run_scoped3A_136 : memref<!tpu.dma_semaphore, #tpu.memory_space<semaphore_mem>>)
          %dma_wait3A_153 = arith.constant 0 : i32
          %dma_wait3A_154 = arith.constant 0 : i32
          %dma_wait3A_155 = tpu.memref_slice %arg5[%run_scoped3A_127, %dma_wait3A_153, %dma_wait3A_154] : memref<2x2x128xi32, #tpu.memory_space<vmem>> -> memref<1x2x128xi32, #tpu.memory_space<vmem>>
          %dma_wait3A_156 = tpu.memref_squeeze %dma_wait3A_155 : memref<1x2x128xi32, #tpu.memory_space<vmem>> -> memref<2x128xi32, #tpu.memory_space<vmem>>
          %dma_wait3A_157 = arith.constant 0 : i32
          %dma_wait3A_158 = arith.constant 0 : i32
          %dma_wait3A_159 = tpu.memref_slice %arg3[%add3A_126, %dma_wait3A_157, %dma_wait3A_158] : memref<2560x2x128xi32, #tpu.memory_space<hbm>> -> memref<1x2x128xi32, #tpu.memory_space<hbm>>
          %dma_wait3A_160 = tpu.memref_squeeze %dma_wait3A_159 : memref<1x2x128xi32, #tpu.memory_space<hbm>> -> memref<2x128xi32, #tpu.memory_space<hbm>>
          %dma_wait3A_161 = arith.constant 0 : i32
          %dma_wait3A_162 = arith.constant 0 : i32
          %dma_wait3A_163 = tpu.memref_slice %arg5[%run_scoped3A_127, %dma_wait3A_161, %dma_wait3A_162] : memref<2x2x128xi32, #tpu.memory_space<vmem>> -> memref<1x2x128xi32, #tpu.memory_space<vmem>>
          %dma_wait3A_164 = tpu.memref_squeeze %dma_wait3A_163 : memref<1x2x128xi32, #tpu.memory_space<vmem>> -> memref<2x128xi32, #tpu.memory_space<vmem>>
          %dma_wait3A_165 = arith.constant 0 : i32
          %dma_wait3A_166 = arith.constant 0 : i32
          %dma_wait3A_167 = tpu.memref_slice %arg3[%add3A_126, %dma_wait3A_165, %dma_wait3A_166] : memref<2560x2x128xi32, #tpu.memory_space<hbm>> -> memref<1x2x128xi32, #tpu.memory_space<hbm>>
          %dma_wait3A_168 = tpu.memref_squeeze %dma_wait3A_167 : memref<1x2x128xi32, #tpu.memory_space<hbm>> -> memref<2x128xi32, #tpu.memory_space<hbm>>
          tpu.wait_dma2 semaphore(%run_scoped3A_136 : memref<!tpu.dma_semaphore, #tpu.memory_space<semaphore_mem>>) src(%dma_wait3A_168 : memref<2x128xi32, #tpu.memory_space<hbm>>) dst(%dma_wait3A_164 : memref<2x128xi32, #tpu.memory_space<vmem>>)
          tpu.yield
        }) : () -> ()
        %dma_start3A_128 = arith.constant 1 : i32
        %dma_start3A_129 = arith.constant 0 : i32
        %dma_start3A_130 = arith.constant 0 : i32
        %dma_start3A_131 = tpu.memref_slice %arg5[%dma_start3A_128, %dma_start3A_129, %dma_start3A_130] : memref<2x2x128xi32, #tpu.memory_space<vmem>> -> memref<1x1x128xi32, #tpu.memory_space<vmem>>
        %dma_start3A_132 = tpu.memref_squeeze %dma_start3A_131 : memref<1x1x128xi32, #tpu.memory_space<vmem>> -> memref<128xi32, #tpu.memory_space<vmem>>
        %dma_start3A_133 = arith.constant 0 : i32
        %dma_start3A_134 = arith.constant 0 : i32
        %dma_start3A_135 = tpu.memref_slice %arg2[%dma_start3A_133, %dma_start3A_134] : memref<10000x128xf32, #tpu.memory_space<hbm>> -> memref<10000x128xf32, #tpu.memory_space<hbm>>
        tpu.enqueue_indirect_dma source(%dma_start3A_135 : memref<10000x128xf32, #tpu.memory_space<hbm>>) target(%arg7 : memref<128x128xf32, #tpu.memory_space<vmem>>) offsets(%dma_start3A_132 : memref<128xi32, #tpu.memory_space<vmem>>) semaphore(%arg9 : memref<!tpu.dma_semaphore, #tpu.memory_space<semaphore_mem>>)
      } else {
      }
      %dma_wait3A_77 = arith.constant 0 : i32
      %dma_wait3A_78 = arith.constant 0 : i32
      %dma_wait3A_79 = arith.constant 0 : i32
      %dma_wait3A_80 = tpu.memref_slice %arg5[%dma_wait3A_77, %dma_wait3A_78, %dma_wait3A_79] : memref<2x2x128xi32, #tpu.memory_space<vmem>> -> memref<1x1x128xi32, #tpu.memory_space<vmem>>
      %dma_wait3A_81 = tpu.memref_squeeze %dma_wait3A_80 : memref<1x1x128xi32, #tpu.memory_space<vmem>> -> memref<128xi32, #tpu.memory_space<vmem>>
      %dma_wait3A_82 = arith.constant 0 : i32
      %dma_wait3A_83 = arith.constant 0 : i32
      %dma_wait3A_84 = tpu.memref_slice %arg2[%dma_wait3A_82, %dma_wait3A_83] : memref<10000x128xf32, #tpu.memory_space<hbm>> -> memref<10000x128xf32, #tpu.memory_space<hbm>>
      tpu.wait_indirect_dma semaphore(%arg9 : memref<!tpu.dma_semaphore, #tpu.memory_space<semaphore_mem>>) src(%dma_wait3A_84 : memref<10000x128xf32, #tpu.memory_space<hbm>>) dst(%arg6 : memref<128x128xf32, #tpu.memory_space<vmem>>)
      %dma_start3A_85 = arith.constant 0 : i32
      %dma_start3A_86 = arith.constant 1 : i32
      %dma_start3A_87 = arith.constant 0 : i32
      %dma_start3A_88 = tpu.memref_slice %arg5[%dma_start3A_85, %dma_start3A_86, %dma_start3A_87] : memref<2x2x128xi32, #tpu.memory_space<vmem>> -> memref<1x1x128xi32, #tpu.memory_space<vmem>>
      %dma_start3A_89 = tpu.memref_squeeze %dma_start3A_88 : memref<1x1x128xi32, #tpu.memory_space<vmem>> -> memref<128xi32, #tpu.memory_space<vmem>>
      %dma_start3A_90 = arith.constant 0 : i32
      %dma_start3A_91 = arith.constant 0 : i32
      %dma_start3A_92 = tpu.memref_slice %arg8[%dma_start3A_90, %dma_start3A_91] : memref<10240x128xf32, #tpu.memory_space<vmem_shared>> -> memref<10240x128xf32, #tpu.memory_space<vmem_shared>>
      tpu.enqueue_indirect_dma source(%arg6 : memref<128x128xf32, #tpu.memory_space<vmem>>) target(%dma_start3A_92 : memref<10240x128xf32, #tpu.memory_space<vmem_shared>>) offsets(%dma_start3A_89 : memref<128xi32, #tpu.memory_space<vmem>>) semaphore(%arg10 : memref<!tpu.dma_semaphore, #tpu.memory_space<semaphore_mem>>) {add = true}
      %mul3A_93 = arith.constant 2 : i32
      %mul3A_94 = arith.muli %mul3A_93, %while3A_65 : i32
      %add3A_95 = arith.constant 1 : i32
      %add3A_96 = arith.addi %mul3A_94, %add3A_95 : i32
      %ge3A_97 = arith.constant 1 : i32
      %ge3A_98 = arith.cmpi sge, %add3A_96, %ge3A_97 : i32
      %convert_element_type3A_99 = arith.extui %ge3A_98 : i1 to i32
      %cond3A_100 = arith.constant 0 : i32
      %cond3A_101 = arith.cmpi ne, %convert_element_type3A_99, %cond3A_100 : i32
      scf.if %cond3A_101 {
        %dma_wait3A_124 = arith.constant 0 : i32
        %dma_wait3A_125 = arith.constant 1 : i32
        %dma_wait3A_126 = arith.constant 0 : i32
        %dma_wait3A_127 = tpu.memref_slice %arg5[%dma_wait3A_124, %dma_wait3A_125, %dma_wait3A_126] : memref<2x2x128xi32, #tpu.memory_space<vmem>> -> memref<1x1x128xi32, #tpu.memory_space<vmem>>
        %dma_wait3A_128 = tpu.memref_squeeze %dma_wait3A_127 : memref<1x1x128xi32, #tpu.memory_space<vmem>> -> memref<128xi32, #tpu.memory_space<vmem>>
        %dma_wait3A_129 = arith.constant 0 : i32
        %dma_wait3A_130 = arith.constant 0 : i32
        %dma_wait3A_131 = tpu.memref_slice %arg8[%dma_wait3A_129, %dma_wait3A_130] : memref<10240x128xf32, #tpu.memory_space<vmem_shared>> -> memref<10240x128xf32, #tpu.memory_space<vmem_shared>>
        tpu.wait_indirect_dma semaphore(%arg10 : memref<!tpu.dma_semaphore, #tpu.memory_space<semaphore_mem>>) src(%arg6 : memref<128x128xf32, #tpu.memory_space<vmem>>) dst(%dma_wait3A_131 : memref<10240x128xf32, #tpu.memory_space<vmem_shared>>)
      } else {
      }
      %add3A_102 = arith.constant 1 : i32
      %add3A_103 = arith.addi %add3A_96, %add3A_102 : i32
      %lt3A_104 = arith.cmpi slt, %add3A_103, %select_n3A : i32
      %convert_element_type3A_105 = arith.extui %lt3A_104 : i1 to i32
      %cond3A_106 = arith.constant 0 : i32
      %cond3A_107 = arith.cmpi ne, %convert_element_type3A_105, %cond3A_106 : i32
      scf.if %cond3A_107 {
        %add3A_124 = arith.addi %add3A_22, %add3A_96 : i32
        %add3A_125 = arith.constant 1 : i32
        %add3A_126 = arith.addi %add3A_124, %add3A_125 : i32
        %run_scoped3A_127 = arith.constant 0 : i32
        "tpu.region"() ({
          %run_scoped3A_136 = tpu.sem_alloc : memref<!tpu.dma_semaphore, #tpu.memory_space<semaphore_mem>>
          %dma_start3A_137 = arith.constant 0 : i32
          %dma_start3A_138 = arith.constant 0 : i32
          %dma_start3A_139 = tpu.memref_slice %arg5[%run_scoped3A_127, %dma_start3A_137, %dma_start3A_138] : memref<2x2x128xi32, #tpu.memory_space<vmem>> -> memref<1x2x128xi32, #tpu.memory_space<vmem>>
          %dma_start3A_140 = tpu.memref_squeeze %dma_start3A_139 : memref<1x2x128xi32, #tpu.memory_space<vmem>> -> memref<2x128xi32, #tpu.memory_space<vmem>>
          %dma_start3A_141 = arith.constant 0 : i32
          %dma_start3A_142 = arith.constant 0 : i32
          %dma_start3A_143 = tpu.memref_slice %arg3[%add3A_126, %dma_start3A_141, %dma_start3A_142] : memref<2560x2x128xi32, #tpu.memory_space<hbm>> -> memref<1x2x128xi32, #tpu.memory_space<hbm>>
          %dma_start3A_144 = tpu.memref_squeeze %dma_start3A_143 : memref<1x2x128xi32, #tpu.memory_space<hbm>> -> memref<2x128xi32, #tpu.memory_space<hbm>>
          %dma_start3A_145 = arith.constant 0 : i32
          %dma_start3A_146 = arith.constant 0 : i32
          %dma_start3A_147 = tpu.memref_slice %arg5[%run_scoped3A_127, %dma_start3A_145, %dma_start3A_146] : memref<2x2x128xi32, #tpu.memory_space<vmem>> -> memref<1x2x128xi32, #tpu.memory_space<vmem>>
          %dma_start3A_148 = tpu.memref_squeeze %dma_start3A_147 : memref<1x2x128xi32, #tpu.memory_space<vmem>> -> memref<2x128xi32, #tpu.memory_space<vmem>>
          %dma_start3A_149 = arith.constant 0 : i32
          %dma_start3A_150 = arith.constant 0 : i32
          %dma_start3A_151 = tpu.memref_slice %arg3[%add3A_126, %dma_start3A_149, %dma_start3A_150] : memref<2560x2x128xi32, #tpu.memory_space<hbm>> -> memref<1x2x128xi32, #tpu.memory_space<hbm>>
          %dma_start3A_152 = tpu.memref_squeeze %dma_start3A_151 : memref<1x2x128xi32, #tpu.memory_space<hbm>> -> memref<2x128xi32, #tpu.memory_space<hbm>>
          tpu.enqueue_dma source(%dma_start3A_152 : memref<2x128xi32, #tpu.memory_space<hbm>>) target(%dma_start3A_148 : memref<2x128xi32, #tpu.memory_space<vmem>>) target_semaphore(%run_scoped3A_136 : memref<!tpu.dma_semaphore, #tpu.memory_space<semaphore_mem>>)
          %dma_wait3A_153 = arith.constant 0 : i32
          %dma_wait3A_154 = arith.constant 0 : i32
          %dma_wait3A_155 = tpu.memref_slice %arg5[%run_scoped3A_127, %dma_wait3A_153, %dma_wait3A_154] : memref<2x2x128xi32, #tpu.memory_space<vmem>> -> memref<1x2x128xi32, #tpu.memory_space<vmem>>
          %dma_wait3A_156 = tpu.memref_squeeze %dma_wait3A_155 : memref<1x2x128xi32, #tpu.memory_space<vmem>> -> memref<2x128xi32, #tpu.memory_space<vmem>>
          %dma_wait3A_157 = arith.constant 0 : i32
          %dma_wait3A_158 = arith.constant 0 : i32
          %dma_wait3A_159 = tpu.memref_slice %arg3[%add3A_126, %dma_wait3A_157, %dma_wait3A_158] : memref<2560x2x128xi32, #tpu.memory_space<hbm>> -> memref<1x2x128xi32, #tpu.memory_space<hbm>>
          %dma_wait3A_160 = tpu.memref_squeeze %dma_wait3A_159 : memref<1x2x128xi32, #tpu.memory_space<hbm>> -> memref<2x128xi32, #tpu.memory_space<hbm>>
          %dma_wait3A_161 = arith.constant 0 : i32
          %dma_wait3A_162 = arith.constant 0 : i32
          %dma_wait3A_163 = tpu.memref_slice %arg5[%run_scoped3A_127, %dma_wait3A_161, %dma_wait3A_162] : memref<2x2x128xi32, #tpu.memory_space<vmem>> -> memref<1x2x128xi32, #tpu.memory_space<vmem>>
          %dma_wait3A_164 = tpu.memref_squeeze %dma_wait3A_163 : memref<1x2x128xi32, #tpu.memory_space<vmem>> -> memref<2x128xi32, #tpu.memory_space<vmem>>
          %dma_wait3A_165 = arith.constant 0 : i32
          %dma_wait3A_166 = arith.constant 0 : i32
          %dma_wait3A_167 = tpu.memref_slice %arg3[%add3A_126, %dma_wait3A_165, %dma_wait3A_166] : memref<2560x2x128xi32, #tpu.memory_space<hbm>> -> memref<1x2x128xi32, #tpu.memory_space<hbm>>
          %dma_wait3A_168 = tpu.memref_squeeze %dma_wait3A_167 : memref<1x2x128xi32, #tpu.memory_space<hbm>> -> memref<2x128xi32, #tpu.memory_space<hbm>>
          tpu.wait_dma2 semaphore(%run_scoped3A_136 : memref<!tpu.dma_semaphore, #tpu.memory_space<semaphore_mem>>) src(%dma_wait3A_168 : memref<2x128xi32, #tpu.memory_space<hbm>>) dst(%dma_wait3A_164 : memref<2x128xi32, #tpu.memory_space<vmem>>)
          tpu.yield
        }) : () -> ()
        %dma_start3A_128 = arith.constant 0 : i32
        %dma_start3A_129 = arith.constant 0 : i32
        %dma_start3A_130 = arith.constant 0 : i32
        %dma_start3A_131 = tpu.memref_slice %arg5[%dma_start3A_128, %dma_start3A_129, %dma_start3A_130] : memref<2x2x128xi32, #tpu.memory_space<vmem>> -> memref<1x1x128xi32, #tpu.memory_space<vmem>>
        %dma_start3A_132 = tpu.memref_squeeze %dma_start3A_131 : memref<1x1x128xi32, #tpu.memory_space<vmem>> -> memref<128xi32, #tpu.memory_space<vmem>>
        %dma_start3A_133 = arith.constant 0 : i32
        %dma_start3A_134 = arith.constant 0 : i32
        %dma_start3A_135 = tpu.memref_slice %arg2[%dma_start3A_133, %dma_start3A_134] : memref<10000x128xf32, #tpu.memory_space<hbm>> -> memref<10000x128xf32, #tpu.memory_space<hbm>>
        tpu.enqueue_indirect_dma source(%dma_start3A_135 : memref<10000x128xf32, #tpu.memory_space<hbm>>) target(%arg6 : memref<128x128xf32, #tpu.memory_space<vmem>>) offsets(%dma_start3A_132 : memref<128xi32, #tpu.memory_space<vmem>>) semaphore(%arg9 : memref<!tpu.dma_semaphore, #tpu.memory_space<semaphore_mem>>)
      } else {
      }
      %dma_wait3A_108 = arith.constant 1 : i32
      %dma_wait3A_109 = arith.constant 0 : i32
      %dma_wait3A_110 = arith.constant 0 : i32
      %dma_wait3A_111 = tpu.memref_slice %arg5[%dma_wait3A_108, %dma_wait3A_109, %dma_wait3A_110] : memref<2x2x128xi32, #tpu.memory_space<vmem>> -> memref<1x1x128xi32, #tpu.memory_space<vmem>>
      %dma_wait3A_112 = tpu.memref_squeeze %dma_wait3A_111 : memref<1x1x128xi32, #tpu.memory_space<vmem>> -> memref<128xi32, #tpu.memory_space<vmem>>
      %dma_wait3A_113 = arith.constant 0 : i32
      %dma_wait3A_114 = arith.constant 0 : i32
      %dma_wait3A_115 = tpu.memref_slice %arg2[%dma_wait3A_113, %dma_wait3A_114] : memref<10000x128xf32, #tpu.memory_space<hbm>> -> memref<10000x128xf32, #tpu.memory_space<hbm>>
      tpu.wait_indirect_dma semaphore(%arg9 : memref<!tpu.dma_semaphore, #tpu.memory_space<semaphore_mem>>) src(%dma_wait3A_115 : memref<10000x128xf32, #tpu.memory_space<hbm>>) dst(%arg7 : memref<128x128xf32, #tpu.memory_space<vmem>>)
      %dma_start3A_116 = arith.constant 1 : i32
      %dma_start3A_117 = arith.constant 1 : i32
      %dma_start3A_118 = arith.constant 0 : i32
      %dma_start3A_119 = tpu.memref_slice %arg5[%dma_start3A_116, %dma_start3A_117, %dma_start3A_118] : memref<2x2x128xi32, #tpu.memory_space<vmem>> -> memref<1x1x128xi32, #tpu.memory_space<vmem>>
      %dma_start3A_120 = tpu.memref_squeeze %dma_start3A_119 : memref<1x1x128xi32, #tpu.memory_space<vmem>> -> memref<128xi32, #tpu.memory_space<vmem>>
      %dma_start3A_121 = arith.constant 0 : i32
      %dma_start3A_122 = arith.constant 0 : i32
      %dma_start3A_123 = tpu.memref_slice %arg8[%dma_start3A_121, %dma_start3A_122] : memref<10240x128xf32, #tpu.memory_space<vmem_shared>> -> memref<10240x128xf32, #tpu.memory_space<vmem_shared>>
      tpu.enqueue_indirect_dma source(%arg7 : memref<128x128xf32, #tpu.memory_space<vmem>>) target(%dma_start3A_123 : memref<10240x128xf32, #tpu.memory_space<vmem_shared>>) offsets(%dma_start3A_120 : memref<128xi32, #tpu.memory_space<vmem>>) semaphore(%arg10 : memref<!tpu.dma_semaphore, #tpu.memory_space<semaphore_mem>>) {add = true}
    }
    %dma_wait3A = arith.constant 0 : i32
    %dma_wait3A_57 = arith.constant 1 : i32
    %dma_wait3A_58 = arith.constant 0 : i32
    %dma_wait3A_59 = tpu.memref_slice %arg5[%dma_wait3A, %dma_wait3A_57, %dma_wait3A_58] : memref<2x2x128xi32, #tpu.memory_space<vmem>> -> memref<1x1x128xi32, #tpu.memory_space<vmem>>
    %dma_wait3A_60 = tpu.memref_squeeze %dma_wait3A_59 : memref<1x1x128xi32, #tpu.memory_space<vmem>> -> memref<128xi32, #tpu.memory_space<vmem>>
    %dma_wait3A_61 = arith.constant 0 : i32
    %dma_wait3A_62 = arith.constant 0 : i32
    %dma_wait3A_63 = tpu.memref_slice %arg8[%dma_wait3A_61, %dma_wait3A_62] : memref<10240x128xf32, #tpu.memory_space<vmem_shared>> -> memref<10240x128xf32, #tpu.memory_space<vmem_shared>>
    tpu.wait_indirect_dma semaphore(%arg10 : memref<!tpu.dma_semaphore, #tpu.memory_space<semaphore_mem>>) src(%arg6 : memref<128x128xf32, #tpu.memory_space<vmem>>) dst(%dma_wait3A_63 : memref<10240x128xf32, #tpu.memory_space<vmem_shared>>)
    %barrier3A_64 = arith.constant 0 : index
    tpu.barrier barrier_id(%barrier3A_64)
    "tpu.region"() ({
      %run_scoped3A_65 = tpu.sem_alloc : memref<!tpu.dma_semaphore, #tpu.memory_space<semaphore_mem>>
      %dma_start3A_66 = arith.constant 0 : i32
      %dma_start3A_67 = tpu.memref_slice %arg4[%arg0, %mul3A_5, %dma_start3A_66] : memref<2x10240x128xf32, #tpu.memory_space<hbm>> -> memref<1x640x128xf32, #tpu.memory_space<hbm>>
      %dma_start3A_68 = tpu.memref_squeeze %dma_start3A_67 : memref<1x640x128xf32, #tpu.memory_space<hbm>> -> memref<640x128xf32, #tpu.memory_space<hbm>>
      %dma_start3A_69 = arith.constant 0 : i32
      %dma_start3A_70 = tpu.memref_slice %arg8[%mul3A_5, %dma_start3A_69] : memref<10240x128xf32, #tpu.memory_space<vmem_shared>> -> memref<640x128xf32, #tpu.memory_space<vmem_shared>>
      tpu.enqueue_dma source(%dma_start3A_70 : memref<640x128xf32, #tpu.memory_space<vmem_shared>>) target(%dma_start3A_68 : memref<640x128xf32, #tpu.memory_space<hbm>>) target_semaphore(%run_scoped3A_65 : memref<!tpu.dma_semaphore, #tpu.memory_space<semaphore_mem>>)
      %dma_wait3A_71 = arith.constant 0 : i32
      %dma_wait3A_72 = tpu.memref_slice %arg4[%arg0, %mul3A_5, %dma_wait3A_71] : memref<2x10240x128xf32, #tpu.memory_space<hbm>> -> memref<1x640x128xf32, #tpu.memory_space<hbm>>
      %dma_wait3A_73 = tpu.memref_squeeze %dma_wait3A_72 : memref<1x640x128xf32, #tpu.memory_space<hbm>> -> memref<640x128xf32, #tpu.memory_space<hbm>>
      %dma_wait3A_74 = arith.constant 0 : i32
      %dma_wait3A_75 = tpu.memref_slice %arg8[%mul3A_5, %dma_wait3A_74] : memref<10240x128xf32, #tpu.memory_space<vmem_shared>> -> memref<640x128xf32, #tpu.memory_space<vmem_shared>>
      tpu.wait_dma2 semaphore(%run_scoped3A_65 : memref<!tpu.dma_semaphore, #tpu.memory_space<semaphore_mem>>) src(%dma_wait3A_75 : memref<640x128xf32, #tpu.memory_space<vmem_shared>>) dst(%dma_wait3A_73 : memref<640x128xf32, #tpu.memory_space<hbm>>)
      tpu.yield
    }) : () -> ()
    return
  }
}

#map = affine_map<(d0, d1) -> (0, 0)>
#map1 = affine_map<(d0, d1) -> (0, 0, 0)>
module attributes {stable_mosaic.version = 14 : i64} {
  func.func @agg(%arg0: i32, %arg1: i32, %arg2: memref<10000x128xf32, #tpu.memory_space<hbm>>, %arg3: memref<2560x2x128xi32, #tpu.memory_space<hbm>>, %arg4: memref<2x10240x128xf32, #tpu.memory_space<hbm>>, %arg5: memref<2x2x128xi32, #tpu.memory_space<vmem>>, %arg6: memref<128x128xf32, #tpu.memory_space<vmem>>, %arg7: memref<128x128xf32, #tpu.memory_space<vmem>>, %arg8: memref<10240x128xf32, #tpu.memory_space<vmem_shared>>, %arg9: memref<!tpu.dma_semaphore, #tpu.memory_space<semaphore_mem>>, %arg10: memref<!tpu.dma_semaphore, #tpu.memory_space<semaphore_mem>>) attributes {dimension_semantics = [#tpu.dimension_semantics<core_parallel>, #tpu.dimension_semantics<subcore_parallel>], iteration_bounds = array<i64: 2, 16>, scalar_prefetch = 0 : i64, scratch_operands = 6 : i64, tpu.core_type = #tpu.core_type<sc_vector_subcore>, window_params = [{transform_indices = #map}, {transform_indices = #map1}, {transform_indices = #map1}]} {
    %scan3A = arith.constant 0 : i32
    %scan3A_0 = arith.constant 0 : i32
    %scan3A_1 = arith.constant 1024 : i32
    %scan3A_2 = arith.addi %scan3A_0, %scan3A_1 : i32
    %scan3A_3 = arith.constant 1 : i32
    scf.for %scan3A_65 = %scan3A_0 to %scan3A_2 step %scan3A_3  : i32 {
      %jit3A_66 = arith.constant 8 : i32
      %div3A_67 = arith.divsi %scan3A_65, %jit3A_66 : i32
      %sign3A_68 = arith.constant 0 : i32
      %sign3A_69 = arith.cmpi sgt, %scan3A_65, %sign3A_68 : i32
      %sign3A_70 = arith.extui %sign3A_69 : i1 to i32
      %sign3A_71 = arith.constant 0 : i32
      %sign3A_72 = arith.cmpi slt, %scan3A_65, %sign3A_71 : i32
      %sign3A_73 = arith.extui %sign3A_72 : i1 to i32
      %sign3A_74 = arith.subi %sign3A_70, %sign3A_73 : i32
      %sign3A_75 = arith.constant 0 : i32
      %sign3A_76 = arith.cmpi sgt, %jit3A_66, %sign3A_75 : i32
      %sign3A_77 = arith.extui %sign3A_76 : i1 to i32
      %sign3A_78 = arith.constant 0 : i32
      %sign3A_79 = arith.cmpi slt, %jit3A_66, %sign3A_78 : i32
      %sign3A_80 = arith.extui %sign3A_79 : i1 to i32
      %sign3A_81 = arith.subi %sign3A_77, %sign3A_80 : i32
      %ne3A_82 = arith.cmpi ne, %sign3A_74, %sign3A_81 : i32
      %rem3A_83 = arith.remsi %scan3A_65, %jit3A_66 : i32
      %ne3A_84 = arith.constant 0 : i32
      %ne3A_85 = arith.cmpi ne, %rem3A_83, %ne3A_84 : i32
      %and3A_86 = arith.andi %ne3A_82, %ne3A_85 : i1
      %sub3A_87 = arith.constant 1 : i32
      %sub3A_88 = arith.subi %div3A_67, %sub3A_87 : i32
      %select_n3A_89 = arith.select %and3A_86, %sub3A_88, %div3A_67 : i32
      %jit3A_90 = arith.constant 8 : i32
      %eq3A_91 = arith.constant 0 : i32
      %eq3A_92 = arith.cmpi eq, %jit3A_90, %eq3A_91 : i32
      %jit3A_93 = arith.constant 1 : i32
      %select_n3A_94 = arith.select %eq3A_92, %jit3A_93, %jit3A_90 : i32
      %rem3A_95 = arith.remsi %scan3A_65, %select_n3A_94 : i32
      %ne3A_96 = arith.constant 0 : i32
      %ne3A_97 = arith.cmpi ne, %rem3A_95, %ne3A_96 : i32
      %lt3A = arith.constant 0 : i32
      %lt3A_98 = arith.cmpi slt, %rem3A_95, %lt3A : i32
      %lt3A_99 = arith.constant 0 : i32
      %lt3A_100 = arith.cmpi slt, %select_n3A_94, %lt3A_99 : i32
      %ne3A_101 = arith.xori %lt3A_98, %lt3A_100 : i1
      %and3A_102 = arith.andi %ne3A_101, %ne3A_97 : i1
      %add3A_103 = arith.addi %rem3A_95, %select_n3A_94 : i32
      %select_n3A_104 = arith.select %and3A_102, %add3A_103, %rem3A_95 : i32
      %broadcast_in_dim3A = arith.constant 0.000000e+00 : f32
      %broadcast_in_dim3A_105 = vector.broadcast %broadcast_in_dim3A : f32 to vector<16xf32>
      %mul3A_106 = arith.constant 16 : i32
      %mul3A_107 = arith.muli %select_n3A_104, %mul3A_106 : i32
      %swap3A = arith.index_cast %select_n3A_89 : i32 to index
      %swap3A_108 = arith.index_cast %mul3A_107 : i32 to index
      %swap3A_109 = tpu.vector_load %arg6[%swap3A, %swap3A_108] {strides = array<i32>} : memref<128x128xf32, #tpu.memory_space<vmem>>, vector<1x16xf32>,
      %swap3A_110 = vector.shape_cast %swap3A_109 : vector<1x16xf32> to vector<16xf32>
      %swap3A_111 = vector.shape_cast %broadcast_in_dim3A_105 : vector<16xf32> to vector<1x16xf32>
      tpu.vector_store %arg6[%swap3A, %swap3A_108], %swap3A_111 {strides = array<i32>} : memref<128x128xf32, #tpu.memory_space<vmem>>, vector<1x16xf32>,
    }
    %scan3A_4 = arith.constant 1024 : i32
    %mul3A = arith.constant 640 : i32
    %mul3A_5 = arith.muli %arg1, %mul3A : i32
    %add3A = arith.constant 0 : i32
    %add3A_6 = arith.addi %mul3A_5, %add3A : i32
    "tpu.region"() ({
      %run_scoped3A_65 = tpu.sem_alloc : memref<!tpu.dma_semaphore, #tpu.memory_space<semaphore_mem>>
      %dma_start3A_66 = arith.constant 0 : i32
      %dma_start3A_67 = tpu.memref_slice %arg8[%add3A_6, %dma_start3A_66] : memref<10240x128xf32, #tpu.memory_space<vmem_shared>> -> memref<128x128xf32, #tpu.memory_space<vmem_shared>>
      %dma_start3A_68 = arith.constant 0 : i32
      %dma_start3A_69 = tpu.memref_slice %arg8[%add3A_6, %dma_start3A_68] : memref<10240x128xf32, #tpu.memory_space<vmem_shared>> -> memref<128x128xf32, #tpu.memory_space<vmem_shared>>
      tpu.enqueue_dma source(%arg6 : memref<128x128xf32, #tpu.memory_space<vmem>>) target(%dma_start3A_69 : memref<128x128xf32, #tpu.memory_space<vmem_shared>>) target_semaphore(%run_scoped3A_65 : memref<!tpu.dma_semaphore, #tpu.memory_space<semaphore_mem>>)
      %dma_wait3A_70 = arith.constant 0 : i32
      %dma_wait3A_71 = tpu.memref_slice %arg8[%add3A_6, %dma_wait3A_70] : memref<10240x128xf32, #tpu.memory_space<vmem_shared>> -> memref<128x128xf32, #tpu.memory_space<vmem_shared>>
      %dma_wait3A_72 = arith.constant 0 : i32
      %dma_wait3A_73 = tpu.memref_slice %arg8[%add3A_6, %dma_wait3A_72] : memref<10240x128xf32, #tpu.memory_space<vmem_shared>> -> memref<128x128xf32, #tpu.memory_space<vmem_shared>>
      tpu.wait_dma2 semaphore(%run_scoped3A_65 : memref<!tpu.dma_semaphore, #tpu.memory_space<semaphore_mem>>) src(%arg6 : memref<128x128xf32, #tpu.memory_space<vmem>>) dst(%dma_wait3A_73 : memref<128x128xf32, #tpu.memory_space<vmem_shared>>)
      tpu.yield
    }) : () -> ()
    %add3A_7 = arith.constant 128 : i32
    %add3A_8 = arith.addi %mul3A_5, %add3A_7 : i32
    "tpu.region"() ({
      %run_scoped3A_65 = tpu.sem_alloc : memref<!tpu.dma_semaphore, #tpu.memory_space<semaphore_mem>>
      %dma_start3A_66 = arith.constant 0 : i32
      %dma_start3A_67 = tpu.memref_slice %arg8[%add3A_8, %dma_start3A_66] : memref<10240x128xf32, #tpu.memory_space<vmem_shared>> -> memref<128x128xf32, #tpu.memory_space<vmem_shared>>
      %dma_start3A_68 = arith.constant 0 : i32
      %dma_start3A_69 = tpu.memref_slice %arg8[%add3A_8, %dma_start3A_68] : memref<10240x128xf32, #tpu.memory_space<vmem_shared>> -> memref<128x128xf32, #tpu.memory_space<vmem_shared>>
      tpu.enqueue_dma source(%arg6 : memref<128x128xf32, #tpu.memory_space<vmem>>) target(%dma_start3A_69 : memref<128x128xf32, #tpu.memory_space<vmem_shared>>) target_semaphore(%run_scoped3A_65 : memref<!tpu.dma_semaphore, #tpu.memory_space<semaphore_mem>>)
      %dma_wait3A_70 = arith.constant 0 : i32
      %dma_wait3A_71 = tpu.memref_slice %arg8[%add3A_8, %dma_wait3A_70] : memref<10240x128xf32, #tpu.memory_space<vmem_shared>> -> memref<128x128xf32, #tpu.memory_space<vmem_shared>>
      %dma_wait3A_72 = arith.constant 0 : i32
      %dma_wait3A_73 = tpu.memref_slice %arg8[%add3A_8, %dma_wait3A_72] : memref<10240x128xf32, #tpu.memory_space<vmem_shared>> -> memref<128x128xf32, #tpu.memory_space<vmem_shared>>
      tpu.wait_dma2 semaphore(%run_scoped3A_65 : memref<!tpu.dma_semaphore, #tpu.memory_space<semaphore_mem>>) src(%arg6 : memref<128x128xf32, #tpu.memory_space<vmem>>) dst(%dma_wait3A_73 : memref<128x128xf32, #tpu.memory_space<vmem_shared>>)
      tpu.yield
    }) : () -> ()
    %add3A_9 = arith.constant 256 : i32
    %add3A_10 = arith.addi %mul3A_5, %add3A_9 : i32
    "tpu.region"() ({
      %run_scoped3A_65 = tpu.sem_alloc : memref<!tpu.dma_semaphore, #tpu.memory_space<semaphore_mem>>
      %dma_start3A_66 = arith.constant 0 : i32
      %dma_start3A_67 = tpu.memref_slice %arg8[%add3A_10, %dma_start3A_66] : memref<10240x128xf32, #tpu.memory_space<vmem_shared>> -> memref<128x128xf32, #tpu.memory_space<vmem_shared>>
      %dma_start3A_68 = arith.constant 0 : i32
      %dma_start3A_69 = tpu.memref_slice %arg8[%add3A_10, %dma_start3A_68] : memref<10240x128xf32, #tpu.memory_space<vmem_shared>> -> memref<128x128xf32, #tpu.memory_space<vmem_shared>>
      tpu.enqueue_dma source(%arg6 : memref<128x128xf32, #tpu.memory_space<vmem>>) target(%dma_start3A_69 : memref<128x128xf32, #tpu.memory_space<vmem_shared>>) target_semaphore(%run_scoped3A_65 : memref<!tpu.dma_semaphore, #tpu.memory_space<semaphore_mem>>)
      %dma_wait3A_70 = arith.constant 0 : i32
      %dma_wait3A_71 = tpu.memref_slice %arg8[%add3A_10, %dma_wait3A_70] : memref<10240x128xf32, #tpu.memory_space<vmem_shared>> -> memref<128x128xf32, #tpu.memory_space<vmem_shared>>
      %dma_wait3A_72 = arith.constant 0 : i32
      %dma_wait3A_73 = tpu.memref_slice %arg8[%add3A_10, %dma_wait3A_72] : memref<10240x128xf32, #tpu.memory_space<vmem_shared>> -> memref<128x128xf32, #tpu.memory_space<vmem_shared>>
      tpu.wait_dma2 semaphore(%run_scoped3A_65 : memref<!tpu.dma_semaphore, #tpu.memory_space<semaphore_mem>>) src(%arg6 : memref<128x128xf32, #tpu.memory_space<vmem>>) dst(%dma_wait3A_73 : memref<128x128xf32, #tpu.memory_space<vmem_shared>>)
      tpu.yield
    }) : () -> ()
    %add3A_11 = arith.constant 384 : i32
    %add3A_12 = arith.addi %mul3A_5, %add3A_11 : i32
    "tpu.region"() ({
      %run_scoped3A_65 = tpu.sem_alloc : memref<!tpu.dma_semaphore, #tpu.memory_space<semaphore_mem>>
      %dma_start3A_66 = arith.constant 0 : i32
      %dma_start3A_67 = tpu.memref_slice %arg8[%add3A_12, %dma_start3A_66] : memref<10240x128xf32, #tpu.memory_space<vmem_shared>> -> memref<128x128xf32, #tpu.memory_space<vmem_shared>>
      %dma_start3A_68 = arith.constant 0 : i32
      %dma_start3A_69 = tpu.memref_slice %arg8[%add3A_12, %dma_start3A_68] : memref<10240x128xf32, #tpu.memory_space<vmem_shared>> -> memref<128x128xf32, #tpu.memory_space<vmem_shared>>
      tpu.enqueue_dma source(%arg6 : memref<128x128xf32, #tpu.memory_space<vmem>>) target(%dma_start3A_69 : memref<128x128xf32, #tpu.memory_space<vmem_shared>>) target_semaphore(%run_scoped3A_65 : memref<!tpu.dma_semaphore, #tpu.memory_space<semaphore_mem>>)
      %dma_wait3A_70 = arith.constant 0 : i32
      %dma_wait3A_71 = tpu.memref_slice %arg8[%add3A_12, %dma_wait3A_70] : memref<10240x128xf32, #tpu.memory_space<vmem_shared>> -> memref<128x128xf32, #tpu.memory_space<vmem_shared>>
      %dma_wait3A_72 = arith.constant 0 : i32
      %dma_wait3A_73 = tpu.memref_slice %arg8[%add3A_12, %dma_wait3A_72] : memref<10240x128xf32, #tpu.memory_space<vmem_shared>> -> memref<128x128xf32, #tpu.memory_space<vmem_shared>>
      tpu.wait_dma2 semaphore(%run_scoped3A_65 : memref<!tpu.dma_semaphore, #tpu.memory_space<semaphore_mem>>) src(%arg6 : memref<128x128xf32, #tpu.memory_space<vmem>>) dst(%dma_wait3A_73 : memref<128x128xf32, #tpu.memory_space<vmem_shared>>)
      tpu.yield
    }) : () -> ()
    %add3A_13 = arith.constant 512 : i32
    %add3A_14 = arith.addi %mul3A_5, %add3A_13 : i32
    "tpu.region"() ({
      %run_scoped3A_65 = tpu.sem_alloc : memref<!tpu.dma_semaphore, #tpu.memory_space<semaphore_mem>>
      %dma_start3A_66 = arith.constant 0 : i32
      %dma_start3A_67 = tpu.memref_slice %arg8[%add3A_14, %dma_start3A_66] : memref<10240x128xf32, #tpu.memory_space<vmem_shared>> -> memref<128x128xf32, #tpu.memory_space<vmem_shared>>
      %dma_start3A_68 = arith.constant 0 : i32
      %dma_start3A_69 = tpu.memref_slice %arg8[%add3A_14, %dma_start3A_68] : memref<10240x128xf32, #tpu.memory_space<vmem_shared>> -> memref<128x128xf32, #tpu.memory_space<vmem_shared>>
      tpu.enqueue_dma source(%arg6 : memref<128x128xf32, #tpu.memory_space<vmem>>) target(%dma_start3A_69 : memref<128x128xf32, #tpu.memory_space<vmem_shared>>) target_semaphore(%run_scoped3A_65 : memref<!tpu.dma_semaphore, #tpu.memory_space<semaphore_mem>>)
      %dma_wait3A_70 = arith.constant 0 : i32
      %dma_wait3A_71 = tpu.memref_slice %arg8[%add3A_14, %dma_wait3A_70] : memref<10240x128xf32, #tpu.memory_space<vmem_shared>> -> memref<128x128xf32, #tpu.memory_space<vmem_shared>>
      %dma_wait3A_72 = arith.constant 0 : i32
      %dma_wait3A_73 = tpu.memref_slice %arg8[%add3A_14, %dma_wait3A_72] : memref<10240x128xf32, #tpu.memory_space<vmem_shared>> -> memref<128x128xf32, #tpu.memory_space<vmem_shared>>
      tpu.wait_dma2 semaphore(%run_scoped3A_65 : memref<!tpu.dma_semaphore, #tpu.memory_space<semaphore_mem>>) src(%arg6 : memref<128x128xf32, #tpu.memory_space<vmem>>) dst(%dma_wait3A_73 : memref<128x128xf32, #tpu.memory_space<vmem_shared>>)
      tpu.yield
    }) : () -> ()
    %barrier3A = arith.constant 0 : index
    tpu.barrier barrier_id(%barrier3A)
    %eq3A = arith.constant 0 : i32
    %eq3A_15 = arith.cmpi eq, %arg0, %eq3A : i32
    %jit3A = arith.constant 80 : i32
    %jit3A_16 = arith.constant 80 : i32
    %select_n3A = arith.select %eq3A_15, %jit3A, %jit3A_16 : i32
    %mul3A_17 = arith.constant 16 : i32
    %mul3A_18 = arith.muli %arg0, %mul3A_17 : i32
    %mul3A_19 = arith.constant 80 : i32
    %mul3A_20 = arith.muli %mul3A_18, %mul3A_19 : i32
    %mul3A_21 = arith.muli %arg1, %select_n3A : i32
    %add3A_22 = arith.addi %mul3A_20, %mul3A_21 : i32
    %run_scoped3A = arith.constant 0 : i32
    "tpu.region"() ({
      %run_scoped3A_65 = tpu.sem_alloc : memref<!tpu.dma_semaphore, #tpu.memory_space<semaphore_mem>>
      %dma_start3A_66 = arith.constant 0 : i32
      %dma_start3A_67 = arith.constant 0 : i32
      %dma_start3A_68 = tpu.memref_slice %arg5[%run_scoped3A, %dma_start3A_66, %dma_start3A_67] : memref<2x2x128xi32, #tpu.memory_space<vmem>> -> memref<1x2x128xi32, #tpu.memory_space<vmem>>
      %dma_start3A_69 = tpu.memref_squeeze %dma_start3A_68 : memref<1x2x128xi32, #tpu.memory_space<vmem>> -> memref<2x128xi32, #tpu.memory_space<vmem>>
      %dma_start3A_70 = arith.constant 0 : i32
      %dma_start3A_71 = arith.constant 0 : i32
      %dma_start3A_72 = tpu.memref_slice %arg3[%add3A_22, %dma_start3A_70, %dma_start3A_71] : memref<2560x2x128xi32, #tpu.memory_space<hbm>> -> memref<1x2x128xi32, #tpu.memory_space<hbm>>
      %dma_start3A_73 = tpu.memref_squeeze %dma_start3A_72 : memref<1x2x128xi32, #tpu.memory_space<hbm>> -> memref<2x128xi32, #tpu.memory_space<hbm>>
      %dma_start3A_74 = arith.constant 0 : i32
      %dma_start3A_75 = arith.constant 0 : i32
      %dma_start3A_76 = tpu.memref_slice %arg5[%run_scoped3A, %dma_start3A_74, %dma_start3A_75] : memref<2x2x128xi32, #tpu.memory_space<vmem>> -> memref<1x2x128xi32, #tpu.memory_space<vmem>>
      %dma_start3A_77 = tpu.memref_squeeze %dma_start3A_76 : memref<1x2x128xi32, #tpu.memory_space<vmem>> -> memref<2x128xi32, #tpu.memory_space<vmem>>
      %dma_start3A_78 = arith.constant 0 : i32
      %dma_start3A_79 = arith.constant 0 : i32
      %dma_start3A_80 = tpu.memref_slice %arg3[%add3A_22, %dma_start3A_78, %dma_start3A_79] : memref<2560x2x128xi32, #tpu.memory_space<hbm>> -> memref<1x2x128xi32, #tpu.memory_space<hbm>>
      %dma_start3A_81 = tpu.memref_squeeze %dma_start3A_80 : memref<1x2x128xi32, #tpu.memory_space<hbm>> -> memref<2x128xi32, #tpu.memory_space<hbm>>
      tpu.enqueue_dma source(%dma_start3A_81 : memref<2x128xi32, #tpu.memory_space<hbm>>) target(%dma_start3A_77 : memref<2x128xi32, #tpu.memory_space<vmem>>) target_semaphore(%run_scoped3A_65 : memref<!tpu.dma_semaphore, #tpu.memory_space<semaphore_mem>>)
      %dma_wait3A_82 = arith.constant 0 : i32
      %dma_wait3A_83 = arith.constant 0 : i32
      %dma_wait3A_84 = tpu.memref_slice %arg5[%run_scoped3A, %dma_wait3A_82, %dma_wait3A_83] : memref<2x2x128xi32, #tpu.memory_space<vmem>> -> memref<1x2x128xi32, #tpu.memory_space<vmem>>
      %dma_wait3A_85 = tpu.memref_squeeze %dma_wait3A_84 : memref<1x2x128xi32, #tpu.memory_space<vmem>> -> memref<2x128xi32, #tpu.memory_space<vmem>>
      %dma_wait3A_86 = arith.constant 0 : i32
      %dma_wait3A_87 = arith.constant 0 : i32
      %dma_wait3A_88 = tpu.memref_slice %arg3[%add3A_22, %dma_wait3A_86, %dma_wait3A_87] : memref<2560x2x128xi32, #tpu.memory_space<hbm>> -> memref<1x2x128xi32, #tpu.memory_space<hbm>>
      %dma_wait3A_89 = tpu.memref_squeeze %dma_wait3A_88 : memref<1x2x128xi32, #tpu.memory_space<hbm>> -> memref<2x128xi32, #tpu.memory_space<hbm>>
      %dma_wait3A_90 = arith.constant 0 : i32
      %dma_wait3A_91 = arith.constant 0 : i32
      %dma_wait3A_92 = tpu.memref_slice %arg5[%run_scoped3A, %dma_wait3A_90, %dma_wait3A_91] : memref<2x2x128xi32, #tpu.memory_space<vmem>> -> memref<1x2x128xi32, #tpu.memory_space<vmem>>
      %dma_wait3A_93 = tpu.memref_squeeze %dma_wait3A_92 : memref<1x2x128xi32, #tpu.memory_space<vmem>> -> memref<2x128xi32, #tpu.memory_space<vmem>>
      %dma_wait3A_94 = arith.constant 0 : i32
      %dma_wait3A_95 = arith.constant 0 : i32
      %dma_wait3A_96 = tpu.memref_slice %arg3[%add3A_22, %dma_wait3A_94, %dma_wait3A_95] : memref<2560x2x128xi32, #tpu.memory_space<hbm>> -> memref<1x2x128xi32, #tpu.memory_space<hbm>>
      %dma_wait3A_97 = tpu.memref_squeeze %dma_wait3A_96 : memref<1x2x128xi32, #tpu.memory_space<hbm>> -> memref<2x128xi32, #tpu.memory_space<hbm>>
      tpu.wait_dma2 semaphore(%run_scoped3A_65 : memref<!tpu.dma_semaphore, #tpu.memory_space<semaphore_mem>>) src(%dma_wait3A_97 : memref<2x128xi32, #tpu.memory_space<hbm>>) dst(%dma_wait3A_93 : memref<2x128xi32, #tpu.memory_space<vmem>>)
      tpu.yield
    }) : () -> ()
    %dma_start3A = arith.constant 0 : i32
    %dma_start3A_23 = arith.constant 0 : i32
    %dma_start3A_24 = arith.constant 0 : i32
    %dma_start3A_25 = tpu.memref_slice %arg5[%dma_start3A, %dma_start3A_23, %dma_start3A_24] : memref<2x2x128xi32, #tpu.memory_space<vmem>> -> memref<1x1x128xi32, #tpu.memory_space<vmem>>
    %dma_start3A_26 = tpu.memref_squeeze %dma_start3A_25 : memref<1x1x128xi32, #tpu.memory_space<vmem>> -> memref<128xi32, #tpu.memory_space<vmem>>
    %dma_start3A_27 = arith.constant 0 : i32
    %dma_start3A_28 = arith.constant 0 : i32
    %dma_start3A_29 = tpu.memref_slice %arg2[%dma_start3A_27, %dma_start3A_28] : memref<10000x128xf32, #tpu.memory_space<hbm>> -> memref<10000x128xf32, #tpu.memory_space<hbm>>
    tpu.enqueue_indirect_dma source(%dma_start3A_29 : memref<10000x128xf32, #tpu.memory_space<hbm>>) target(%arg6 : memref<128x128xf32, #tpu.memory_space<vmem>>) offsets(%dma_start3A_26 : memref<128xi32, #tpu.memory_space<vmem>>) semaphore(%arg9 : memref<!tpu.dma_semaphore, #tpu.memory_space<semaphore_mem>>)
    %jit3A_30 = arith.constant 2 : i32
    %div3A = arith.divsi %select_n3A, %jit3A_30 : i32
    %sign3A = arith.constant 0 : i32
    %sign3A_31 = arith.cmpi sgt, %select_n3A, %sign3A : i32
    %sign3A_32 = arith.extui %sign3A_31 : i1 to i32
    %sign3A_33 = arith.constant 0 : i32
    %sign3A_34 = arith.cmpi slt, %select_n3A, %sign3A_33 : i32
    %sign3A_35 = arith.extui %sign3A_34 : i1 to i32
    %sign3A_36 = arith.subi %sign3A_32, %sign3A_35 : i32
    %sign3A_37 = arith.constant 0 : i32
    %sign3A_38 = arith.cmpi sgt, %jit3A_30, %sign3A_37 : i32
    %sign3A_39 = arith.extui %sign3A_38 : i1 to i32
    %sign3A_40 = arith.constant 0 : i32
    %sign3A_41 = arith.cmpi slt, %jit3A_30, %sign3A_40 : i32
    %sign3A_42 = arith.extui %sign3A_41 : i1 to i32
    %sign3A_43 = arith.subi %sign3A_39, %sign3A_42 : i32
    %ne3A = arith.cmpi ne, %sign3A_36, %sign3A_43 : i32
    %rem3A = arith.remsi %select_n3A, %jit3A_30 : i32
    %ne3A_44 = arith.constant 0 : i32
    %ne3A_45 = arith.cmpi ne, %rem3A, %ne3A_44 : i32
    %and3A = arith.andi %ne3A, %ne3A_45 : i1
    %sub3A = arith.constant 1 : i32
    %sub3A_46 = arith.subi %div3A, %sub3A : i32
    %select_n3A_47 = arith.select %and3A, %sub3A_46, %div3A : i32
    %while3A = arith.constant 0 : i32
    %while3A_48 = arith.constant 0 : i32
    %while3A_49 = arith.subi %select_n3A_47, %while3A_48 : i32
    %while3A_50 = arith.addi %while3A_48, %while3A_49 : i32
    %while3A_51 = arith.constant 1 : i32
    %while3A_52 = arith.divsi %while3A_49, %while3A_51 : i32
    %while3A_53 = arith.muli %while3A_52, %while3A_51 : i32
    %while3A_54 = arith.addi %while3A_48, %while3A_53 : i32
    %while3A_55 = arith.constant 1 : i32
    scf.for %while3A_65 = %while3A_48 to %while3A_54 step %while3A_55  : i32 {
      %mul3A_66 = arith.constant 2 : i32
      %mul3A_67 = arith.muli %mul3A_66, %while3A_65 : i32
      %add3A_68 = arith.constant 0 : i32
      %add3A_69 = arith.addi %mul3A_67, %add3A_68 : i32
      %ge3A = arith.constant 1 : i32
      %ge3A_70 = arith.cmpi sge, %add3A_69, %ge3A : i32
      %convert_element_type3A = arith.extui %ge3A_70 : i1 to i32
      %cond3A = arith.constant 0 : i32
      %cond3A_71 = arith.cmpi ne, %convert_element_type3A, %cond3A : i32
      scf.if %cond3A_71 {
        %dma_wait3A_124 = arith.constant 1 : i32
        %dma_wait3A_125 = arith.constant 1 : i32
        %dma_wait3A_126 = arith.constant 0 : i32
        %dma_wait3A_127 = tpu.memref_slice %arg5[%dma_wait3A_124, %dma_wait3A_125, %dma_wait3A_126] : memref<2x2x128xi32, #tpu.memory_space<vmem>> -> memref<1x1x128xi32, #tpu.memory_space<vmem>>
        %dma_wait3A_128 = tpu.memref_squeeze %dma_wait3A_127 : memref<1x1x128xi32, #tpu.memory_space<vmem>> -> memref<128xi32, #tpu.memory_space<vmem>>
        %dma_wait3A_129 = arith.constant 0 : i32
        %dma_wait3A_130 = arith.constant 0 : i32
        %dma_wait3A_131 = tpu.memref_slice %arg8[%dma_wait3A_129, %dma_wait3A_130] : memref<10240x128xf32, #tpu.memory_space<vmem_shared>> -> memref<10240x128xf32, #tpu.memory_space<vmem_shared>>
        tpu.wait_indirect_dma semaphore(%arg10 : memref<!tpu.dma_semaphore, #tpu.memory_space<semaphore_mem>>) src(%arg7 : memref<128x128xf32, #tpu.memory_space<vmem>>) dst(%dma_wait3A_131 : memref<10240x128xf32, #tpu.memory_space<vmem_shared>>)
      } else {
      }
      %add3A_72 = arith.constant 1 : i32
      %add3A_73 = arith.addi %add3A_69, %add3A_72 : i32
      %lt3A = arith.cmpi slt, %add3A_73, %select_n3A : i32
      %convert_element_type3A_74 = arith.extui %lt3A : i1 to i32
      %cond3A_75 = arith.constant 0 : i32
      %cond3A_76 = arith.cmpi ne, %convert_element_type3A_74, %cond3A_75 : i32
      scf.if %cond3A_76 {
        %add3A_124 = arith.addi %add3A_22, %add3A_69 : i32
        %add3A_125 = arith.constant 1 : i32
        %add3A_126 = arith.addi %add3A_124, %add3A_125 : i32
        %run_scoped3A_127 = arith.constant 1 : i32
        "tpu.region"() ({
          %run_scoped3A_136 = tpu.sem_alloc : memref<!tpu.dma_semaphore, #tpu.memory_space<semaphore_mem>>
          %dma_start3A_137 = arith.constant 0 : i32
          %dma_start3A_138 = arith.constant 0 : i32
          %dma_start3A_139 = tpu.memref_slice %arg5[%run_scoped3A_127, %dma_start3A_137, %dma_start3A_138] : memref<2x2x128xi32, #tpu.memory_space<vmem>> -> memref<1x2x128xi32, #tpu.memory_space<vmem>>
          %dma_start3A_140 = tpu.memref_squeeze %dma_start3A_139 : memref<1x2x128xi32, #tpu.memory_space<vmem>> -> memref<2x128xi32, #tpu.memory_space<vmem>>
          %dma_start3A_141 = arith.constant 0 : i32
          %dma_start3A_142 = arith.constant 0 : i32
          %dma_start3A_143 = tpu.memref_slice %arg3[%add3A_126, %dma_start3A_141, %dma_start3A_142] : memref<2560x2x128xi32, #tpu.memory_space<hbm>> -> memref<1x2x128xi32, #tpu.memory_space<hbm>>
          %dma_start3A_144 = tpu.memref_squeeze %dma_start3A_143 : memref<1x2x128xi32, #tpu.memory_space<hbm>> -> memref<2x128xi32, #tpu.memory_space<hbm>>
          %dma_start3A_145 = arith.constant 0 : i32
          %dma_start3A_146 = arith.constant 0 : i32
          %dma_start3A_147 = tpu.memref_slice %arg5[%run_scoped3A_127, %dma_start3A_145, %dma_start3A_146] : memref<2x2x128xi32, #tpu.memory_space<vmem>> -> memref<1x2x128xi32, #tpu.memory_space<vmem>>
          %dma_start3A_148 = tpu.memref_squeeze %dma_start3A_147 : memref<1x2x128xi32, #tpu.memory_space<vmem>> -> memref<2x128xi32, #tpu.memory_space<vmem>>
          %dma_start3A_149 = arith.constant 0 : i32
          %dma_start3A_150 = arith.constant 0 : i32
          %dma_start3A_151 = tpu.memref_slice %arg3[%add3A_126, %dma_start3A_149, %dma_start3A_150] : memref<2560x2x128xi32, #tpu.memory_space<hbm>> -> memref<1x2x128xi32, #tpu.memory_space<hbm>>
          %dma_start3A_152 = tpu.memref_squeeze %dma_start3A_151 : memref<1x2x128xi32, #tpu.memory_space<hbm>> -> memref<2x128xi32, #tpu.memory_space<hbm>>
          tpu.enqueue_dma source(%dma_start3A_152 : memref<2x128xi32, #tpu.memory_space<hbm>>) target(%dma_start3A_148 : memref<2x128xi32, #tpu.memory_space<vmem>>) target_semaphore(%run_scoped3A_136 : memref<!tpu.dma_semaphore, #tpu.memory_space<semaphore_mem>>)
          %dma_wait3A_153 = arith.constant 0 : i32
          %dma_wait3A_154 = arith.constant 0 : i32
          %dma_wait3A_155 = tpu.memref_slice %arg5[%run_scoped3A_127, %dma_wait3A_153, %dma_wait3A_154] : memref<2x2x128xi32, #tpu.memory_space<vmem>> -> memref<1x2x128xi32, #tpu.memory_space<vmem>>
          %dma_wait3A_156 = tpu.memref_squeeze %dma_wait3A_155 : memref<1x2x128xi32, #tpu.memory_space<vmem>> -> memref<2x128xi32, #tpu.memory_space<vmem>>
          %dma_wait3A_157 = arith.constant 0 : i32
          %dma_wait3A_158 = arith.constant 0 : i32
          %dma_wait3A_159 = tpu.memref_slice %arg3[%add3A_126, %dma_wait3A_157, %dma_wait3A_158] : memref<2560x2x128xi32, #tpu.memory_space<hbm>> -> memref<1x2x128xi32, #tpu.memory_space<hbm>>
          %dma_wait3A_160 = tpu.memref_squeeze %dma_wait3A_159 : memref<1x2x128xi32, #tpu.memory_space<hbm>> -> memref<2x128xi32, #tpu.memory_space<hbm>>
          %dma_wait3A_161 = arith.constant 0 : i32
          %dma_wait3A_162 = arith.constant 0 : i32
          %dma_wait3A_163 = tpu.memref_slice %arg5[%run_scoped3A_127, %dma_wait3A_161, %dma_wait3A_162] : memref<2x2x128xi32, #tpu.memory_space<vmem>> -> memref<1x2x128xi32, #tpu.memory_space<vmem>>
          %dma_wait3A_164 = tpu.memref_squeeze %dma_wait3A_163 : memref<1x2x128xi32, #tpu.memory_space<vmem>> -> memref<2x128xi32, #tpu.memory_space<vmem>>
          %dma_wait3A_165 = arith.constant 0 : i32
          %dma_wait3A_166 = arith.constant 0 : i32
          %dma_wait3A_167 = tpu.memref_slice %arg3[%add3A_126, %dma_wait3A_165, %dma_wait3A_166] : memref<2560x2x128xi32, #tpu.memory_space<hbm>> -> memref<1x2x128xi32, #tpu.memory_space<hbm>>
          %dma_wait3A_168 = tpu.memref_squeeze %dma_wait3A_167 : memref<1x2x128xi32, #tpu.memory_space<hbm>> -> memref<2x128xi32, #tpu.memory_space<hbm>>
          tpu.wait_dma2 semaphore(%run_scoped3A_136 : memref<!tpu.dma_semaphore, #tpu.memory_space<semaphore_mem>>) src(%dma_wait3A_168 : memref<2x128xi32, #tpu.memory_space<hbm>>) dst(%dma_wait3A_164 : memref<2x128xi32, #tpu.memory_space<vmem>>)
          tpu.yield
        }) : () -> ()
        %dma_start3A_128 = arith.constant 1 : i32
        %dma_start3A_129 = arith.constant 0 : i32
        %dma_start3A_130 = arith.constant 0 : i32
        %dma_start3A_131 = tpu.memref_slice %arg5[%dma_start3A_128, %dma_start3A_129, %dma_start3A_130] : memref<2x2x128xi32, #tpu.memory_space<vmem>> -> memref<1x1x128xi32, #tpu.memory_space<vmem>>
        %dma_start3A_132 = tpu.memref_squeeze %dma_start3A_131 : memref<1x1x128xi32, #tpu.memory_space<vmem>> -> memref<128xi32, #tpu.memory_space<vmem>>
        %dma_start3A_133 = arith.constant 0 : i32
        %dma_start3A_134 = arith.constant 0 : i32
        %dma_start3A_135 = tpu.memref_slice %arg2[%dma_start3A_133, %dma_start3A_134] : memref<10000x128xf32, #tpu.memory_space<hbm>> -> memref<10000x128xf32, #tpu.memory_space<hbm>>
        tpu.enqueue_indirect_dma source(%dma_start3A_135 : memref<10000x128xf32, #tpu.memory_space<hbm>>) target(%arg7 : memref<128x128xf32, #tpu.memory_space<vmem>>) offsets(%dma_start3A_132 : memref<128xi32, #tpu.memory_space<vmem>>) semaphore(%arg9 : memref<!tpu.dma_semaphore, #tpu.memory_space<semaphore_mem>>)
      } else {
      }
      %dma_wait3A_77 = arith.constant 0 : i32
      %dma_wait3A_78 = arith.constant 0 : i32
      %dma_wait3A_79 = arith.constant 0 : i32
      %dma_wait3A_80 = tpu.memref_slice %arg5[%dma_wait3A_77, %dma_wait3A_78, %dma_wait3A_79] : memref<2x2x128xi32, #tpu.memory_space<vmem>> -> memref<1x1x128xi32, #tpu.memory_space<vmem>>
      %dma_wait3A_81 = tpu.memref_squeeze %dma_wait3A_80 : memref<1x1x128xi32, #tpu.memory_space<vmem>> -> memref<128xi32, #tpu.memory_space<vmem>>
      %dma_wait3A_82 = arith.constant 0 : i32
      %dma_wait3A_83 = arith.constant 0 : i32
      %dma_wait3A_84 = tpu.memref_slice %arg2[%dma_wait3A_82, %dma_wait3A_83] : memref<10000x128xf32, #tpu.memory_space<hbm>> -> memref<10000x128xf32, #tpu.memory_space<hbm>>
      tpu.wait_indirect_dma semaphore(%arg9 : memref<!tpu.dma_semaphore, #tpu.memory_space<semaphore_mem>>) src(%dma_wait3A_84 : memref<10000x128xf32, #tpu.memory_space<hbm>>) dst(%arg6 : memref<128x128xf32, #tpu.memory_space<vmem>>)
      %dma_start3A_85 = arith.constant 0 : i32
      %dma_start3A_86 = arith.constant 1 : i32
      %dma_start3A_87 = arith.constant 0 : i32
      %dma_start3A_88 = tpu.memref_slice %arg5[%dma_start3A_85, %dma_start3A_86, %dma_start3A_87] : memref<2x2x128xi32, #tpu.memory_space<vmem>> -> memref<1x1x128xi32, #tpu.memory_space<vmem>>
      %dma_start3A_89 = tpu.memref_squeeze %dma_start3A_88 : memref<1x1x128xi32, #tpu.memory_space<vmem>> -> memref<128xi32, #tpu.memory_space<vmem>>
      %dma_start3A_90 = arith.constant 0 : i32
      %dma_start3A_91 = arith.constant 0 : i32
      %dma_start3A_92 = tpu.memref_slice %arg8[%dma_start3A_90, %dma_start3A_91] : memref<10240x128xf32, #tpu.memory_space<vmem_shared>> -> memref<10240x128xf32, #tpu.memory_space<vmem_shared>>
      tpu.enqueue_indirect_dma source(%arg6 : memref<128x128xf32, #tpu.memory_space<vmem>>) target(%dma_start3A_92 : memref<10240x128xf32, #tpu.memory_space<vmem_shared>>) offsets(%dma_start3A_89 : memref<128xi32, #tpu.memory_space<vmem>>) semaphore(%arg10 : memref<!tpu.dma_semaphore, #tpu.memory_space<semaphore_mem>>) {add = true}
      %mul3A_93 = arith.constant 2 : i32
      %mul3A_94 = arith.muli %mul3A_93, %while3A_65 : i32
      %add3A_95 = arith.constant 1 : i32
      %add3A_96 = arith.addi %mul3A_94, %add3A_95 : i32
      %ge3A_97 = arith.constant 1 : i32
      %ge3A_98 = arith.cmpi sge, %add3A_96, %ge3A_97 : i32
      %convert_element_type3A_99 = arith.extui %ge3A_98 : i1 to i32
      %cond3A_100 = arith.constant 0 : i32
      %cond3A_101 = arith.cmpi ne, %convert_element_type3A_99, %cond3A_100 : i32
      scf.if %cond3A_101 {
        %dma_wait3A_124 = arith.constant 0 : i32
        %dma_wait3A_125 = arith.constant 1 : i32
        %dma_wait3A_126 = arith.constant 0 : i32
        %dma_wait3A_127 = tpu.memref_slice %arg5[%dma_wait3A_124, %dma_wait3A_125, %dma_wait3A_126] : memref<2x2x128xi32, #tpu.memory_space<vmem>> -> memref<1x1x128xi32, #tpu.memory_space<vmem>>
        %dma_wait3A_128 = tpu.memref_squeeze %dma_wait3A_127 : memref<1x1x128xi32, #tpu.memory_space<vmem>> -> memref<128xi32, #tpu.memory_space<vmem>>
        %dma_wait3A_129 = arith.constant 0 : i32
        %dma_wait3A_130 = arith.constant 0 : i32
        %dma_wait3A_131 = tpu.memref_slice %arg8[%dma_wait3A_129, %dma_wait3A_130] : memref<10240x128xf32, #tpu.memory_space<vmem_shared>> -> memref<10240x128xf32, #tpu.memory_space<vmem_shared>>
        tpu.wait_indirect_dma semaphore(%arg10 : memref<!tpu.dma_semaphore, #tpu.memory_space<semaphore_mem>>) src(%arg6 : memref<128x128xf32, #tpu.memory_space<vmem>>) dst(%dma_wait3A_131 : memref<10240x128xf32, #tpu.memory_space<vmem_shared>>)
      } else {
      }
      %add3A_102 = arith.constant 1 : i32
      %add3A_103 = arith.addi %add3A_96, %add3A_102 : i32
      %lt3A_104 = arith.cmpi slt, %add3A_103, %select_n3A : i32
      %convert_element_type3A_105 = arith.extui %lt3A_104 : i1 to i32
      %cond3A_106 = arith.constant 0 : i32
      %cond3A_107 = arith.cmpi ne, %convert_element_type3A_105, %cond3A_106 : i32
      scf.if %cond3A_107 {
        %add3A_124 = arith.addi %add3A_22, %add3A_96 : i32
        %add3A_125 = arith.constant 1 : i32
        %add3A_126 = arith.addi %add3A_124, %add3A_125 : i32
        %run_scoped3A_127 = arith.constant 0 : i32
        "tpu.region"() ({
          %run_scoped3A_136 = tpu.sem_alloc : memref<!tpu.dma_semaphore, #tpu.memory_space<semaphore_mem>>
          %dma_start3A_137 = arith.constant 0 : i32
          %dma_start3A_138 = arith.constant 0 : i32
          %dma_start3A_139 = tpu.memref_slice %arg5[%run_scoped3A_127, %dma_start3A_137, %dma_start3A_138] : memref<2x2x128xi32, #tpu.memory_space<vmem>> -> memref<1x2x128xi32, #tpu.memory_space<vmem>>
          %dma_start3A_140 = tpu.memref_squeeze %dma_start3A_139 : memref<1x2x128xi32, #tpu.memory_space<vmem>> -> memref<2x128xi32, #tpu.memory_space<vmem>>
          %dma_start3A_141 = arith.constant 0 : i32
          %dma_start3A_142 = arith.constant 0 : i32
          %dma_start3A_143 = tpu.memref_slice %arg3[%add3A_126, %dma_start3A_141, %dma_start3A_142] : memref<2560x2x128xi32, #tpu.memory_space<hbm>> -> memref<1x2x128xi32, #tpu.memory_space<hbm>>
          %dma_start3A_144 = tpu.memref_squeeze %dma_start3A_143 : memref<1x2x128xi32, #tpu.memory_space<hbm>> -> memref<2x128xi32, #tpu.memory_space<hbm>>
          %dma_start3A_145 = arith.constant 0 : i32
          %dma_start3A_146 = arith.constant 0 : i32
          %dma_start3A_147 = tpu.memref_slice %arg5[%run_scoped3A_127, %dma_start3A_145, %dma_start3A_146] : memref<2x2x128xi32, #tpu.memory_space<vmem>> -> memref<1x2x128xi32, #tpu.memory_space<vmem>>
          %dma_start3A_148 = tpu.memref_squeeze %dma_start3A_147 : memref<1x2x128xi32, #tpu.memory_space<vmem>> -> memref<2x128xi32, #tpu.memory_space<vmem>>
          %dma_start3A_149 = arith.constant 0 : i32
          %dma_start3A_150 = arith.constant 0 : i32
          %dma_start3A_151 = tpu.memref_slice %arg3[%add3A_126, %dma_start3A_149, %dma_start3A_150] : memref<2560x2x128xi32, #tpu.memory_space<hbm>> -> memref<1x2x128xi32, #tpu.memory_space<hbm>>
          %dma_start3A_152 = tpu.memref_squeeze %dma_start3A_151 : memref<1x2x128xi32, #tpu.memory_space<hbm>> -> memref<2x128xi32, #tpu.memory_space<hbm>>
          tpu.enqueue_dma source(%dma_start3A_152 : memref<2x128xi32, #tpu.memory_space<hbm>>) target(%dma_start3A_148 : memref<2x128xi32, #tpu.memory_space<vmem>>) target_semaphore(%run_scoped3A_136 : memref<!tpu.dma_semaphore, #tpu.memory_space<semaphore_mem>>)
          %dma_wait3A_153 = arith.constant 0 : i32
          %dma_wait3A_154 = arith.constant 0 : i32
          %dma_wait3A_155 = tpu.memref_slice %arg5[%run_scoped3A_127, %dma_wait3A_153, %dma_wait3A_154] : memref<2x2x128xi32, #tpu.memory_space<vmem>> -> memref<1x2x128xi32, #tpu.memory_space<vmem>>
          %dma_wait3A_156 = tpu.memref_squeeze %dma_wait3A_155 : memref<1x2x128xi32, #tpu.memory_space<vmem>> -> memref<2x128xi32, #tpu.memory_space<vmem>>
          %dma_wait3A_157 = arith.constant 0 : i32
          %dma_wait3A_158 = arith.constant 0 : i32
          %dma_wait3A_159 = tpu.memref_slice %arg3[%add3A_126, %dma_wait3A_157, %dma_wait3A_158] : memref<2560x2x128xi32, #tpu.memory_space<hbm>> -> memref<1x2x128xi32, #tpu.memory_space<hbm>>
          %dma_wait3A_160 = tpu.memref_squeeze %dma_wait3A_159 : memref<1x2x128xi32, #tpu.memory_space<hbm>> -> memref<2x128xi32, #tpu.memory_space<hbm>>
          %dma_wait3A_161 = arith.constant 0 : i32
          %dma_wait3A_162 = arith.constant 0 : i32
          %dma_wait3A_163 = tpu.memref_slice %arg5[%run_scoped3A_127, %dma_wait3A_161, %dma_wait3A_162] : memref<2x2x128xi32, #tpu.memory_space<vmem>> -> memref<1x2x128xi32, #tpu.memory_space<vmem>>
          %dma_wait3A_164 = tpu.memref_squeeze %dma_wait3A_163 : memref<1x2x128xi32, #tpu.memory_space<vmem>> -> memref<2x128xi32, #tpu.memory_space<vmem>>
          %dma_wait3A_165 = arith.constant 0 : i32
          %dma_wait3A_166 = arith.constant 0 : i32
          %dma_wait3A_167 = tpu.memref_slice %arg3[%add3A_126, %dma_wait3A_165, %dma_wait3A_166] : memref<2560x2x128xi32, #tpu.memory_space<hbm>> -> memref<1x2x128xi32, #tpu.memory_space<hbm>>
          %dma_wait3A_168 = tpu.memref_squeeze %dma_wait3A_167 : memref<1x2x128xi32, #tpu.memory_space<hbm>> -> memref<2x128xi32, #tpu.memory_space<hbm>>
          tpu.wait_dma2 semaphore(%run_scoped3A_136 : memref<!tpu.dma_semaphore, #tpu.memory_space<semaphore_mem>>) src(%dma_wait3A_168 : memref<2x128xi32, #tpu.memory_space<hbm>>) dst(%dma_wait3A_164 : memref<2x128xi32, #tpu.memory_space<vmem>>)
          tpu.yield
        }) : () -> ()
        %dma_start3A_128 = arith.constant 0 : i32
        %dma_start3A_129 = arith.constant 0 : i32
        %dma_start3A_130 = arith.constant 0 : i32
        %dma_start3A_131 = tpu.memref_slice %arg5[%dma_start3A_128, %dma_start3A_129, %dma_start3A_130] : memref<2x2x128xi32, #tpu.memory_space<vmem>> -> memref<1x1x128xi32, #tpu.memory_space<vmem>>
        %dma_start3A_132 = tpu.memref_squeeze %dma_start3A_131 : memref<1x1x128xi32, #tpu.memory_space<vmem>> -> memref<128xi32, #tpu.memory_space<vmem>>
        %dma_start3A_133 = arith.constant 0 : i32
        %dma_start3A_134 = arith.constant 0 : i32
        %dma_start3A_135 = tpu.memref_slice %arg2[%dma_start3A_133, %dma_start3A_134] : memref<10000x128xf32, #tpu.memory_space<hbm>> -> memref<10000x128xf32, #tpu.memory_space<hbm>>
        tpu.enqueue_indirect_dma source(%dma_start3A_135 : memref<10000x128xf32, #tpu.memory_space<hbm>>) target(%arg6 : memref<128x128xf32, #tpu.memory_space<vmem>>) offsets(%dma_start3A_132 : memref<128xi32, #tpu.memory_space<vmem>>) semaphore(%arg9 : memref<!tpu.dma_semaphore, #tpu.memory_space<semaphore_mem>>)
      } else {
      }
      %dma_wait3A_108 = arith.constant 1 : i32
      %dma_wait3A_109 = arith.constant 0 : i32
      %dma_wait3A_110 = arith.constant 0 : i32
      %dma_wait3A_111 = tpu.memref_slice %arg5[%dma_wait3A_108, %dma_wait3A_109, %dma_wait3A_110] : memref<2x2x128xi32, #tpu.memory_space<vmem>> -> memref<1x1x128xi32, #tpu.memory_space<vmem>>
      %dma_wait3A_112 = tpu.memref_squeeze %dma_wait3A_111 : memref<1x1x128xi32, #tpu.memory_space<vmem>> -> memref<128xi32, #tpu.memory_space<vmem>>
      %dma_wait3A_113 = arith.constant 0 : i32
      %dma_wait3A_114 = arith.constant 0 : i32
      %dma_wait3A_115 = tpu.memref_slice %arg2[%dma_wait3A_113, %dma_wait3A_114] : memref<10000x128xf32, #tpu.memory_space<hbm>> -> memref<10000x128xf32, #tpu.memory_space<hbm>>
      tpu.wait_indirect_dma semaphore(%arg9 : memref<!tpu.dma_semaphore, #tpu.memory_space<semaphore_mem>>) src(%dma_wait3A_115 : memref<10000x128xf32, #tpu.memory_space<hbm>>) dst(%arg7 : memref<128x128xf32, #tpu.memory_space<vmem>>)
      %dma_start3A_116 = arith.constant 1 : i32
      %dma_start3A_117 = arith.constant 1 : i32
      %dma_start3A_118 = arith.constant 0 : i32
      %dma_start3A_119 = tpu.memref_slice %arg5[%dma_start3A_116, %dma_start3A_117, %dma_start3A_118] : memref<2x2x128xi32, #tpu.memory_space<vmem>> -> memref<1x1x128xi32, #tpu.memory_space<vmem>>
      %dma_start3A_120 = tpu.memref_squeeze %dma_start3A_119 : memref<1x1x128xi32, #tpu.memory_space<vmem>> -> memref<128xi32, #tpu.memory_space<vmem>>
      %dma_start3A_121 = arith.constant 0 : i32
      %dma_start3A_122 = arith.constant 0 : i32
      %dma_start3A_123 = tpu.memref_slice %arg8[%dma_start3A_121, %dma_start3A_122] : memref<10240x128xf32, #tpu.memory_space<vmem_shared>> -> memref<10240x128xf32, #tpu.memory_space<vmem_shared>>
      tpu.enqueue_indirect_dma source(%arg7 : memref<128x128xf32, #tpu.memory_space<vmem>>) target(%dma_start3A_123 : memref<10240x128xf32, #tpu.memory_space<vmem_shared>>) offsets(%dma_start3A_120 : memref<128xi32, #tpu.memory_space<vmem>>) semaphore(%arg10 : memref<!tpu.dma_semaphore, #tpu.memory_space<semaphore_mem>>) {add = true}
    }
    %while3A_56 = arith.constant 1 : i32
    scf.for %while3A_65 = %while3A_54 to %while3A_50 step %while3A_56  : i32 {
      %mul3A_66 = arith.constant 2 : i32
      %mul3A_67 = arith.muli %mul3A_66, %while3A_65 : i32
      %add3A_68 = arith.constant 0 : i32
      %add3A_69 = arith.addi %mul3A_67, %add3A_68 : i32
      %ge3A = arith.constant 1 : i32
      %ge3A_70 = arith.cmpi sge, %add3A_69, %ge3A : i32
      %convert_element_type3A = arith.extui %ge3A_70 : i1 to i32
      %cond3A = arith.constant 0 : i32
      %cond3A_71 = arith.cmpi ne, %convert_element_type3A, %cond3A : i32
      scf.if %cond3A_71 {
        %dma_wait3A_124 = arith.constant 1 : i32
        %dma_wait3A_125 = arith.constant 1 : i32
        %dma_wait3A_126 = arith.constant 0 : i32
        %dma_wait3A_127 = tpu.memref_slice %arg5[%dma_wait3A_124, %dma_wait3A_125, %dma_wait3A_126] : memref<2x2x128xi32, #tpu.memory_space<vmem>> -> memref<1x1x128xi32, #tpu.memory_space<vmem>>
        %dma_wait3A_128 = tpu.memref_squeeze %dma_wait3A_127 : memref<1x1x128xi32, #tpu.memory_space<vmem>> -> memref<128xi32, #tpu.memory_space<vmem>>
        %dma_wait3A_129 = arith.constant 0 : i32
        %dma_wait3A_130 = arith.constant 0 : i32
        %dma_wait3A_131 = tpu.memref_slice %arg8[%dma_wait3A_129, %dma_wait3A_130] : memref<10240x128xf32, #tpu.memory_space<vmem_shared>> -> memref<10240x128xf32, #tpu.memory_space<vmem_shared>>
        tpu.wait_indirect_dma semaphore(%arg10 : memref<!tpu.dma_semaphore, #tpu.memory_space<semaphore_mem>>) src(%arg7 : memref<128x128xf32, #tpu.memory_space<vmem>>) dst(%dma_wait3A_131 : memref<10240x128xf32, #tpu.memory_space<vmem_shared>>)
      } else {
      }
      %add3A_72 = arith.constant 1 : i32
      %add3A_73 = arith.addi %add3A_69, %add3A_72 : i32
      %lt3A = arith.cmpi slt, %add3A_73, %select_n3A : i32
      %convert_element_type3A_74 = arith.extui %lt3A : i1 to i32
      %cond3A_75 = arith.constant 0 : i32
      %cond3A_76 = arith.cmpi ne, %convert_element_type3A_74, %cond3A_75 : i32
      scf.if %cond3A_76 {
        %add3A_124 = arith.addi %add3A_22, %add3A_69 : i32
        %add3A_125 = arith.constant 1 : i32
        %add3A_126 = arith.addi %add3A_124, %add3A_125 : i32
        %run_scoped3A_127 = arith.constant 1 : i32
        "tpu.region"() ({
          %run_scoped3A_136 = tpu.sem_alloc : memref<!tpu.dma_semaphore, #tpu.memory_space<semaphore_mem>>
          %dma_start3A_137 = arith.constant 0 : i32
          %dma_start3A_138 = arith.constant 0 : i32
          %dma_start3A_139 = tpu.memref_slice %arg5[%run_scoped3A_127, %dma_start3A_137, %dma_start3A_138] : memref<2x2x128xi32, #tpu.memory_space<vmem>> -> memref<1x2x128xi32, #tpu.memory_space<vmem>>
          %dma_start3A_140 = tpu.memref_squeeze %dma_start3A_139 : memref<1x2x128xi32, #tpu.memory_space<vmem>> -> memref<2x128xi32, #tpu.memory_space<vmem>>
          %dma_start3A_141 = arith.constant 0 : i32
          %dma_start3A_142 = arith.constant 0 : i32
          %dma_start3A_143 = tpu.memref_slice %arg3[%add3A_126, %dma_start3A_141, %dma_start3A_142] : memref<2560x2x128xi32, #tpu.memory_space<hbm>> -> memref<1x2x128xi32, #tpu.memory_space<hbm>>
          %dma_start3A_144 = tpu.memref_squeeze %dma_start3A_143 : memref<1x2x128xi32, #tpu.memory_space<hbm>> -> memref<2x128xi32, #tpu.memory_space<hbm>>
          %dma_start3A_145 = arith.constant 0 : i32
          %dma_start3A_146 = arith.constant 0 : i32
          %dma_start3A_147 = tpu.memref_slice %arg5[%run_scoped3A_127, %dma_start3A_145, %dma_start3A_146] : memref<2x2x128xi32, #tpu.memory_space<vmem>> -> memref<1x2x128xi32, #tpu.memory_space<vmem>>
          %dma_start3A_148 = tpu.memref_squeeze %dma_start3A_147 : memref<1x2x128xi32, #tpu.memory_space<vmem>> -> memref<2x128xi32, #tpu.memory_space<vmem>>
          %dma_start3A_149 = arith.constant 0 : i32
          %dma_start3A_150 = arith.constant 0 : i32
          %dma_start3A_151 = tpu.memref_slice %arg3[%add3A_126, %dma_start3A_149, %dma_start3A_150] : memref<2560x2x128xi32, #tpu.memory_space<hbm>> -> memref<1x2x128xi32, #tpu.memory_space<hbm>>
          %dma_start3A_152 = tpu.memref_squeeze %dma_start3A_151 : memref<1x2x128xi32, #tpu.memory_space<hbm>> -> memref<2x128xi32, #tpu.memory_space<hbm>>
          tpu.enqueue_dma source(%dma_start3A_152 : memref<2x128xi32, #tpu.memory_space<hbm>>) target(%dma_start3A_148 : memref<2x128xi32, #tpu.memory_space<vmem>>) target_semaphore(%run_scoped3A_136 : memref<!tpu.dma_semaphore, #tpu.memory_space<semaphore_mem>>)
          %dma_wait3A_153 = arith.constant 0 : i32
          %dma_wait3A_154 = arith.constant 0 : i32
          %dma_wait3A_155 = tpu.memref_slice %arg5[%run_scoped3A_127, %dma_wait3A_153, %dma_wait3A_154] : memref<2x2x128xi32, #tpu.memory_space<vmem>> -> memref<1x2x128xi32, #tpu.memory_space<vmem>>
          %dma_wait3A_156 = tpu.memref_squeeze %dma_wait3A_155 : memref<1x2x128xi32, #tpu.memory_space<vmem>> -> memref<2x128xi32, #tpu.memory_space<vmem>>
          %dma_wait3A_157 = arith.constant 0 : i32
          %dma_wait3A_158 = arith.constant 0 : i32
          %dma_wait3A_159 = tpu.memref_slice %arg3[%add3A_126, %dma_wait3A_157, %dma_wait3A_158] : memref<2560x2x128xi32, #tpu.memory_space<hbm>> -> memref<1x2x128xi32, #tpu.memory_space<hbm>>
          %dma_wait3A_160 = tpu.memref_squeeze %dma_wait3A_159 : memref<1x2x128xi32, #tpu.memory_space<hbm>> -> memref<2x128xi32, #tpu.memory_space<hbm>>
          %dma_wait3A_161 = arith.constant 0 : i32
          %dma_wait3A_162 = arith.constant 0 : i32
          %dma_wait3A_163 = tpu.memref_slice %arg5[%run_scoped3A_127, %dma_wait3A_161, %dma_wait3A_162] : memref<2x2x128xi32, #tpu.memory_space<vmem>> -> memref<1x2x128xi32, #tpu.memory_space<vmem>>
          %dma_wait3A_164 = tpu.memref_squeeze %dma_wait3A_163 : memref<1x2x128xi32, #tpu.memory_space<vmem>> -> memref<2x128xi32, #tpu.memory_space<vmem>>
          %dma_wait3A_165 = arith.constant 0 : i32
          %dma_wait3A_166 = arith.constant 0 : i32
          %dma_wait3A_167 = tpu.memref_slice %arg3[%add3A_126, %dma_wait3A_165, %dma_wait3A_166] : memref<2560x2x128xi32, #tpu.memory_space<hbm>> -> memref<1x2x128xi32, #tpu.memory_space<hbm>>
          %dma_wait3A_168 = tpu.memref_squeeze %dma_wait3A_167 : memref<1x2x128xi32, #tpu.memory_space<hbm>> -> memref<2x128xi32, #tpu.memory_space<hbm>>
          tpu.wait_dma2 semaphore(%run_scoped3A_136 : memref<!tpu.dma_semaphore, #tpu.memory_space<semaphore_mem>>) src(%dma_wait3A_168 : memref<2x128xi32, #tpu.memory_space<hbm>>) dst(%dma_wait3A_164 : memref<2x128xi32, #tpu.memory_space<vmem>>)
          tpu.yield
        }) : () -> ()
        %dma_start3A_128 = arith.constant 1 : i32
        %dma_start3A_129 = arith.constant 0 : i32
        %dma_start3A_130 = arith.constant 0 : i32
        %dma_start3A_131 = tpu.memref_slice %arg5[%dma_start3A_128, %dma_start3A_129, %dma_start3A_130] : memref<2x2x128xi32, #tpu.memory_space<vmem>> -> memref<1x1x128xi32, #tpu.memory_space<vmem>>
        %dma_start3A_132 = tpu.memref_squeeze %dma_start3A_131 : memref<1x1x128xi32, #tpu.memory_space<vmem>> -> memref<128xi32, #tpu.memory_space<vmem>>
        %dma_start3A_133 = arith.constant 0 : i32
        %dma_start3A_134 = arith.constant 0 : i32
        %dma_start3A_135 = tpu.memref_slice %arg2[%dma_start3A_133, %dma_start3A_134] : memref<10000x128xf32, #tpu.memory_space<hbm>> -> memref<10000x128xf32, #tpu.memory_space<hbm>>
        tpu.enqueue_indirect_dma source(%dma_start3A_135 : memref<10000x128xf32, #tpu.memory_space<hbm>>) target(%arg7 : memref<128x128xf32, #tpu.memory_space<vmem>>) offsets(%dma_start3A_132 : memref<128xi32, #tpu.memory_space<vmem>>) semaphore(%arg9 : memref<!tpu.dma_semaphore, #tpu.memory_space<semaphore_mem>>)
      } else {
      }
      %dma_wait3A_77 = arith.constant 0 : i32
      %dma_wait3A_78 = arith.constant 0 : i32
      %dma_wait3A_79 = arith.constant 0 : i32
      %dma_wait3A_80 = tpu.memref_slice %arg5[%dma_wait3A_77, %dma_wait3A_78, %dma_wait3A_79] : memref<2x2x128xi32, #tpu.memory_space<vmem>> -> memref<1x1x128xi32, #tpu.memory_space<vmem>>
      %dma_wait3A_81 = tpu.memref_squeeze %dma_wait3A_80 : memref<1x1x128xi32, #tpu.memory_space<vmem>> -> memref<128xi32, #tpu.memory_space<vmem>>
      %dma_wait3A_82 = arith.constant 0 : i32
      %dma_wait3A_83 = arith.constant 0 : i32
      %dma_wait3A_84 = tpu.memref_slice %arg2[%dma_wait3A_82, %dma_wait3A_83] : memref<10000x128xf32, #tpu.memory_space<hbm>> -> memref<10000x128xf32, #tpu.memory_space<hbm>>
      tpu.wait_indirect_dma semaphore(%arg9 : memref<!tpu.dma_semaphore, #tpu.memory_space<semaphore_mem>>) src(%dma_wait3A_84 : memref<10000x128xf32, #tpu.memory_space<hbm>>) dst(%arg6 : memref<128x128xf32, #tpu.memory_space<vmem>>)
      %dma_start3A_85 = arith.constant 0 : i32
      %dma_start3A_86 = arith.constant 1 : i32
      %dma_start3A_87 = arith.constant 0 : i32
      %dma_start3A_88 = tpu.memref_slice %arg5[%dma_start3A_85, %dma_start3A_86, %dma_start3A_87] : memref<2x2x128xi32, #tpu.memory_space<vmem>> -> memref<1x1x128xi32, #tpu.memory_space<vmem>>
      %dma_start3A_89 = tpu.memref_squeeze %dma_start3A_88 : memref<1x1x128xi32, #tpu.memory_space<vmem>> -> memref<128xi32, #tpu.memory_space<vmem>>
      %dma_start3A_90 = arith.constant 0 : i32
      %dma_start3A_91 = arith.constant 0 : i32
      %dma_start3A_92 = tpu.memref_slice %arg8[%dma_start3A_90, %dma_start3A_91] : memref<10240x128xf32, #tpu.memory_space<vmem_shared>> -> memref<10240x128xf32, #tpu.memory_space<vmem_shared>>
      tpu.enqueue_indirect_dma source(%arg6 : memref<128x128xf32, #tpu.memory_space<vmem>>) target(%dma_start3A_92 : memref<10240x128xf32, #tpu.memory_space<vmem_shared>>) offsets(%dma_start3A_89 : memref<128xi32, #tpu.memory_space<vmem>>) semaphore(%arg10 : memref<!tpu.dma_semaphore, #tpu.memory_space<semaphore_mem>>) {add = true}
      %mul3A_93 = arith.constant 2 : i32
      %mul3A_94 = arith.muli %mul3A_93, %while3A_65 : i32
      %add3A_95 = arith.constant 1 : i32
      %add3A_96 = arith.addi %mul3A_94, %add3A_95 : i32
      %ge3A_97 = arith.constant 1 : i32
      %ge3A_98 = arith.cmpi sge, %add3A_96, %ge3A_97 : i32
      %convert_element_type3A_99 = arith.extui %ge3A_98 : i1 to i32
      %cond3A_100 = arith.constant 0 : i32
      %cond3A_101 = arith.cmpi ne, %convert_element_type3A_99, %cond3A_100 : i32
      scf.if %cond3A_101 {
        %dma_wait3A_124 = arith.constant 0 : i32
        %dma_wait3A_125 = arith.constant 1 : i32
        %dma_wait3A_126 = arith.constant 0 : i32
        %dma_wait3A_127 = tpu.memref_slice %arg5[%dma_wait3A_124, %dma_wait3A_125, %dma_wait3A_126] : memref<2x2x128xi32, #tpu.memory_space<vmem>> -> memref<1x1x128xi32, #tpu.memory_space<vmem>>
        %dma_wait3A_128 = tpu.memref_squeeze %dma_wait3A_127 : memref<1x1x128xi32, #tpu.memory_space<vmem>> -> memref<128xi32, #tpu.memory_space<vmem>>
        %dma_wait3A_129 = arith.constant 0 : i32
        %dma_wait3A_130 = arith.constant 0 : i32
        %dma_wait3A_131 = tpu.memref_slice %arg8[%dma_wait3A_129, %dma_wait3A_130] : memref<10240x128xf32, #tpu.memory_space<vmem_shared>> -> memref<10240x128xf32, #tpu.memory_space<vmem_shared>>
        tpu.wait_indirect_dma semaphore(%arg10 : memref<!tpu.dma_semaphore, #tpu.memory_space<semaphore_mem>>) src(%arg6 : memref<128x128xf32, #tpu.memory_space<vmem>>) dst(%dma_wait3A_131 : memref<10240x128xf32, #tpu.memory_space<vmem_shared>>)
      } else {
      }
      %add3A_102 = arith.constant 1 : i32
      %add3A_103 = arith.addi %add3A_96, %add3A_102 : i32
      %lt3A_104 = arith.cmpi slt, %add3A_103, %select_n3A : i32
      %convert_element_type3A_105 = arith.extui %lt3A_104 : i1 to i32
      %cond3A_106 = arith.constant 0 : i32
      %cond3A_107 = arith.cmpi ne, %convert_element_type3A_105, %cond3A_106 : i32
      scf.if %cond3A_107 {
        %add3A_124 = arith.addi %add3A_22, %add3A_96 : i32
        %add3A_125 = arith.constant 1 : i32
        %add3A_126 = arith.addi %add3A_124, %add3A_125 : i32
        %run_scoped3A_127 = arith.constant 0 : i32
        "tpu.region"() ({
          %run_scoped3A_136 = tpu.sem_alloc : memref<!tpu.dma_semaphore, #tpu.memory_space<semaphore_mem>>
          %dma_start3A_137 = arith.constant 0 : i32
          %dma_start3A_138 = arith.constant 0 : i32
          %dma_start3A_139 = tpu.memref_slice %arg5[%run_scoped3A_127, %dma_start3A_137, %dma_start3A_138] : memref<2x2x128xi32, #tpu.memory_space<vmem>> -> memref<1x2x128xi32, #tpu.memory_space<vmem>>
          %dma_start3A_140 = tpu.memref_squeeze %dma_start3A_139 : memref<1x2x128xi32, #tpu.memory_space<vmem>> -> memref<2x128xi32, #tpu.memory_space<vmem>>
          %dma_start3A_141 = arith.constant 0 : i32
          %dma_start3A_142 = arith.constant 0 : i32
          %dma_start3A_143 = tpu.memref_slice %arg3[%add3A_126, %dma_start3A_141, %dma_start3A_142] : memref<2560x2x128xi32, #tpu.memory_space<hbm>> -> memref<1x2x128xi32, #tpu.memory_space<hbm>>
          %dma_start3A_144 = tpu.memref_squeeze %dma_start3A_143 : memref<1x2x128xi32, #tpu.memory_space<hbm>> -> memref<2x128xi32, #tpu.memory_space<hbm>>
          %dma_start3A_145 = arith.constant 0 : i32
          %dma_start3A_146 = arith.constant 0 : i32
          %dma_start3A_147 = tpu.memref_slice %arg5[%run_scoped3A_127, %dma_start3A_145, %dma_start3A_146] : memref<2x2x128xi32, #tpu.memory_space<vmem>> -> memref<1x2x128xi32, #tpu.memory_space<vmem>>
          %dma_start3A_148 = tpu.memref_squeeze %dma_start3A_147 : memref<1x2x128xi32, #tpu.memory_space<vmem>> -> memref<2x128xi32, #tpu.memory_space<vmem>>
          %dma_start3A_149 = arith.constant 0 : i32
          %dma_start3A_150 = arith.constant 0 : i32
          %dma_start3A_151 = tpu.memref_slice %arg3[%add3A_126, %dma_start3A_149, %dma_start3A_150] : memref<2560x2x128xi32, #tpu.memory_space<hbm>> -> memref<1x2x128xi32, #tpu.memory_space<hbm>>
          %dma_start3A_152 = tpu.memref_squeeze %dma_start3A_151 : memref<1x2x128xi32, #tpu.memory_space<hbm>> -> memref<2x128xi32, #tpu.memory_space<hbm>>
          tpu.enqueue_dma source(%dma_start3A_152 : memref<2x128xi32, #tpu.memory_space<hbm>>) target(%dma_start3A_148 : memref<2x128xi32, #tpu.memory_space<vmem>>) target_semaphore(%run_scoped3A_136 : memref<!tpu.dma_semaphore, #tpu.memory_space<semaphore_mem>>)
          %dma_wait3A_153 = arith.constant 0 : i32
          %dma_wait3A_154 = arith.constant 0 : i32
          %dma_wait3A_155 = tpu.memref_slice %arg5[%run_scoped3A_127, %dma_wait3A_153, %dma_wait3A_154] : memref<2x2x128xi32, #tpu.memory_space<vmem>> -> memref<1x2x128xi32, #tpu.memory_space<vmem>>
          %dma_wait3A_156 = tpu.memref_squeeze %dma_wait3A_155 : memref<1x2x128xi32, #tpu.memory_space<vmem>> -> memref<2x128xi32, #tpu.memory_space<vmem>>
          %dma_wait3A_157 = arith.constant 0 : i32
          %dma_wait3A_158 = arith.constant 0 : i32
          %dma_wait3A_159 = tpu.memref_slice %arg3[%add3A_126, %dma_wait3A_157, %dma_wait3A_158] : memref<2560x2x128xi32, #tpu.memory_space<hbm>> -> memref<1x2x128xi32, #tpu.memory_space<hbm>>
          %dma_wait3A_160 = tpu.memref_squeeze %dma_wait3A_159 : memref<1x2x128xi32, #tpu.memory_space<hbm>> -> memref<2x128xi32, #tpu.memory_space<hbm>>
          %dma_wait3A_161 = arith.constant 0 : i32
          %dma_wait3A_162 = arith.constant 0 : i32
          %dma_wait3A_163 = tpu.memref_slice %arg5[%run_scoped3A_127, %dma_wait3A_161, %dma_wait3A_162] : memref<2x2x128xi32, #tpu.memory_space<vmem>> -> memref<1x2x128xi32, #tpu.memory_space<vmem>>
          %dma_wait3A_164 = tpu.memref_squeeze %dma_wait3A_163 : memref<1x2x128xi32, #tpu.memory_space<vmem>> -> memref<2x128xi32, #tpu.memory_space<vmem>>
          %dma_wait3A_165 = arith.constant 0 : i32
          %dma_wait3A_166 = arith.constant 0 : i32
          %dma_wait3A_167 = tpu.memref_slice %arg3[%add3A_126, %dma_wait3A_165, %dma_wait3A_166] : memref<2560x2x128xi32, #tpu.memory_space<hbm>> -> memref<1x2x128xi32, #tpu.memory_space<hbm>>
          %dma_wait3A_168 = tpu.memref_squeeze %dma_wait3A_167 : memref<1x2x128xi32, #tpu.memory_space<hbm>> -> memref<2x128xi32, #tpu.memory_space<hbm>>
          tpu.wait_dma2 semaphore(%run_scoped3A_136 : memref<!tpu.dma_semaphore, #tpu.memory_space<semaphore_mem>>) src(%dma_wait3A_168 : memref<2x128xi32, #tpu.memory_space<hbm>>) dst(%dma_wait3A_164 : memref<2x128xi32, #tpu.memory_space<vmem>>)
          tpu.yield
        }) : () -> ()
        %dma_start3A_128 = arith.constant 0 : i32
        %dma_start3A_129 = arith.constant 0 : i32
        %dma_start3A_130 = arith.constant 0 : i32
        %dma_start3A_131 = tpu.memref_slice %arg5[%dma_start3A_128, %dma_start3A_129, %dma_start3A_130] : memref<2x2x128xi32, #tpu.memory_space<vmem>> -> memref<1x1x128xi32, #tpu.memory_space<vmem>>
        %dma_start3A_132 = tpu.memref_squeeze %dma_start3A_131 : memref<1x1x128xi32, #tpu.memory_space<vmem>> -> memref<128xi32, #tpu.memory_space<vmem>>
        %dma_start3A_133 = arith.constant 0 : i32
        %dma_start3A_134 = arith.constant 0 : i32
        %dma_start3A_135 = tpu.memref_slice %arg2[%dma_start3A_133, %dma_start3A_134] : memref<10000x128xf32, #tpu.memory_space<hbm>> -> memref<10000x128xf32, #tpu.memory_space<hbm>>
        tpu.enqueue_indirect_dma source(%dma_start3A_135 : memref<10000x128xf32, #tpu.memory_space<hbm>>) target(%arg6 : memref<128x128xf32, #tpu.memory_space<vmem>>) offsets(%dma_start3A_132 : memref<128xi32, #tpu.memory_space<vmem>>) semaphore(%arg9 : memref<!tpu.dma_semaphore, #tpu.memory_space<semaphore_mem>>)
      } else {
      }
      %dma_wait3A_108 = arith.constant 1 : i32
      %dma_wait3A_109 = arith.constant 0 : i32
      %dma_wait3A_110 = arith.constant 0 : i32
      %dma_wait3A_111 = tpu.memref_slice %arg5[%dma_wait3A_108, %dma_wait3A_109, %dma_wait3A_110] : memref<2x2x128xi32, #tpu.memory_space<vmem>> -> memref<1x1x128xi32, #tpu.memory_space<vmem>>
      %dma_wait3A_112 = tpu.memref_squeeze %dma_wait3A_111 : memref<1x1x128xi32, #tpu.memory_space<vmem>> -> memref<128xi32, #tpu.memory_space<vmem>>
      %dma_wait3A_113 = arith.constant 0 : i32
      %dma_wait3A_114 = arith.constant 0 : i32
      %dma_wait3A_115 = tpu.memref_slice %arg2[%dma_wait3A_113, %dma_wait3A_114] : memref<10000x128xf32, #tpu.memory_space<hbm>> -> memref<10000x128xf32, #tpu.memory_space<hbm>>
      tpu.wait_indirect_dma semaphore(%arg9 : memref<!tpu.dma_semaphore, #tpu.memory_space<semaphore_mem>>) src(%dma_wait3A_115 : memref<10000x128xf32, #tpu.memory_space<hbm>>) dst(%arg7 : memref<128x128xf32, #tpu.memory_space<vmem>>)
      %dma_start3A_116 = arith.constant 1 : i32
      %dma_start3A_117 = arith.constant 1 : i32
      %dma_start3A_118 = arith.constant 0 : i32
      %dma_start3A_119 = tpu.memref_slice %arg5[%dma_start3A_116, %dma_start3A_117, %dma_start3A_118] : memref<2x2x128xi32, #tpu.memory_space<vmem>> -> memref<1x1x128xi32, #tpu.memory_space<vmem>>
      %dma_start3A_120 = tpu.memref_squeeze %dma_start3A_119 : memref<1x1x128xi32, #tpu.memory_space<vmem>> -> memref<128xi32, #tpu.memory_space<vmem>>
      %dma_start3A_121 = arith.constant 0 : i32
      %dma_start3A_122 = arith.constant 0 : i32
      %dma_start3A_123 = tpu.memref_slice %arg8[%dma_start3A_121, %dma_start3A_122] : memref<10240x128xf32, #tpu.memory_space<vmem_shared>> -> memref<10240x128xf32, #tpu.memory_space<vmem_shared>>
      tpu.enqueue_indirect_dma source(%arg7 : memref<128x128xf32, #tpu.memory_space<vmem>>) target(%dma_start3A_123 : memref<10240x128xf32, #tpu.memory_space<vmem_shared>>) offsets(%dma_start3A_120 : memref<128xi32, #tpu.memory_space<vmem>>) semaphore(%arg10 : memref<!tpu.dma_semaphore, #tpu.memory_space<semaphore_mem>>) {add = true}
    }
    %dma_wait3A = arith.constant 0 : i32
    %dma_wait3A_57 = arith.constant 1 : i32
    %dma_wait3A_58 = arith.constant 0 : i32
    %dma_wait3A_59 = tpu.memref_slice %arg5[%dma_wait3A, %dma_wait3A_57, %dma_wait3A_58] : memref<2x2x128xi32, #tpu.memory_space<vmem>> -> memref<1x1x128xi32, #tpu.memory_space<vmem>>
    %dma_wait3A_60 = tpu.memref_squeeze %dma_wait3A_59 : memref<1x1x128xi32, #tpu.memory_space<vmem>> -> memref<128xi32, #tpu.memory_space<vmem>>
    %dma_wait3A_61 = arith.constant 0 : i32
    %dma_wait3A_62 = arith.constant 0 : i32
    %dma_wait3A_63 = tpu.memref_slice %arg8[%dma_wait3A_61, %dma_wait3A_62] : memref<10240x128xf32, #tpu.memory_space<vmem_shared>> -> memref<10240x128xf32, #tpu.memory_space<vmem_shared>>
    tpu.wait_indirect_dma semaphore(%arg10 : memref<!tpu.dma_semaphore, #tpu.memory_space<semaphore_mem>>) src(%arg6 : memref<128x128xf32, #tpu.memory_space<vmem>>) dst(%dma_wait3A_63 : memref<10240x128xf32, #tpu.memory_space<vmem_shared>>)
    %barrier3A_64 = arith.constant 0 : index
    tpu.barrier barrier_id(%barrier3A_64)
    "tpu.region"() ({
      %run_scoped3A_65 = tpu.sem_alloc : memref<!tpu.dma_semaphore, #tpu.memory_space<semaphore_mem>>
      %dma_start3A_66 = arith.constant 0 : i32
      %dma_start3A_67 = tpu.memref_slice %arg4[%arg0, %mul3A_5, %dma_start3A_66] : memref<2x10240x128xf32, #tpu.memory_space<hbm>> -> memref<1x640x128xf32, #tpu.memory_space<hbm>>
      %dma_start3A_68 = tpu.memref_squeeze %dma_start3A_67 : memref<1x640x128xf32, #tpu.memory_space<hbm>> -> memref<640x128xf32, #tpu.memory_space<hbm>>
      %dma_start3A_69 = arith.constant 0 : i32
      %dma_start3A_70 = tpu.memref_slice %arg8[%mul3A_5, %dma_start3A_69] : memref<10240x128xf32, #tpu.memory_space<vmem_shared>> -> memref<640x128xf32, #tpu.memory_space<vmem_shared>>
      tpu.enqueue_dma source(%dma_start3A_70 : memref<640x128xf32, #tpu.memory_space<vmem_shared>>) target(%dma_start3A_68 : memref<640x128xf32, #tpu.memory_space<hbm>>) target_semaphore(%run_scoped3A_65 : memref<!tpu.dma_semaphore, #tpu.memory_space<semaphore_mem>>)
      %dma_wait3A_71 = arith.constant 0 : i32
      %dma_wait3A_72 = tpu.memref_slice %arg4[%arg0, %mul3A_5, %dma_wait3A_71] : memref<2x10240x128xf32, #tpu.memory_space<hbm>> -> memref<1x640x128xf32, #tpu.memory_space<hbm>>
      %dma_wait3A_73 = tpu.memref_squeeze %dma_wait3A_72 : memref<1x640x128xf32, #tpu.memory_space<hbm>> -> memref<640x128xf32, #tpu.memory_space<hbm>>
      %dma_wait3A_74 = arith.constant 0 : i32
      %dma_wait3A_75 = tpu.memref_slice %arg8[%mul3A_5, %dma_wait3A_74] : memref<10240x128xf32, #tpu.memory_space<vmem_shared>> -> memref<640x128xf32, #tpu.memory_space<vmem_shared>>
      tpu.wait_dma2 semaphore(%run_scoped3A_65 : memref<!tpu.dma_semaphore, #tpu.memory_space<semaphore_mem>>) src(%dma_wait3A_75 : memref<640x128xf32, #tpu.memory_space<vmem_shared>>) dst(%dma_wait3A_73 : memref<640x128xf32, #tpu.memory_space<hbm>>)
      tpu.yield
    }) : () -> ()
    return
  }
}

module attributes {stable_mosaic.version = 14 : i64} {
  func.func @_prep_body(%arg0: i32, %arg1: memref<1x1000x16xf32, #tpu.memory_space<vmem>>, %arg2: memref<1x1000x16xf32, #tpu.memory_space<vmem>>, %arg3: memref<1000x128xf32, #tpu.memory_space<vmem>>, %arg4: memref<1000x128xf32, #tpu.memory_space<vmem>>, %arg5: memref<1000x8xf32, #tpu.memory_space<vmem>>) attributes {dimension_semantics = [#tpu.dimension_semantics<arbitrary>], iteration_bounds = array<i64: 10>, scalar_prefetch = 0 : i64, scratch_operands = 0 : i64, tpu.core_type = #tpu.core_type<tc>, window_params = [{transform_indices = @transform_0, window_bounds = array<i64: 1, 1000, 16>}, {transform_indices = @transform_1, window_bounds = array<i64: 1, 1000, 16>}, {transform_indices = @transform_2, window_bounds = array<i64: 1000, 128>}, {transform_indices = @transform_3, window_bounds = array<i64: 1000, 128>}, {transform_indices = @transform_4, window_bounds = array<i64: 1000, 8>}]} {
    %get3A = arith.constant 0 : index
    %get3A_0 = arith.constant 0 : index
    %get3A_1 = arith.constant 0 : index
    %get3A_2 = vector.load %arg1[%get3A, %get3A_0, %get3A_1] : memref<1x1000x16xf32, #tpu.memory_space<vmem>>, vector<1x1000x16xf32>
    %get3A_3 = vector.shape_cast %get3A_2 : vector<1x1000x16xf32> to vector<1000x16xf32>
    %slice3A = vector.extract_strided_slice %get3A_3 {offsets = [0, 0], sizes = [1000, 1], strides = [1, 1]} : vector<1000x16xf32> to vector<1000x1xf32>
    %get3A_4 = arith.constant 0 : index
    %get3A_5 = arith.constant 0 : index
    %get3A_6 = arith.constant 0 : index
    %get3A_7 = vector.load %arg2[%get3A_4, %get3A_5, %get3A_6] : memref<1x1000x16xf32, #tpu.memory_space<vmem>>, vector<1x1000x16xf32>
    %get3A_8 = vector.shape_cast %get3A_7 : vector<1x1000x16xf32> to vector<1000x16xf32>
    %slice3A_9 = vector.extract_strided_slice %get3A_8 {offsets = [0, 0], sizes = [1000, 1], strides = [1, 1]} : vector<1000x16xf32> to vector<1000x1xf32>
    %add3A = arith.addf %slice3A, %slice3A_9 : vector<1000x1xf32>
    %add3A_10 = arith.constant 1.000000e+00 : f32
    %add3A_11 = vector.broadcast %add3A_10 : f32 to vector<1000x1xf32>
    %add3A_12 = arith.addf %add3A, %add3A_11 : vector<1000x1xf32>
    %rsqrt3A = math.rsqrt %add3A_12 : vector<1000x1xf32>
    %get3A_13 = arith.constant 0 : index
    %get3A_14 = arith.constant 0 : index
    %get3A_15 = vector.load %arg3[%get3A_13, %get3A_14] : memref<1000x128xf32, #tpu.memory_space<vmem>>, vector<1000x128xf32>
    %mul3A = vector.broadcast %rsqrt3A : vector<1000x1xf32> to vector<1000x128xf32>
    %mul3A_16 = arith.mulf %get3A_15, %mul3A : vector<1000x128xf32>
    %swap3A = arith.constant 0 : index
    %swap3A_17 = arith.constant 0 : index
    %swap3A_18 = vector.load %arg4[%swap3A, %swap3A_17] : memref<1000x128xf32, #tpu.memory_space<vmem>>, vector<1000x128xf32>
    tpu.vector_store %arg4[%swap3A, %swap3A_17], %mul3A_16 {strides = array<i32>} : memref<1000x128xf32, #tpu.memory_space<vmem>>, vector<1000x128xf32>,
    %broadcast_in_dim3A = vector.shape_cast %rsqrt3A : vector<1000x1xf32> to vector<1000x1xf32>
    %broadcast_in_dim3A_19 = vector.broadcast %broadcast_in_dim3A : vector<1000x1xf32> to vector<1000x8xf32>
    %swap3A_20 = arith.constant 0 : index
    %swap3A_21 = arith.constant 0 : index
    %swap3A_22 = vector.load %arg5[%swap3A_20, %swap3A_21] : memref<1000x8xf32, #tpu.memory_space<vmem>>, vector<1000x8xf32>
    tpu.vector_store %arg5[%swap3A_20, %swap3A_21], %broadcast_in_dim3A_19 {strides = array<i32>} : memref<1000x8xf32, #tpu.memory_space<vmem>>, vector<1000x8xf32>,
    return
  }
  func.func @transform_0(%arg0: i32) -> (i32, i32, i32) {
    %c0_i32 = arith.constant 0 : i32
    %c0_i32_0 = arith.constant 0 : i32
    %c0_i32_1 = arith.constant 0 : i32
    return %c0_i32, %arg0, %c0_i32_0 : i32, i32, i32
  }
  func.func @transform_1(%arg0: i32) -> (i32, i32, i32) {
    %c1_i32 = arith.constant 1 : i32
    %c0_i32 = arith.constant 0 : i32
    %c0_i32_0 = arith.constant 0 : i32
    return %c1_i32, %arg0, %c0_i32 : i32, i32, i32
  }
  func.func @transform_2(%arg0: i32) -> (i32, i32) {
    %add3A = arith.constant 0 : i32
    %add3A_0 = arith.addi %arg0, %add3A : i32
    %c0_i32 = arith.constant 0 : i32
    %c0_i32_1 = arith.constant 0 : i32
    return %add3A_0, %c0_i32 : i32, i32
  }
  func.func @transform_3(%arg0: i32) -> (i32, i32) {
    %add3A = arith.constant 0 : i32
    %add3A_0 = arith.addi %arg0, %add3A : i32
    %c0_i32 = arith.constant 0 : i32
    %c0_i32_1 = arith.constant 0 : i32
    return %add3A_0, %c0_i32 : i32, i32
  }
  func.func @transform_4(%arg0: i32) -> (i32, i32) {
    %add3A = arith.constant 0 : i32
    %add3A_0 = arith.addi %arg0, %add3A : i32
    %c0_i32 = arith.constant 0 : i32
    %c0_i32_1 = arith.constant 0 : i32
    return %add3A_0, %c0_i32 : i32, i32
  }
}

module attributes {stable_mosaic.version = 14 : i64} {
  func.func @_l1_body(%arg0: i32, %arg1: memref<1x1000x128xf32, #tpu.memory_space<vmem>>, %arg2: memref<1x1000x128xf32, #tpu.memory_space<vmem>>, %arg3: memref<1000x128xf32, #tpu.memory_space<vmem>>, %arg4: memref<1000x8xf32, #tpu.memory_space<vmem>>, %arg5: memref<128x256xf32, #tpu.memory_space<vmem>>, %arg6: memref<1x256xf32, #tpu.memory_space<vmem>>, %arg7: memref<256x256xf32, #tpu.memory_space<vmem>>, %arg8: memref<1x256xf32, #tpu.memory_space<vmem>>, %arg9: memref<1000x256xf32, #tpu.memory_space<vmem>>, %arg10: memref<2x256xf32, #tpu.memory_space<vmem>>) attributes {dimension_semantics = [#tpu.dimension_semantics<arbitrary>], iteration_bounds = array<i64: 10>, scalar_prefetch = 0 : i64, scratch_operands = 0 : i64, tpu.core_type = #tpu.core_type<tc>, window_params = [{transform_indices = @transform_0, window_bounds = array<i64: 1, 1000, 128>}, {transform_indices = @transform_1, window_bounds = array<i64: 1, 1000, 128>}, {transform_indices = @transform_2, window_bounds = array<i64: 1000, 128>}, {transform_indices = @transform_3, window_bounds = array<i64: 1000, 8>}, {pipeline_mode = #tpu.pipeline_mode<synchronous>, transform_indices = @transform_4, window_bounds = array<i64: 128, 256>}, {pipeline_mode = #tpu.pipeline_mode<synchronous>, transform_indices = @transform_5, window_bounds = array<i64: 1, 256>}, {pipeline_mode = #tpu.pipeline_mode<synchronous>, transform_indices = @transform_6, window_bounds = array<i64: 256, 256>}, {pipeline_mode = #tpu.pipeline_mode<synchronous>, transform_indices = @transform_7, window_bounds = array<i64: 1, 256>}, {transform_indices = @transform_8, window_bounds = array<i64: 1000, 256>}, {pipeline_mode = #tpu.pipeline_mode<synchronous>, transform_indices = @transform_9, window_bounds = array<i64: 2, 256>}]} {
    %get3A = arith.constant 0 : index
    %get3A_0 = arith.constant 0 : index
    %get3A_1 = arith.constant 0 : index
    %get3A_2 = vector.load %arg1[%get3A, %get3A_0, %get3A_1] : memref<1x1000x128xf32, #tpu.memory_space<vmem>>, vector<1x1000x128xf32>
    %get3A_3 = vector.shape_cast %get3A_2 : vector<1x1000x128xf32> to vector<1000x128xf32>
    %get3A_4 = arith.constant 0 : index
    %get3A_5 = arith.constant 0 : index
    %get3A_6 = arith.constant 0 : index
    %get3A_7 = vector.load %arg2[%get3A_4, %get3A_5, %get3A_6] : memref<1x1000x128xf32, #tpu.memory_space<vmem>>, vector<1x1000x128xf32>
    %get3A_8 = vector.shape_cast %get3A_7 : vector<1x1000x128xf32> to vector<1000x128xf32>
    %add3A = arith.addf %get3A_3, %get3A_8 : vector<1000x128xf32>
    %get3A_9 = arith.constant 0 : index
    %get3A_10 = arith.constant 0 : index
    %get3A_11 = vector.load %arg3[%get3A_9, %get3A_10] : memref<1000x128xf32, #tpu.memory_space<vmem>>, vector<1000x128xf32>
    %add3A_12 = arith.addf %add3A, %get3A_11 : vector<1000x128xf32>
    %get3A_13 = arith.constant 0 : index
    %get3A_14 = arith.constant 0 : index
    %get3A_15 = vector.load %arg5[%get3A_13, %get3A_14] : memref<128x256xf32, #tpu.memory_space<vmem>>, vector<128x256xf32>
    %dot_general3A = arith.constant dense<0.000000e+00> : vector<1000x256xf32>
    %dot_general3A_16 = tpu.matmul %add3A_12, %get3A_15, %dot_general3A {dimension_numbers = #tpu.dot_dimension_numbers<[1], [0], [0], [1], [0, 0, 1, 1], [], []>, transpose_lhs_hint = false} : vector<1000x128xf32>, vector<128x256xf32>, vector<1000x256xf32> -> vector<1000x256xf32>
    %get3A_17 = arith.constant 0 : index
    %get3A_18 = arith.constant 0 : index
    %get3A_19 = vector.load %arg4[%get3A_17, %get3A_18] : memref<1000x8xf32, #tpu.memory_space<vmem>>, vector<1000x1xf32>
    %mul3A = vector.broadcast %get3A_19 : vector<1000x1xf32> to vector<1000x256xf32>
    %mul3A_20 = arith.mulf %dot_general3A_16, %mul3A : vector<1000x256xf32>
    %get3A_21 = arith.constant 0 : index
    %get3A_22 = arith.constant 0 : index
    %get3A_23 = vector.load %arg6[%get3A_21, %get3A_22] : memref<1x256xf32, #tpu.memory_space<vmem>>, vector<1x256xf32>
    %add3A_24 = vector.broadcast %get3A_23 : vector<1x256xf32> to vector<1000x256xf32>
    %add3A_25 = arith.addf %mul3A_20, %add3A_24 : vector<1000x256xf32>
    %gt3A = arith.constant 0.000000e+00 : f32
    %gt3A_26 = vector.broadcast %gt3A : f32 to vector<1000x256xf32>
    %gt3A_27 = arith.cmpf ogt, %add3A_25, %gt3A_26 : vector<1000x256xf32>
    %exp3A = math.exp %add3A_25 : vector<1000x256xf32>
    %sub3A = arith.constant 1.000000e+00 : f32
    %sub3A_28 = vector.broadcast %sub3A : f32 to vector<1000x256xf32>
    %sub3A_29 = arith.subf %exp3A, %sub3A_28 : vector<1000x256xf32>
    %select_n3A = arith.select %gt3A_27, %add3A_25, %sub3A_29 : vector<1000x256xi1>, vector<1000x256xf32>
    %get3A_30 = arith.constant 0 : index
    %get3A_31 = arith.constant 0 : index
    %get3A_32 = vector.load %arg7[%get3A_30, %get3A_31] : memref<256x256xf32, #tpu.memory_space<vmem>>, vector<256x256xf32>
    %dot_general3A_33 = arith.constant dense<0.000000e+00> : vector<1000x256xf32>
    %dot_general3A_34 = tpu.matmul %select_n3A, %get3A_32, %dot_general3A_33 {dimension_numbers = #tpu.dot_dimension_numbers<[1], [0], [0], [1], [0, 0, 1, 1], [], []>, transpose_lhs_hint = false} : vector<1000x256xf32>, vector<256x256xf32>, vector<1000x256xf32> -> vector<1000x256xf32>
    %get3A_35 = arith.constant 0 : index
    %get3A_36 = arith.constant 0 : index
    %get3A_37 = vector.load %arg8[%get3A_35, %get3A_36] : memref<1x256xf32, #tpu.memory_space<vmem>>, vector<1x256xf32>
    %add3A_38 = vector.broadcast %get3A_37 : vector<1x256xf32> to vector<1000x256xf32>
    %add3A_39 = arith.addf %dot_general3A_34, %add3A_38 : vector<1000x256xf32>
    %gt3A_40 = arith.constant 0.000000e+00 : f32
    %gt3A_41 = vector.broadcast %gt3A_40 : f32 to vector<1000x256xf32>
    %gt3A_42 = arith.cmpf ogt, %add3A_39, %gt3A_41 : vector<1000x256xf32>
    %exp3A_43 = math.exp %add3A_39 : vector<1000x256xf32>
    %sub3A_44 = arith.constant 1.000000e+00 : f32
    %sub3A_45 = vector.broadcast %sub3A_44 : f32 to vector<1000x256xf32>
    %sub3A_46 = arith.subf %exp3A_43, %sub3A_45 : vector<1000x256xf32>
    %select_n3A_47 = arith.select %gt3A_42, %add3A_39, %sub3A_46 : vector<1000x256xi1>, vector<1000x256xf32>
    %swap3A = arith.constant 0 : index
    %swap3A_48 = arith.constant 0 : index
    %swap3A_49 = vector.load %arg9[%swap3A, %swap3A_48] : memref<1000x256xf32, #tpu.memory_space<vmem>>, vector<1000x256xf32>
    tpu.vector_store %arg9[%swap3A, %swap3A_48], %select_n3A_47 {strides = array<i32>} : memref<1000x256xf32, #tpu.memory_space<vmem>>, vector<1000x256xf32>,
    %reduce_sum3A = arith.constant dense<0.000000e+00> : vector<256xf32>
    %reduce_sum3A_50 = vector.multi_reduction <add>, %select_n3A_47, %reduce_sum3A [0] : vector<1000x256xf32> to vector<256xf32>
    %broadcast_in_dim3A = vector.shape_cast %reduce_sum3A_50 : vector<256xf32> to vector<1x256xf32>
    %mul3A_51 = arith.mulf %select_n3A_47, %select_n3A_47 : vector<1000x256xf32>
    %reduce_sum3A_52 = arith.constant dense<0.000000e+00> : vector<256xf32>
    %reduce_sum3A_53 = vector.multi_reduction <add>, %mul3A_51, %reduce_sum3A_52 [0] : vector<1000x256xf32> to vector<256xf32>
    %broadcast_in_dim3A_54 = vector.shape_cast %reduce_sum3A_53 : vector<256xf32> to vector<1x256xf32>
    %concatenate3A = tpu.concatenate %broadcast_in_dim3A, %broadcast_in_dim3A_54 in 0 : vector<1x256xf32>, vector<1x256xf32> -> vector<2x256xf32>
    %eq3A = arith.constant 0 : i32
    %eq3A_55 = arith.cmpi eq, %arg0, %eq3A : i32
    %convert_element_type3A = arith.extui %eq3A_55 : i1 to i32
    %cond3A = arith.constant 0 : i32
    %cond3A_56 = arith.cmpi ne, %convert_element_type3A, %cond3A : i32
    scf.if %cond3A_56 {
      %broadcast_in_dim3A_64 = arith.constant 0.000000e+00 : f32
      %broadcast_in_dim3A_65 = vector.broadcast %broadcast_in_dim3A_64 : f32 to vector<2x256xf32>
      %swap3A_66 = arith.constant 0 : index
      %swap3A_67 = arith.constant 0 : index
      %swap3A_68 = vector.load %arg10[%swap3A_66, %swap3A_67] : memref<2x256xf32, #tpu.memory_space<vmem>>, vector<2x256xf32>
      tpu.vector_store %arg10[%swap3A_66, %swap3A_67], %broadcast_in_dim3A_65 {strides = array<i32>} : memref<2x256xf32, #tpu.memory_space<vmem>>, vector<2x256xf32>,
    } else {
    }
    %get3A_57 = arith.constant 0 : index
    %get3A_58 = arith.constant 0 : index
    %get3A_59 = vector.load %arg10[%get3A_57, %get3A_58] : memref<2x256xf32, #tpu.memory_space<vmem>>, vector<2x256xf32>
    %add3A_60 = arith.addf %get3A_59, %concatenate3A : vector<2x256xf32>
    %swap3A_61 = arith.constant 0 : index
    %swap3A_62 = arith.constant 0 : index
    %swap3A_63 = vector.load %arg10[%swap3A_61, %swap3A_62] : memref<2x256xf32, #tpu.memory_space<vmem>>, vector<2x256xf32>
    tpu.vector_store %arg10[%swap3A_61, %swap3A_62], %add3A_60 {strides = array<i32>} : memref<2x256xf32, #tpu.memory_space<vmem>>, vector<2x256xf32>,
    return
  }
  func.func @transform_0(%arg0: i32) -> (i32, i32, i32) {
    %c0_i32 = arith.constant 0 : i32
    %c0_i32_0 = arith.constant 0 : i32
    %c0_i32_1 = arith.constant 0 : i32
    return %c0_i32, %arg0, %c0_i32_0 : i32, i32, i32
  }
  func.func @transform_1(%arg0: i32) -> (i32, i32, i32) {
    %c1_i32 = arith.constant 1 : i32
    %c0_i32 = arith.constant 0 : i32
    %c0_i32_0 = arith.constant 0 : i32
    return %c1_i32, %arg0, %c0_i32 : i32, i32, i32
  }
  func.func @transform_2(%arg0: i32) -> (i32, i32) {
    %add3A = arith.constant 0 : i32
    %add3A_0 = arith.addi %arg0, %add3A : i32
    %c0_i32 = arith.constant 0 : i32
    %c0_i32_1 = arith.constant 0 : i32
    return %add3A_0, %c0_i32 : i32, i32
  }
  func.func @transform_3(%arg0: i32) -> (i32, i32) {
    %add3A = arith.constant 0 : i32
    %add3A_0 = arith.addi %arg0, %add3A : i32
    %c0_i32 = arith.constant 0 : i32
    %c0_i32_1 = arith.constant 0 : i32
    return %add3A_0, %c0_i32 : i32, i32
  }
  func.func @transform_4(%arg0: i32) -> (i32, i32) {
    %c0_i32 = arith.constant 0 : i32
    %c0_i32_0 = arith.constant 0 : i32
    %c0_i32_1 = arith.constant 0 : i32
    return %c0_i32, %c0_i32_0 : i32, i32
  }
  func.func @transform_5(%arg0: i32) -> (i32, i32) {
    %c0_i32 = arith.constant 0 : i32
    %c0_i32_0 = arith.constant 0 : i32
    %c0_i32_1 = arith.constant 0 : i32
    return %c0_i32, %c0_i32_0 : i32, i32
  }
  func.func @transform_6(%arg0: i32) -> (i32, i32) {
    %c0_i32 = arith.constant 0 : i32
    %c0_i32_0 = arith.constant 0 : i32
    %c0_i32_1 = arith.constant 0 : i32
    return %c0_i32, %c0_i32_0 : i32, i32
  }
  func.func @transform_7(%arg0: i32) -> (i32, i32) {
    %c0_i32 = arith.constant 0 : i32
    %c0_i32_0 = arith.constant 0 : i32
    %c0_i32_1 = arith.constant 0 : i32
    return %c0_i32, %c0_i32_0 : i32, i32
  }
  func.func @transform_8(%arg0: i32) -> (i32, i32) {
    %add3A = arith.constant 0 : i32
    %add3A_0 = arith.addi %arg0, %add3A : i32
    %c0_i32 = arith.constant 0 : i32
    %c0_i32_1 = arith.constant 0 : i32
    return %add3A_0, %c0_i32 : i32, i32
  }
  func.func @transform_9(%arg0: i32) -> (i32, i32) {
    %c0_i32 = arith.constant 0 : i32
    %c0_i32_0 = arith.constant 0 : i32
    %c0_i32_1 = arith.constant 0 : i32
    return %c0_i32, %c0_i32_0 : i32, i32
  }
}

module attributes {stable_mosaic.version = 14 : i64} {
  func.func @_l2_body(%arg0: i32, %arg1: memref<1000x256xf32, #tpu.memory_space<vmem>>, %arg2: memref<2x256xf32, #tpu.memory_space<vmem>>, %arg3: memref<1000x8xf32, #tpu.memory_space<vmem>>, %arg4: memref<256x128xf32, #tpu.memory_space<vmem>>, %arg5: memref<1000x128xf32, #tpu.memory_space<vmem>>) attributes {dimension_semantics = [#tpu.dimension_semantics<arbitrary>], iteration_bounds = array<i64: 10>, scalar_prefetch = 0 : i64, scratch_operands = 0 : i64, tpu.core_type = #tpu.core_type<tc>, window_params = [{transform_indices = @transform_0, window_bounds = array<i64: 1000, 256>}, {pipeline_mode = #tpu.pipeline_mode<synchronous>, transform_indices = @transform_1, window_bounds = array<i64: 2, 256>}, {transform_indices = @transform_2, window_bounds = array<i64: 1000, 8>}, {pipeline_mode = #tpu.pipeline_mode<synchronous>, transform_indices = @transform_3, window_bounds = array<i64: 256, 128>}, {transform_indices = @transform_4, window_bounds = array<i64: 1000, 128>}]} {
    %get3A = arith.constant 0 : index
    %get3A_0 = arith.constant 0 : index
    %get3A_1 = vector.load %arg2[%get3A, %get3A_0] : memref<2x256xf32, #tpu.memory_space<vmem>>, vector<2x256xf32>
    %slice3A = vector.extract_strided_slice %get3A_1 {offsets = [0, 0], sizes = [1, 256], strides = [1, 1]} : vector<2x256xf32> to vector<1x256xf32>
    %mul3A = arith.constant 9.99999974E-5 : f32
    %mul3A_2 = vector.broadcast %mul3A : f32 to vector<1x256xf32>
    %mul3A_3 = arith.mulf %slice3A, %mul3A_2 : vector<1x256xf32>
    %slice3A_4 = vector.extract_strided_slice %get3A_1 {offsets = [1, 0], sizes = [1, 256], strides = [1, 1]} : vector<2x256xf32> to vector<1x256xf32>
    %mul3A_5 = arith.constant 9.99999974E-5 : f32
    %mul3A_6 = vector.broadcast %mul3A_5 : f32 to vector<1x256xf32>
    %mul3A_7 = arith.mulf %slice3A_4, %mul3A_6 : vector<1x256xf32>
    %mul3A_8 = arith.mulf %mul3A_3, %mul3A_3 : vector<1x256xf32>
    %sub3A = arith.subf %mul3A_7, %mul3A_8 : vector<1x256xf32>
    %add3A = arith.constant 9.99999974E-6 : f32
    %add3A_9 = vector.broadcast %add3A : f32 to vector<1x256xf32>
    %add3A_10 = arith.addf %sub3A, %add3A_9 : vector<1x256xf32>
    %rsqrt3A = math.rsqrt %add3A_10 : vector<1x256xf32>
    %get3A_11 = arith.constant 0 : index
    %get3A_12 = arith.constant 0 : index
    %get3A_13 = vector.load %arg1[%get3A_11, %get3A_12] : memref<1000x256xf32, #tpu.memory_space<vmem>>, vector<1000x256xf32>
    %sub3A_14 = vector.broadcast %mul3A_3 : vector<1x256xf32> to vector<1000x256xf32>
    %sub3A_15 = arith.subf %get3A_13, %sub3A_14 : vector<1000x256xf32>
    %mul3A_16 = vector.broadcast %rsqrt3A : vector<1x256xf32> to vector<1000x256xf32>
    %mul3A_17 = arith.mulf %sub3A_15, %mul3A_16 : vector<1000x256xf32>
    %get3A_18 = arith.constant 0 : index
    %get3A_19 = arith.constant 0 : index
    %get3A_20 = vector.load %arg4[%get3A_18, %get3A_19] : memref<256x128xf32, #tpu.memory_space<vmem>>, vector<256x128xf32>
    %dot_general3A = arith.constant dense<0.000000e+00> : vector<1000x128xf32>
    %dot_general3A_21 = tpu.matmul %mul3A_17, %get3A_20, %dot_general3A {dimension_numbers = #tpu.dot_dimension_numbers<[1], [0], [0], [1], [0, 0, 1, 1], [], []>, transpose_lhs_hint = false} : vector<1000x256xf32>, vector<256x128xf32>, vector<1000x128xf32> -> vector<1000x128xf32>
    %get3A_22 = arith.constant 0 : index
    %get3A_23 = arith.constant 0 : index
    %get3A_24 = vector.load %arg3[%get3A_22, %get3A_23] : memref<1000x8xf32, #tpu.memory_space<vmem>>, vector<1000x1xf32>
    %mul3A_25 = vector.broadcast %get3A_24 : vector<1000x1xf32> to vector<1000x128xf32>
    %mul3A_26 = arith.mulf %dot_general3A_21, %mul3A_25 : vector<1000x128xf32>
    %swap3A = arith.constant 0 : index
    %swap3A_27 = arith.constant 0 : index
    %swap3A_28 = vector.load %arg5[%swap3A, %swap3A_27] : memref<1000x128xf32, #tpu.memory_space<vmem>>, vector<1000x128xf32>
    tpu.vector_store %arg5[%swap3A, %swap3A_27], %mul3A_26 {strides = array<i32>} : memref<1000x128xf32, #tpu.memory_space<vmem>>, vector<1000x128xf32>,
    return
  }
  func.func @transform_0(%arg0: i32) -> (i32, i32) {
    %add3A = arith.constant 0 : i32
    %add3A_0 = arith.addi %arg0, %add3A : i32
    %c0_i32 = arith.constant 0 : i32
    %c0_i32_1 = arith.constant 0 : i32
    return %add3A_0, %c0_i32 : i32, i32
  }
  func.func @transform_1(%arg0: i32) -> (i32, i32) {
    %c0_i32 = arith.constant 0 : i32
    %c0_i32_0 = arith.constant 0 : i32
    %c0_i32_1 = arith.constant 0 : i32
    return %c0_i32, %c0_i32_0 : i32, i32
  }
  func.func @transform_2(%arg0: i32) -> (i32, i32) {
    %add3A = arith.constant 0 : i32
    %add3A_0 = arith.addi %arg0, %add3A : i32
    %c0_i32 = arith.constant 0 : i32
    %c0_i32_1 = arith.constant 0 : i32
    return %add3A_0, %c0_i32 : i32, i32
  }
  func.func @transform_3(%arg0: i32) -> (i32, i32) {
    %c0_i32 = arith.constant 0 : i32
    %c0_i32_0 = arith.constant 0 : i32
    %c0_i32_1 = arith.constant 0 : i32
    return %c0_i32, %c0_i32_0 : i32, i32
  }
  func.func @transform_4(%arg0: i32) -> (i32, i32) {
    %add3A = arith.constant 0 : i32
    %add3A_0 = arith.addi %arg0, %add3A : i32
    %c0_i32 = arith.constant 0 : i32
    %c0_i32_1 = arith.constant 0 : i32
    return %add3A_0, %c0_i32 : i32, i32
  }
}

module attributes {stable_mosaic.version = 14 : i64} {
  func.func @_l2post_body(%arg0: i32, %arg1: memref<1x1000x128xf32, #tpu.memory_space<vmem>>, %arg2: memref<1x1000x128xf32, #tpu.memory_space<vmem>>, %arg3: memref<1000x128xf32, #tpu.memory_space<vmem>>, %arg4: memref<1000x8xf32, #tpu.memory_space<vmem>>, %arg5: memref<1x128xf32, #tpu.memory_space<vmem>>, %arg6: memref<128x128xf32, #tpu.memory_space<vmem>>, %arg7: memref<1x128xf32, #tpu.memory_space<vmem>>, %arg8: memref<128x16xf32, #tpu.memory_space<vmem>>, %arg9: memref<1000x16xf32, #tpu.memory_space<vmem>>) attributes {dimension_semantics = [#tpu.dimension_semantics<arbitrary>], iteration_bounds = array<i64: 10>, scalar_prefetch = 0 : i64, scratch_operands = 0 : i64, tpu.core_type = #tpu.core_type<tc>, window_params = [{transform_indices = @transform_0, window_bounds = array<i64: 1, 1000, 128>}, {transform_indices = @transform_1, window_bounds = array<i64: 1, 1000, 128>}, {transform_indices = @transform_2, window_bounds = array<i64: 1000, 128>}, {transform_indices = @transform_3, window_bounds = array<i64: 1000, 8>}, {pipeline_mode = #tpu.pipeline_mode<synchronous>, transform_indices = @transform_4, window_bounds = array<i64: 1, 128>}, {pipeline_mode = #tpu.pipeline_mode<synchronous>, transform_indices = @transform_5, window_bounds = array<i64: 128, 128>}, {pipeline_mode = #tpu.pipeline_mode<synchronous>, transform_indices = @transform_6, window_bounds = array<i64: 1, 128>}, {pipeline_mode = #tpu.pipeline_mode<synchronous>, transform_indices = @transform_7, window_bounds = array<i64: 128, 16>}, {transform_indices = @transform_8, window_bounds = array<i64: 1000, 16>}]} {
    %get3A = arith.constant 0 : index
    %get3A_0 = arith.constant 0 : index
    %get3A_1 = vector.load %arg4[%get3A, %get3A_0] : memref<1000x8xf32, #tpu.memory_space<vmem>>, vector<1000x1xf32>
    %get3A_2 = arith.constant 0 : index
    %get3A_3 = arith.constant 0 : index
    %get3A_4 = arith.constant 0 : index
    %get3A_5 = vector.load %arg1[%get3A_2, %get3A_3, %get3A_4] : memref<1x1000x128xf32, #tpu.memory_space<vmem>>, vector<1x1000x128xf32>
    %get3A_6 = vector.shape_cast %get3A_5 : vector<1x1000x128xf32> to vector<1000x128xf32>
    %get3A_7 = arith.constant 0 : index
    %get3A_8 = arith.constant 0 : index
    %get3A_9 = arith.constant 0 : index
    %get3A_10 = vector.load %arg2[%get3A_7, %get3A_8, %get3A_9] : memref<1x1000x128xf32, #tpu.memory_space<vmem>>, vector<1x1000x128xf32>
    %get3A_11 = vector.shape_cast %get3A_10 : vector<1x1000x128xf32> to vector<1000x128xf32>
    %add3A = arith.addf %get3A_6, %get3A_11 : vector<1000x128xf32>
    %get3A_12 = arith.constant 0 : index
    %get3A_13 = arith.constant 0 : index
    %get3A_14 = vector.load %arg3[%get3A_12, %get3A_13] : memref<1000x128xf32, #tpu.memory_space<vmem>>, vector<1000x128xf32>
    %add3A_15 = arith.addf %add3A, %get3A_14 : vector<1000x128xf32>
    %mul3A = vector.broadcast %get3A_1 : vector<1000x1xf32> to vector<1000x128xf32>
    %mul3A_16 = arith.mulf %mul3A, %add3A_15 : vector<1000x128xf32>
    %get3A_17 = arith.constant 0 : index
    %get3A_18 = arith.constant 0 : index
    %get3A_19 = vector.load %arg5[%get3A_17, %get3A_18] : memref<1x128xf32, #tpu.memory_space<vmem>>, vector<1x128xf32>
    %add3A_20 = vector.broadcast %get3A_19 : vector<1x128xf32> to vector<1000x128xf32>
    %add3A_21 = arith.addf %mul3A_16, %add3A_20 : vector<1000x128xf32>
    %gt3A = arith.constant 0.000000e+00 : f32
    %gt3A_22 = vector.broadcast %gt3A : f32 to vector<1000x128xf32>
    %gt3A_23 = arith.cmpf ogt, %add3A_21, %gt3A_22 : vector<1000x128xf32>
    %exp3A = math.exp %add3A_21 : vector<1000x128xf32>
    %sub3A = arith.constant 1.000000e+00 : f32
    %sub3A_24 = vector.broadcast %sub3A : f32 to vector<1000x128xf32>
    %sub3A_25 = arith.subf %exp3A, %sub3A_24 : vector<1000x128xf32>
    %select_n3A = arith.select %gt3A_23, %add3A_21, %sub3A_25 : vector<1000x128xi1>, vector<1000x128xf32>
    %get3A_26 = arith.constant 0 : index
    %get3A_27 = arith.constant 0 : index
    %get3A_28 = vector.load %arg6[%get3A_26, %get3A_27] : memref<128x128xf32, #tpu.memory_space<vmem>>, vector<128x128xf32>
    %dot_general3A = arith.constant dense<0.000000e+00> : vector<1000x128xf32>
    %dot_general3A_29 = tpu.matmul %select_n3A, %get3A_28, %dot_general3A {dimension_numbers = #tpu.dot_dimension_numbers<[1], [0], [0], [1], [0, 0, 1, 1], [], []>, transpose_lhs_hint = false} : vector<1000x128xf32>, vector<128x128xf32>, vector<1000x128xf32> -> vector<1000x128xf32>
    %get3A_30 = arith.constant 0 : index
    %get3A_31 = arith.constant 0 : index
    %get3A_32 = vector.load %arg7[%get3A_30, %get3A_31] : memref<1x128xf32, #tpu.memory_space<vmem>>, vector<1x128xf32>
    %add3A_33 = vector.broadcast %get3A_32 : vector<1x128xf32> to vector<1000x128xf32>
    %add3A_34 = arith.addf %dot_general3A_29, %add3A_33 : vector<1000x128xf32>
    %gt3A_35 = arith.constant 0.000000e+00 : f32
    %gt3A_36 = vector.broadcast %gt3A_35 : f32 to vector<1000x128xf32>
    %gt3A_37 = arith.cmpf ogt, %add3A_34, %gt3A_36 : vector<1000x128xf32>
    %exp3A_38 = math.exp %add3A_34 : vector<1000x128xf32>
    %sub3A_39 = arith.constant 1.000000e+00 : f32
    %sub3A_40 = vector.broadcast %sub3A_39 : f32 to vector<1000x128xf32>
    %sub3A_41 = arith.subf %exp3A_38, %sub3A_40 : vector<1000x128xf32>
    %select_n3A_42 = arith.select %gt3A_37, %add3A_34, %sub3A_41 : vector<1000x128xi1>, vector<1000x128xf32>
    %get3A_43 = arith.constant 0 : index
    %get3A_44 = arith.constant 0 : index
    %get3A_45 = vector.load %arg8[%get3A_43, %get3A_44] : memref<128x16xf32, #tpu.memory_space<vmem>>, vector<128x16xf32>
    %dot_general3A_46 = arith.constant dense<0.000000e+00> : vector<1000x16xf32>
    %dot_general3A_47 = tpu.matmul %select_n3A_42, %get3A_45, %dot_general3A_46 {dimension_numbers = #tpu.dot_dimension_numbers<[1], [0], [0], [1], [0, 0, 1, 1], [], []>, transpose_lhs_hint = false} : vector<1000x128xf32>, vector<128x16xf32>, vector<1000x16xf32> -> vector<1000x16xf32>
    %mul3A_48 = vector.broadcast %get3A_1 : vector<1000x1xf32> to vector<1000x16xf32>
    %mul3A_49 = arith.mulf %dot_general3A_47, %mul3A_48 : vector<1000x16xf32>
    %swap3A = arith.constant 0 : index
    %swap3A_50 = arith.constant 0 : index
    %swap3A_51 = vector.load %arg9[%swap3A, %swap3A_50] : memref<1000x16xf32, #tpu.memory_space<vmem>>, vector<1000x16xf32>
    tpu.vector_store %arg9[%swap3A, %swap3A_50], %mul3A_49 {strides = array<i32>} : memref<1000x16xf32, #tpu.memory_space<vmem>>, vector<1000x16xf32>,
    return
  }
  func.func @transform_0(%arg0: i32) -> (i32, i32, i32) {
    %c0_i32 = arith.constant 0 : i32
    %c0_i32_0 = arith.constant 0 : i32
    %c0_i32_1 = arith.constant 0 : i32
    return %c0_i32, %arg0, %c0_i32_0 : i32, i32, i32
  }
  func.func @transform_1(%arg0: i32) -> (i32, i32, i32) {
    %c1_i32 = arith.constant 1 : i32
    %c0_i32 = arith.constant 0 : i32
    %c0_i32_0 = arith.constant 0 : i32
    return %c1_i32, %arg0, %c0_i32 : i32, i32, i32
  }
  func.func @transform_2(%arg0: i32) -> (i32, i32) {
    %add3A = arith.constant 0 : i32
    %add3A_0 = arith.addi %arg0, %add3A : i32
    %c0_i32 = arith.constant 0 : i32
    %c0_i32_1 = arith.constant 0 : i32
    return %add3A_0, %c0_i32 : i32, i32
  }
  func.func @transform_3(%arg0: i32) -> (i32, i32) {
    %add3A = arith.constant 0 : i32
    %add3A_0 = arith.addi %arg0, %add3A : i32
    %c0_i32 = arith.constant 0 : i32
    %c0_i32_1 = arith.constant 0 : i32
    return %add3A_0, %c0_i32 : i32, i32
  }
  func.func @transform_4(%arg0: i32) -> (i32, i32) {
    %c0_i32 = arith.constant 0 : i32
    %c0_i32_0 = arith.constant 0 : i32
    %c0_i32_1 = arith.constant 0 : i32
    return %c0_i32, %c0_i32_0 : i32, i32
  }
  func.func @transform_5(%arg0: i32) -> (i32, i32) {
    %c0_i32 = arith.constant 0 : i32
    %c0_i32_0 = arith.constant 0 : i32
    %c0_i32_1 = arith.constant 0 : i32
    return %c0_i32, %c0_i32_0 : i32, i32
  }
  func.func @transform_6(%arg0: i32) -> (i32, i32) {
    %c0_i32 = arith.constant 0 : i32
    %c0_i32_0 = arith.constant 0 : i32
    %c0_i32_1 = arith.constant 0 : i32
    return %c0_i32, %c0_i32_0 : i32, i32
  }
  func.func @transform_7(%arg0: i32) -> (i32, i32) {
    %c0_i32 = arith.constant 0 : i32
    %c0_i32_0 = arith.constant 0 : i32
    %c0_i32_1 = arith.constant 0 : i32
    return %c0_i32, %c0_i32_0 : i32, i32
  }
  func.func @transform_8(%arg0: i32) -> (i32, i32) {
    %add3A = arith.constant 0 : i32
    %add3A_0 = arith.addi %arg0, %add3A : i32
    %c0_i32 = arith.constant 0 : i32
    %c0_i32_1 = arith.constant 0 : i32
    return %add3A_0, %c0_i32 : i32, i32
  }
}

module attributes {stable_mosaic.version = 14 : i64} {
  func.func @_out_body(%arg0: i32, %arg1: memref<1x1000x16xf32, #tpu.memory_space<vmem>>, %arg2: memref<1x1000x16xf32, #tpu.memory_space<vmem>>, %arg3: memref<1000x16xf32, #tpu.memory_space<vmem>>, %arg4: memref<1000x8xf32, #tpu.memory_space<vmem>>, %arg5: memref<1x16xf32, #tpu.memory_space<vmem>>, %arg6: memref<16x16xf32, #tpu.memory_space<vmem>>, %arg7: memref<1x16xf32, #tpu.memory_space<vmem>>, %arg8: memref<1000x16xf32, #tpu.memory_space<vmem>>) attributes {dimension_semantics = [#tpu.dimension_semantics<arbitrary>], iteration_bounds = array<i64: 10>, scalar_prefetch = 0 : i64, scratch_operands = 0 : i64, tpu.core_type = #tpu.core_type<tc>, window_params = [{transform_indices = @transform_0, window_bounds = array<i64: 1, 1000, 16>}, {transform_indices = @transform_1, window_bounds = array<i64: 1, 1000, 16>}, {transform_indices = @transform_2, window_bounds = array<i64: 1000, 16>}, {transform_indices = @transform_3, window_bounds = array<i64: 1000, 8>}, {pipeline_mode = #tpu.pipeline_mode<synchronous>, transform_indices = @transform_4, window_bounds = array<i64: 1, 16>}, {pipeline_mode = #tpu.pipeline_mode<synchronous>, transform_indices = @transform_5, window_bounds = array<i64: 16, 16>}, {pipeline_mode = #tpu.pipeline_mode<synchronous>, transform_indices = @transform_6, window_bounds = array<i64: 1, 16>}, {transform_indices = @transform_7, window_bounds = array<i64: 1000, 16>}]} {
    %get3A = arith.constant 0 : index
    %get3A_0 = arith.constant 0 : index
    %get3A_1 = vector.load %arg4[%get3A, %get3A_0] : memref<1000x8xf32, #tpu.memory_space<vmem>>, vector<1000x1xf32>
    %get3A_2 = arith.constant 0 : index
    %get3A_3 = arith.constant 0 : index
    %get3A_4 = arith.constant 0 : index
    %get3A_5 = vector.load %arg1[%get3A_2, %get3A_3, %get3A_4] : memref<1x1000x16xf32, #tpu.memory_space<vmem>>, vector<1x1000x16xf32>
    %get3A_6 = vector.shape_cast %get3A_5 : vector<1x1000x16xf32> to vector<1000x16xf32>
    %get3A_7 = arith.constant 0 : index
    %get3A_8 = arith.constant 0 : index
    %get3A_9 = arith.constant 0 : index
    %get3A_10 = vector.load %arg2[%get3A_7, %get3A_8, %get3A_9] : memref<1x1000x16xf32, #tpu.memory_space<vmem>>, vector<1x1000x16xf32>
    %get3A_11 = vector.shape_cast %get3A_10 : vector<1x1000x16xf32> to vector<1000x16xf32>
    %add3A = arith.addf %get3A_6, %get3A_11 : vector<1000x16xf32>
    %get3A_12 = arith.constant 0 : index
    %get3A_13 = arith.constant 0 : index
    %get3A_14 = vector.load %arg3[%get3A_12, %get3A_13] : memref<1000x16xf32, #tpu.memory_space<vmem>>, vector<1000x16xf32>
    %add3A_15 = arith.addf %add3A, %get3A_14 : vector<1000x16xf32>
    %mul3A = vector.broadcast %get3A_1 : vector<1000x1xf32> to vector<1000x16xf32>
    %mul3A_16 = arith.mulf %mul3A, %add3A_15 : vector<1000x16xf32>
    %get3A_17 = arith.constant 0 : index
    %get3A_18 = arith.constant 0 : index
    %get3A_19 = vector.load %arg5[%get3A_17, %get3A_18] : memref<1x16xf32, #tpu.memory_space<vmem>>, vector<1x16xf32>
    %add3A_20 = vector.broadcast %get3A_19 : vector<1x16xf32> to vector<1000x16xf32>
    %add3A_21 = arith.addf %mul3A_16, %add3A_20 : vector<1000x16xf32>
    %gt3A = arith.constant 0.000000e+00 : f32
    %gt3A_22 = vector.broadcast %gt3A : f32 to vector<1000x16xf32>
    %gt3A_23 = arith.cmpf ogt, %add3A_21, %gt3A_22 : vector<1000x16xf32>
    %exp3A = math.exp %add3A_21 : vector<1000x16xf32>
    %sub3A = arith.constant 1.000000e+00 : f32
    %sub3A_24 = vector.broadcast %sub3A : f32 to vector<1000x16xf32>
    %sub3A_25 = arith.subf %exp3A, %sub3A_24 : vector<1000x16xf32>
    %select_n3A = arith.select %gt3A_23, %add3A_21, %sub3A_25 : vector<1000x16xi1>, vector<1000x16xf32>
    %get3A_26 = arith.constant 0 : index
    %get3A_27 = arith.constant 0 : index
    %get3A_28 = vector.load %arg6[%get3A_26, %get3A_27] : memref<16x16xf32, #tpu.memory_space<vmem>>, vector<16x16xf32>
    %dot_general3A = arith.constant dense<0.000000e+00> : vector<1000x16xf32>
    %dot_general3A_29 = tpu.matmul %select_n3A, %get3A_28, %dot_general3A {dimension_numbers = #tpu.dot_dimension_numbers<[1], [0], [0], [1], [0, 0, 1, 1], [], []>, transpose_lhs_hint = false} : vector<1000x16xf32>, vector<16x16xf32>, vector<1000x16xf32> -> vector<1000x16xf32>
    %get3A_30 = arith.constant 0 : index
    %get3A_31 = arith.constant 0 : index
    %get3A_32 = vector.load %arg7[%get3A_30, %get3A_31] : memref<1x16xf32, #tpu.memory_space<vmem>>, vector<1x16xf32>
    %add3A_33 = vector.broadcast %get3A_32 : vector<1x16xf32> to vector<1000x16xf32>
    %add3A_34 = arith.addf %dot_general3A_29, %add3A_33 : vector<1000x16xf32>
    %swap3A = arith.constant 0 : index
    %swap3A_35 = arith.constant 0 : index
    %swap3A_36 = vector.load %arg8[%swap3A, %swap3A_35] : memref<1000x16xf32, #tpu.memory_space<vmem>>, vector<1000x16xf32>
    tpu.vector_store %arg8[%swap3A, %swap3A_35], %add3A_34 {strides = array<i32>} : memref<1000x16xf32, #tpu.memory_space<vmem>>, vector<1000x16xf32>,
    return
  }
  func.func @transform_0(%arg0: i32) -> (i32, i32, i32) {
    %c0_i32 = arith.constant 0 : i32
    %c0_i32_0 = arith.constant 0 : i32
    %c0_i32_1 = arith.constant 0 : i32
    return %c0_i32, %arg0, %c0_i32_0 : i32, i32, i32
  }
  func.func @transform_1(%arg0: i32) -> (i32, i32, i32) {
    %c1_i32 = arith.constant 1 : i32
    %c0_i32 = arith.constant 0 : i32
    %c0_i32_0 = arith.constant 0 : i32
    return %c1_i32, %arg0, %c0_i32 : i32, i32, i32
  }
  func.func @transform_2(%arg0: i32) -> (i32, i32) {
    %add3A = arith.constant 0 : i32
    %add3A_0 = arith.addi %arg0, %add3A : i32
    %c0_i32 = arith.constant 0 : i32
    %c0_i32_1 = arith.constant 0 : i32
    return %add3A_0, %c0_i32 : i32, i32
  }
  func.func @transform_3(%arg0: i32) -> (i32, i32) {
    %add3A = arith.constant 0 : i32
    %add3A_0 = arith.addi %arg0, %add3A : i32
    %c0_i32 = arith.constant 0 : i32
    %c0_i32_1 = arith.constant 0 : i32
    return %add3A_0, %c0_i32 : i32, i32
  }
  func.func @transform_4(%arg0: i32) -> (i32, i32) {
    %c0_i32 = arith.constant 0 : i32
    %c0_i32_0 = arith.constant 0 : i32
    %c0_i32_1 = arith.constant 0 : i32
    return %c0_i32, %c0_i32_0 : i32, i32
  }
  func.func @transform_5(%arg0: i32) -> (i32, i32) {
    %c0_i32 = arith.constant 0 : i32
    %c0_i32_0 = arith.constant 0 : i32
    %c0_i32_1 = arith.constant 0 : i32
    return %c0_i32, %c0_i32_0 : i32, i32
  }
  func.func @transform_6(%arg0: i32) -> (i32, i32) {
    %c0_i32 = arith.constant 0 : i32
    %c0_i32_0 = arith.constant 0 : i32
    %c0_i32_1 = arith.constant 0 : i32
    return %c0_i32, %c0_i32_0 : i32, i32
  }
  func.func @transform_7(%arg0: i32) -> (i32, i32) {
    %add3A = arith.constant 0 : i32
    %add3A_0 = arith.addi %arg0, %add3A : i32
    %c0_i32 = arith.constant 0 : i32
    %c0_i32_1 = arith.constant 0 : i32
    return %add3A_0, %c0_i32 : i32, i32
  }
}

</mosaic_0001>

<sc_bundles>
// kernel: kernel.11.cloned.1.call-start
scs
__scs_entry_jumppad:
0x0: {  	(pc) =	sbr.rel $0x88, $3  }
0x1: {  	(tag) =	ssettag $0x0;
	lr =	simm.s32 $0x1  }
0x2: {  	[smem:$0x3F93] =	sst lr;
	_ =	strace $0xD0000000  }
0x3: {  	_ = 	snop  }
0x4: {  	_ = 	snop  }
0x5: {  	_ = 	snop  }
0x6: {  	_ = 	snop  }
0x7: {  	_ = 	snop  }
__scs_overlays_trampoline_lowered:
0x8: {  	[smem:$0x3FA2] =	sst s0  }
0x9: {  	[smem:$0x3FA3] =	sst s1  }
0xa: {  	[smem:$0x3FA4] =	sst s2  }
0xb: {  	[smem:$0x3FA5] =	sst s3  }
0xc: {  	[smem:$0x3FA6] =	sst s4  }
0xd: {  	[smem:$0x3FA7] =	sst s5  }
0xe: {  	[smem:$0x3FA8] =	sst s6  }
0xf: {  	[smem:$0x3FA9] =	sst s7  }
0x10: {  	[smem:$0x3FAA] =	sst s8  }
0x11: {  	[smem:$0x3FAB] =	sst s9;
	s0 =	simm.s32 @!p0 $0x0  }
0x12: {  	s1 =	sld [smem:$0x3F91];
	s0 =	simm.s32 @p0 $0x1  }
0x13: {  	[smem:$0x3FAC] =	sst s0;
	s0 =	simm.s32 @!p1 $0x0  }
0x14: {  	s2 =	sld [smem:$0x3F90];
	s0 =	simm.s32 @p1 $0x1  }
0x15: {  	[smem:$0x3FAD] =	sst s0;
	s0 =	simm.s32 @!p2 $0x0  }
0x16: {  	s3 =	sld [smem:$0x3FDB];
	s0 =	simm.s32 @p2 $0x1  }
0x17: {  	s4 =	simm.s32 $0x1BF5;
	[smem:$0x3FAF] =	sst s0  }
0x18: {  	s0 =	sld [smem:$0x3F92];
	_ =	swait.ge [sflag:s4], $0x0  }
0x19: {  	s7 =	sld [smem:$0x3F93]  }
0x1a: {  	s8 =	sadd.s32 $0xFFFFE003, lr  }
0x1b: {  	s9 =	sadd.s32 $0xFFFFFEF7, lr;
	s5 =	simm.s32 $0xFFFFFFFF;
	p2 =	slt.u32 s8, $0xFFFFF086  }
0x1c: {  	p1 =	slt.u32 s9, $0xF7A;
	s5 =	simm.s32 @!p2 $0x0  }
0x1d: {  	s5 =	simm.s32 @p1 $0x1;
	p0 =	seq.s32 s7, s2  }
0x1e: {  	s7 =	smul.u32 @!p0 $0xF7A, s2;
	p2 =	seq.s32 @!p0 s5, $0x0  }
0x1f: {  	s9 =	smul.u32 $0xF7A, s1;
	s8 =	simm.s32 @!p0 $0x1BF5;
	p2 =	por !p2, p0  }
0x20: {  	[sflag:s8] =	ssyncset.s32 @!p0 $0xFFFFF086;
	s6 =	sadd.s32 @!p0 s3, s7;
	s7 =	simm.s32 @!p0 $0x108  }
0x21: {  	s3 =	sadd.s32 s3, s9;
	s6 =	sadd.s32 @!p0 $0x88, s6;
	s7 =	simm.s32 @p2 $0x1082  }
0x22: {  	[simem:s7], [sflag:s8] =	dma.local @!p0 [hbm:s6], $0xF7A  }
0x23: {  	s9 =	sor.u32 $0xD0000000, s2;
	s6 =	simm.s32 $0x108;
	_ =	swait.ge @!p0 [sflag:s8], $0x0  }
0x24: {  	s3 =	sadd.s32 $0x88, s3;
	s6 =	simm.s32 @!p1 $0x1082;
	[sflag:s4] =	ssyncset.s32 $0xFFFFF086  }
0x25: {  	[simem:s6], [sflag:s4] =	dma.local [hbm:s3], $0xF7A  }
0x26: {  	[smem:$0x3F93] =	sst s1;
	(tag) =	ssettag s2;
	_ =	strace s9  }
0x27: {  	s1 =	sld [smem:$0x3FA3]  }
0x28: {  	s2 =	sld [smem:$0x3FA4]  }
0x29: {  	s4 =	sld [smem:$0x3FA6]  }
0x2a: {  	p0 =	seq.s32 s5, $0x0;
	s5 =	sld [smem:$0x3FA7]  }
0x2b: {  	s6 =	sld [smem:$0x3FA8]  }
0x2c: {  	s7 =	sld [smem:$0x3FA9]  }
0x2d: {  	s3 =	simm.s32 $0x108;
	s8 =	sld [smem:$0x3FAA]  }
0x2e: {  	s3 =	simm.s32 @!p0 $0x1082;
	s9 =	sld [smem:$0x3FAB]  }
0x2f: {  	lr =	sadd.s32 s0, s3;
	s0 =	sld [smem:$0x3FA2]  }
0x30: {  	s3 =	sld [smem:$0x3FA5]  }
0x31: {  	[smem:$0x3FAE] =	sst s10  }
0x32: {  	s10 =	sld [smem:$0x3FAC];
	_ =	sdelay $0x3  }
0x33: {  	p0 =	seq.s32 s10, $0x1;
	s10 =	sld [smem:$0x3FAE];
	_ =	sdelay $0x3  }
0x34: {  	[smem:$0x3FAE] =	sst s10  }
0x35: {  	s10 =	sld [smem:$0x3FAD];
	_ =	sdelay $0x3  }
0x36: {  	p1 =	seq.s32 s10, $0x1;
	s10 =	sld [smem:$0x3FAE];
	_ =	sdelay $0x3  }
0x37: {  	[smem:$0x3FAE] =	sst s10  }
0x38: {  	s10 =	sld [smem:$0x3FAF]  }
0x39: {  	_ = 	snop;
	(pc) =	sbr.ind lr, $3  }
0x3a: {  	_ = 	snop  }
0x3b: {  	_ = 	snop  }
0x3c: {  	p2 =	seq.s32 s10, $0x1;
	s10 =	sld [smem:$0x3FAE]  }
0x3d: {  	_ =	shalt  }
0x3e: {  	_ =	shalt  }
0x3f: {  	_ =	shalt  }
0x40: {  	_ =	shalt  }
0x41: {  	_ =	shalt  }
0x42: {  	_ =	shalt  }
0x43: {  	_ =	shalt  }
0x44: {  	_ =	shalt  }
0x45: {  	_ =	shalt  }
0x46: {  	_ =	shalt  }
0x47: {  	_ =	shalt  }
0x48: {  	_ =	shalt  }
0x49: {  	_ =	shalt  }
0x4a: {  	_ =	shalt  }
0x4b: {  	_ =	shalt  }
0x4c: {  	_ =	shalt  }
0x4d: {  	_ =	shalt  }
0x4e: {  	_ =	shalt  }
0x4f: {  	_ =	shalt  }
0x50: {  	_ =	shalt  }
0x51: {  	_ =	shalt  }
0x52: {  	_ =	shalt  }
0x53: {  	_ =	shalt  }
0x54: {  	_ =	shalt  }
0x55: {  	_ =	shalt  }
0x56: {  	_ =	shalt  }
0x57: {  	_ =	shalt  }
0x58: {  	_ =	shalt  }
0x59: {  	_ =	shalt  }
0x5a: {  	_ =	shalt  }
0x5b: {  	_ =	shalt  }
0x5c: {  	_ =	shalt  }
0x5d: {  	_ =	shalt  }
0x5e: {  	_ =	shalt  }
0x5f: {  	_ =	shalt  }
0x60: {  	_ =	shalt  }
0x61: {  	_ =	shalt  }
0x62: {  	_ =	shalt  }
0x63: {  	_ =	shalt  }
0x64: {  	_ =	shalt  }
0x65: {  	_ =	shalt  }
0x66: {  	_ =	shalt  }
0x67: {  	_ =	shalt  }
0x68: {  	_ =	shalt  }
0x69: {  	_ =	shalt  }
0x6a: {  	_ =	shalt  }
0x6b: {  	_ =	shalt  }
0x6c: {  	_ =	shalt  }
0x6d: {  	_ =	shalt  }
0x6e: {  	_ =	shalt  }
0x6f: {  	_ =	shalt  }
0x70: {  	_ =	shalt  }
0x71: {  	_ =	shalt  }
0x72: {  	_ =	shalt  }
0x73: {  	_ =	shalt  }
0x74: {  	_ =	shalt  }
0x75: {  	_ =	shalt  }
0x76: {  	_ =	shalt  }
0x77: {  	_ =	shalt  }
0x78: {  	_ =	shalt  }
0x79: {  	_ =	shalt  }
0x7a: {  	_ =	shalt  }
0x7b: {  	_ =	shalt  }
0x7c: {  	_ =	shalt  }
0x7d: {  	_ =	shalt  }
0x7e: {  	_ =	shalt  }
0x7f: {  	_ =	shalt  }
0x80: {  	_ =	shalt  }
0x81: {  	_ =	shalt  }
0x82: {  	_ =	shalt  }
0x83: {  	_ =	shalt  }
0x84: {  	_ =	shalt  }
0x85: {  	_ =	shalt  }
0x86: {  	_ =	shalt  }
0x87: {  	_ =	shalt  }
.Lfunc_end0:
.L_simem_size_0:
called_computation_lowered:
.L_overlay_start_0:
0x88: {  	s2 =	sld [smem:$0x3FD9]  }
0x89: {  	s3 =	sld [smem:$0x3FFE];
	_ =	sdelay $0x1  }
0x8a: {  	s1 =	srdreg.scid  }
0x8b: {  	s0 =	sand.u32 $0x1, s1  }
0x8c: {  	s16 =	sshll.u32 s0, $0xA;
	s2 =	sadd.s32 s3, s2  }
0x8d: {  	s2 =	sadd.s32 s2, s16  }
0x8e: {  	[smem:$0x3FBA] =	sst s2  }
0x8f: {  	_ = 	snop  }
0x90: {  	(tm) =	ssettm $0x1  }
0x91: {  	s17 =	sld [smem:$0x3FFB];
	_ =	sdelay $0x3  }
0x92: {  	_ =	strace s17  }
0x93: {  	s2 =	sld [smem:$0x3FFC];
	_ =	sdelay $0x3  }
0x94: {  	_ =	strace s2  }
0x95: {  	s2 =	sld [smem:$0x3FFD];
	_ =	sdelay $0x3  }
0x96: {  	_ =	strace s2  }
0x97: {  	_ =	strace $0x8FFFFFFF  }
0x98: {  	s18 =	sld [smem:$0x3FDB];
	_ =	sdelay $0x1  }
0x99: {  	s19 =	simm.s32 $_scs_section_size  }
0x9a: {  	s4 =	simm.s32 $_size__tile_overlayer_lowered;
	s5 =	simm.s32 $_tile_overlayer_lowered  }
0x9b: {  	s22 =	simm.s32 $0x1BFF;
	s21 =	sshll.u32 s5, $0x1;
	s2 =	sadd.s32 s19, s18  }
0x9c: {  	s6 =	simm.s32 $0x0;
	s20 =	sshll.u32 s4, $0x1;
	s4 =	sadd.s32 s21, s2  }
0x9d: {  	[timem:s6], [sflag:s22] =	dma.local [hbm:s4], s20  }
0x9e: {  	_ =	swait.ge [sflag:s22], s20  }
0x9f: {  	s3 =	ssub.s32 $0x0, s20;
	[sflag:s22] =	ssyncset.done $0x0  }
0xa0: {  	[sflag:s22] =	ssyncadd.s32 s3;
	_ =	sdelay $0x1  }
0xa1: {  	s23 =	simm.s32 $0x1B8B  }
0xa2: {  	_ =	swait.ge [sflag:s23], $0x1  }
0xa3: {  	[sflag:s23] =	ssyncset.done $0x0  }
0xa4: {  	s25 =	simm.s32 $0x1B8E;
	s24 =	sld [smem:$0x3FFE];
	[sflag:s23] =	ssyncadd.s32 $0xFFFFFFFF  }
0xa5: {  	s26 =	simm.s32 $execute0_lowered;
	[smem:$0x3FD2] =	sst s25  }
0xa6: {  	s4 =	sshll.u32 s26, $0x1;
	_ =	strace $0x80000046;
	[dreg:$0x1] =	wrdreg $0xFFFFFFFF  }
0xa7: {  	s28 =	simm.s32 $_size_execute0_lowered;
	s2 =	sadd.s32 s2, s4;
	[dreg:$0x0] =	wrdreg $0x0  }
0xa8: {  	s4 =	sshll.u32 s28, $0x1;
	[dreg:$0x2] =	wrdreg s2  }
0xa9: {  	[dreg:$0x3] =	wrdreg s4  }
0xaa: {  	[dreg:$0x4] =	wrdreg $0xC0  }
0xab: {  	_ =	task [dreg:s6], $0x5FFFF  }
0xac: {  	[dreg:$0x1] =	wrdreg $0xFFFFFFFF  }
0xad: {  	[dreg:$0x0] =	wrdreg $0x60  }
0xae: {  	[dreg:$0x2] =	wrdreg s24  }
0xaf: {  	[dreg:$0x3] =	wrdreg $0x14000  }
0xb0: {  	[dreg:$0x4] =	wrdreg $0x9  }
0xb1: {  	_ =	task.clear_ibuf [dreg:s6], $0x5FFFF;
	_ =	strace $0x90000046  }
0xb2: {  	s29 =	simm.s32 $0x9;
	_ =	strace $0x80000048  }
0xb3: {  	_ =	swait.ge [sflag:s29], $0x1  }
0xb4: {  	[sflag:s29] =	ssyncadd.s32 $0xFFFFFFFF  }
0xb5: {  	_ =	strace $0x90000048  }
0xb6: {  	_ =	sfence  }
0xb7: {  	s30 =	sld [smem:$0x0];
	_ =	sdelay $0x2  }
0xb8: {  	s31 =	sshll.u32 s1, $0xD;
	s1 =	sshrl.u32 s1, $0x2  }
0xb9: {  	s3 =	sand.u32 $0x4000, s31;
	s1 =	sadd.s32 s1, s30  }
0xba: {  	s0 =	sor.u32 s3, s0;
	s1 =	sshll.u32 s1, $0x11  }
0xbb: {  	s0 =	sor.u32 s1, s0  }
0xbc: {  	s0 =	sadd.s32 $0x8F2B, s0  }
0xbd: {  	[sflag:s0] =	ssyncadd.remote.s32 $0x1  }
0xbe: {  	_ =	sfence.sel $0xFFFF  }
0xbf: {  	[dreg:$0x0] =	wrdreg $0xFFFFFFFF;
	(pc) =	sbr.abs _section_cstart, $3  }
0xc0: {  	[dreg:$0x1] =	wrdreg $0xFFFFFFFF  }
0xc1: {  	_ =	task.clear_ibuf [dreg:s6], $0x2FFFF;
	_ =	strace $0x9FFFFFFF  }
0xc2: {  	(tm) =	ssettm $0x7FFFFFFF  }
0xc3: {  	_ =	shalt  }
tec
execute0_lowered:
.L_overlay_start_1:
0x0: {  	(tag) =	ssettag $0x1  }
0x1: {  	s0 =	rddreg [dreg:$0x0];
	s1 =	srdreg.scid  }
0x2: {  	s17 =	stileid.u32;
	s2 =	rddreg [dreg:$0x1]  }
0x3: {  	s3 =	simm.s32 $0x0;
	s19 =	simm.s32 $0x2;
	s20 =	simm.s32 $0x80  }
0x4: {  	s21 =	simm.s32 $0x400;
	s28 =	simm.s32 $0x300;
	s4 =	smul.u32 $0x2800, s17  }
0x5: {  	s29 =	simm.s32 $0x1;
	s30 =	simm.s32 $0x380;
	s7 =	smul.u32 $0xA000, s17  }
0x6: {  	s31 =	simm.s32 $0x0;
	s1 =	sand.u32 $0x1, s1;
	s15 =	smul.u32 $0x50, s17  }
0x7: {  	[smem:$0x7FF] =	sst s3;
	s16 =	sadd.s32 $0x3C00, s0;
	s5 =	smul.u32 $0x28000, s1  }
0x8: {  	_ =	strace $0x80000047;
	s6 =	ssub.s32 $0x2, s1;
	s14 =	smul.u32 $0x500, s1  }
0x9: {  	s23 =	sshll.u32 s1, $0x4;
	s1 =	smul.u32 $0xA000, s1;
	s22 =	sshrl.u32 s6, $0x1  }
0xa: {  	s24 =	sshrl.u32 s7, $0x2;
	s25 =	sor.u32 s17, s23;
	s17 =	smul.u32 $0xA00, s17  }
0xb: {  	s23 =	simm.s32 $0x3;
	s5 =	sadd.s32 s4, s5;
	s11 =	ssub.s32 s6, s22  }
0xc: {  	s4 =	sadd.s32 s4, s2;
	s8 =	sadd.s32 s24, s2;
	s12 =	smul.u32 $0xA00, s25  }
0xd: {  	s15 =	sadd.s32 s15, s14;
	s1 =	sadd.s32 s1, s16;
	s22 =	simm.s32 $0x100  }
0xe: {  	s24 =	simm.s32 $0x180;
	s25 =	simm.s32 $0x200;
	s5 =	sshrl.u32 s5, $0x3  }
0xf: {  	s26 =	sadd.s32 $0x800, s8;
	s6 =	sadd.s32 $0x1000, s8;
	s7 =	sadd.s32 $0x1800, s8  }
0x10: {  	s8 =	sadd.s32 $0x2000, s8;
	s11 =	smax.u32 s11, $0x1;
	s18 =	sshll.u32 s15, $0x5  }
.Ltmp0:
0x11: {  	s10 =	sadd.s32 s5, s0;
	[dreg:$0x3] =	wrdreg s26;
	(pc) =	sbr.rel .LBB2_1-.Ltmp0, $4  }
0x12: {  	s9 =	sadd.s32 s16, s12;
	s0 =	sadd.s32 $0x3C20, s0;
	s16 =	sadd.s32 s17, s1  }
0x13: {  	s26 =	simm.s32 $0x280;
	s10 =	sadd.s32 $0x17C00, s10;
	s12 =	sadd.s32 s12, s0  }
0x14: {  	s0 =	sadd.s32 s18, s0;
	s18 =	simm.s32 $0xC00;
	s13 =	sadd.s32 $0x20, s12  }
0x15: {  	v0 =	vimm.f32 $0.0e+00;
	v1 =	vimm.f32 $1.000000000e+00;
	s14 =	sadd.s32 $0x40, s12;
	s15 =	sadd.s32 $0x60, s12;
	s17 =	sadd.s32 $0xC0, s0  }
.LBB2_8:
0x16: {  	_ =	swait.ge [sflag:s29], $0x800  }
0x17: {  	[sflag:s29] =	ssyncset.done $0x0  }
0x18: {  	[sflag:s29] =	ssyncadd.s32 $0xFFFFF800  }
0x19: {  	_ =	swait.ge [sflag:s29], $0x800  }
0x1a: {  	[sflag:s29] =	ssyncset.done $0x0  }
0x1b: {  	[sflag:s29] =	ssyncadd.s32 $0xFFFFF800  }
0x1c: {  	s0 =	stileid.u32;
	_ =	swait.ge [sflag:s29], $0x800  }
0x1d: {  	s1 =	sshrl.u32 s4, $0x3;
	s31 =	sadd.s32 $0x1, s31;
	[sflag:s29] =	ssyncset.done $0x0  }
0x1e: {  	s0 =	sshll.u32 s0, $0x6;
	p0 =	sne.s32 s31, s11;
	[sflag:s29] =	ssyncadd.s32 $0xFFFFF800  }
.Ltmp1:
0x1f: {  	s0 =	sor.u32 $0x1C02, s0;
	[bflag:$0x0] =	sbarrier.arrive $0xFFFF;
	(pc) =	sbr.rel @!p0 .LBB2_9-.Ltmp1, $4  }
0x20: {  	[hbm:s10], [sflag:s0] =	dma.local [spmem:s1], $0x500  }
0x21: {  	_ =	swait.ge [sflag:s19], $0x500  }
0x22: {  	[sflag:s19] =	ssyncset.done $0x0  }
0x23: {  	[sflag:s19] =	ssyncadd.s32 $0xFFFFFB00  }
.LBB2_1:
0x24: {  	s0 =	simm.s32 $0x0  }
.LBB2_2:
0x25: {  	p0 =	sne.s32 s0, $0x1FC0  }
.Ltmp2:
0x26: {  	_ = 	snop;
	(pc) =	sbr.rel @p0 .LBB2_2-.Ltmp2, $3  }
0x27: {  	_ =	sdelay $0x1  }
0x28: {  	s1 =	sshra.s32 s0, $0x2  }
0x29: {  	s0 =	sadd.s32 $0x40, s0;
	[tilespmem:s1+$0xC00] =	vst v0  }
0x2a: {  	s0 =	simm.s32 $0x40;
	s1 =	simm.s32 $0x0  }
.LBB2_4:
0x2b: {  	p0 =	sne.s32 s0, $0x1FC0;
	[tilespmem:s1+$0x400] =	vst v1;
	s1 =	smov.u32 s0;
	s0 =	sadd.s32 $0x40, s0  }
.Ltmp3:
0x2c: {  	(pc) =	sbr.rel @p0 .LBB2_4-.Ltmp3, $2  }
0x2d: {  	_ =	sdelay $0x2  }
0x2e: {  	s1 =	sshra.s32 s1, $0x2  }
0x2f: {  	[tilespmem:s1+$0x400] =	vst v1  }
0x30: {  	[spmem:s4] =	stream.linear.scatter [tilespmem:s18], [sflag:$0x2], $0x800, $0x38;
	[tilespmem:$0x3C00] =	vst v63  }
0x31: {  	_ =	swait.ge [sflag:s19], $0x800  }
0x32: {  	[sflag:s19] =	ssyncset.done $0x0  }
0x33: {  	s0 =	rddreg [dreg:$0x3];
	[sflag:s19] =	ssyncadd.s32 $0xFFFFF800  }
0x34: {  	[spmem:s0] =	stream.linear.scatter [tilespmem:s18], [sflag:$0x2], $0x800, $0x38;
	[tilespmem:$0x3C00] =	vst v63  }
0x35: {  	_ =	swait.ge [sflag:s19], $0x800  }
0x36: {  	[sflag:s19] =	ssyncset.done $0x0  }
0x37: {  	[sflag:s19] =	ssyncadd.s32 $0xFFFFF800  }
0x38: {  	[spmem:s6] =	stream.linear.scatter [tilespmem:s18], [sflag:$0x2], $0x800, $0x38;
	[tilespmem:$0x3C00] =	vst v63  }
0x39: {  	_ =	swait.ge [sflag:s19], $0x800  }
0x3a: {  	[sflag:s19] =	ssyncset.done $0x0  }
0x3b: {  	[sflag:s19] =	ssyncadd.s32 $0xFFFFF800  }
0x3c: {  	[spmem:s7] =	stream.linear.scatter [tilespmem:s18], [sflag:$0x2], $0x800, $0x38;
	[tilespmem:$0x3C00] =	vst v63  }
0x3d: {  	_ =	swait.ge [sflag:s19], $0x800  }
0x3e: {  	[sflag:s19] =	ssyncset.done $0x0  }
0x3f: {  	[sflag:s19] =	ssyncadd.s32 $0xFFFFF800  }
0x40: {  	[spmem:s8] =	stream.linear.scatter [tilespmem:s18], [sflag:$0x2], $0x800, $0x38;
	[tilespmem:$0x3C00] =	vst v63  }
0x41: {  	_ =	swait.ge [sflag:s19], $0x800  }
0x42: {  	[sflag:s19] =	ssyncset.done $0x0  }
0x43: {  	[sflag:s19] =	ssyncadd.s32 $0xFFFFF800  }
0x44: {  	s1 =	simm.s32 $0x0;
	[bflag:$0x0] =	sbarrier.arrive $0xFFFF  }
0x45: {  	[tilespmem:s1], [sflag:$0x2] =	stream.linear.gather [hbm4b:s9+s1], $0x100, $0x38;
	[tilespmem:$0x3C00] =	vst v63  }
0x46: {  	_ =	swait.ge [sflag:s19], $0x100  }
0x47: {  	[sflag:s19] =	ssyncset.done $0x0  }
0x48: {  	[sflag:s19] =	ssyncadd.s32 $0xFFFFFF00  }
0x49: {  	[spmem:s2] =	stream.indirect.scatter.add.f32 [tilespmem:s21], [sflag:$0x1], $0x10, s20, s20, $0xb8;
	[tilespmem:$0x3C00] =	vst v63  }
0x4a: {  	_ = 	snop  }
0x4b: {  	[tilespmem:s22], [sflag:$0x3] =	stream.linear.gather [hbm4b:s12+s1], $0x100, $0x38;
	[tilespmem:$0x3C00] =	vst v63  }
0x4c: {  	_ =	swait.ge [sflag:s23], $0x100  }
0x4d: {  	[sflag:s23] =	ssyncset.done $0x0  }
0x4e: {  	[sflag:s23] =	ssyncadd.s32 $0xFFFFFF00  }
0x4f: {  	[spmem:s2] =	stream.indirect.scatter.add.f32 [tilespmem:s21], [sflag:$0x1], $0x10, s24, s20, $0xb8;
	[tilespmem:$0x3C00] =	vst v63  }
0x50: {  	_ = 	snop  }
0x51: {  	[tilespmem:s25], [sflag:$0x3] =	stream.linear.gather [hbm4b:s13+s1], $0x100, $0x38;
	[tilespmem:$0x3C00] =	vst v63  }
0x52: {  	_ =	swait.ge [sflag:s23], $0x100  }
0x53: {  	[sflag:s23] =	ssyncset.done $0x0  }
0x54: {  	[sflag:s23] =	ssyncadd.s32 $0xFFFFFF00  }
0x55: {  	[spmem:s2] =	stream.indirect.scatter.add.f32 [tilespmem:s21], [sflag:$0x1], $0x10, s26, s20, $0xb8;
	[tilespmem:$0x3C00] =	vst v63  }
0x56: {  	_ = 	snop  }
0x57: {  	[tilespmem:s28], [sflag:$0x3] =	stream.linear.gather [hbm4b:s14+s1], $0x100, $0x38;
	[tilespmem:$0x3C00] =	vst v63  }
0x58: {  	_ =	swait.ge [sflag:s23], $0x100  }
0x59: {  	[sflag:s23] =	ssyncset.done $0x0  }
0x5a: {  	[sflag:s23] =	ssyncadd.s32 $0xFFFFFF00  }
0x5b: {  	_ =	swait.ge [sflag:s29], $0x800  }
0x5c: {  	[sflag:s29] =	ssyncset.done $0x0  }
0x5d: {  	[sflag:s29] =	ssyncadd.s32 $0xFFFFF800  }
0x5e: {  	[spmem:s2] =	stream.indirect.scatter.add.f32 [tilespmem:s21], [sflag:$0x1], $0x10, s30, s20, $0xb8;
	[tilespmem:$0x3C00] =	vst v63  }
0x5f: {  	_ = 	snop  }
0x60: {  	[tilespmem:s1], [sflag:$0x2] =	stream.linear.gather [hbm4b:s15+s1], $0x100, $0x38;
	[tilespmem:$0x3C00] =	vst v63  }
0x61: {  	_ =	swait.ge [sflag:s19], $0x100  }
0x62: {  	[sflag:s19] =	ssyncset.done $0x0  }
0x63: {  	[sflag:s19] =	ssyncadd.s32 $0xFFFFFF00  }
.LBB2_6:
0x64: {  	_ =	swait.ge [sflag:s29], $0x800  }
0x65: {  	[sflag:s29] =	ssyncset.done $0x0  }
0x66: {  	s0 =	sadd.s32 s1, s16;
	[sflag:s29] =	ssyncadd.s32 $0xFFFFF800  }
0x67: {  	[spmem:s2] =	stream.indirect.scatter.add.f32 [tilespmem:s21], [sflag:$0x1], $0x10, s20, s20, $0xb8;
	[tilespmem:$0x3C00] =	vst v63  }
0x68: {  	s5 =	sadd.s32 $0xA0, s0  }
0x69: {  	[tilespmem:s22], [sflag:$0x3] =	stream.linear.gather [hbm4b:s5+s3], $0x100, $0x38;
	[tilespmem:$0x3C00] =	vst v63  }
0x6a: {  	_ =	swait.ge [sflag:s23], $0x100  }
0x6b: {  	[sflag:s23] =	ssyncset.done $0x0  }
0x6c: {  	[sflag:s23] =	ssyncadd.s32 $0xFFFFFF00  }
0x6d: {  	_ =	swait.ge [sflag:s29], $0x800  }
0x6e: {  	[sflag:s29] =	ssyncset.done $0x0  }
0x6f: {  	[sflag:s29] =	ssyncadd.s32 $0xFFFFF800  }
0x70: {  	[spmem:s2] =	stream.indirect.scatter.add.f32 [tilespmem:s21], [sflag:$0x1], $0x10, s24, s20, $0xb8;
	[tilespmem:$0x3C00] =	vst v63  }
0x71: {  	s5 =	sadd.s32 $0xC0, s0  }
0x72: {  	[tilespmem:s25], [sflag:$0x3] =	stream.linear.gather [hbm4b:s5+s3], $0x100, $0x38;
	[tilespmem:$0x3C00] =	vst v63  }
0x73: {  	_ =	swait.ge [sflag:s23], $0x100  }
0x74: {  	[sflag:s23] =	ssyncset.done $0x0  }
0x75: {  	[sflag:s23] =	ssyncadd.s32 $0xFFFFFF00  }
0x76: {  	_ =	swait.ge [sflag:s29], $0x800  }
0x77: {  	[sflag:s29] =	ssyncset.done $0x0  }
0x78: {  	[sflag:s29] =	ssyncadd.s32 $0xFFFFF800  }
0x79: {  	[spmem:s2] =	stream.indirect.scatter.add.f32 [tilespmem:s21], [sflag:$0x1], $0x10, s26, s20, $0xb8;
	[tilespmem:$0x3C00] =	vst v63  }
0x7a: {  	s5 =	sadd.s32 s1, s17  }
0x7b: {  	[tilespmem:s28], [sflag:$0x3] =	stream.linear.gather [hbm4b:s5+s3], $0x100, $0x38;
	[tilespmem:$0x3C00] =	vst v63  }
0x7c: {  	_ =	swait.ge [sflag:s23], $0x100  }
0x7d: {  	p0 =	seq.s32 s1, $0x900;
	[sflag:s23] =	ssyncset.done $0x0  }
.Ltmp4:
0x7e: {  	[sflag:s23] =	ssyncadd.s32 $0xFFFFFF00;
	(pc) =	sbr.rel @p0 .LBB2_8-.Ltmp4, $4  }
0x7f: {  	_ =	swait.ge [sflag:s29], $0x800  }
0x80: {  	[sflag:s29] =	ssyncset.done $0x0  }
0x81: {  	[sflag:s29] =	ssyncadd.s32 $0xFFFFF800  }
0x82: {  	[spmem:s2] =	stream.indirect.scatter.add.f32 [tilespmem:s21], [sflag:$0x1], $0x10, s30, s20, $0xb8;
	[tilespmem:$0x3C00] =	vst v63  }
.Ltmp5:
0x83: {  	s0 =	sadd.s32 $0x100, s0;
	(pc) =	sbr.rel .LBB2_6-.Ltmp5, $4  }
0x84: {  	[tilespmem:s3], [sflag:$0x2] =	stream.linear.gather [hbm4b:s0+s3], $0x100, $0x38;
	[tilespmem:$0x3C00] =	vst v63  }
0x85: {  	_ =	swait.ge [sflag:s19], $0x100  }
0x86: {  	[sflag:s19] =	ssyncset.done $0x0  }
0x87: {  	s1 =	sadd.s32 $0x80, s1;
	[sflag:s19] =	ssyncadd.s32 $0xFFFFFF00  }
.LBB2_9:
0x88: {  	_ =	sfence.sel $0x180000  }
0x89: {  	[bflag:$0x0] =	sbarrier.arrive $0xFFFF  }
0x8a: {  	_ =	strace $0x90000047  }
0x8b: {  	s0 =	stileid.u32;
	[bflag:$0x2] =	sbarrier.arrive $0xFFFF  }
0x8c: {  	p0 =	sne.s32 s0, $0x0;
	s0 =	rddreg [dreg:$0x2]  }
0x8d: {  	s0 =	sadd.s32 @!p0 $0x100000, s0  }
0x8e: {  	[sflag:s0] =	ssyncadd.tile.s32 @!p0 $0x1;
	_ =	shalt  }
.Lfunc_end2:
_tile_overlayer_lowered:
.L_overlay_start_2:
0x8f: {  	(tag) =	ssettag $0x2  }
0x90: {  	s0 =	rddreg [dreg:$0x0];
	s2 =	stileid.u32  }
0x91: {  	s1 =	rddreg [dreg:$0x1];
	p0 =	sne.s32 s2, $0x0  }
0x92: {  	s3 =	rddreg [dreg:$0x2];
	[bflag:$0x3] =	sbarrier.arrive $0xFFFF;
	s2 =	simm.s32 @!p0 $0x1C02  }
0x93: {  	[timem:s3], [sflag:s2] =	dma.local @!p0 [hbm:s0], s1  }
0x94: {  	s0 =	simm.s32 @!p0 $0x2  }
0x95: {  	_ =	swait.ge @!p0 [sflag:s0], s1  }
0x96: {  	s1 =	ssub.s32 @!p0 $0x0, s1;
	[sflag:s0] =	ssyncset.done @!p0 $0x0  }
0x97: {  	[sflag:s0] =	ssyncadd.s32 @!p0 s1  }
0x98: {  	[bflag:$0x3] =	sbarrier.arrive $0xFFFF  }
0x99: {  	_ =	shalt  }

// kernel: kernel.14.cloned.1.call-start
scs
__scs_entry_jumppad:
0x0: {  	(pc) =	sbr.rel $0x88, $3  }
0x1: {  	(tag) =	ssettag $0x0;
	lr =	simm.s32 $0x1  }
0x2: {  	[smem:$0x3F93] =	sst lr;
	_ =	strace $0xD0000000  }
0x3: {  	_ = 	snop  }
0x4: {  	_ = 	snop  }
0x5: {  	_ = 	snop  }
0x6: {  	_ = 	snop  }
0x7: {  	_ = 	snop  }
__scs_overlays_trampoline_lowered:
0x8: {  	[smem:$0x3FA2] =	sst s0  }
0x9: {  	[smem:$0x3FA3] =	sst s1  }
0xa: {  	[smem:$0x3FA4] =	sst s2  }
0xb: {  	[smem:$0x3FA5] =	sst s3  }
0xc: {  	[smem:$0x3FA6] =	sst s4  }
0xd: {  	[smem:$0x3FA7] =	sst s5  }
0xe: {  	[smem:$0x3FA8] =	sst s6  }
0xf: {  	[smem:$0x3FA9] =	sst s7  }
0x10: {  	[smem:$0x3FAA] =	sst s8  }
0x11: {  	[smem:$0x3FAB] =	sst s9;
	s0 =	simm.s32 @!p0 $0x0  }
0x12: {  	s1 =	sld [smem:$0x3F91];
	s0 =	simm.s32 @p0 $0x1  }
0x13: {  	[smem:$0x3FAC] =	sst s0;
	s0 =	simm.s32 @!p1 $0x0  }
0x14: {  	s2 =	sld [smem:$0x3F90];
	s0 =	simm.s32 @p1 $0x1  }
0x15: {  	[smem:$0x3FAD] =	sst s0;
	s0 =	simm.s32 @!p2 $0x0  }
0x16: {  	s3 =	sld [smem:$0x3FDB];
	s0 =	simm.s32 @p2 $0x1  }
0x17: {  	s4 =	simm.s32 $0x1BF5;
	[smem:$0x3FAF] =	sst s0  }
0x18: {  	s0 =	sld [smem:$0x3F92];
	_ =	swait.ge [sflag:s4], $0x0  }
0x19: {  	s7 =	sld [smem:$0x3F93]  }
0x1a: {  	s8 =	sadd.s32 $0xFFFFE003, lr  }
0x1b: {  	s9 =	sadd.s32 $0xFFFFFEF7, lr;
	s5 =	simm.s32 $0xFFFFFFFF;
	p2 =	slt.u32 s8, $0xFFFFF086  }
0x1c: {  	p1 =	slt.u32 s9, $0xF7A;
	s5 =	simm.s32 @!p2 $0x0  }
0x1d: {  	s5 =	simm.s32 @p1 $0x1;
	p0 =	seq.s32 s7, s2  }
0x1e: {  	s7 =	smul.u32 @!p0 $0xF7A, s2;
	p2 =	seq.s32 @!p0 s5, $0x0  }
0x1f: {  	s9 =	smul.u32 $0xF7A, s1;
	s8 =	simm.s32 @!p0 $0x1BF5;
	p2 =	por !p2, p0  }
0x20: {  	[sflag:s8] =	ssyncset.s32 @!p0 $0xFFFFF086;
	s6 =	sadd.s32 @!p0 s3, s7;
	s7 =	simm.s32 @!p0 $0x108  }
0x21: {  	s3 =	sadd.s32 s3, s9;
	s6 =	sadd.s32 @!p0 $0x88, s6;
	s7 =	simm.s32 @p2 $0x1082  }
0x22: {  	[simem:s7], [sflag:s8] =	dma.local @!p0 [hbm:s6], $0xF7A  }
0x23: {  	s9 =	sor.u32 $0xD0000000, s2;
	s6 =	simm.s32 $0x108;
	_ =	swait.ge @!p0 [sflag:s8], $0x0  }
0x24: {  	s3 =	sadd.s32 $0x88, s3;
	s6 =	simm.s32 @!p1 $0x1082;
	[sflag:s4] =	ssyncset.s32 $0xFFFFF086  }
0x25: {  	[simem:s6], [sflag:s4] =	dma.local [hbm:s3], $0xF7A  }
0x26: {  	[smem:$0x3F93] =	sst s1;
	(tag) =	ssettag s2;
	_ =	strace s9  }
0x27: {  	s1 =	sld [smem:$0x3FA3]  }
0x28: {  	s2 =	sld [smem:$0x3FA4]  }
0x29: {  	s4 =	sld [smem:$0x3FA6]  }
0x2a: {  	p0 =	seq.s32 s5, $0x0;
	s5 =	sld [smem:$0x3FA7]  }
0x2b: {  	s6 =	sld [smem:$0x3FA8]  }
0x2c: {  	s7 =	sld [smem:$0x3FA9]  }
0x2d: {  	s3 =	simm.s32 $0x108;
	s8 =	sld [smem:$0x3FAA]  }
0x2e: {  	s3 =	simm.s32 @!p0 $0x1082;
	s9 =	sld [smem:$0x3FAB]  }
0x2f: {  	lr =	sadd.s32 s0, s3;
	s0 =	sld [smem:$0x3FA2]  }
0x30: {  	s3 =	sld [smem:$0x3FA5]  }
0x31: {  	[smem:$0x3FAE] =	sst s10  }
0x32: {  	s10 =	sld [smem:$0x3FAC];
	_ =	sdelay $0x3  }
0x33: {  	p0 =	seq.s32 s10, $0x1;
	s10 =	sld [smem:$0x3FAE];
	_ =	sdelay $0x3  }
0x34: {  	[smem:$0x3FAE] =	sst s10  }
0x35: {  	s10 =	sld [smem:$0x3FAD];
	_ =	sdelay $0x3  }
0x36: {  	p1 =	seq.s32 s10, $0x1;
	s10 =	sld [smem:$0x3FAE];
	_ =	sdelay $0x3  }
0x37: {  	[smem:$0x3FAE] =	sst s10  }
0x38: {  	s10 =	sld [smem:$0x3FAF]  }
0x39: {  	_ = 	snop;
	(pc) =	sbr.ind lr, $3  }
0x3a: {  	_ = 	snop  }
0x3b: {  	_ = 	snop  }
0x3c: {  	p2 =	seq.s32 s10, $0x1;
	s10 =	sld [smem:$0x3FAE]  }
0x3d: {  	_ =	shalt  }
0x3e: {  	_ =	shalt  }
0x3f: {  	_ =	shalt  }
0x40: {  	_ =	shalt  }
0x41: {  	_ =	shalt  }
0x42: {  	_ =	shalt  }
0x43: {  	_ =	shalt  }
0x44: {  	_ =	shalt  }
0x45: {  	_ =	shalt  }
0x46: {  	_ =	shalt  }
0x47: {  	_ =	shalt  }
0x48: {  	_ =	shalt  }
0x49: {  	_ =	shalt  }
0x4a: {  	_ =	shalt  }
0x4b: {  	_ =	shalt  }
0x4c: {  	_ =	shalt  }
0x4d: {  	_ =	shalt  }
0x4e: {  	_ =	shalt  }
0x4f: {  	_ =	shalt  }
0x50: {  	_ =	shalt  }
0x51: {  	_ =	shalt  }
0x52: {  	_ =	shalt  }
0x53: {  	_ =	shalt  }
0x54: {  	_ =	shalt  }
0x55: {  	_ =	shalt  }
0x56: {  	_ =	shalt  }
0x57: {  	_ =	shalt  }
0x58: {  	_ =	shalt  }
0x59: {  	_ =	shalt  }
0x5a: {  	_ =	shalt  }
0x5b: {  	_ =	shalt  }
0x5c: {  	_ =	shalt  }
0x5d: {  	_ =	shalt  }
0x5e: {  	_ =	shalt  }
0x5f: {  	_ =	shalt  }
0x60: {  	_ =	shalt  }
0x61: {  	_ =	shalt  }
0x62: {  	_ =	shalt  }
0x63: {  	_ =	shalt  }
0x64: {  	_ =	shalt  }
0x65: {  	_ =	shalt  }
0x66: {  	_ =	shalt  }
0x67: {  	_ =	shalt  }
0x68: {  	_ =	shalt  }
0x69: {  	_ =	shalt  }
0x6a: {  	_ =	shalt  }
0x6b: {  	_ =	shalt  }
0x6c: {  	_ =	shalt  }
0x6d: {  	_ =	shalt  }
0x6e: {  	_ =	shalt  }
0x6f: {  	_ =	shalt  }
0x70: {  	_ =	shalt  }
0x71: {  	_ =	shalt  }
0x72: {  	_ =	shalt  }
0x73: {  	_ =	shalt  }
0x74: {  	_ =	shalt  }
0x75: {  	_ =	shalt  }
0x76: {  	_ =	shalt  }
0x77: {  	_ =	shalt  }
0x78: {  	_ =	shalt  }
0x79: {  	_ =	shalt  }
0x7a: {  	_ =	shalt  }
0x7b: {  	_ =	shalt  }
0x7c: {  	_ =	shalt  }
0x7d: {  	_ =	shalt  }
0x7e: {  	_ =	shalt  }
0x7f: {  	_ =	shalt  }
0x80: {  	_ =	shalt  }
0x81: {  	_ =	shalt  }
0x82: {  	_ =	shalt  }
0x83: {  	_ =	shalt  }
0x84: {  	_ =	shalt  }
0x85: {  	_ =	shalt  }
0x86: {  	_ =	shalt  }
0x87: {  	_ =	shalt  }
.Lfunc_end0:
.L_simem_size_0:
called_computation.1_lowered:
.L_overlay_start_0:
0x88: {  	s2 =	sld [smem:$0x3FD9]  }
0x89: {  	s3 =	sld [smem:$0x3FFE];
	_ =	sdelay $0x1  }
0x8a: {  	s1 =	srdreg.scid  }
0x8b: {  	s0 =	sand.u32 $0x1, s1  }
0x8c: {  	s16 =	sshll.u32 s0, $0xA;
	s2 =	sadd.s32 s3, s2  }
0x8d: {  	s2 =	sadd.s32 s2, s16  }
0x8e: {  	[smem:$0x3FBA] =	sst s2  }
0x8f: {  	_ = 	snop  }
0x90: {  	(tm) =	ssettm $0x1  }
0x91: {  	s17 =	sld [smem:$0x3FFB];
	_ =	sdelay $0x3  }
0x92: {  	_ =	strace s17  }
0x93: {  	s2 =	sld [smem:$0x3FFC];
	_ =	sdelay $0x3  }
0x94: {  	_ =	strace s2  }
0x95: {  	s2 =	sld [smem:$0x3FFD];
	_ =	sdelay $0x3  }
0x96: {  	_ =	strace s2  }
0x97: {  	_ =	strace $0x8FFFFFFF  }
0x98: {  	s18 =	sld [smem:$0x3FDB];
	_ =	sdelay $0x1  }
0x99: {  	s19 =	simm.s32 $_scs_section_size  }
0x9a: {  	s4 =	simm.s32 $_size__tile_overlayer_lowered;
	s5 =	simm.s32 $_tile_overlayer_lowered  }
0x9b: {  	s22 =	simm.s32 $0x1BFF;
	s21 =	sshll.u32 s5, $0x1;
	s2 =	sadd.s32 s19, s18  }
0x9c: {  	s6 =	simm.s32 $0x0;
	s20 =	sshll.u32 s4, $0x1;
	s4 =	sadd.s32 s21, s2  }
0x9d: {  	[timem:s6], [sflag:s22] =	dma.local [hbm:s4], s20  }
0x9e: {  	_ =	swait.ge [sflag:s22], s20  }
0x9f: {  	s3 =	ssub.s32 $0x0, s20;
	[sflag:s22] =	ssyncset.done $0x0  }
0xa0: {  	[sflag:s22] =	ssyncadd.s32 s3;
	_ =	sdelay $0x1  }
0xa1: {  	s23 =	simm.s32 $0x1B8B  }
0xa2: {  	_ =	swait.ge [sflag:s23], $0x1  }
0xa3: {  	[sflag:s23] =	ssyncset.done $0x0  }
0xa4: {  	s25 =	simm.s32 $0x1B8E;
	s24 =	sld [smem:$0x3FFE];
	[sflag:s23] =	ssyncadd.s32 $0xFFFFFFFF  }
0xa5: {  	s26 =	simm.s32 $execute0_lowered;
	[smem:$0x3FD2] =	sst s25  }
0xa6: {  	s4 =	sshll.u32 s26, $0x1;
	_ =	strace $0x80000049;
	[dreg:$0x1] =	wrdreg $0xFFFFFFFF  }
0xa7: {  	s28 =	simm.s32 $_size_execute0_lowered;
	s2 =	sadd.s32 s2, s4;
	[dreg:$0x0] =	wrdreg $0x0  }
0xa8: {  	s4 =	sshll.u32 s28, $0x1;
	[dreg:$0x2] =	wrdreg s2  }
0xa9: {  	[dreg:$0x3] =	wrdreg s4  }
0xaa: {  	[dreg:$0x4] =	wrdreg $0xC0  }
0xab: {  	_ =	task [dreg:s6], $0x5FFFF  }
0xac: {  	[dreg:$0x1] =	wrdreg $0xFFFFFFFF  }
0xad: {  	[dreg:$0x0] =	wrdreg $0x60  }
0xae: {  	[dreg:$0x2] =	wrdreg s24  }
0xaf: {  	[dreg:$0x3] =	wrdreg $0x82000  }
0xb0: {  	[dreg:$0x4] =	wrdreg $0x9  }
0xb1: {  	_ =	task.clear_ibuf [dreg:s6], $0x5FFFF;
	_ =	strace $0x90000049  }
0xb2: {  	s29 =	simm.s32 $0x9;
	_ =	strace $0x8000004B  }
0xb3: {  	_ =	swait.ge [sflag:s29], $0x1  }
0xb4: {  	[sflag:s29] =	ssyncadd.s32 $0xFFFFFFFF  }
0xb5: {  	_ =	strace $0x9000004B  }
0xb6: {  	_ =	sfence  }
0xb7: {  	s30 =	sld [smem:$0x0];
	_ =	sdelay $0x2  }
0xb8: {  	s31 =	sshll.u32 s1, $0xD;
	s1 =	sshrl.u32 s1, $0x2  }
0xb9: {  	s3 =	sand.u32 $0x4000, s31;
	s1 =	sadd.s32 s1, s30  }
0xba: {  	s0 =	sor.u32 s3, s0;
	s1 =	sshll.u32 s1, $0x11  }
0xbb: {  	s0 =	sor.u32 s1, s0  }
0xbc: {  	s0 =	sadd.s32 $0x8F2B, s0  }
0xbd: {  	[sflag:s0] =	ssyncadd.remote.s32 $0x1  }
0xbe: {  	_ =	sfence.sel $0xFFFF  }
0xbf: {  	[dreg:$0x0] =	wrdreg $0xFFFFFFFF;
	(pc) =	sbr.abs _section_cstart, $3  }
0xc0: {  	[dreg:$0x1] =	wrdreg $0xFFFFFFFF  }
0xc1: {  	_ =	task.clear_ibuf [dreg:s6], $0x2FFFF;
	_ =	strace $0x9FFFFFFF  }
0xc2: {  	(tm) =	ssettm $0x7FFFFFFF  }
0xc3: {  	_ =	shalt  }
tec
execute0_lowered:
.L_overlay_start_1:
0x0: {  	(tag) =	ssettag $0x1  }
0x1: {  	s6 =	rddreg [dreg:$0x0];
	s0 =	srdreg.scid  }
0x2: {  	s2 =	rddreg [dreg:$0x1];
	s1 =	stileid.u32  }
0x3: {  	s3 =	simm.s32 $0x0;
	s18 =	simm.s32 $0x3;
	s19 =	simm.s32 $0x80  }
0x4: {  	s20 =	simm.s32 $0x100;
	s21 =	simm.s32 $0x4200;
	s5 =	smul.u32 $0x14000, s1  }
0x5: {  	s22 =	simm.s32 $0x1;
	s23 =	simm.s32 $0x2;
	s7 =	smul.u32 $0x50000, s1  }
0x6: {  	s24 =	simm.s32 $0x180;
	s25 =	simm.s32 $0x0;
	s12 =	smul.u32 $0x50, s1  }
0x7: {  	s10 =	sand.u32 $0x1, s0;
	s0 =	rddreg [dreg:$0x2];
	s17 =	smul.u32 $0xA00, s1  }
0x8: {  	[smem:$0x7FF] =	sst s3;
	s14 =	sadd.s32 $0x3C00, s6;
	s4 =	smul.u32 $0x140000, s10  }
0x9: {  	_ =	strace $0x8000004A;
	s9 =	ssub.s32 $0x2, s10;
	s11 =	smul.u32 $0x500, s10  }
0xa: {  	s16 =	smul.u32 $0xA000, s10;
	s30 =	sshrl.u32 s7, $0x2;
	s31 =	sshrl.u32 s9, $0x1  }
0xb: {  	s5 =	sadd.s32 s5, s4;
	s4 =	sadd.s32 $0x17C00, s6;
	s15 =	ssub.s32 s9, s31  }
0xc: {  	s11 =	sadd.s32 s12, s11;
	s16 =	sadd.s32 s16, s14;
	s8 =	sshrl.u32 s5, $0x3  }
0xd: {  	s5 =	sadd.s32 s30, s2;
	s11 =	sshll.u32 s11, $0x5;
	s12 =	smax.u32 s15, $0x1  }
0xe: {  	s16 =	sadd.s32 s17, s16;
	s17 =	simm.s32 $0x200;
	s13 =	sadd.s32 s8, s6  }
0xf: {  	s6 =	sadd.s32 $0x4000, s5;
	s7 =	sadd.s32 $0x8000, s5;
	s8 =	sadd.s32 $0xC000, s5  }
0x10: {  	s9 =	sadd.s32 $0x10000, s5;
	s10 =	sadd.s32 s14, s11;
	s11 =	sadd.s32 $0x3EE00, s13  }
0x11: {  	v0 =	vimm.f32 $0.0e+00;
	s13 =	sadd.s32 $0x20, s10;
	s14 =	sadd.s32 $0x40, s10;
	s15 =	sadd.s32 $0x9E0, s10  }
.LBB2_1:
0x12: {  	s26 =	sand.u32 $0xFE00, s3  }
0x13: {  	s28 =	sand.u32 $0x70, s3;
	s29 =	sshrl.u32 s26, $0x2  }
0x14: {  	s26 =	simm.s32 $0x40;
	s29 =	sor.u32 s28, s29;
	s28 =	simm.s32 $0x0  }
.LBB2_2:
0x15: {  	p0 =	sne.s32 s26, $0xFFC0  }
0x16: {  	[tilespmem:s29+$0x200] =	vst v0;
	s28 =	sadd.s32 $0x10, s28;
	s29 =	smov.u32 s26;
	s26 =	sadd.s32 $0x40, s26  }
.Ltmp0:
0x17: {  	(pc) =	sbr.rel @p0 .LBB2_2-.Ltmp0, $4  }
0x18: {  	_ = 	snop  }
0x19: {  	s29 =	sand.u32 $0xFE00, s29  }
0x1a: {  	s30 =	sand.u32 $0x70, s28;
	s29 =	sshrl.u32 s29, $0x2  }
0x1b: {  	s29 =	sor.u32 s30, s29  }
0x1c: {  	[tilespmem:s29+$0x200] =	vst v0  }
0x1d: {  	[spmem:s5] =	stream.linear.scatter [tilespmem:s17], [sflag:$0x3], $0x4000, $0x38;
	[tilespmem:$0x1C200] =	vst v63  }
0x1e: {  	_ =	swait.ge [sflag:s18], $0x4000  }
0x1f: {  	[sflag:s18] =	ssyncset.done $0x0  }
0x20: {  	[sflag:s18] =	ssyncadd.s32 $0xFFFFC000  }
0x21: {  	[spmem:s6] =	stream.linear.scatter [tilespmem:s17], [sflag:$0x3], $0x4000, $0x38;
	[tilespmem:$0x1C200] =	vst v63  }
0x22: {  	_ =	swait.ge [sflag:s18], $0x4000  }
0x23: {  	[sflag:s18] =	ssyncset.done $0x0  }
0x24: {  	[sflag:s18] =	ssyncadd.s32 $0xFFFFC000  }
0x25: {  	[spmem:s7] =	stream.linear.scatter [tilespmem:s17], [sflag:$0x3], $0x4000, $0x38;
	[tilespmem:$0x1C200] =	vst v63  }
0x26: {  	_ =	swait.ge [sflag:s18], $0x4000  }
0x27: {  	[sflag:s18] =	ssyncset.done $0x0  }
0x28: {  	[sflag:s18] =	ssyncadd.s32 $0xFFFFC000  }
0x29: {  	[spmem:s8] =	stream.linear.scatter [tilespmem:s17], [sflag:$0x3], $0x4000, $0x38;
	[tilespmem:$0x1C200] =	vst v63  }
0x2a: {  	_ =	swait.ge [sflag:s18], $0x4000  }
0x2b: {  	[sflag:s18] =	ssyncset.done $0x0  }
0x2c: {  	[sflag:s18] =	ssyncadd.s32 $0xFFFFC000  }
0x2d: {  	[spmem:s9] =	stream.linear.scatter [tilespmem:s17], [sflag:$0x3], $0x4000, $0x38;
	[tilespmem:$0x1C200] =	vst v63  }
0x2e: {  	_ =	swait.ge [sflag:s18], $0x4000  }
0x2f: {  	[sflag:s18] =	ssyncset.done $0x0  }
0x30: {  	[sflag:s18] =	ssyncadd.s32 $0xFFFFC000  }
0x31: {  	[bflag:$0x0] =	sbarrier.arrive $0xFFFF  }
0x32: {  	[tilespmem:s3], [sflag:$0x3] =	stream.linear.gather [hbm4b:s10+s3], $0x100, $0x38;
	[tilespmem:$0x1C200] =	vst v63  }
0x33: {  	_ =	swait.ge [sflag:s18], $0x100  }
0x34: {  	[sflag:s18] =	ssyncset.done $0x0  }
0x35: {  	[sflag:s18] =	ssyncadd.s32 $0xFFFFFF00  }
0x36: {  	[tilespmem:s17], [sflag:$0x1] =	stream.indirect.gather [hbm4b:s4+s19], $0x80, s3, s19, $0xb8;
	[tilespmem:$0x1C200] =	vst v63  }
0x37: {  	_ = 	snop  }
0x38: {  	[tilespmem:s20], [sflag:$0x3] =	stream.linear.gather [hbm4b:s13+s3], $0x100, $0x38;
	[tilespmem:$0x1C200] =	vst v63  }
0x39: {  	_ =	swait.ge [sflag:s18], $0x100  }
0x3a: {  	[sflag:s18] =	ssyncset.done $0x0  }
0x3b: {  	[sflag:s18] =	ssyncadd.s32 $0xFFFFFF00  }
0x3c: {  	[tilespmem:s21], [sflag:$0x1] =	stream.indirect.gather [hbm4b:s4+s19], $0x80, s20, s19, $0xb8;
	[tilespmem:$0x1C200] =	vst v63  }
0x3d: {  	_ =	swait.ge [sflag:s22], $0x4000  }
0x3e: {  	[sflag:s22] =	ssyncset.done $0x0  }
0x3f: {  	[sflag:s22] =	ssyncadd.s32 $0xFFFFC000  }
0x40: {  	[spmem:s2] =	stream.indirect.scatter.add.f32 [tilespmem:s17], [sflag:$0x2], $0x80, s19, s19, $0xb8;
	[tilespmem:$0x1C200] =	vst v63  }
0x41: {  	_ =	swait.ge [sflag:s23], $0x4000  }
0x42: {  	[sflag:s23] =	ssyncset.done $0x0  }
0x43: {  	[sflag:s23] =	ssyncadd.s32 $0xFFFFC000  }
0x44: {  	[tilespmem:s3], [sflag:$0x3] =	stream.linear.gather [hbm4b:s14+s3], $0x100, $0x38;
	[tilespmem:$0x1C200] =	vst v63  }
0x45: {  	_ =	swait.ge [sflag:s18], $0x100  }
0x46: {  	[sflag:s18] =	ssyncset.done $0x0  }
0x47: {  	[sflag:s18] =	ssyncadd.s32 $0xFFFFFF00  }
0x48: {  	[tilespmem:s17], [sflag:$0x1] =	stream.indirect.gather [hbm4b:s4+s19], $0x80, s3, s19, $0xb8;
	[tilespmem:$0x1C200] =	vst v63  }
0x49: {  	_ =	swait.ge [sflag:s22], $0x4000  }
0x4a: {  	[sflag:s22] =	ssyncset.done $0x0  }
0x4b: {  	[sflag:s22] =	ssyncadd.s32 $0xFFFFC000  }
0x4c: {  	[spmem:s2] =	stream.indirect.scatter.add.f32 [tilespmem:s21], [sflag:$0x2], $0x80, s24, s19, $0xb8;
	[tilespmem:$0x1C200] =	vst v63  }
0x4d: {  	_ =	swait.ge [sflag:s23], $0x4000  }
0x4e: {  	s26 =	sadd.s32 $0xFFFFF680, s16;
	[sflag:s23] =	ssyncset.done $0x0  }
0x4f: {  	s28 =	sadd.s32 $0x9E0, s26;
	[sflag:s23] =	ssyncadd.s32 $0xFFFFC000  }
0x50: {  	[tilespmem:s20], [sflag:$0x3] =	stream.linear.gather [hbm4b:s28+s3], $0x100, $0x38;
	[tilespmem:$0x1C200] =	vst v63  }
0x51: {  	_ =	swait.ge [sflag:s18], $0x100  }
0x52: {  	[sflag:s18] =	ssyncset.done $0x0  }
0x53: {  	[sflag:s18] =	ssyncadd.s32 $0xFFFFFF00  }
0x54: {  	[tilespmem:s21], [sflag:$0x1] =	stream.indirect.gather [hbm4b:s4+s19], $0x80, s20, s19, $0xb8;
	[tilespmem:$0x1C200] =	vst v63  }
0x55: {  	_ =	swait.ge [sflag:s22], $0x4000  }
0x56: {  	[sflag:s22] =	ssyncset.done $0x0  }
0x57: {  	[sflag:s22] =	ssyncadd.s32 $0xFFFFC000  }
0x58: {  	[spmem:s2] =	stream.indirect.scatter.add.f32 [tilespmem:s17], [sflag:$0x2], $0x80, s19, s19, $0xb8;
	[tilespmem:$0x1C200] =	vst v63  }
0x59: {  	_ =	swait.ge [sflag:s23], $0x4000  }
0x5a: {  	[sflag:s23] =	ssyncset.done $0x0  }
0x5b: {  	s26 =	sadd.s32 $0xA00, s26;
	[sflag:s23] =	ssyncadd.s32 $0xFFFFC000  }
0x5c: {  	[tilespmem:s3], [sflag:$0x3] =	stream.linear.gather [hbm4b:s26+s3], $0x100, $0x38;
	[tilespmem:$0x1C200] =	vst v63  }
0x5d: {  	_ =	swait.ge [sflag:s18], $0x100  }
0x5e: {  	[sflag:s18] =	ssyncset.done $0x0  }
0x5f: {  	[sflag:s18] =	ssyncadd.s32 $0xFFFFFF00  }
0x60: {  	[tilespmem:s17], [sflag:$0x1] =	stream.indirect.gather [hbm4b:s4+s19], $0x80, s3, s19, $0xb8;
	[tilespmem:$0x1C200] =	vst v63  }
0x61: {  	_ =	swait.ge [sflag:s22], $0x4000  }
0x62: {  	[sflag:s22] =	ssyncset.done $0x0  }
0x63: {  	s26 =	simm.s32 $0xFFFFF6C0;
	[sflag:s22] =	ssyncadd.s32 $0xFFFFC000  }
.LBB2_4:
0x64: {  	[spmem:s2] =	stream.indirect.scatter.add.f32 [tilespmem:s21], [sflag:$0x2], $0x80, s24, s19, $0xb8;
	[tilespmem:$0x1C200] =	vst v63  }
0x65: {  	s28 =	smov.u32 s26  }
0x66: {  	p0 =	sne.s32 s26, $0xFFFFFFC0;
	s26 =	sadd.s32 $0x40, s26;
	_ =	swait.ge [sflag:s23], $0x4000  }
0x67: {  	s28 =	sadd.s32 s28, s16;
	[sflag:s23] =	ssyncset.done $0x0  }
0x68: {  	s29 =	sadd.s32 $0x9E0, s28;
	[sflag:s23] =	ssyncadd.s32 $0xFFFFC000  }
0x69: {  	[tilespmem:s20], [sflag:$0x3] =	stream.linear.gather [hbm4b:s29+s3], $0x100, $0x38;
	[tilespmem:$0x1C200] =	vst v63  }
0x6a: {  	_ =	swait.ge [sflag:s18], $0x100  }
0x6b: {  	[sflag:s18] =	ssyncset.done $0x0  }
0x6c: {  	[sflag:s18] =	ssyncadd.s32 $0xFFFFFF00  }
0x6d: {  	[tilespmem:s21], [sflag:$0x1] =	stream.indirect.gather [hbm4b:s4+s19], $0x80, s20, s19, $0xb8;
	[tilespmem:$0x1C200] =	vst v63  }
0x6e: {  	_ =	swait.ge [sflag:s22], $0x4000  }
0x6f: {  	[sflag:s22] =	ssyncset.done $0x0  }
0x70: {  	[sflag:s22] =	ssyncadd.s32 $0xFFFFC000  }
0x71: {  	[spmem:s2] =	stream.indirect.scatter.add.f32 [tilespmem:s17], [sflag:$0x2], $0x80, s19, s19, $0xb8;
	[tilespmem:$0x1C200] =	vst v63  }
0x72: {  	_ =	swait.ge [sflag:s23], $0x4000  }
0x73: {  	[sflag:s23] =	ssyncset.done $0x0  }
0x74: {  	s28 =	sadd.s32 $0xA00, s28;
	[sflag:s23] =	ssyncadd.s32 $0xFFFFC000  }
0x75: {  	[tilespmem:s3], [sflag:$0x3] =	stream.linear.gather [hbm4b:s28+s3], $0x100, $0x38;
	[tilespmem:$0x1C200] =	vst v63  }
0x76: {  	_ =	swait.ge [sflag:s18], $0x100  }
0x77: {  	[sflag:s18] =	ssyncset.done $0x0  }
.Ltmp1:
0x78: {  	[sflag:s18] =	ssyncadd.s32 $0xFFFFFF00;
	(pc) =	sbr.rel @p0 .LBB2_4-.Ltmp1, $4  }
0x79: {  	[tilespmem:s17], [sflag:$0x1] =	stream.indirect.gather [hbm4b:s4+s19], $0x80, s3, s19, $0xb8;
	[tilespmem:$0x1C200] =	vst v63  }
0x7a: {  	_ =	swait.ge [sflag:s22], $0x4000  }
0x7b: {  	[sflag:s22] =	ssyncset.done $0x0  }
0x7c: {  	[sflag:s22] =	ssyncadd.s32 $0xFFFFC000  }
0x7d: {  	[spmem:s2] =	stream.indirect.scatter.add.f32 [tilespmem:s21], [sflag:$0x2], $0x80, s24, s19, $0xb8;
	[tilespmem:$0x1C200] =	vst v63  }
0x7e: {  	_ =	swait.ge [sflag:s23], $0x4000  }
0x7f: {  	[sflag:s23] =	ssyncset.done $0x0  }
0x80: {  	[sflag:s23] =	ssyncadd.s32 $0xFFFFC000  }
0x81: {  	[tilespmem:s20], [sflag:$0x3] =	stream.linear.gather [hbm4b:s15+s3], $0x100, $0x38;
	[tilespmem:$0x1C200] =	vst v63  }
0x82: {  	_ =	swait.ge [sflag:s18], $0x100  }
0x83: {  	[sflag:s18] =	ssyncset.done $0x0  }
0x84: {  	[sflag:s18] =	ssyncadd.s32 $0xFFFFFF00  }
0x85: {  	[tilespmem:s21], [sflag:$0x1] =	stream.indirect.gather [hbm4b:s4+s19], $0x80, s20, s19, $0xb8;
	[tilespmem:$0x1C200] =	vst v63  }
0x86: {  	_ =	swait.ge [sflag:s22], $0x4000  }
0x87: {  	[sflag:s22] =	ssyncset.done $0x0  }
0x88: {  	[sflag:s22] =	ssyncadd.s32 $0xFFFFC000  }
0x89: {  	[spmem:s2] =	stream.indirect.scatter.add.f32 [tilespmem:s17], [sflag:$0x2], $0x80, s19, s19, $0xb8;
	[tilespmem:$0x1C200] =	vst v63  }
0x8a: {  	_ =	swait.ge [sflag:s23], $0x4000  }
0x8b: {  	[sflag:s23] =	ssyncset.done $0x0  }
0x8c: {  	[sflag:s23] =	ssyncadd.s32 $0xFFFFC000  }
0x8d: {  	_ =	swait.ge [sflag:s22], $0x4000  }
0x8e: {  	[sflag:s22] =	ssyncset.done $0x0  }
0x8f: {  	[sflag:s22] =	ssyncadd.s32 $0xFFFFC000  }
0x90: {  	[spmem:s2] =	stream.indirect.scatter.add.f32 [tilespmem:s21], [sflag:$0x2], $0x80, s24, s19, $0xb8;
	[tilespmem:$0x1C200] =	vst v63  }
0x91: {  	_ =	swait.ge [sflag:s23], $0x4000  }
0x92: {  	s26 =	sshll.u32 s1, $0x6;
	s25 =	sadd.s32 $0x1, s25;
	[sflag:s23] =	ssyncset.done $0x0  }
0x93: {  	s28 =	sshrl.u32 s5, $0x3;
	p0 =	sne.s32 s25, s12;
	[sflag:s23] =	ssyncadd.s32 $0xFFFFC000  }
.Ltmp2:
0x94: {  	s26 =	sor.u32 $0x1C03, s26;
	[bflag:$0x0] =	sbarrier.arrive $0xFFFF;
	(pc) =	sbr.rel @p0 .LBB2_1-.Ltmp2, $4  }
0x95: {  	[hbm:s11], [sflag:s26] =	dma.local [spmem:s28], $0x2800  }
0x96: {  	_ =	swait.ge [sflag:s18], $0x2800  }
0x97: {  	[sflag:s18] =	ssyncset.done $0x0  }
0x98: {  	[sflag:s18] =	ssyncadd.s32 $0xFFFFD800  }
0x99: {  	_ =	sfence.sel $0x180000  }
0x9a: {  	[bflag:$0x0] =	sbarrier.arrive $0xFFFF  }
0x9b: {  	p0 =	sne.s32 s1, $0x0;
	_ =	strace $0x9000004A  }
0x9c: {  	s0 =	sadd.s32 @!p0 $0x100000, s0;
	[bflag:$0x2] =	sbarrier.arrive $0xFFFF  }
0x9d: {  	[sflag:s0] =	ssyncadd.tile.s32 @!p0 $0x1;
	_ =	shalt  }
.Lfunc_end2:
_tile_overlayer_lowered:
.L_overlay_start_2:
0x9e: {  	(tag) =	ssettag $0x2  }
0x9f: {  	s0 =	rddreg [dreg:$0x0];
	s2 =	stileid.u32  }
0xa0: {  	s1 =	rddreg [dreg:$0x1];
	p0 =	sne.s32 s2, $0x0  }
0xa1: {  	s3 =	rddreg [dreg:$0x2];
	[bflag:$0x3] =	sbarrier.arrive $0xFFFF;
	s2 =	simm.s32 @!p0 $0x1C03  }
0xa2: {  	[timem:s3], [sflag:s2] =	dma.local @!p0 [hbm:s0], s1  }
0xa3: {  	s0 =	simm.s32 @!p0 $0x3  }
0xa4: {  	_ =	swait.ge @!p0 [sflag:s0], s1  }
0xa5: {  	s1 =	ssub.s32 @!p0 $0x0, s1;
	[sflag:s0] =	ssyncset.done @!p0 $0x0  }
0xa6: {  	[sflag:s0] =	ssyncadd.s32 @!p0 s1  }
0xa7: {  	[bflag:$0x3] =	sbarrier.arrive $0xFFFF  }
0xa8: {  	_ =	shalt  }

// kernel: kernel.17.cloned.1.call-start
scs
__scs_entry_jumppad:
0x0: {  	(pc) =	sbr.rel $0x88, $3  }
0x1: {  	(tag) =	ssettag $0x0;
	lr =	simm.s32 $0x1  }
0x2: {  	[smem:$0x3F93] =	sst lr;
	_ =	strace $0xD0000000  }
0x3: {  	_ = 	snop  }
0x4: {  	_ = 	snop  }
0x5: {  	_ = 	snop  }
0x6: {  	_ = 	snop  }
0x7: {  	_ = 	snop  }
__scs_overlays_trampoline_lowered:
0x8: {  	[smem:$0x3FA2] =	sst s0  }
0x9: {  	[smem:$0x3FA3] =	sst s1  }
0xa: {  	[smem:$0x3FA4] =	sst s2  }
0xb: {  	[smem:$0x3FA5] =	sst s3  }
0xc: {  	[smem:$0x3FA6] =	sst s4  }
0xd: {  	[smem:$0x3FA7] =	sst s5  }
0xe: {  	[smem:$0x3FA8] =	sst s6  }
0xf: {  	[smem:$0x3FA9] =	sst s7  }
0x10: {  	[smem:$0x3FAA] =	sst s8  }
0x11: {  	[smem:$0x3FAB] =	sst s9;
	s0 =	simm.s32 @!p0 $0x0  }
0x12: {  	s1 =	sld [smem:$0x3F91];
	s0 =	simm.s32 @p0 $0x1  }
0x13: {  	[smem:$0x3FAC] =	sst s0;
	s0 =	simm.s32 @!p1 $0x0  }
0x14: {  	s2 =	sld [smem:$0x3F90];
	s0 =	simm.s32 @p1 $0x1  }
0x15: {  	[smem:$0x3FAD] =	sst s0;
	s0 =	simm.s32 @!p2 $0x0  }
0x16: {  	s3 =	sld [smem:$0x3FDB];
	s0 =	simm.s32 @p2 $0x1  }
0x17: {  	s4 =	simm.s32 $0x1BF5;
	[smem:$0x3FAF] =	sst s0  }
0x18: {  	s0 =	sld [smem:$0x3F92];
	_ =	swait.ge [sflag:s4], $0x0  }
0x19: {  	s7 =	sld [smem:$0x3F93]  }
0x1a: {  	s8 =	sadd.s32 $0xFFFFE003, lr  }
0x1b: {  	s9 =	sadd.s32 $0xFFFFFEF7, lr;
	s5 =	simm.s32 $0xFFFFFFFF;
	p2 =	slt.u32 s8, $0xFFFFF086  }
0x1c: {  	p1 =	slt.u32 s9, $0xF7A;
	s5 =	simm.s32 @!p2 $0x0  }
0x1d: {  	s5 =	simm.s32 @p1 $0x1;
	p0 =	seq.s32 s7, s2  }
0x1e: {  	s7 =	smul.u32 @!p0 $0xF7A, s2;
	p2 =	seq.s32 @!p0 s5, $0x0  }
0x1f: {  	s9 =	smul.u32 $0xF7A, s1;
	s8 =	simm.s32 @!p0 $0x1BF5;
	p2 =	por !p2, p0  }
0x20: {  	[sflag:s8] =	ssyncset.s32 @!p0 $0xFFFFF086;
	s6 =	sadd.s32 @!p0 s3, s7;
	s7 =	simm.s32 @!p0 $0x108  }
0x21: {  	s3 =	sadd.s32 s3, s9;
	s6 =	sadd.s32 @!p0 $0x88, s6;
	s7 =	simm.s32 @p2 $0x1082  }
0x22: {  	[simem:s7], [sflag:s8] =	dma.local @!p0 [hbm:s6], $0xF7A  }
0x23: {  	s9 =	sor.u32 $0xD0000000, s2;
	s6 =	simm.s32 $0x108;
	_ =	swait.ge @!p0 [sflag:s8], $0x0  }
0x24: {  	s3 =	sadd.s32 $0x88, s3;
	s6 =	simm.s32 @!p1 $0x1082;
	[sflag:s4] =	ssyncset.s32 $0xFFFFF086  }
0x25: {  	[simem:s6], [sflag:s4] =	dma.local [hbm:s3], $0xF7A  }
0x26: {  	[smem:$0x3F93] =	sst s1;
	(tag) =	ssettag s2;
	_ =	strace s9  }
0x27: {  	s1 =	sld [smem:$0x3FA3]  }
0x28: {  	s2 =	sld [smem:$0x3FA4]  }
0x29: {  	s4 =	sld [smem:$0x3FA6]  }
0x2a: {  	p0 =	seq.s32 s5, $0x0;
	s5 =	sld [smem:$0x3FA7]  }
0x2b: {  	s6 =	sld [smem:$0x3FA8]  }
0x2c: {  	s7 =	sld [smem:$0x3FA9]  }
0x2d: {  	s3 =	simm.s32 $0x108;
	s8 =	sld [smem:$0x3FAA]  }
0x2e: {  	s3 =	simm.s32 @!p0 $0x1082;
	s9 =	sld [smem:$0x3FAB]  }
0x2f: {  	lr =	sadd.s32 s0, s3;
	s0 =	sld [smem:$0x3FA2]  }
0x30: {  	s3 =	sld [smem:$0x3FA5]  }
0x31: {  	[smem:$0x3FAE] =	sst s10  }
0x32: {  	s10 =	sld [smem:$0x3FAC];
	_ =	sdelay $0x3  }
0x33: {  	p0 =	seq.s32 s10, $0x1;
	s10 =	sld [smem:$0x3FAE];
	_ =	sdelay $0x3  }
0x34: {  	[smem:$0x3FAE] =	sst s10  }
0x35: {  	s10 =	sld [smem:$0x3FAD];
	_ =	sdelay $0x3  }
0x36: {  	p1 =	seq.s32 s10, $0x1;
	s10 =	sld [smem:$0x3FAE];
	_ =	sdelay $0x3  }
0x37: {  	[smem:$0x3FAE] =	sst s10  }
0x38: {  	s10 =	sld [smem:$0x3FAF]  }
0x39: {  	_ = 	snop;
	(pc) =	sbr.ind lr, $3  }
0x3a: {  	_ = 	snop  }
0x3b: {  	_ = 	snop  }
0x3c: {  	p2 =	seq.s32 s10, $0x1;
	s10 =	sld [smem:$0x3FAE]  }
0x3d: {  	_ =	shalt  }
0x3e: {  	_ =	shalt  }
0x3f: {  	_ =	shalt  }
0x40: {  	_ =	shalt  }
0x41: {  	_ =	shalt  }
0x42: {  	_ =	shalt  }
0x43: {  	_ =	shalt  }
0x44: {  	_ =	shalt  }
0x45: {  	_ =	shalt  }
0x46: {  	_ =	shalt  }
0x47: {  	_ =	shalt  }
0x48: {  	_ =	shalt  }
0x49: {  	_ =	shalt  }
0x4a: {  	_ =	shalt  }
0x4b: {  	_ =	shalt  }
0x4c: {  	_ =	shalt  }
0x4d: {  	_ =	shalt  }
0x4e: {  	_ =	shalt  }
0x4f: {  	_ =	shalt  }
0x50: {  	_ =	shalt  }
0x51: {  	_ =	shalt  }
0x52: {  	_ =	shalt  }
0x53: {  	_ =	shalt  }
0x54: {  	_ =	shalt  }
0x55: {  	_ =	shalt  }
0x56: {  	_ =	shalt  }
0x57: {  	_ =	shalt  }
0x58: {  	_ =	shalt  }
0x59: {  	_ =	shalt  }
0x5a: {  	_ =	shalt  }
0x5b: {  	_ =	shalt  }
0x5c: {  	_ =	shalt  }
0x5d: {  	_ =	shalt  }
0x5e: {  	_ =	shalt  }
0x5f: {  	_ =	shalt  }
0x60: {  	_ =	shalt  }
0x61: {  	_ =	shalt  }
0x62: {  	_ =	shalt  }
0x63: {  	_ =	shalt  }
0x64: {  	_ =	shalt  }
0x65: {  	_ =	shalt  }
0x66: {  	_ =	shalt  }
0x67: {  	_ =	shalt  }
0x68: {  	_ =	shalt  }
0x69: {  	_ =	shalt  }
0x6a: {  	_ =	shalt  }
0x6b: {  	_ =	shalt  }
0x6c: {  	_ =	shalt  }
0x6d: {  	_ =	shalt  }
0x6e: {  	_ =	shalt  }
0x6f: {  	_ =	shalt  }
0x70: {  	_ =	shalt  }
0x71: {  	_ =	shalt  }
0x72: {  	_ =	shalt  }
0x73: {  	_ =	shalt  }
0x74: {  	_ =	shalt  }
0x75: {  	_ =	shalt  }
0x76: {  	_ =	shalt  }
0x77: {  	_ =	shalt  }
0x78: {  	_ =	shalt  }
0x79: {  	_ =	shalt  }
0x7a: {  	_ =	shalt  }
0x7b: {  	_ =	shalt  }
0x7c: {  	_ =	shalt  }
0x7d: {  	_ =	shalt  }
0x7e: {  	_ =	shalt  }
0x7f: {  	_ =	shalt  }
0x80: {  	_ =	shalt  }
0x81: {  	_ =	shalt  }
0x82: {  	_ =	shalt  }
0x83: {  	_ =	shalt  }
0x84: {  	_ =	shalt  }
0x85: {  	_ =	shalt  }
0x86: {  	_ =	shalt  }
0x87: {  	_ =	shalt  }
.Lfunc_end0:
.L_simem_size_0:
called_computation.2_lowered:
.L_overlay_start_0:
0x88: {  	s2 =	sld [smem:$0x3FD9]  }
0x89: {  	s3 =	sld [smem:$0x3FFE];
	_ =	sdelay $0x1  }
0x8a: {  	s1 =	srdreg.scid  }
0x8b: {  	s0 =	sand.u32 $0x1, s1  }
0x8c: {  	s16 =	sshll.u32 s0, $0xA;
	s2 =	sadd.s32 s3, s2  }
0x8d: {  	s2 =	sadd.s32 s2, s16  }
0x8e: {  	[smem:$0x3FBA] =	sst s2  }
0x8f: {  	_ = 	snop  }
0x90: {  	(tm) =	ssettm $0x1  }
0x91: {  	s17 =	sld [smem:$0x3FFB];
	_ =	sdelay $0x3  }
0x92: {  	_ =	strace s17  }
0x93: {  	s2 =	sld [smem:$0x3FFC];
	_ =	sdelay $0x3  }
0x94: {  	_ =	strace s2  }
0x95: {  	s2 =	sld [smem:$0x3FFD];
	_ =	sdelay $0x3  }
0x96: {  	_ =	strace s2  }
0x97: {  	_ =	strace $0x8FFFFFFF  }
0x98: {  	s18 =	sld [smem:$0x3FDB];
	_ =	sdelay $0x1  }
0x99: {  	s19 =	simm.s32 $_scs_section_size  }
0x9a: {  	s4 =	simm.s32 $_size__tile_overlayer_lowered;
	s5 =	simm.s32 $_tile_overlayer_lowered  }
0x9b: {  	s22 =	simm.s32 $0x1BFF;
	s21 =	sshll.u32 s5, $0x1;
	s2 =	sadd.s32 s19, s18  }
0x9c: {  	s6 =	simm.s32 $0x0;
	s20 =	sshll.u32 s4, $0x1;
	s4 =	sadd.s32 s21, s2  }
0x9d: {  	[timem:s6], [sflag:s22] =	dma.local [hbm:s4], s20  }
0x9e: {  	_ =	swait.ge [sflag:s22], s20  }
0x9f: {  	s3 =	ssub.s32 $0x0, s20;
	[sflag:s22] =	ssyncset.done $0x0  }
0xa0: {  	[sflag:s22] =	ssyncadd.s32 s3;
	_ =	sdelay $0x1  }
0xa1: {  	s23 =	simm.s32 $0x1B8B  }
0xa2: {  	_ =	swait.ge [sflag:s23], $0x1  }
0xa3: {  	[sflag:s23] =	ssyncset.done $0x0  }
0xa4: {  	s25 =	simm.s32 $0x1B8E;
	s24 =	sld [smem:$0x3FFE];
	[sflag:s23] =	ssyncadd.s32 $0xFFFFFFFF  }
0xa5: {  	s26 =	simm.s32 $execute0_lowered;
	[smem:$0x3FD2] =	sst s25  }
0xa6: {  	s4 =	sshll.u32 s26, $0x1;
	_ =	strace $0x8000004C;
	[dreg:$0x1] =	wrdreg $0xFFFFFFFF  }
0xa7: {  	s28 =	simm.s32 $_size_execute0_lowered;
	s2 =	sadd.s32 s2, s4;
	[dreg:$0x0] =	wrdreg $0x0  }
0xa8: {  	s4 =	sshll.u32 s28, $0x1;
	[dreg:$0x2] =	wrdreg s2  }
0xa9: {  	[dreg:$0x3] =	wrdreg s4  }
0xaa: {  	[dreg:$0x4] =	wrdreg $0xC0  }
0xab: {  	_ =	task [dreg:s6], $0x5FFFF  }
0xac: {  	[dreg:$0x1] =	wrdreg $0xFFFFFFFF  }
0xad: {  	[dreg:$0x0] =	wrdreg $0x60  }
0xae: {  	[dreg:$0x2] =	wrdreg s24  }
0xaf: {  	[dreg:$0x3] =	wrdreg $0x82000  }
0xb0: {  	[dreg:$0x4] =	wrdreg $0x9  }
0xb1: {  	_ =	task.clear_ibuf [dreg:s6], $0x5FFFF;
	_ =	strace $0x9000004C  }
0xb2: {  	s29 =	simm.s32 $0x9;
	_ =	strace $0x8000004E  }
0xb3: {  	_ =	swait.ge [sflag:s29], $0x1  }
0xb4: {  	[sflag:s29] =	ssyncadd.s32 $0xFFFFFFFF  }
0xb5: {  	_ =	strace $0x9000004E  }
0xb6: {  	_ =	sfence  }
0xb7: {  	s30 =	sld [smem:$0x0];
	_ =	sdelay $0x2  }
0xb8: {  	s31 =	sshll.u32 s1, $0xD;
	s1 =	sshrl.u32 s1, $0x2  }
0xb9: {  	s3 =	sand.u32 $0x4000, s31;
	s1 =	sadd.s32 s1, s30  }
0xba: {  	s0 =	sor.u32 s3, s0;
	s1 =	sshll.u32 s1, $0x11  }
0xbb: {  	s0 =	sor.u32 s1, s0  }
0xbc: {  	s0 =	sadd.s32 $0x8F2B, s0  }
0xbd: {  	[sflag:s0] =	ssyncadd.remote.s32 $0x1  }
0xbe: {  	_ =	sfence.sel $0xFFFF  }
0xbf: {  	[dreg:$0x0] =	wrdreg $0xFFFFFFFF;
	(pc) =	sbr.abs _section_cstart, $3  }
0xc0: {  	[dreg:$0x1] =	wrdreg $0xFFFFFFFF  }
0xc1: {  	_ =	task.clear_ibuf [dreg:s6], $0x2FFFF;
	_ =	strace $0x9FFFFFFF  }
0xc2: {  	(tm) =	ssettm $0x7FFFFFFF  }
0xc3: {  	_ =	shalt  }
tec
execute0_lowered:
.L_overlay_start_1:
0x0: {  	(tag) =	ssettag $0x1  }
0x1: {  	s6 =	rddreg [dreg:$0x0];
	s0 =	srdreg.scid  }
0x2: {  	s2 =	rddreg [dreg:$0x1];
	s1 =	stileid.u32  }
0x3: {  	s3 =	simm.s32 $0x0;
	s18 =	simm.s32 $0x3;
	s19 =	simm.s32 $0x80  }
0x4: {  	s20 =	simm.s32 $0x100;
	s21 =	simm.s32 $0x4200;
	s5 =	smul.u32 $0x14000, s1  }
0x5: {  	s22 =	simm.s32 $0x1;
	s23 =	simm.s32 $0x2;
	s7 =	smul.u32 $0x50000, s1  }
0x6: {  	s24 =	simm.s32 $0x180;
	s25 =	simm.s32 $0x0;
	s12 =	smul.u32 $0x50, s1  }
0x7: {  	s10 =	sand.u32 $0x1, s0;
	s0 =	rddreg [dreg:$0x2];
	s17 =	smul.u32 $0xA00, s1  }
0x8: {  	[smem:$0x7FF] =	sst s3;
	s14 =	sadd.s32 $0x3C00, s6;
	s4 =	smul.u32 $0x140000, s10  }
0x9: {  	_ =	strace $0x8000004D;
	s9 =	ssub.s32 $0x2, s10;
	s11 =	smul.u32 $0x500, s10  }
0xa: {  	s16 =	smul.u32 $0xA000, s10;
	s30 =	sshrl.u32 s7, $0x2;
	s31 =	sshrl.u32 s9, $0x1  }
0xb: {  	s5 =	sadd.s32 s5, s4;
	s4 =	sadd.s32 $0x17C00, s6;
	s15 =	ssub.s32 s9, s31  }
0xc: {  	s11 =	sadd.s32 s12, s11;
	s16 =	sadd.s32 s16, s14;
	s8 =	sshrl.u32 s5, $0x3  }
0xd: {  	s5 =	sadd.s32 s30, s2;
	s11 =	sshll.u32 s11, $0x5;
	s12 =	smax.u32 s15, $0x1  }
0xe: {  	s16 =	sadd.s32 s17, s16;
	s17 =	simm.s32 $0x200;
	s13 =	sadd.s32 s8, s6  }
0xf: {  	s6 =	sadd.s32 $0x4000, s5;
	s7 =	sadd.s32 $0x8000, s5;
	s8 =	sadd.s32 $0xC000, s5  }
0x10: {  	s9 =	sadd.s32 $0x10000, s5;
	s10 =	sadd.s32 s14, s11;
	s11 =	sadd.s32 $0x3EE00, s13  }
0x11: {  	v0 =	vimm.f32 $0.0e+00;
	s13 =	sadd.s32 $0x20, s10;
	s14 =	sadd.s32 $0x40, s10;
	s15 =	sadd.s32 $0x9E0, s10  }
.LBB2_1:
0x12: {  	s26 =	sand.u32 $0xFE00, s3  }
0x13: {  	s28 =	sand.u32 $0x70, s3;
	s29 =	sshrl.u32 s26, $0x2  }
0x14: {  	s26 =	simm.s32 $0x40;
	s29 =	sor.u32 s28, s29;
	s28 =	simm.s32 $0x0  }
.LBB2_2:
0x15: {  	p0 =	sne.s32 s26, $0xFFC0  }
0x16: {  	[tilespmem:s29+$0x200] =	vst v0;
	s28 =	sadd.s32 $0x10, s28;
	s29 =	smov.u32 s26;
	s26 =	sadd.s32 $0x40, s26  }
.Ltmp0:
0x17: {  	(pc) =	sbr.rel @p0 .LBB2_2-.Ltmp0, $4  }
0x18: {  	_ = 	snop  }
0x19: {  	s29 =	sand.u32 $0xFE00, s29  }
0x1a: {  	s30 =	sand.u32 $0x70, s28;
	s29 =	sshrl.u32 s29, $0x2  }
0x1b: {  	s29 =	sor.u32 s30, s29  }
0x1c: {  	[tilespmem:s29+$0x200] =	vst v0  }
0x1d: {  	[spmem:s5] =	stream.linear.scatter [tilespmem:s17], [sflag:$0x3], $0x4000, $0x38;
	[tilespmem:$0x1C200] =	vst v63  }
0x1e: {  	_ =	swait.ge [sflag:s18], $0x4000  }
0x1f: {  	[sflag:s18] =	ssyncset.done $0x0  }
0x20: {  	[sflag:s18] =	ssyncadd.s32 $0xFFFFC000  }
0x21: {  	[spmem:s6] =	stream.linear.scatter [tilespmem:s17], [sflag:$0x3], $0x4000, $0x38;
	[tilespmem:$0x1C200] =	vst v63  }
0x22: {  	_ =	swait.ge [sflag:s18], $0x4000  }
0x23: {  	[sflag:s18] =	ssyncset.done $0x0  }
0x24: {  	[sflag:s18] =	ssyncadd.s32 $0xFFFFC000  }
0x25: {  	[spmem:s7] =	stream.linear.scatter [tilespmem:s17], [sflag:$0x3], $0x4000, $0x38;
	[tilespmem:$0x1C200] =	vst v63  }
0x26: {  	_ =	swait.ge [sflag:s18], $0x4000  }
0x27: {  	[sflag:s18] =	ssyncset.done $0x0  }
0x28: {  	[sflag:s18] =	ssyncadd.s32 $0xFFFFC000  }
0x29: {  	[spmem:s8] =	stream.linear.scatter [tilespmem:s17], [sflag:$0x3], $0x4000, $0x38;
	[tilespmem:$0x1C200] =	vst v63  }
0x2a: {  	_ =	swait.ge [sflag:s18], $0x4000  }
0x2b: {  	[sflag:s18] =	ssyncset.done $0x0  }
0x2c: {  	[sflag:s18] =	ssyncadd.s32 $0xFFFFC000  }
0x2d: {  	[spmem:s9] =	stream.linear.scatter [tilespmem:s17], [sflag:$0x3], $0x4000, $0x38;
	[tilespmem:$0x1C200] =	vst v63  }
0x2e: {  	_ =	swait.ge [sflag:s18], $0x4000  }
0x2f: {  	[sflag:s18] =	ssyncset.done $0x0  }
0x30: {  	[sflag:s18] =	ssyncadd.s32 $0xFFFFC000  }
0x31: {  	[bflag:$0x0] =	sbarrier.arrive $0xFFFF  }
0x32: {  	[tilespmem:s3], [sflag:$0x3] =	stream.linear.gather [hbm4b:s10+s3], $0x100, $0x38;
	[tilespmem:$0x1C200] =	vst v63  }
0x33: {  	_ =	swait.ge [sflag:s18], $0x100  }
0x34: {  	[sflag:s18] =	ssyncset.done $0x0  }
0x35: {  	[sflag:s18] =	ssyncadd.s32 $0xFFFFFF00  }
0x36: {  	[tilespmem:s17], [sflag:$0x1] =	stream.indirect.gather [hbm4b:s4+s19], $0x80, s3, s19, $0xb8;
	[tilespmem:$0x1C200] =	vst v63  }
0x37: {  	_ = 	snop  }
0x38: {  	[tilespmem:s20], [sflag:$0x3] =	stream.linear.gather [hbm4b:s13+s3], $0x100, $0x38;
	[tilespmem:$0x1C200] =	vst v63  }
0x39: {  	_ =	swait.ge [sflag:s18], $0x100  }
0x3a: {  	[sflag:s18] =	ssyncset.done $0x0  }
0x3b: {  	[sflag:s18] =	ssyncadd.s32 $0xFFFFFF00  }
0x3c: {  	[tilespmem:s21], [sflag:$0x1] =	stream.indirect.gather [hbm4b:s4+s19], $0x80, s20, s19, $0xb8;
	[tilespmem:$0x1C200] =	vst v63  }
0x3d: {  	_ =	swait.ge [sflag:s22], $0x4000  }
0x3e: {  	[sflag:s22] =	ssyncset.done $0x0  }
0x3f: {  	[sflag:s22] =	ssyncadd.s32 $0xFFFFC000  }
0x40: {  	[spmem:s2] =	stream.indirect.scatter.add.f32 [tilespmem:s17], [sflag:$0x2], $0x80, s19, s19, $0xb8;
	[tilespmem:$0x1C200] =	vst v63  }
0x41: {  	_ =	swait.ge [sflag:s23], $0x4000  }
0x42: {  	[sflag:s23] =	ssyncset.done $0x0  }
0x43: {  	[sflag:s23] =	ssyncadd.s32 $0xFFFFC000  }
0x44: {  	[tilespmem:s3], [sflag:$0x3] =	stream.linear.gather [hbm4b:s14+s3], $0x100, $0x38;
	[tilespmem:$0x1C200] =	vst v63  }
0x45: {  	_ =	swait.ge [sflag:s18], $0x100  }
0x46: {  	[sflag:s18] =	ssyncset.done $0x0  }
0x47: {  	[sflag:s18] =	ssyncadd.s32 $0xFFFFFF00  }
0x48: {  	[tilespmem:s17], [sflag:$0x1] =	stream.indirect.gather [hbm4b:s4+s19], $0x80, s3, s19, $0xb8;
	[tilespmem:$0x1C200] =	vst v63  }
0x49: {  	_ =	swait.ge [sflag:s22], $0x4000  }
0x4a: {  	[sflag:s22] =	ssyncset.done $0x0  }
0x4b: {  	[sflag:s22] =	ssyncadd.s32 $0xFFFFC000  }
0x4c: {  	[spmem:s2] =	stream.indirect.scatter.add.f32 [tilespmem:s21], [sflag:$0x2], $0x80, s24, s19, $0xb8;
	[tilespmem:$0x1C200] =	vst v63  }
0x4d: {  	_ =	swait.ge [sflag:s23], $0x4000  }
0x4e: {  	s26 =	sadd.s32 $0xFFFFF680, s16;
	[sflag:s23] =	ssyncset.done $0x0  }
0x4f: {  	s28 =	sadd.s32 $0x9E0, s26;
	[sflag:s23] =	ssyncadd.s32 $0xFFFFC000  }
0x50: {  	[tilespmem:s20], [sflag:$0x3] =	stream.linear.gather [hbm4b:s28+s3], $0x100, $0x38;
	[tilespmem:$0x1C200] =	vst v63  }
0x51: {  	_ =	swait.ge [sflag:s18], $0x100  }
0x52: {  	[sflag:s18] =	ssyncset.done $0x0  }
0x53: {  	[sflag:s18] =	ssyncadd.s32 $0xFFFFFF00  }
0x54: {  	[tilespmem:s21], [sflag:$0x1] =	stream.indirect.gather [hbm4b:s4+s19], $0x80, s20, s19, $0xb8;
	[tilespmem:$0x1C200] =	vst v63  }
0x55: {  	_ =	swait.ge [sflag:s22], $0x4000  }
0x56: {  	[sflag:s22] =	ssyncset.done $0x0  }
0x57: {  	[sflag:s22] =	ssyncadd.s32 $0xFFFFC000  }
0x58: {  	[spmem:s2] =	stream.indirect.scatter.add.f32 [tilespmem:s17], [sflag:$0x2], $0x80, s19, s19, $0xb8;
	[tilespmem:$0x1C200] =	vst v63  }
0x59: {  	_ =	swait.ge [sflag:s23], $0x4000  }
0x5a: {  	[sflag:s23] =	ssyncset.done $0x0  }
0x5b: {  	s26 =	sadd.s32 $0xA00, s26;
	[sflag:s23] =	ssyncadd.s32 $0xFFFFC000  }
0x5c: {  	[tilespmem:s3], [sflag:$0x3] =	stream.linear.gather [hbm4b:s26+s3], $0x100, $0x38;
	[tilespmem:$0x1C200] =	vst v63  }
0x5d: {  	_ =	swait.ge [sflag:s18], $0x100  }
0x5e: {  	[sflag:s18] =	ssyncset.done $0x0  }
0x5f: {  	[sflag:s18] =	ssyncadd.s32 $0xFFFFFF00  }
0x60: {  	[tilespmem:s17], [sflag:$0x1] =	stream.indirect.gather [hbm4b:s4+s19], $0x80, s3, s19, $0xb8;
	[tilespmem:$0x1C200] =	vst v63  }
0x61: {  	_ =	swait.ge [sflag:s22], $0x4000  }
0x62: {  	[sflag:s22] =	ssyncset.done $0x0  }
0x63: {  	s26 =	simm.s32 $0xFFFFF6C0;
	[sflag:s22] =	ssyncadd.s32 $0xFFFFC000  }
.LBB2_4:
0x64: {  	[spmem:s2] =	stream.indirect.scatter.add.f32 [tilespmem:s21], [sflag:$0x2], $0x80, s24, s19, $0xb8;
	[tilespmem:$0x1C200] =	vst v63  }
0x65: {  	s28 =	smov.u32 s26  }
0x66: {  	p0 =	sne.s32 s26, $0xFFFFFFC0;
	s26 =	sadd.s32 $0x40, s26;
	_ =	swait.ge [sflag:s23], $0x4000  }
0x67: {  	s28 =	sadd.s32 s28, s16;
	[sflag:s23] =	ssyncset.done $0x0  }
0x68: {  	s29 =	sadd.s32 $0x9E0, s28;
	[sflag:s23] =	ssyncadd.s32 $0xFFFFC000  }
0x69: {  	[tilespmem:s20], [sflag:$0x3] =	stream.linear.gather [hbm4b:s29+s3], $0x100, $0x38;
	[tilespmem:$0x1C200] =	vst v63  }
0x6a: {  	_ =	swait.ge [sflag:s18], $0x100  }
0x6b: {  	[sflag:s18] =	ssyncset.done $0x0  }
0x6c: {  	[sflag:s18] =	ssyncadd.s32 $0xFFFFFF00  }
0x6d: {  	[tilespmem:s21], [sflag:$0x1] =	stream.indirect.gather [hbm4b:s4+s19], $0x80, s20, s19, $0xb8;
	[tilespmem:$0x1C200] =	vst v63  }
0x6e: {  	_ =	swait.ge [sflag:s22], $0x4000  }
0x6f: {  	[sflag:s22] =	ssyncset.done $0x0  }
0x70: {  	[sflag:s22] =	ssyncadd.s32 $0xFFFFC000  }
0x71: {  	[spmem:s2] =	stream.indirect.scatter.add.f32 [tilespmem:s17], [sflag:$0x2], $0x80, s19, s19, $0xb8;
	[tilespmem:$0x1C200] =	vst v63  }
0x72: {  	_ =	swait.ge [sflag:s23], $0x4000  }
0x73: {  	[sflag:s23] =	ssyncset.done $0x0  }
0x74: {  	s28 =	sadd.s32 $0xA00, s28;
	[sflag:s23] =	ssyncadd.s32 $0xFFFFC000  }
0x75: {  	[tilespmem:s3], [sflag:$0x3] =	stream.linear.gather [hbm4b:s28+s3], $0x100, $0x38;
	[tilespmem:$0x1C200] =	vst v63  }
0x76: {  	_ =	swait.ge [sflag:s18], $0x100  }
0x77: {  	[sflag:s18] =	ssyncset.done $0x0  }
.Ltmp1:
0x78: {  	[sflag:s18] =	ssyncadd.s32 $0xFFFFFF00;
	(pc) =	sbr.rel @p0 .LBB2_4-.Ltmp1, $4  }
0x79: {  	[tilespmem:s17], [sflag:$0x1] =	stream.indirect.gather [hbm4b:s4+s19], $0x80, s3, s19, $0xb8;
	[tilespmem:$0x1C200] =	vst v63  }
0x7a: {  	_ =	swait.ge [sflag:s22], $0x4000  }
0x7b: {  	[sflag:s22] =	ssyncset.done $0x0  }
0x7c: {  	[sflag:s22] =	ssyncadd.s32 $0xFFFFC000  }
0x7d: {  	[spmem:s2] =	stream.indirect.scatter.add.f32 [tilespmem:s21], [sflag:$0x2], $0x80, s24, s19, $0xb8;
	[tilespmem:$0x1C200] =	vst v63  }
0x7e: {  	_ =	swait.ge [sflag:s23], $0x4000  }
0x7f: {  	[sflag:s23] =	ssyncset.done $0x0  }
0x80: {  	[sflag:s23] =	ssyncadd.s32 $0xFFFFC000  }
0x81: {  	[tilespmem:s20], [sflag:$0x3] =	stream.linear.gather [hbm4b:s15+s3], $0x100, $0x38;
	[tilespmem:$0x1C200] =	vst v63  }
0x82: {  	_ =	swait.ge [sflag:s18], $0x100  }
0x83: {  	[sflag:s18] =	ssyncset.done $0x0  }
0x84: {  	[sflag:s18] =	ssyncadd.s32 $0xFFFFFF00  }
0x85: {  	[tilespmem:s21], [sflag:$0x1] =	stream.indirect.gather [hbm4b:s4+s19], $0x80, s20, s19, $0xb8;
	[tilespmem:$0x1C200] =	vst v63  }
0x86: {  	_ =	swait.ge [sflag:s22], $0x4000  }
0x87: {  	[sflag:s22] =	ssyncset.done $0x0  }
0x88: {  	[sflag:s22] =	ssyncadd.s32 $0xFFFFC000  }
0x89: {  	[spmem:s2] =	stream.indirect.scatter.add.f32 [tilespmem:s17], [sflag:$0x2], $0x80, s19, s19, $0xb8;
	[tilespmem:$0x1C200] =	vst v63  }
0x8a: {  	_ =	swait.ge [sflag:s23], $0x4000  }
0x8b: {  	[sflag:s23] =	ssyncset.done $0x0  }
0x8c: {  	[sflag:s23] =	ssyncadd.s32 $0xFFFFC000  }
0x8d: {  	_ =	swait.ge [sflag:s22], $0x4000  }
0x8e: {  	[sflag:s22] =	ssyncset.done $0x0  }
0x8f: {  	[sflag:s22] =	ssyncadd.s32 $0xFFFFC000  }
0x90: {  	[spmem:s2] =	stream.indirect.scatter.add.f32 [tilespmem:s21], [sflag:$0x2], $0x80, s24, s19, $0xb8;
	[tilespmem:$0x1C200] =	vst v63  }
0x91: {  	_ =	swait.ge [sflag:s23], $0x4000  }
0x92: {  	s26 =	sshll.u32 s1, $0x6;
	s25 =	sadd.s32 $0x1, s25;
	[sflag:s23] =	ssyncset.done $0x0  }
0x93: {  	s28 =	sshrl.u32 s5, $0x3;
	p0 =	sne.s32 s25, s12;
	[sflag:s23] =	ssyncadd.s32 $0xFFFFC000  }
.Ltmp2:
0x94: {  	s26 =	sor.u32 $0x1C03, s26;
	[bflag:$0x0] =	sbarrier.arrive $0xFFFF;
	(pc) =	sbr.rel @p0 .LBB2_1-.Ltmp2, $4  }
0x95: {  	[hbm:s11], [sflag:s26] =	dma.local [spmem:s28], $0x2800  }
0x96: {  	_ =	swait.ge [sflag:s18], $0x2800  }
0x97: {  	[sflag:s18] =	ssyncset.done $0x0  }
0x98: {  	[sflag:s18] =	ssyncadd.s32 $0xFFFFD800  }
0x99: {  	_ =	sfence.sel $0x180000  }
0x9a: {  	[bflag:$0x0] =	sbarrier.arrive $0xFFFF  }
0x9b: {  	p0 =	sne.s32 s1, $0x0;
	_ =	strace $0x9000004D  }
0x9c: {  	s0 =	sadd.s32 @!p0 $0x100000, s0;
	[bflag:$0x2] =	sbarrier.arrive $0xFFFF  }
0x9d: {  	[sflag:s0] =	ssyncadd.tile.s32 @!p0 $0x1;
	_ =	shalt  }
.Lfunc_end2:
_tile_overlayer_lowered:
.L_overlay_start_2:
0x9e: {  	(tag) =	ssettag $0x2  }
0x9f: {  	s0 =	rddreg [dreg:$0x0];
	s2 =	stileid.u32  }
0xa0: {  	s1 =	rddreg [dreg:$0x1];
	p0 =	sne.s32 s2, $0x0  }
0xa1: {  	s3 =	rddreg [dreg:$0x2];
	[bflag:$0x3] =	sbarrier.arrive $0xFFFF;
	s2 =	simm.s32 @!p0 $0x1C03  }
0xa2: {  	[timem:s3], [sflag:s2] =	dma.local @!p0 [hbm:s0], s1  }
0xa3: {  	s0 =	simm.s32 @!p0 $0x3  }
0xa4: {  	_ =	swait.ge @!p0 [sflag:s0], s1  }
0xa5: {  	s1 =	ssub.s32 @!p0 $0x0, s1;
	[sflag:s0] =	ssyncset.done @!p0 $0x0  }
0xa6: {  	[sflag:s0] =	ssyncadd.s32 @!p0 s1  }
0xa7: {  	[bflag:$0x3] =	sbarrier.arrive $0xFFFF  }
0xa8: {  	_ =	shalt  }

// kernel: kernel.20.cloned.1.call-start
scs
__scs_entry_jumppad:
0x0: {  	(pc) =	sbr.rel $0x88, $3  }
0x1: {  	(tag) =	ssettag $0x0;
	lr =	simm.s32 $0x1  }
0x2: {  	[smem:$0x3F93] =	sst lr;
	_ =	strace $0xD0000000  }
0x3: {  	_ = 	snop  }
0x4: {  	_ = 	snop  }
0x5: {  	_ = 	snop  }
0x6: {  	_ = 	snop  }
0x7: {  	_ = 	snop  }
__scs_overlays_trampoline_lowered:
0x8: {  	[smem:$0x3FA2] =	sst s0  }
0x9: {  	[smem:$0x3FA3] =	sst s1  }
0xa: {  	[smem:$0x3FA4] =	sst s2  }
0xb: {  	[smem:$0x3FA5] =	sst s3  }
0xc: {  	[smem:$0x3FA6] =	sst s4  }
0xd: {  	[smem:$0x3FA7] =	sst s5  }
0xe: {  	[smem:$0x3FA8] =	sst s6  }
0xf: {  	[smem:$0x3FA9] =	sst s7  }
0x10: {  	[smem:$0x3FAA] =	sst s8  }
0x11: {  	[smem:$0x3FAB] =	sst s9;
	s0 =	simm.s32 @!p0 $0x0  }
0x12: {  	s1 =	sld [smem:$0x3F91];
	s0 =	simm.s32 @p0 $0x1  }
0x13: {  	[smem:$0x3FAC] =	sst s0;
	s0 =	simm.s32 @!p1 $0x0  }
0x14: {  	s2 =	sld [smem:$0x3F90];
	s0 =	simm.s32 @p1 $0x1  }
0x15: {  	[smem:$0x3FAD] =	sst s0;
	s0 =	simm.s32 @!p2 $0x0  }
0x16: {  	s3 =	sld [smem:$0x3FDB];
	s0 =	simm.s32 @p2 $0x1  }
0x17: {  	s4 =	simm.s32 $0x1BF5;
	[smem:$0x3FAF] =	sst s0  }
0x18: {  	s0 =	sld [smem:$0x3F92];
	_ =	swait.ge [sflag:s4], $0x0  }
0x19: {  	s7 =	sld [smem:$0x3F93]  }
0x1a: {  	s8 =	sadd.s32 $0xFFFFE003, lr  }
0x1b: {  	s9 =	sadd.s32 $0xFFFFFEF7, lr;
	s5 =	simm.s32 $0xFFFFFFFF;
	p2 =	slt.u32 s8, $0xFFFFF086  }
0x1c: {  	p1 =	slt.u32 s9, $0xF7A;
	s5 =	simm.s32 @!p2 $0x0  }
0x1d: {  	s5 =	simm.s32 @p1 $0x1;
	p0 =	seq.s32 s7, s2  }
0x1e: {  	s7 =	smul.u32 @!p0 $0xF7A, s2;
	p2 =	seq.s32 @!p0 s5, $0x0  }
0x1f: {  	s9 =	smul.u32 $0xF7A, s1;
	s8 =	simm.s32 @!p0 $0x1BF5;
	p2 =	por !p2, p0  }
0x20: {  	[sflag:s8] =	ssyncset.s32 @!p0 $0xFFFFF086;
	s6 =	sadd.s32 @!p0 s3, s7;
	s7 =	simm.s32 @!p0 $0x108  }
0x21: {  	s3 =	sadd.s32 s3, s9;
	s6 =	sadd.s32 @!p0 $0x88, s6;
	s7 =	simm.s32 @p2 $0x1082  }
0x22: {  	[simem:s7], [sflag:s8] =	dma.local @!p0 [hbm:s6], $0xF7A  }
0x23: {  	s9 =	sor.u32 $0xD0000000, s2;
	s6 =	simm.s32 $0x108;
	_ =	swait.ge @!p0 [sflag:s8], $0x0  }
0x24: {  	s3 =	sadd.s32 $0x88, s3;
	s6 =	simm.s32 @!p1 $0x1082;
	[sflag:s4] =	ssyncset.s32 $0xFFFFF086  }
0x25: {  	[simem:s6], [sflag:s4] =	dma.local [hbm:s3], $0xF7A  }
0x26: {  	[smem:$0x3F93] =	sst s1;
	(tag) =	ssettag s2;
	_ =	strace s9  }
0x27: {  	s1 =	sld [smem:$0x3FA3]  }
0x28: {  	s2 =	sld [smem:$0x3FA4]  }
0x29: {  	s4 =	sld [smem:$0x3FA6]  }
0x2a: {  	p0 =	seq.s32 s5, $0x0;
	s5 =	sld [smem:$0x3FA7]  }
0x2b: {  	s6 =	sld [smem:$0x3FA8]  }
0x2c: {  	s7 =	sld [smem:$0x3FA9]  }
0x2d: {  	s3 =	simm.s32 $0x108;
	s8 =	sld [smem:$0x3FAA]  }
0x2e: {  	s3 =	simm.s32 @!p0 $0x1082;
	s9 =	sld [smem:$0x3FAB]  }
0x2f: {  	lr =	sadd.s32 s0, s3;
	s0 =	sld [smem:$0x3FA2]  }
0x30: {  	s3 =	sld [smem:$0x3FA5]  }
0x31: {  	[smem:$0x3FAE] =	sst s10  }
0x32: {  	s10 =	sld [smem:$0x3FAC];
	_ =	sdelay $0x3  }
0x33: {  	p0 =	seq.s32 s10, $0x1;
	s10 =	sld [smem:$0x3FAE];
	_ =	sdelay $0x3  }
0x34: {  	[smem:$0x3FAE] =	sst s10  }
0x35: {  	s10 =	sld [smem:$0x3FAD];
	_ =	sdelay $0x3  }
0x36: {  	p1 =	seq.s32 s10, $0x1;
	s10 =	sld [smem:$0x3FAE];
	_ =	sdelay $0x3  }
0x37: {  	[smem:$0x3FAE] =	sst s10  }
0x38: {  	s10 =	sld [smem:$0x3FAF]  }
0x39: {  	_ = 	snop;
	(pc) =	sbr.ind lr, $3  }
0x3a: {  	_ = 	snop  }
0x3b: {  	_ = 	snop  }
0x3c: {  	p2 =	seq.s32 s10, $0x1;
	s10 =	sld [smem:$0x3FAE]  }
0x3d: {  	_ =	shalt  }
0x3e: {  	_ =	shalt  }
0x3f: {  	_ =	shalt  }
0x40: {  	_ =	shalt  }
0x41: {  	_ =	shalt  }
0x42: {  	_ =	shalt  }
0x43: {  	_ =	shalt  }
0x44: {  	_ =	shalt  }
0x45: {  	_ =	shalt  }
0x46: {  	_ =	shalt  }
0x47: {  	_ =	shalt  }
0x48: {  	_ =	shalt  }
0x49: {  	_ =	shalt  }
0x4a: {  	_ =	shalt  }
0x4b: {  	_ =	shalt  }
0x4c: {  	_ =	shalt  }
0x4d: {  	_ =	shalt  }
0x4e: {  	_ =	shalt  }
0x4f: {  	_ =	shalt  }
0x50: {  	_ =	shalt  }
0x51: {  	_ =	shalt  }
0x52: {  	_ =	shalt  }
0x53: {  	_ =	shalt  }
0x54: {  	_ =	shalt  }
0x55: {  	_ =	shalt  }
0x56: {  	_ =	shalt  }
0x57: {  	_ =	shalt  }
0x58: {  	_ =	shalt  }
0x59: {  	_ =	shalt  }
0x5a: {  	_ =	shalt  }
0x5b: {  	_ =	shalt  }
0x5c: {  	_ =	shalt  }
0x5d: {  	_ =	shalt  }
0x5e: {  	_ =	shalt  }
0x5f: {  	_ =	shalt  }
0x60: {  	_ =	shalt  }
0x61: {  	_ =	shalt  }
0x62: {  	_ =	shalt  }
0x63: {  	_ =	shalt  }
0x64: {  	_ =	shalt  }
0x65: {  	_ =	shalt  }
0x66: {  	_ =	shalt  }
0x67: {  	_ =	shalt  }
0x68: {  	_ =	shalt  }
0x69: {  	_ =	shalt  }
0x6a: {  	_ =	shalt  }
0x6b: {  	_ =	shalt  }
0x6c: {  	_ =	shalt  }
0x6d: {  	_ =	shalt  }
0x6e: {  	_ =	shalt  }
0x6f: {  	_ =	shalt  }
0x70: {  	_ =	shalt  }
0x71: {  	_ =	shalt  }
0x72: {  	_ =	shalt  }
0x73: {  	_ =	shalt  }
0x74: {  	_ =	shalt  }
0x75: {  	_ =	shalt  }
0x76: {  	_ =	shalt  }
0x77: {  	_ =	shalt  }
0x78: {  	_ =	shalt  }
0x79: {  	_ =	shalt  }
0x7a: {  	_ =	shalt  }
0x7b: {  	_ =	shalt  }
0x7c: {  	_ =	shalt  }
0x7d: {  	_ =	shalt  }
0x7e: {  	_ =	shalt  }
0x7f: {  	_ =	shalt  }
0x80: {  	_ =	shalt  }
0x81: {  	_ =	shalt  }
0x82: {  	_ =	shalt  }
0x83: {  	_ =	shalt  }
0x84: {  	_ =	shalt  }
0x85: {  	_ =	shalt  }
0x86: {  	_ =	shalt  }
0x87: {  	_ =	shalt  }
.Lfunc_end0:
.L_simem_size_0:
called_computation.3_lowered:
.L_overlay_start_0:
0x88: {  	s2 =	sld [smem:$0x3FD9]  }
0x89: {  	s3 =	sld [smem:$0x3FFE];
	_ =	sdelay $0x1  }
0x8a: {  	s1 =	srdreg.scid  }
0x8b: {  	s0 =	sand.u32 $0x1, s1  }
0x8c: {  	s16 =	sshll.u32 s0, $0xA;
	s2 =	sadd.s32 s3, s2  }
0x8d: {  	s2 =	sadd.s32 s2, s16  }
0x8e: {  	[smem:$0x3FBA] =	sst s2  }
0x8f: {  	_ = 	snop  }
0x90: {  	(tm) =	ssettm $0x1  }
0x91: {  	s17 =	sld [smem:$0x3FFB];
	_ =	sdelay $0x3  }
0x92: {  	_ =	strace s17  }
0x93: {  	s2 =	sld [smem:$0x3FFC];
	_ =	sdelay $0x3  }
0x94: {  	_ =	strace s2  }
0x95: {  	s2 =	sld [smem:$0x3FFD];
	_ =	sdelay $0x3  }
0x96: {  	_ =	strace s2  }
0x97: {  	_ =	strace $0x8FFFFFFF  }
0x98: {  	s18 =	sld [smem:$0x3FDB];
	_ =	sdelay $0x1  }
0x99: {  	s19 =	simm.s32 $_scs_section_size  }
0x9a: {  	s4 =	simm.s32 $_size__tile_overlayer_lowered;
	s5 =	simm.s32 $_tile_overlayer_lowered  }
0x9b: {  	s22 =	simm.s32 $0x1BFF;
	s21 =	sshll.u32 s5, $0x1;
	s2 =	sadd.s32 s19, s18  }
0x9c: {  	s6 =	simm.s32 $0x0;
	s20 =	sshll.u32 s4, $0x1;
	s4 =	sadd.s32 s21, s2  }
0x9d: {  	[timem:s6], [sflag:s22] =	dma.local [hbm:s4], s20  }
0x9e: {  	_ =	swait.ge [sflag:s22], s20  }
0x9f: {  	s3 =	ssub.s32 $0x0, s20;
	[sflag:s22] =	ssyncset.done $0x0  }
0xa0: {  	[sflag:s22] =	ssyncadd.s32 s3;
	_ =	sdelay $0x1  }
0xa1: {  	s23 =	simm.s32 $0x1B8B  }
0xa2: {  	_ =	swait.ge [sflag:s23], $0x1  }
0xa3: {  	[sflag:s23] =	ssyncset.done $0x0  }
0xa4: {  	s25 =	simm.s32 $0x1B8E;
	s24 =	sld [smem:$0x3FFE];
	[sflag:s23] =	ssyncadd.s32 $0xFFFFFFFF  }
0xa5: {  	s26 =	simm.s32 $execute0_lowered;
	[smem:$0x3FD2] =	sst s25  }
0xa6: {  	s4 =	sshll.u32 s26, $0x1;
	_ =	strace $0x8000004F;
	[dreg:$0x1] =	wrdreg $0xFFFFFFFF  }
0xa7: {  	s28 =	simm.s32 $_size_execute0_lowered;
	s2 =	sadd.s32 s2, s4;
	[dreg:$0x0] =	wrdreg $0x0  }
0xa8: {  	s4 =	sshll.u32 s28, $0x1;
	[dreg:$0x2] =	wrdreg s2  }
0xa9: {  	[dreg:$0x3] =	wrdreg s4  }
0xaa: {  	[dreg:$0x4] =	wrdreg $0xC0  }
0xab: {  	_ =	task [dreg:s6], $0x5FFFF  }
0xac: {  	[dreg:$0x1] =	wrdreg $0xFFFFFFFF  }
0xad: {  	[dreg:$0x0] =	wrdreg $0x60  }
0xae: {  	[dreg:$0x2] =	wrdreg s24  }
0xaf: {  	[dreg:$0x3] =	wrdreg $0x24000  }
0xb0: {  	[dreg:$0x4] =	wrdreg $0x9  }
0xb1: {  	_ =	task.clear_ibuf [dreg:s6], $0x5FFFF;
	_ =	strace $0x9000004F  }
0xb2: {  	s29 =	simm.s32 $0x9;
	_ =	strace $0x80000051  }
0xb3: {  	_ =	swait.ge [sflag:s29], $0x1  }
0xb4: {  	[sflag:s29] =	ssyncadd.s32 $0xFFFFFFFF  }
0xb5: {  	_ =	strace $0x90000051  }
0xb6: {  	_ =	sfence  }
0xb7: {  	s30 =	sld [smem:$0x0];
	_ =	sdelay $0x2  }
0xb8: {  	s31 =	sshll.u32 s1, $0xD;
	s1 =	sshrl.u32 s1, $0x2  }
0xb9: {  	s3 =	sand.u32 $0x4000, s31;
	s1 =	sadd.s32 s1, s30  }
0xba: {  	s0 =	sor.u32 s3, s0;
	s1 =	sshll.u32 s1, $0x11  }
0xbb: {  	s0 =	sor.u32 s1, s0  }
0xbc: {  	s0 =	sadd.s32 $0x8F2B, s0  }
0xbd: {  	[sflag:s0] =	ssyncadd.remote.s32 $0x1  }
0xbe: {  	_ =	sfence.sel $0xFFFF  }
0xbf: {  	[dreg:$0x0] =	wrdreg $0xFFFFFFFF;
	(pc) =	sbr.abs _section_cstart, $3  }
0xc0: {  	[dreg:$0x1] =	wrdreg $0xFFFFFFFF  }
0xc1: {  	_ =	task.clear_ibuf [dreg:s6], $0x2FFFF;
	_ =	strace $0x9FFFFFFF  }
0xc2: {  	(tm) =	ssettm $0x7FFFFFFF  }
0xc3: {  	_ =	shalt  }
tec
execute0_lowered:
.L_overlay_start_1:
0x0: {  	(tag) =	ssettag $0x1  }
0x1: {  	s0 =	srdreg.scid  }
0x2: {  	s14 =	stileid.u32;
	s1 =	rddreg [dreg:$0x0]  }
0x3: {  	s2 =	rddreg [dreg:$0x1];
	s3 =	simm.s32 $0x0;
	s15 =	simm.s32 $0x3  }
0x4: {  	s16 =	simm.s32 $0x80;
	s17 =	simm.s32 $0x100;
	s18 =	simm.s32 $0xC00  }
0x5: {  	s19 =	simm.s32 $0x1;
	s20 =	simm.s32 $0x200;
	s5 =	smul.u32 $0x2800, s14  }
0x6: {  	s21 =	simm.s32 $0x1400;
	s22 =	simm.s32 $0x180;
	s7 =	smul.u32 $0xA000, s14  }
0x7: {  	s23 =	simm.s32 $0x300;
	s24 =	simm.s32 $0x1C00;
	s12 =	smul.u32 $0x50, s14  }
0x8: {  	s28 =	simm.s32 $0x380;
	s0 =	sand.u32 $0x1, s0;
	s14 =	smul.u32 $0xA00, s14  }
0x9: {  	s29 =	simm.s32 $0x0;
	[smem:$0x7FF] =	sst s3;
	s4 =	smul.u32 $0x28000, s0  }
0xa: {  	s11 =	sadd.s32 $0x3C00, s1;
	_ =	strace $0x80000050;
	s8 =	smul.u32 $0x500, s0  }
0xb: {  	s25 =	ssub.s32 $0x2, s0;
	s0 =	smul.u32 $0xA000, s0;
	s7 =	sshrl.u32 s7, $0x2  }
0xc: {  	s9 =	sshrl.u32 s25, $0x1;
	s4 =	sadd.s32 s5, s4;
	s10 =	sadd.s32 s7, s2  }
0xd: {  	s13 =	ssub.s32 s25, s9;
	s5 =	sadd.s32 s5, s2;
	s31 =	sadd.s32 s12, s8  }
0xe: {  	s0 =	sadd.s32 s0, s11;
	s25 =	simm.s32 $0x280;
	s6 =	sshrl.u32 s4, $0x3  }
0xf: {  	s4 =	sadd.s32 $0x17C00, s1;
	s26 =	sadd.s32 $0x800, s10;
	s30 =	sadd.s32 $0x1000, s10  }
0x10: {  	s8 =	sadd.s32 $0x1800, s10;
	s12 =	sshll.u32 s31, $0x5;
	[dreg:$0x3] =	wrdreg s26  }
0x11: {  	s9 =	sadd.s32 $0x2000, s10;
	s1 =	sadd.s32 s6, s1;
	[dreg:$0x4] =	wrdreg s30  }
0x12: {  	s10 =	sadd.s32 s11, s12;
	s12 =	smax.u32 s13, $0x1;
	s13 =	sadd.s32 s14, s0  }
0x13: {  	v0 =	vimm.f32 $0.0e+00;
	s14 =	simm.s32 $0x400;
	s26 =	simm.s32 $0x2;
	s11 =	sadd.s32 $0x1CC00, s1  }
.LBB2_1:
0x14: {  	s0 =	simm.s32 $0x40;
	s1 =	simm.s32 $0x0  }
.LBB2_2:
0x15: {  	p0 =	sne.s32 s0, $0x1FC0;
	[tilespmem:s1+$0x400] =	vst v0;
	s1 =	smov.u32 s0;
	s0 =	sadd.s32 $0x40, s0  }
.Ltmp0:
0x16: {  	(pc) =	sbr.rel @p0 .LBB2_2-.Ltmp0, $2  }
0x17: {  	_ =	sdelay $0x2  }
0x18: {  	s1 =	sshra.s32 s1, $0x2  }
0x19: {  	[tilespmem:s1+$0x400] =	vst v0  }
0x1a: {  	[spmem:s5] =	stream.linear.scatter [tilespmem:s14], [sflag:$0x3], $0x800, $0x38;
	[tilespmem:$0x4C00] =	vst v63  }
0x1b: {  	_ =	swait.ge [sflag:s15], $0x800  }
0x1c: {  	[sflag:s15] =	ssyncset.done $0x0  }
0x1d: {  	s0 =	rddreg [dreg:$0x3];
	[sflag:s15] =	ssyncadd.s32 $0xFFFFF800  }
0x1e: {  	[spmem:s0] =	stream.linear.scatter [tilespmem:s14], [sflag:$0x3], $0x800, $0x38;
	[tilespmem:$0x4C00] =	vst v63  }
0x1f: {  	_ =	swait.ge [sflag:s15], $0x800  }
0x20: {  	[sflag:s15] =	ssyncset.done $0x0  }
0x21: {  	s7 =	rddreg [dreg:$0x4];
	[sflag:s15] =	ssyncadd.s32 $0xFFFFF800  }
0x22: {  	[spmem:s7] =	stream.linear.scatter [tilespmem:s14], [sflag:$0x3], $0x800, $0x38;
	[tilespmem:$0x4C00] =	vst v63  }
0x23: {  	_ =	swait.ge [sflag:s15], $0x800  }
0x24: {  	[sflag:s15] =	ssyncset.done $0x0  }
0x25: {  	[sflag:s15] =	ssyncadd.s32 $0xFFFFF800  }
0x26: {  	[spmem:s8] =	stream.linear.scatter [tilespmem:s14], [sflag:$0x3], $0x800, $0x38;
	[tilespmem:$0x4C00] =	vst v63  }
0x27: {  	_ =	swait.ge [sflag:s15], $0x800  }
0x28: {  	[sflag:s15] =	ssyncset.done $0x0  }
0x29: {  	[sflag:s15] =	ssyncadd.s32 $0xFFFFF800  }
0x2a: {  	[spmem:s9] =	stream.linear.scatter [tilespmem:s14], [sflag:$0x3], $0x800, $0x38;
	[tilespmem:$0x4C00] =	vst v63  }
0x2b: {  	_ =	swait.ge [sflag:s15], $0x800  }
0x2c: {  	[sflag:s15] =	ssyncset.done $0x0  }
0x2d: {  	[sflag:s15] =	ssyncadd.s32 $0xFFFFF800  }
0x2e: {  	s1 =	simm.s32 $0x0;
	[bflag:$0x0] =	sbarrier.arrive $0xFFFF  }
0x2f: {  	[tilespmem:s1], [sflag:$0x3] =	stream.linear.gather [hbm4b:s10+s1], $0x100, $0x38;
	[tilespmem:$0x4C00] =	vst v63  }
0x30: {  	_ =	swait.ge [sflag:s15], $0x100  }
0x31: {  	p0 =	por $0x1, $0x1;
	[sflag:s15] =	ssyncset.done $0x0  }
0x32: {  	s0 =	simm.s32 @!p0 $0x2;
	[sflag:s15] =	ssyncadd.s32 $0xFFFFFF00  }
0x33: {  	[tilespmem:s14], [sflag:$0x1] =	stream.indirect.gather [hbm4b:s4+s16], $0x10, s1, s16, $0xb8;
	[tilespmem:$0x4C00] =	vst v63  }
0x34: {  	_ =	swait.ge @!p0 [sflag:s0], $0x800  }
0x35: {  	s6 =	sadd.s32 $0x0, s13;
	[sflag:s0] =	ssyncset.done @!p0 $0x0  }
0x36: {  	s30 =	sadd.s32 $0x20, s6;
	[sflag:s0] =	ssyncadd.s32 @!p0 $0xFFFFF800  }
0x37: {  	[tilespmem:s17], [sflag:$0x3] =	stream.linear.gather [hbm4b:s30+s3], $0x100, $0x38;
	[tilespmem:$0x4C00] =	vst v63  }
0x38: {  	_ =	swait.ge [sflag:s15], $0x100  }
0x39: {  	[sflag:s15] =	ssyncset.done $0x0  }
0x3a: {  	[sflag:s15] =	ssyncadd.s32 $0xFFFFFF00  }
0x3b: {  	[tilespmem:s18], [sflag:$0x1] =	stream.indirect.gather [hbm4b:s4+s16], $0x10, s17, s16, $0xb8;
	[tilespmem:$0x4C00] =	vst v63  }
0x3c: {  	_ =	swait.ge [sflag:s19], $0x800  }
0x3d: {  	[sflag:s19] =	ssyncset.done $0x0  }
0x3e: {  	[sflag:s19] =	ssyncadd.s32 $0xFFFFF800  }
0x3f: {  	[spmem:s2] =	stream.indirect.scatter.add.f32 [tilespmem:s14], [sflag:$0x2], $0x10, s16, s16, $0xb8;
	[tilespmem:$0x4C00] =	vst v63  }
0x40: {  	_ =	swait.ge @!p0 [sflag:s0], $0x800  }
0x41: {  	[sflag:s0] =	ssyncset.done @!p0 $0x0  }
0x42: {  	s30 =	sadd.s32 $0x40, s6;
	[sflag:s0] =	ssyncadd.s32 @!p0 $0xFFFFF800  }
0x43: {  	[tilespmem:s20], [sflag:$0x3] =	stream.linear.gather [hbm4b:s30+s3], $0x100, $0x38;
	[tilespmem:$0x4C00] =	vst v63  }
0x44: {  	_ =	swait.ge [sflag:s15], $0x100  }
0x45: {  	[sflag:s15] =	ssyncset.done $0x0  }
0x46: {  	[sflag:s15] =	ssyncadd.s32 $0xFFFFFF00  }
0x47: {  	[tilespmem:s21], [sflag:$0x1] =	stream.indirect.gather [hbm4b:s4+s16], $0x10, s20, s16, $0xb8;
	[tilespmem:$0x4C00] =	vst v63  }
0x48: {  	_ =	swait.ge [sflag:s19], $0x800  }
0x49: {  	[sflag:s19] =	ssyncset.done $0x0  }
0x4a: {  	[sflag:s19] =	ssyncadd.s32 $0xFFFFF800  }
0x4b: {  	[spmem:s2] =	stream.indirect.scatter.add.f32 [tilespmem:s18], [sflag:$0x2], $0x10, s22, s16, $0xb8;
	[tilespmem:$0x4C00] =	vst v63  }
0x4c: {  	_ =	swait.ge @!p0 [sflag:s0], $0x800  }
0x4d: {  	[sflag:s0] =	ssyncset.done @!p0 $0x0  }
0x4e: {  	s7 =	sadd.s32 $0x60, s6;
	[sflag:s0] =	ssyncadd.s32 @!p0 $0xFFFFF800  }
0x4f: {  	[tilespmem:s23], [sflag:$0x3] =	stream.linear.gather [hbm4b:s7+s3], $0x100, $0x38;
	[tilespmem:$0x4C00] =	vst v63  }
0x50: {  	_ =	swait.ge [sflag:s15], $0x100  }
0x51: {  	[sflag:s15] =	ssyncset.done $0x0  }
0x52: {  	[sflag:s15] =	ssyncadd.s32 $0xFFFFFF00  }
0x53: {  	[tilespmem:s24], [sflag:$0x1] =	stream.indirect.gather [hbm4b:s4+s16], $0x10, s23, s16, $0xb8;
	[tilespmem:$0x4C00] =	vst v63  }
0x54: {  	_ =	swait.ge [sflag:s19], $0x800  }
0x55: {  	[sflag:s19] =	ssyncset.done $0x0  }
0x56: {  	[sflag:s19] =	ssyncadd.s32 $0xFFFFF800  }
0x57: {  	[spmem:s2] =	stream.indirect.scatter.add.f32 [tilespmem:s21], [sflag:$0x2], $0x10, s25, s16, $0xb8;
	[tilespmem:$0x4C00] =	vst v63  }
0x58: {  	p0 =	por $0x0, $0x0;
	_ =	swait.ge [sflag:s26], $0x800  }
0x59: {  	s0 =	sadd.s32 @!p0 $0x0, s13;
	s1 =	simm.s32 @!p0 $0x3;
	[sflag:s26] =	ssyncset.done $0x0  }
0x5a: {  	s30 =	simm.s32 @!p0 $0x0;
	s0 =	sadd.s32 @!p0 $0x80, s0;
	[sflag:s26] =	ssyncadd.s32 $0xFFFFF800  }
0x5b: {  	[tilespmem:s30], [sflag:$0x3] =	stream.linear.gather @!p0 [hbm4b:s0+s30], $0x100, $0x38;
	[tilespmem:$0x4C00] =	vst v63  }
0x5c: {  	_ =	swait.ge @!p0 [sflag:s1], $0x100  }
0x5d: {  	[sflag:s1] =	ssyncset.done @!p0 $0x0  }
0x5e: {  	s0 =	simm.s32 @!p0 $0x80;
	[sflag:s1] =	ssyncadd.s32 @!p0 $0xFFFFFF00;
	s1 =	simm.s32 @!p0 $0x400  }
0x5f: {  	[tilespmem:s1], [sflag:$0x1] =	stream.indirect.gather @!p0 [hbm4b:s4+s0], $0x10, s30, s0, $0xb8;
	[tilespmem:$0x4C00] =	vst v63  }
0x60: {  	s31 =	simm.s32 $0x100;
	_ =	swait.ge [sflag:s19], $0x800  }
0x61: {  	p1 =	por $0x0, $0x0;
	s30 =	simm.s32 $0x80;
	[sflag:s19] =	ssyncset.done $0x0  }
.LBB2_4:
0x62: {  	s0 =	simm.s32 @!p1 $0x2  }
0x63: {  	[sflag:s19] =	ssyncadd.s32 $0xFFFFF800;
	s1 =	smov.u32 s31;
	s31 =	sadd.s32 $0x80, s31  }
0x64: {  	[spmem:s2] =	stream.indirect.scatter.add.f32 [tilespmem:s24], [sflag:$0x2], $0x10, s28, s16, $0xb8;
	[tilespmem:$0x4C00] =	vst v63  }
0x65: {  	p0 =	sne.s32 s31, $0xA00;
	_ =	swait.ge @!p1 [sflag:s0], $0x800  }
0x66: {  	s6 =	sadd.s32 s30, s13;
	[sflag:s0] =	ssyncset.done @!p1 $0x0  }
0x67: {  	s7 =	sadd.s32 $0x20, s6;
	[sflag:s0] =	ssyncadd.s32 @!p1 $0xFFFFF800  }
0x68: {  	[tilespmem:s17], [sflag:$0x3] =	stream.linear.gather [hbm4b:s7+s3], $0x100, $0x38;
	[tilespmem:$0x4C00] =	vst v63  }
0x69: {  	_ =	swait.ge [sflag:s15], $0x100  }
0x6a: {  	[sflag:s15] =	ssyncset.done $0x0  }
0x6b: {  	[sflag:s15] =	ssyncadd.s32 $0xFFFFFF00  }
0x6c: {  	[tilespmem:s18], [sflag:$0x1] =	stream.indirect.gather [hbm4b:s4+s16], $0x10, s17, s16, $0xb8;
	[tilespmem:$0x4C00] =	vst v63  }
0x6d: {  	_ =	swait.ge [sflag:s19], $0x800  }
0x6e: {  	[sflag:s19] =	ssyncset.done $0x0  }
0x6f: {  	[sflag:s19] =	ssyncadd.s32 $0xFFFFF800  }
0x70: {  	[spmem:s2] =	stream.indirect.scatter.add.f32 [tilespmem:s14], [sflag:$0x2], $0x10, s16, s16, $0xb8;
	[tilespmem:$0x4C00] =	vst v63  }
0x71: {  	_ =	swait.ge @!p1 [sflag:s0], $0x800  }
0x72: {  	[sflag:s0] =	ssyncset.done @!p1 $0x0  }
0x73: {  	s7 =	sadd.s32 $0x40, s6;
	[sflag:s0] =	ssyncadd.s32 @!p1 $0xFFFFF800  }
0x74: {  	[tilespmem:s20], [sflag:$0x3] =	stream.linear.gather [hbm4b:s7+s3], $0x100, $0x38;
	[tilespmem:$0x4C00] =	vst v63  }
0x75: {  	_ =	swait.ge [sflag:s15], $0x100  }
0x76: {  	[sflag:s15] =	ssyncset.done $0x0  }
0x77: {  	[sflag:s15] =	ssyncadd.s32 $0xFFFFFF00  }
0x78: {  	[tilespmem:s21], [sflag:$0x1] =	stream.indirect.gather [hbm4b:s4+s16], $0x10, s20, s16, $0xb8;
	[tilespmem:$0x4C00] =	vst v63  }
0x79: {  	_ =	swait.ge [sflag:s19], $0x800  }
0x7a: {  	[sflag:s19] =	ssyncset.done $0x0  }
0x7b: {  	[sflag:s19] =	ssyncadd.s32 $0xFFFFF800  }
0x7c: {  	[spmem:s2] =	stream.indirect.scatter.add.f32 [tilespmem:s18], [sflag:$0x2], $0x10, s22, s16, $0xb8;
	[tilespmem:$0x4C00] =	vst v63  }
0x7d: {  	_ =	swait.ge @!p1 [sflag:s0], $0x800  }
0x7e: {  	[sflag:s0] =	ssyncset.done @!p1 $0x0  }
0x7f: {  	[sflag:s0] =	ssyncadd.s32 @!p1 $0xFFFFF800;
	s0 =	sadd.s32 $0x60, s6  }
0x80: {  	[tilespmem:s23], [sflag:$0x3] =	stream.linear.gather [hbm4b:s0+s3], $0x100, $0x38;
	[tilespmem:$0x4C00] =	vst v63  }
0x81: {  	_ =	swait.ge [sflag:s15], $0x100  }
0x82: {  	[sflag:s15] =	ssyncset.done $0x0  }
0x83: {  	[sflag:s15] =	ssyncadd.s32 $0xFFFFFF00  }
0x84: {  	[tilespmem:s24], [sflag:$0x1] =	stream.indirect.gather [hbm4b:s4+s16], $0x10, s23, s16, $0xb8;
	[tilespmem:$0x4C00] =	vst v63  }
0x85: {  	_ =	swait.ge [sflag:s19], $0x800  }
0x86: {  	[sflag:s19] =	ssyncset.done $0x0  }
0x87: {  	[sflag:s19] =	ssyncadd.s32 $0xFFFFF800  }
0x88: {  	[spmem:s2] =	stream.indirect.scatter.add.f32 [tilespmem:s21], [sflag:$0x2], $0x10, s25, s16, $0xb8;
	[tilespmem:$0x4C00] =	vst v63  }
0x89: {  	p1 =	seq.s32 s30, $0x980;
	_ =	swait.ge [sflag:s26], $0x800  }
0x8a: {  	s0 =	sadd.s32 @!p1 s30, s13;
	s6 =	simm.s32 @!p1 $0x3;
	[sflag:s26] =	ssyncset.done $0x0  }
0x8b: {  	s7 =	simm.s32 @!p1 $0x0;
	s0 =	sadd.s32 @!p1 $0x80, s0;
	[sflag:s26] =	ssyncadd.s32 $0xFFFFF800  }
0x8c: {  	[tilespmem:s7], [sflag:$0x3] =	stream.linear.gather @!p1 [hbm4b:s0+s7], $0x100, $0x38;
	[tilespmem:$0x4C00] =	vst v63  }
0x8d: {  	s30 =	smov.u32 s1;
	_ =	swait.ge @!p1 [sflag:s6], $0x100  }
.Ltmp1:
0x8e: {  	[sflag:s6] =	ssyncset.done @!p1 $0x0;
	(pc) =	sbr.rel @p0 .LBB2_4-.Ltmp1, $4  }
0x8f: {  	s1 =	simm.s32 @!p1 $0x400;
	s0 =	simm.s32 @!p1 $0x80;
	[sflag:s6] =	ssyncadd.s32 @!p1 $0xFFFFFF00  }
0x90: {  	[tilespmem:s1], [sflag:$0x1] =	stream.indirect.gather @!p1 [hbm4b:s4+s0], $0x10, s7, s0, $0xb8;
	[tilespmem:$0x4C00] =	vst v63  }
0x91: {  	_ =	swait.ge [sflag:s19], $0x800  }
0x92: {  	p1 =	seq.s32 s30, $0x0;
	[sflag:s19] =	ssyncset.done $0x0  }
0x93: {  	s0 =	simm.s32 @!p1 $0x2;
	[sflag:s19] =	ssyncadd.s32 $0xFFFFF800  }
0x94: {  	[spmem:s2] =	stream.indirect.scatter.add.f32 [tilespmem:s24], [sflag:$0x2], $0x10, s28, s16, $0xb8;
	[tilespmem:$0x4C00] =	vst v63  }
0x95: {  	_ =	swait.ge @!p1 [sflag:s0], $0x800  }
0x96: {  	s1 =	sadd.s32 s30, s13;
	[sflag:s0] =	ssyncset.done @!p1 $0x0  }
0x97: {  	s6 =	sadd.s32 $0x20, s1;
	[sflag:s0] =	ssyncadd.s32 @!p1 $0xFFFFF800  }
0x98: {  	[tilespmem:s17], [sflag:$0x3] =	stream.linear.gather [hbm4b:s6+s3], $0x100, $0x38;
	[tilespmem:$0x4C00] =	vst v63  }
0x99: {  	_ =	swait.ge [sflag:s15], $0x100  }
0x9a: {  	[sflag:s15] =	ssyncset.done $0x0  }
0x9b: {  	[sflag:s15] =	ssyncadd.s32 $0xFFFFFF00  }
0x9c: {  	[tilespmem:s18], [sflag:$0x1] =	stream.indirect.gather [hbm4b:s4+s16], $0x10, s17, s16, $0xb8;
	[tilespmem:$0x4C00] =	vst v63  }
0x9d: {  	_ =	swait.ge [sflag:s19], $0x800  }
0x9e: {  	[sflag:s19] =	ssyncset.done $0x0  }
0x9f: {  	[sflag:s19] =	ssyncadd.s32 $0xFFFFF800  }
0xa0: {  	[spmem:s2] =	stream.indirect.scatter.add.f32 [tilespmem:s14], [sflag:$0x2], $0x10, s16, s16, $0xb8;
	[tilespmem:$0x4C00] =	vst v63  }
0xa1: {  	_ =	swait.ge @!p1 [sflag:s0], $0x800  }
0xa2: {  	[sflag:s0] =	ssyncset.done @!p1 $0x0  }
0xa3: {  	s31 =	sadd.s32 $0x40, s1;
	[sflag:s0] =	ssyncadd.s32 @!p1 $0xFFFFF800  }
0xa4: {  	[tilespmem:s20], [sflag:$0x3] =	stream.linear.gather [hbm4b:s31+s3], $0x100, $0x38;
	[tilespmem:$0x4C00] =	vst v63  }
0xa5: {  	_ =	swait.ge [sflag:s15], $0x100  }
0xa6: {  	[sflag:s15] =	ssyncset.done $0x0  }
0xa7: {  	[sflag:s15] =	ssyncadd.s32 $0xFFFFFF00  }
0xa8: {  	[tilespmem:s21], [sflag:$0x1] =	stream.indirect.gather [hbm4b:s4+s16], $0x10, s20, s16, $0xb8;
	[tilespmem:$0x4C00] =	vst v63  }
0xa9: {  	_ =	swait.ge [sflag:s19], $0x800  }
0xaa: {  	[sflag:s19] =	ssyncset.done $0x0  }
0xab: {  	[sflag:s19] =	ssyncadd.s32 $0xFFFFF800  }
0xac: {  	[spmem:s2] =	stream.indirect.scatter.add.f32 [tilespmem:s18], [sflag:$0x2], $0x10, s22, s16, $0xb8;
	[tilespmem:$0x4C00] =	vst v63  }
0xad: {  	_ =	swait.ge @!p1 [sflag:s0], $0x800  }
0xae: {  	[sflag:s0] =	ssyncset.done @!p1 $0x0  }
0xaf: {  	s7 =	sadd.s32 $0x60, s1;
	[sflag:s0] =	ssyncadd.s32 @!p1 $0xFFFFF800  }
0xb0: {  	[tilespmem:s23], [sflag:$0x3] =	stream.linear.gather [hbm4b:s7+s3], $0x100, $0x38;
	[tilespmem:$0x4C00] =	vst v63  }
0xb1: {  	_ =	swait.ge [sflag:s15], $0x100  }
0xb2: {  	[sflag:s15] =	ssyncset.done $0x0  }
0xb3: {  	[sflag:s15] =	ssyncadd.s32 $0xFFFFFF00  }
0xb4: {  	[tilespmem:s24], [sflag:$0x1] =	stream.indirect.gather [hbm4b:s4+s16], $0x10, s23, s16, $0xb8;
	[tilespmem:$0x4C00] =	vst v63  }
0xb5: {  	_ =	swait.ge [sflag:s19], $0x800  }
0xb6: {  	[sflag:s19] =	ssyncset.done $0x0  }
0xb7: {  	[sflag:s19] =	ssyncadd.s32 $0xFFFFF800  }
0xb8: {  	[spmem:s2] =	stream.indirect.scatter.add.f32 [tilespmem:s21], [sflag:$0x2], $0x10, s25, s16, $0xb8;
	[tilespmem:$0x4C00] =	vst v63  }
0xb9: {  	p0 =	seq.s32 s30, $0x980;
	_ =	swait.ge [sflag:s26], $0x800  }
0xba: {  	s1 =	simm.s32 @!p0 $0x3;
	s0 =	sadd.s32 @!p0 s30, s13;
	[sflag:s26] =	ssyncset.done $0x0  }
0xbb: {  	s6 =	simm.s32 @!p0 $0x0;
	s0 =	sadd.s32 @!p0 $0x80, s0;
	[sflag:s26] =	ssyncadd.s32 $0xFFFFF800  }
0xbc: {  	[tilespmem:s6], [sflag:$0x3] =	stream.linear.gather @!p0 [hbm4b:s0+s6], $0x100, $0x38;
	[tilespmem:$0x4C00] =	vst v63  }
0xbd: {  	_ =	swait.ge @!p0 [sflag:s1], $0x100  }
0xbe: {  	[sflag:s1] =	ssyncset.done @!p0 $0x0  }
0xbf: {  	s0 =	simm.s32 @!p0 $0x80;
	[sflag:s1] =	ssyncadd.s32 @!p0 $0xFFFFFF00;
	s1 =	simm.s32 @!p0 $0x400  }
0xc0: {  	[tilespmem:s1], [sflag:$0x1] =	stream.indirect.gather @!p0 [hbm4b:s4+s0], $0x10, s6, s0, $0xb8;
	[tilespmem:$0x4C00] =	vst v63  }
0xc1: {  	_ =	swait.ge [sflag:s19], $0x800  }
0xc2: {  	[sflag:s19] =	ssyncset.done $0x0  }
0xc3: {  	[sflag:s19] =	ssyncadd.s32 $0xFFFFF800  }
0xc4: {  	[spmem:s2] =	stream.indirect.scatter.add.f32 [tilespmem:s24], [sflag:$0x2], $0x10, s28, s16, $0xb8;
	[tilespmem:$0x4C00] =	vst v63  }
0xc5: {  	_ =	swait.ge [sflag:s26], $0x800  }
0xc6: {  	[sflag:s26] =	ssyncset.done $0x0  }
0xc7: {  	[sflag:s26] =	ssyncadd.s32 $0xFFFFF800  }
0xc8: {  	_ =	swait.ge [sflag:s26], $0x800  }
0xc9: {  	[sflag:s26] =	ssyncset.done $0x0  }
0xca: {  	[sflag:s26] =	ssyncadd.s32 $0xFFFFF800  }
0xcb: {  	s29 =	sadd.s32 $0x1, s29;
	_ =	swait.ge [sflag:s26], $0x800  }
0xcc: {  	s31 =	sshrl.u32 s5, $0x3;
	s30 =	stileid.u32;
	[sflag:s26] =	ssyncset.done $0x0  }
0xcd: {  	s0 =	sshll.u32 s30, $0x6;
	p0 =	sne.s32 s29, s12;
	[sflag:s26] =	ssyncadd.s32 $0xFFFFF800  }
.Ltmp2:
0xce: {  	s0 =	sor.u32 $0x1C03, s0;
	[bflag:$0x0] =	sbarrier.arrive $0xFFFF;
	(pc) =	sbr.rel @p0 .LBB2_1-.Ltmp2, $4  }
0xcf: {  	[hbm:s11], [sflag:s0] =	dma.local [spmem:s31], $0x500  }
0xd0: {  	_ =	swait.ge [sflag:s15], $0x500  }
0xd1: {  	[sflag:s15] =	ssyncset.done $0x0  }
0xd2: {  	[sflag:s15] =	ssyncadd.s32 $0xFFFFFB00  }
0xd3: {  	_ =	sfence.sel $0x180000  }
0xd4: {  	[bflag:$0x0] =	sbarrier.arrive $0xFFFF  }
0xd5: {  	_ =	strace $0x90000050  }
0xd6: {  	s0 =	stileid.u32;
	[bflag:$0x2] =	sbarrier.arrive $0xFFFF  }
0xd7: {  	p0 =	sne.s32 s0, $0x0;
	s0 =	rddreg [dreg:$0x2]  }
0xd8: {  	s0 =	sadd.s32 @!p0 $0x100000, s0  }
0xd9: {  	[sflag:s0] =	ssyncadd.tile.s32 @!p0 $0x1;
	_ =	shalt  }
.Lfunc_end2:
_tile_overlayer_lowered:
.L_overlay_start_2:
0xda: {  	(tag) =	ssettag $0x2  }
0xdb: {  	s0 =	rddreg [dreg:$0x0];
	s2 =	stileid.u32  }
0xdc: {  	s1 =	rddreg [dreg:$0x1];
	p0 =	sne.s32 s2, $0x0  }
0xdd: {  	s3 =	rddreg [dreg:$0x2];
	[bflag:$0x3] =	sbarrier.arrive $0xFFFF;
	s2 =	simm.s32 @!p0 $0x1C03  }
0xde: {  	[timem:s3], [sflag:s2] =	dma.local @!p0 [hbm:s0], s1  }
0xdf: {  	s0 =	simm.s32 @!p0 $0x3  }
0xe0: {  	_ =	swait.ge @!p0 [sflag:s0], s1  }
0xe1: {  	s1 =	ssub.s32 @!p0 $0x0, s1;
	[sflag:s0] =	ssyncset.done @!p0 $0x0  }
0xe2: {  	[sflag:s0] =	ssyncadd.s32 @!p0 s1  }
0xe3: {  	[bflag:$0x3] =	sbarrier.arrive $0xFFFF  }
0xe4: {  	_ =	shalt  }

</sc_bundles>
